<compile_context>
chip_gen: v7x
topology: tpu7x:2x2x1
jax: 0.10.2.dev20260603
libtpu: 0.0.44.dev20260713+nightly
codegen_flags: <defaults>
</compile_context>

<pallas_src>
import functools

import jax
import jax.numpy as jnp
import numpy as np
from jax import lax
from jax.experimental import pallas as pl
from jax.experimental.pallas import tpu as pltpu
from jax.experimental.pallas import tpu_sc as plsc

B, CIN, COUT, N = 4, 128, 64, 4096
K = N // 4
R, L = 32, 128
NC, NS = 2, 16
NW = NC * NS
ROWS_W = (B * K) // NW


def _scores_body(l1_ref, wq_ref, wk_ref, u_ref):
    wq = wq_ref[...]
    wk = wk_ref[...]
    for b in range(B):
        l1b = l1_ref[b]
        q0 = jnp.dot(wq, l1b[:, 0:1])
        k1b = jnp.dot(wk, l1b)
        e = jnp.dot(q0.T, k1b)
        x = e * np.float32(0.125)
        m = jnp.max(x)
        u_ref[b:b + 1, :] = jnp.exp(x - m)


def _scores(l1, Wq, Wk):
    return pl.pallas_call(
        _scores_body,
        out_shape=jax.ShapeDtypeStruct((B, N), jnp.float32),
    )(l1, Wq, Wk)


def _sort_body(u_ref, s_ref, out_ref):
    att = u_ref[...] / s_ref[...]
    key = ~lax.bitcast_convert_type(att, jnp.uint32)
    row = lax.broadcasted_iota(jnp.int32, (B, R, L), 1)
    lane = lax.broadcasted_iota(jnp.int32, (B, R, L), 2)
    i_full = row * L + lane

    def partner(x, j):
        if j < L:
            lo = (lane & j) == 0
            return jnp.where(lo, jnp.roll(x, -j, axis=2), jnp.roll(x, j, axis=2))
        m = j // L
        xr = x.reshape(B, R // (2 * m), 2, m, L)
        xr = jnp.concatenate([xr[:, :, 1:2], xr[:, :, 0:1]], axis=2)
        return xr.reshape(B, R, L)

    idx = i_full
    k = 2
    while k <= N:
        j = k // 2
        while j >= 1:
            pk = partner(key, j)
            pi = partner(idx, j)
            is_lo = (i_full & j) == 0
            if k < N:
                want_min = ((i_full & k) == 0) == is_lo
            else:
                want_min = is_lo
            gt = (key > pk) | ((key == pk) & (idx > pi))
            take = gt == want_min
            key = jnp.where(take, pk, key)
            idx = jnp.where(take, pi, idx)
            j //= 2
        k *= 2
    out_ref[...] = idx[:, :K // L, :]


def _topk_sort(u, s):
    return pl.pallas_call(
        _sort_body,
        out_shape=jax.ShapeDtypeStruct((B, K // L, L), jnp.int32),
    )(u.reshape(B, R, L), s.reshape(B, 1, 1))


def _gather_body(l1t_hbm, xyz_hbm, idx_hbm, l1_out, xyz_out,
                 idx_v, idxg_v, xyz_tile, rows_v, xyz_rows, sem1, sem2):
    wid = lax.axis_index("s") * NC + lax.axis_index("c")
    base = wid * ROWS_W
    b = base // K
    pltpu.sync_copy(idx_hbm.at[pl.ds(base, ROWS_W)], idx_v)
    cp0 = pltpu.async_copy(xyz_hbm.at[pl.ds(b * (3 * N), 3 * N)], xyz_tile,
                           sem2)
    off = b * N
    for i in range(ROWS_W // 16):
        sl = pl.ds(i * 16, 16)
        idxg_v[sl] = idx_v[sl] + off
    cp1 = pltpu.async_copy(l1t_hbm.at[idxg_v], rows_v, sem1)
    cp0.wait()
    for d in range(3):
        doff = d * N
        for i in range(ROWS_W // 16):
            xyz_rows[pl.ds(d * ROWS_W + i * 16, 16)] = plsc.load_gather(
                xyz_tile, [idx_v[pl.ds(i * 16, 16)] + doff])
    cp1.wait()
    pltpu.sync_copy(rows_v, l1_out.at[pl.ds(base, ROWS_W)])
    for d in range(3):
        pltpu.sync_copy(xyz_rows.at[pl.ds(d * ROWS_W, ROWS_W)],
                        xyz_out.at[pl.ds(d * (B * K) + base, ROWS_W)])


def _sc_gather(l1t, xyz_flat, idx_flat):
    mesh = plsc.VectorSubcoreMesh(core_axis_name="c", subcore_axis_name="s")
    f = pl.kernel(
        _gather_body,
        mesh=mesh,
        compiler_params=pltpu.CompilerParams(needs_layout_passes=False),
        out_type=(
            jax.ShapeDtypeStruct((B * K, CIN), jnp.float32),
            jax.ShapeDtypeStruct((3 * B * K,), jnp.float32),
        ),
        scratch_types=[
            pltpu.VMEM((ROWS_W,), jnp.int32),
            pltpu.VMEM((ROWS_W,), jnp.int32),
            pltpu.VMEM((3 * N,), jnp.float32),
            pltpu.VMEM((ROWS_W, CIN), jnp.float32),
            pltpu.VMEM((3 * ROWS_W,), jnp.float32),
            pltpu.SemaphoreType.DMA,
            pltpu.SemaphoreType.DMA,
        ],
    )
    return f(l1t, xyz_flat, idx_flat)


def kernel(l1, xyz1, top_k, Wq, Wk):
    u = _scores(l1, Wq, Wk)
    l1t = jnp.transpose(l1, (0, 2, 1)).reshape(B * N, CIN)
    s = jnp.sum(u, axis=-1, keepdims=True)
    topk_idx = _topk_sort(u, s).reshape(B, K)
    topk_idx = topk_idx + (jnp.asarray(top_k, dtype=topk_idx.dtype) - K)

    idx_flat = topk_idx.reshape(B * K)
    xyz_flat = xyz1.reshape(B * 3 * N)
    l1_out, xyz_out = _sc_gather(l1t, xyz_flat, idx_flat)
    p1 = jnp.transpose(xyz_out.reshape(3, B, K), (1, 2, 0))
    return (l1_out.reshape(B, K, CIN), p1)

# --- scband reference (transcript-rebuilt; emitter-appended) ---
"""Pipeline reference for scband-im-choose-46351287059051 (READ-ONLY COPY).

The authoritative reference and input builder live on the scoring server;
editing this copy changes nothing except your own understanding.
"""

import jax, jax.numpy as jnp
import numpy as np


def setup_inputs(seed: int = 0) -> dict:
    key = jax.random.key(seed)
    k1, k2, k3, k4 = jax.random.split(key, 4)
    B, Cin, Cout, N = 4, 128, 64, 4096
    l1 = jax.random.normal(k1, (B, Cin, N), dtype=jnp.float32)
    xyz1 = jax.random.normal(k2, (B, 3, N), dtype=jnp.float32)
    Wq = jax.random.normal(k3, (Cout, Cin), dtype=jnp.float32) * (1.0 / np.sqrt(Cin))
    Wk = jax.random.normal(k4, (Cout, Cin), dtype=jnp.float32) * (1.0 / np.sqrt(Cin))
    return {"l1": l1, "xyz1": xyz1, "top_k": 1024, "Wq": Wq, "Wk": Wk}


def reference(l1, xyz1, top_k, Wq, Wk):
    # q1 = Conv1d(Cin, Cout, kernel=1, bias=False)(l1) == pointwise matmul
    q1 = jnp.einsum('oc,bcn->bon', Wq, l1)  # [B, Cout, N]
    k1 = jnp.einsum('oc,bcn->bon', Wk, l1)  # [B, Cout, N]
    # rearrange(q1, 'B C N -> B N C') @ k1 -> [B, N, N]
    energy = jnp.einsum('bcn,bcm->bnm', q1, k1)
    scale_factor = np.sqrt(q1.shape[-2])
    attention = jax.nn.softmax(energy / scale_factor, axis=-1)
    att_se = attention[:, 0, :]  # [B, N]
    K = l1.shape[-1] // 4
    _, topk_idx = jax.lax.top_k(att_se, K)  # [B, K]
    topk_idx = topk_idx + (jnp.asarray(top_k, dtype=topk_idx.dtype) - K)
    B, C, N = l1.shape
    idx_l = jnp.broadcast_to(topk_idx[:, None, :], (B, C, K))
    idx_p = jnp.broadcast_to(topk_idx[:, None, :], (B, 3, K))
    l1_new = jnp.take_along_axis(l1, idx_l, axis=-1)   # [B, C, K]
    p1_new = jnp.take_along_axis(xyz1, idx_p, axis=-1)  # [B, 3, K]
    return (jnp.transpose(l1_new, (0, 2, 1)), jnp.transpose(p1_new, (0, 2, 1)))

if __name__ == "__main__":
    import jax
    _d = setup_inputs()
    print(jax.jit(kernel)(*tuple(_d.values())))

</pallas_src>

<mosaic_0001>
#map = affine_map<(d0, d1) -> (0, 0)>
#map1 = affine_map<(d0, d1) -> (0)>
module attributes {stable_mosaic.version = 14 : i64} {
  func.func @_gather_body(%arg0: i32, %arg1: i32, %arg2: memref<16384x128xf32, #tpu.memory_space<hbm>>, %arg3: memref<49152xf32, #tpu.memory_space<hbm>>, %arg4: memref<4096xi32, #tpu.memory_space<hbm>>, %arg5: memref<4096x128xf32, #tpu.memory_space<hbm>>, %arg6: memref<12288xf32, #tpu.memory_space<hbm>>, %arg7: memref<128xi32, #tpu.memory_space<vmem>>, %arg8: memref<128xi32, #tpu.memory_space<vmem>>, %arg9: memref<12288xf32, #tpu.memory_space<vmem>>, %arg10: memref<128x128xf32, #tpu.memory_space<vmem>>, %arg11: memref<384xf32, #tpu.memory_space<vmem>>, %arg12: memref<!tpu.dma_semaphore, #tpu.memory_space<semaphore_mem>>, %arg13: memref<!tpu.dma_semaphore, #tpu.memory_space<semaphore_mem>>) attributes {dimension_semantics = [#tpu.dimension_semantics<core_parallel>, #tpu.dimension_semantics<subcore_parallel>], iteration_bounds = array<i64: 2, 16>, scalar_prefetch = 0 : i64, scratch_operands = 7 : i64, tpu.core_type = #tpu.core_type<sc_vector_subcore>, window_params = [{transform_indices = #map}, {transform_indices = #map1}, {transform_indices = #map1}, {transform_indices = #map}, {transform_indices = #map1}]} {
    %mul3A = arith.constant 2 : i32
    %mul3A_0 = arith.muli %arg1, %mul3A : i32
    %add3A = arith.addi %mul3A_0, %arg0 : i32
    %mul3A_1 = arith.constant 128 : i32
    %mul3A_2 = arith.muli %add3A, %mul3A_1 : i32
    %jit3A = arith.constant 1024 : i32
    %div3A = arith.divsi %mul3A_2, %jit3A : i32
    %sign3A = arith.constant 0 : i32
    %sign3A_3 = arith.cmpi sgt, %mul3A_2, %sign3A : i32
    %sign3A_4 = arith.extui %sign3A_3 : i1 to i32
    %sign3A_5 = arith.constant 0 : i32
    %sign3A_6 = arith.cmpi slt, %mul3A_2, %sign3A_5 : i32
    %sign3A_7 = arith.extui %sign3A_6 : i1 to i32
    %sign3A_8 = arith.subi %sign3A_4, %sign3A_7 : i32
    %sign3A_9 = arith.constant 0 : i32
    %sign3A_10 = arith.cmpi sgt, %jit3A, %sign3A_9 : i32
    %sign3A_11 = arith.extui %sign3A_10 : i1 to i32
    %sign3A_12 = arith.constant 0 : i32
    %sign3A_13 = arith.cmpi slt, %jit3A, %sign3A_12 : i32
    %sign3A_14 = arith.extui %sign3A_13 : i1 to i32
    %sign3A_15 = arith.subi %sign3A_11, %sign3A_14 : i32
    %ne3A = arith.cmpi ne, %sign3A_8, %sign3A_15 : i32
    %rem3A = arith.remsi %mul3A_2, %jit3A : i32
    %ne3A_16 = arith.constant 0 : i32
    %ne3A_17 = arith.cmpi ne, %rem3A, %ne3A_16 : i32
    %and3A = arith.andi %ne3A, %ne3A_17 : i1
    %sub3A = arith.constant 1 : i32
    %sub3A_18 = arith.subi %div3A, %sub3A : i32
    %select_n3A = arith.select %and3A, %sub3A_18, %div3A : i32
    "tpu.region"() ({
      %run_scoped3A = tpu.sem_alloc : memref<!tpu.dma_semaphore, #tpu.memory_space<semaphore_mem>>
      %dma_start3A_274 = tpu.memref_slice %arg4[%mul3A_2] : memref<4096xi32, #tpu.memory_space<hbm>> -> memref<128xi32, #tpu.memory_space<hbm>>
      %dma_start3A_275 = tpu.memref_slice %arg4[%mul3A_2] : memref<4096xi32, #tpu.memory_space<hbm>> -> memref<128xi32, #tpu.memory_space<hbm>>
      tpu.enqueue_dma source(%dma_start3A_275 : memref<128xi32, #tpu.memory_space<hbm>>) target(%arg7 : memref<128xi32, #tpu.memory_space<vmem>>) target_semaphore(%run_scoped3A : memref<!tpu.dma_semaphore, #tpu.memory_space<semaphore_mem>>)
      %dma_wait3A_276 = tpu.memref_slice %arg4[%mul3A_2] : memref<4096xi32, #tpu.memory_space<hbm>> -> memref<128xi32, #tpu.memory_space<hbm>>
      %dma_wait3A_277 = tpu.memref_slice %arg4[%mul3A_2] : memref<4096xi32, #tpu.memory_space<hbm>> -> memref<128xi32, #tpu.memory_space<hbm>>
      tpu.wait_dma2 semaphore(%run_scoped3A : memref<!tpu.dma_semaphore, #tpu.memory_space<semaphore_mem>>) src(%dma_wait3A_277 : memref<128xi32, #tpu.memory_space<hbm>>) dst(%arg7 : memref<128xi32, #tpu.memory_space<vmem>>)
      tpu.yield
    }) : () -> ()
    %mul3A_19 = arith.constant 12288 : i32
    %mul3A_20 = arith.muli %select_n3A, %mul3A_19 : i32
    %dma_start3A = tpu.memref_slice %arg3[%mul3A_20] : memref<49152xf32, #tpu.memory_space<hbm>> -> memref<12288xf32, #tpu.memory_space<hbm>>
    %dma_start3A_21 = tpu.memref_slice %arg3[%mul3A_20] : memref<49152xf32, #tpu.memory_space<hbm>> -> memref<12288xf32, #tpu.memory_space<hbm>>
    tpu.enqueue_dma source(%dma_start3A_21 : memref<12288xf32, #tpu.memory_space<hbm>>) target(%arg9 : memref<12288xf32, #tpu.memory_space<vmem>>) target_semaphore(%arg13 : memref<!tpu.dma_semaphore, #tpu.memory_space<semaphore_mem>>)
    %mul3A_22 = arith.constant 4096 : i32
    %mul3A_23 = arith.muli %select_n3A, %mul3A_22 : i32
    %get3A = arith.constant 0 : index
    %get3A_24 = tpu.vector_load %arg7[%get3A] {strides = array<i32>} : memref<128xi32, #tpu.memory_space<vmem>>, vector<16xi32>,
    %add3A_25 = vector.broadcast %mul3A_23 : i32 to vector<16xi32>
    %add3A_26 = arith.addi %get3A_24, %add3A_25 : vector<16xi32>
    %swap3A = arith.constant 0 : index
    %swap3A_27 = tpu.vector_load %arg8[%swap3A] {strides = array<i32>} : memref<128xi32, #tpu.memory_space<vmem>>, vector<16xi32>,
    tpu.vector_store %arg8[%swap3A], %add3A_26 {strides = array<i32>} : memref<128xi32, #tpu.memory_space<vmem>>, vector<16xi32>,
    %get3A_28 = arith.constant 16 : index
    %get3A_29 = tpu.vector_load %arg7[%get3A_28] {strides = array<i32>} : memref<128xi32, #tpu.memory_space<vmem>>, vector<16xi32>,
    %add3A_30 = vector.broadcast %mul3A_23 : i32 to vector<16xi32>
    %add3A_31 = arith.addi %get3A_29, %add3A_30 : vector<16xi32>
    %swap3A_32 = arith.constant 16 : index
    %swap3A_33 = tpu.vector_load %arg8[%swap3A_32] {strides = array<i32>} : memref<128xi32, #tpu.memory_space<vmem>>, vector<16xi32>,
    tpu.vector_store %arg8[%swap3A_32], %add3A_31 {strides = array<i32>} : memref<128xi32, #tpu.memory_space<vmem>>, vector<16xi32>,
    %get3A_34 = arith.constant 32 : index
    %get3A_35 = tpu.vector_load %arg7[%get3A_34] {strides = array<i32>} : memref<128xi32, #tpu.memory_space<vmem>>, vector<16xi32>,
    %add3A_36 = vector.broadcast %mul3A_23 : i32 to vector<16xi32>
    %add3A_37 = arith.addi %get3A_35, %add3A_36 : vector<16xi32>
    %swap3A_38 = arith.constant 32 : index
    %swap3A_39 = tpu.vector_load %arg8[%swap3A_38] {strides = array<i32>} : memref<128xi32, #tpu.memory_space<vmem>>, vector<16xi32>,
    tpu.vector_store %arg8[%swap3A_38], %add3A_37 {strides = array<i32>} : memref<128xi32, #tpu.memory_space<vmem>>, vector<16xi32>,
    %get3A_40 = arith.constant 48 : index
    %get3A_41 = tpu.vector_load %arg7[%get3A_40] {strides = array<i32>} : memref<128xi32, #tpu.memory_space<vmem>>, vector<16xi32>,
    %add3A_42 = vector.broadcast %mul3A_23 : i32 to vector<16xi32>
    %add3A_43 = arith.addi %get3A_41, %add3A_42 : vector<16xi32>
    %swap3A_44 = arith.constant 48 : index
    %swap3A_45 = tpu.vector_load %arg8[%swap3A_44] {strides = array<i32>} : memref<128xi32, #tpu.memory_space<vmem>>, vector<16xi32>,
    tpu.vector_store %arg8[%swap3A_44], %add3A_43 {strides = array<i32>} : memref<128xi32, #tpu.memory_space<vmem>>, vector<16xi32>,
    %get3A_46 = arith.constant 64 : index
    %get3A_47 = tpu.vector_load %arg7[%get3A_46] {strides = array<i32>} : memref<128xi32, #tpu.memory_space<vmem>>, vector<16xi32>,
    %add3A_48 = vector.broadcast %mul3A_23 : i32 to vector<16xi32>
    %add3A_49 = arith.addi %get3A_47, %add3A_48 : vector<16xi32>
    %swap3A_50 = arith.constant 64 : index
    %swap3A_51 = tpu.vector_load %arg8[%swap3A_50] {strides = array<i32>} : memref<128xi32, #tpu.memory_space<vmem>>, vector<16xi32>,
    tpu.vector_store %arg8[%swap3A_50], %add3A_49 {strides = array<i32>} : memref<128xi32, #tpu.memory_space<vmem>>, vector<16xi32>,
    %get3A_52 = arith.constant 80 : index
    %get3A_53 = tpu.vector_load %arg7[%get3A_52] {strides = array<i32>} : memref<128xi32, #tpu.memory_space<vmem>>, vector<16xi32>,
    %add3A_54 = vector.broadcast %mul3A_23 : i32 to vector<16xi32>
    %add3A_55 = arith.addi %get3A_53, %add3A_54 : vector<16xi32>
    %swap3A_56 = arith.constant 80 : index
    %swap3A_57 = tpu.vector_load %arg8[%swap3A_56] {strides = array<i32>} : memref<128xi32, #tpu.memory_space<vmem>>, vector<16xi32>,
    tpu.vector_store %arg8[%swap3A_56], %add3A_55 {strides = array<i32>} : memref<128xi32, #tpu.memory_space<vmem>>, vector<16xi32>,
    %get3A_58 = arith.constant 96 : index
    %get3A_59 = tpu.vector_load %arg7[%get3A_58] {strides = array<i32>} : memref<128xi32, #tpu.memory_space<vmem>>, vector<16xi32>,
    %add3A_60 = vector.broadcast %mul3A_23 : i32 to vector<16xi32>
    %add3A_61 = arith.addi %get3A_59, %add3A_60 : vector<16xi32>
    %swap3A_62 = arith.constant 96 : index
    %swap3A_63 = tpu.vector_load %arg8[%swap3A_62] {strides = array<i32>} : memref<128xi32, #tpu.memory_space<vmem>>, vector<16xi32>,
    tpu.vector_store %arg8[%swap3A_62], %add3A_61 {strides = array<i32>} : memref<128xi32, #tpu.memory_space<vmem>>, vector<16xi32>,
    %get3A_64 = arith.constant 112 : index
    %get3A_65 = tpu.vector_load %arg7[%get3A_64] {strides = array<i32>} : memref<128xi32, #tpu.memory_space<vmem>>, vector<16xi32>,
    %add3A_66 = vector.broadcast %mul3A_23 : i32 to vector<16xi32>
    %add3A_67 = arith.addi %get3A_65, %add3A_66 : vector<16xi32>
    %swap3A_68 = arith.constant 112 : index
    %swap3A_69 = tpu.vector_load %arg8[%swap3A_68] {strides = array<i32>} : memref<128xi32, #tpu.memory_space<vmem>>, vector<16xi32>,
    tpu.vector_store %arg8[%swap3A_68], %add3A_67 {strides = array<i32>} : memref<128xi32, #tpu.memory_space<vmem>>, vector<16xi32>,
    %dma_start3A_70 = arith.constant 0 : i32
    %dma_start3A_71 = arith.constant 0 : i32
    %dma_start3A_72 = tpu.memref_slice %arg2[%dma_start3A_70, %dma_start3A_71] : memref<16384x128xf32, #tpu.memory_space<hbm>> -> memref<16384x128xf32, #tpu.memory_space<hbm>>
    tpu.enqueue_indirect_dma source(%dma_start3A_72 : memref<16384x128xf32, #tpu.memory_space<hbm>>) target(%arg10 : memref<128x128xf32, #tpu.memory_space<vmem>>) offsets(%arg8 : memref<128xi32, #tpu.memory_space<vmem>>) semaphore(%arg12 : memref<!tpu.dma_semaphore, #tpu.memory_space<semaphore_mem>>)
    %dma_wait3A = tpu.memref_slice %arg3[%mul3A_20] : memref<49152xf32, #tpu.memory_space<hbm>> -> memref<12288xf32, #tpu.memory_space<hbm>>
    %dma_wait3A_73 = tpu.memref_slice %arg3[%mul3A_20] : memref<49152xf32, #tpu.memory_space<hbm>> -> memref<12288xf32, #tpu.memory_space<hbm>>
    tpu.wait_dma2 semaphore(%arg13 : memref<!tpu.dma_semaphore, #tpu.memory_space<semaphore_mem>>) src(%dma_wait3A_73 : memref<12288xf32, #tpu.memory_space<hbm>>) dst(%arg9 : memref<12288xf32, #tpu.memory_space<vmem>>)
    %get3A_74 = arith.constant 0 : index
    %get3A_75 = tpu.vector_load %arg7[%get3A_74] {strides = array<i32>} : memref<128xi32, #tpu.memory_space<vmem>>, vector<16xi32>,
    %add3A_76 = arith.constant 0 : i32
    %add3A_77 = vector.broadcast %add3A_76 : i32 to vector<16xi32>
    %add3A_78 = arith.addi %get3A_75, %add3A_77 : vector<16xi32>
    %gather3A = tpu.vector_load_idx %arg9[%add3A_78] : memref<12288xf32, #tpu.memory_space<vmem>>[vector<16xi32>], vector<16xf32>,
    %swap3A_79 = arith.constant 0 : index
    %swap3A_80 = tpu.vector_load %arg11[%swap3A_79] {strides = array<i32>} : memref<384xf32, #tpu.memory_space<vmem>>, vector<16xf32>,
    tpu.vector_store %arg11[%swap3A_79], %gather3A {strides = array<i32>} : memref<384xf32, #tpu.memory_space<vmem>>, vector<16xf32>,
    %get3A_81 = arith.constant 16 : index
    %get3A_82 = tpu.vector_load %arg7[%get3A_81] {strides = array<i32>} : memref<128xi32, #tpu.memory_space<vmem>>, vector<16xi32>,
    %add3A_83 = arith.constant 0 : i32
    %add3A_84 = vector.broadcast %add3A_83 : i32 to vector<16xi32>
    %add3A_85 = arith.addi %get3A_82, %add3A_84 : vector<16xi32>
    %gather3A_86 = tpu.vector_load_idx %arg9[%add3A_85] : memref<12288xf32, #tpu.memory_space<vmem>>[vector<16xi32>], vector<16xf32>,
    %swap3A_87 = arith.constant 16 : index
    %swap3A_88 = tpu.vector_load %arg11[%swap3A_87] {strides = array<i32>} : memref<384xf32, #tpu.memory_space<vmem>>, vector<16xf32>,
    tpu.vector_store %arg11[%swap3A_87], %gather3A_86 {strides = array<i32>} : memref<384xf32, #tpu.memory_space<vmem>>, vector<16xf32>,
    %get3A_89 = arith.constant 32 : index
    %get3A_90 = tpu.vector_load %arg7[%get3A_89] {strides = array<i32>} : memref<128xi32, #tpu.memory_space<vmem>>, vector<16xi32>,
    %add3A_91 = arith.constant 0 : i32
    %add3A_92 = vector.broadcast %add3A_91 : i32 to vector<16xi32>
    %add3A_93 = arith.addi %get3A_90, %add3A_92 : vector<16xi32>
    %gather3A_94 = tpu.vector_load_idx %arg9[%add3A_93] : memref<12288xf32, #tpu.memory_space<vmem>>[vector<16xi32>], vector<16xf32>,
    %swap3A_95 = arith.constant 32 : index
    %swap3A_96 = tpu.vector_load %arg11[%swap3A_95] {strides = array<i32>} : memref<384xf32, #tpu.memory_space<vmem>>, vector<16xf32>,
    tpu.vector_store %arg11[%swap3A_95], %gather3A_94 {strides = array<i32>} : memref<384xf32, #tpu.memory_space<vmem>>, vector<16xf32>,
    %get3A_97 = arith.constant 48 : index
    %get3A_98 = tpu.vector_load %arg7[%get3A_97] {strides = array<i32>} : memref<128xi32, #tpu.memory_space<vmem>>, vector<16xi32>,
    %add3A_99 = arith.constant 0 : i32
    %add3A_100 = vector.broadcast %add3A_99 : i32 to vector<16xi32>
    %add3A_101 = arith.addi %get3A_98, %add3A_100 : vector<16xi32>
    %gather3A_102 = tpu.vector_load_idx %arg9[%add3A_101] : memref<12288xf32, #tpu.memory_space<vmem>>[vector<16xi32>], vector<16xf32>,
    %swap3A_103 = arith.constant 48 : index
    %swap3A_104 = tpu.vector_load %arg11[%swap3A_103] {strides = array<i32>} : memref<384xf32, #tpu.memory_space<vmem>>, vector<16xf32>,
    tpu.vector_store %arg11[%swap3A_103], %gather3A_102 {strides = array<i32>} : memref<384xf32, #tpu.memory_space<vmem>>, vector<16xf32>,
    %get3A_105 = arith.constant 64 : index
    %get3A_106 = tpu.vector_load %arg7[%get3A_105] {strides = array<i32>} : memref<128xi32, #tpu.memory_space<vmem>>, vector<16xi32>,
    %add3A_107 = arith.constant 0 : i32
    %add3A_108 = vector.broadcast %add3A_107 : i32 to vector<16xi32>
    %add3A_109 = arith.addi %get3A_106, %add3A_108 : vector<16xi32>
    %gather3A_110 = tpu.vector_load_idx %arg9[%add3A_109] : memref<12288xf32, #tpu.memory_space<vmem>>[vector<16xi32>], vector<16xf32>,
    %swap3A_111 = arith.constant 64 : index
    %swap3A_112 = tpu.vector_load %arg11[%swap3A_111] {strides = array<i32>} : memref<384xf32, #tpu.memory_space<vmem>>, vector<16xf32>,
    tpu.vector_store %arg11[%swap3A_111], %gather3A_110 {strides = array<i32>} : memref<384xf32, #tpu.memory_space<vmem>>, vector<16xf32>,
    %get3A_113 = arith.constant 80 : index
    %get3A_114 = tpu.vector_load %arg7[%get3A_113] {strides = array<i32>} : memref<128xi32, #tpu.memory_space<vmem>>, vector<16xi32>,
    %add3A_115 = arith.constant 0 : i32
    %add3A_116 = vector.broadcast %add3A_115 : i32 to vector<16xi32>
    %add3A_117 = arith.addi %get3A_114, %add3A_116 : vector<16xi32>
    %gather3A_118 = tpu.vector_load_idx %arg9[%add3A_117] : memref<12288xf32, #tpu.memory_space<vmem>>[vector<16xi32>], vector<16xf32>,
    %swap3A_119 = arith.constant 80 : index
    %swap3A_120 = tpu.vector_load %arg11[%swap3A_119] {strides = array<i32>} : memref<384xf32, #tpu.memory_space<vmem>>, vector<16xf32>,
    tpu.vector_store %arg11[%swap3A_119], %gather3A_118 {strides = array<i32>} : memref<384xf32, #tpu.memory_space<vmem>>, vector<16xf32>,
    %get3A_121 = arith.constant 96 : index
    %get3A_122 = tpu.vector_load %arg7[%get3A_121] {strides = array<i32>} : memref<128xi32, #tpu.memory_space<vmem>>, vector<16xi32>,
    %add3A_123 = arith.constant 0 : i32
    %add3A_124 = vector.broadcast %add3A_123 : i32 to vector<16xi32>
    %add3A_125 = arith.addi %get3A_122, %add3A_124 : vector<16xi32>
    %gather3A_126 = tpu.vector_load_idx %arg9[%add3A_125] : memref<12288xf32, #tpu.memory_space<vmem>>[vector<16xi32>], vector<16xf32>,
    %swap3A_127 = arith.constant 96 : index
    %swap3A_128 = tpu.vector_load %arg11[%swap3A_127] {strides = array<i32>} : memref<384xf32, #tpu.memory_space<vmem>>, vector<16xf32>,
    tpu.vector_store %arg11[%swap3A_127], %gather3A_126 {strides = array<i32>} : memref<384xf32, #tpu.memory_space<vmem>>, vector<16xf32>,
    %get3A_129 = arith.constant 112 : index
    %get3A_130 = tpu.vector_load %arg7[%get3A_129] {strides = array<i32>} : memref<128xi32, #tpu.memory_space<vmem>>, vector<16xi32>,
    %add3A_131 = arith.constant 0 : i32
    %add3A_132 = vector.broadcast %add3A_131 : i32 to vector<16xi32>
    %add3A_133 = arith.addi %get3A_130, %add3A_132 : vector<16xi32>
    %gather3A_134 = tpu.vector_load_idx %arg9[%add3A_133] : memref<12288xf32, #tpu.memory_space<vmem>>[vector<16xi32>], vector<16xf32>,
    %swap3A_135 = arith.constant 112 : index
    %swap3A_136 = tpu.vector_load %arg11[%swap3A_135] {strides = array<i32>} : memref<384xf32, #tpu.memory_space<vmem>>, vector<16xf32>,
    tpu.vector_store %arg11[%swap3A_135], %gather3A_134 {strides = array<i32>} : memref<384xf32, #tpu.memory_space<vmem>>, vector<16xf32>,
    %get3A_137 = arith.constant 0 : index
    %get3A_138 = tpu.vector_load %arg7[%get3A_137] {strides = array<i32>} : memref<128xi32, #tpu.memory_space<vmem>>, vector<16xi32>,
    %add3A_139 = arith.constant 4096 : i32
    %add3A_140 = vector.broadcast %add3A_139 : i32 to vector<16xi32>
    %add3A_141 = arith.addi %get3A_138, %add3A_140 : vector<16xi32>
    %gather3A_142 = tpu.vector_load_idx %arg9[%add3A_141] : memref<12288xf32, #tpu.memory_space<vmem>>[vector<16xi32>], vector<16xf32>,
    %swap3A_143 = arith.constant 128 : index
    %swap3A_144 = tpu.vector_load %arg11[%swap3A_143] {strides = array<i32>} : memref<384xf32, #tpu.memory_space<vmem>>, vector<16xf32>,
    tpu.vector_store %arg11[%swap3A_143], %gather3A_142 {strides = array<i32>} : memref<384xf32, #tpu.memory_space<vmem>>, vector<16xf32>,
    %get3A_145 = arith.constant 16 : index
    %get3A_146 = tpu.vector_load %arg7[%get3A_145] {strides = array<i32>} : memref<128xi32, #tpu.memory_space<vmem>>, vector<16xi32>,
    %add3A_147 = arith.constant 4096 : i32
    %add3A_148 = vector.broadcast %add3A_147 : i32 to vector<16xi32>
    %add3A_149 = arith.addi %get3A_146, %add3A_148 : vector<16xi32>
    %gather3A_150 = tpu.vector_load_idx %arg9[%add3A_149] : memref<12288xf32, #tpu.memory_space<vmem>>[vector<16xi32>], vector<16xf32>,
    %swap3A_151 = arith.constant 144 : index
    %swap3A_152 = tpu.vector_load %arg11[%swap3A_151] {strides = array<i32>} : memref<384xf32, #tpu.memory_space<vmem>>, vector<16xf32>,
    tpu.vector_store %arg11[%swap3A_151], %gather3A_150 {strides = array<i32>} : memref<384xf32, #tpu.memory_space<vmem>>, vector<16xf32>,
    %get3A_153 = arith.constant 32 : index
    %get3A_154 = tpu.vector_load %arg7[%get3A_153] {strides = array<i32>} : memref<128xi32, #tpu.memory_space<vmem>>, vector<16xi32>,
    %add3A_155 = arith.constant 4096 : i32
    %add3A_156 = vector.broadcast %add3A_155 : i32 to vector<16xi32>
    %add3A_157 = arith.addi %get3A_154, %add3A_156 : vector<16xi32>
    %gather3A_158 = tpu.vector_load_idx %arg9[%add3A_157] : memref<12288xf32, #tpu.memory_space<vmem>>[vector<16xi32>], vector<16xf32>,
    %swap3A_159 = arith.constant 160 : index
    %swap3A_160 = tpu.vector_load %arg11[%swap3A_159] {strides = array<i32>} : memref<384xf32, #tpu.memory_space<vmem>>, vector<16xf32>,
    tpu.vector_store %arg11[%swap3A_159], %gather3A_158 {strides = array<i32>} : memref<384xf32, #tpu.memory_space<vmem>>, vector<16xf32>,
    %get3A_161 = arith.constant 48 : index
    %get3A_162 = tpu.vector_load %arg7[%get3A_161] {strides = array<i32>} : memref<128xi32, #tpu.memory_space<vmem>>, vector<16xi32>,
    %add3A_163 = arith.constant 4096 : i32
    %add3A_164 = vector.broadcast %add3A_163 : i32 to vector<16xi32>
    %add3A_165 = arith.addi %get3A_162, %add3A_164 : vector<16xi32>
    %gather3A_166 = tpu.vector_load_idx %arg9[%add3A_165] : memref<12288xf32, #tpu.memory_space<vmem>>[vector<16xi32>], vector<16xf32>,
    %swap3A_167 = arith.constant 176 : index
    %swap3A_168 = tpu.vector_load %arg11[%swap3A_167] {strides = array<i32>} : memref<384xf32, #tpu.memory_space<vmem>>, vector<16xf32>,
    tpu.vector_store %arg11[%swap3A_167], %gather3A_166 {strides = array<i32>} : memref<384xf32, #tpu.memory_space<vmem>>, vector<16xf32>,
    %get3A_169 = arith.constant 64 : index
    %get3A_170 = tpu.vector_load %arg7[%get3A_169] {strides = array<i32>} : memref<128xi32, #tpu.memory_space<vmem>>, vector<16xi32>,
    %add3A_171 = arith.constant 4096 : i32
    %add3A_172 = vector.broadcast %add3A_171 : i32 to vector<16xi32>
    %add3A_173 = arith.addi %get3A_170, %add3A_172 : vector<16xi32>
    %gather3A_174 = tpu.vector_load_idx %arg9[%add3A_173] : memref<12288xf32, #tpu.memory_space<vmem>>[vector<16xi32>], vector<16xf32>,
    %swap3A_175 = arith.constant 192 : index
    %swap3A_176 = tpu.vector_load %arg11[%swap3A_175] {strides = array<i32>} : memref<384xf32, #tpu.memory_space<vmem>>, vector<16xf32>,
    tpu.vector_store %arg11[%swap3A_175], %gather3A_174 {strides = array<i32>} : memref<384xf32, #tpu.memory_space<vmem>>, vector<16xf32>,
    %get3A_177 = arith.constant 80 : index
    %get3A_178 = tpu.vector_load %arg7[%get3A_177] {strides = array<i32>} : memref<128xi32, #tpu.memory_space<vmem>>, vector<16xi32>,
    %add3A_179 = arith.constant 4096 : i32
    %add3A_180 = vector.broadcast %add3A_179 : i32 to vector<16xi32>
    %add3A_181 = arith.addi %get3A_178, %add3A_180 : vector<16xi32>
    %gather3A_182 = tpu.vector_load_idx %arg9[%add3A_181] : memref<12288xf32, #tpu.memory_space<vmem>>[vector<16xi32>], vector<16xf32>,
    %swap3A_183 = arith.constant 208 : index
    %swap3A_184 = tpu.vector_load %arg11[%swap3A_183] {strides = array<i32>} : memref<384xf32, #tpu.memory_space<vmem>>, vector<16xf32>,
    tpu.vector_store %arg11[%swap3A_183], %gather3A_182 {strides = array<i32>} : memref<384xf32, #tpu.memory_space<vmem>>, vector<16xf32>,
    %get3A_185 = arith.constant 96 : index
    %get3A_186 = tpu.vector_load %arg7[%get3A_185] {strides = array<i32>} : memref<128xi32, #tpu.memory_space<vmem>>, vector<16xi32>,
    %add3A_187 = arith.constant 4096 : i32
    %add3A_188 = vector.broadcast %add3A_187 : i32 to vector<16xi32>
    %add3A_189 = arith.addi %get3A_186, %add3A_188 : vector<16xi32>
    %gather3A_190 = tpu.vector_load_idx %arg9[%add3A_189] : memref<12288xf32, #tpu.memory_space<vmem>>[vector<16xi32>], vector<16xf32>,
    %swap3A_191 = arith.constant 224 : index
    %swap3A_192 = tpu.vector_load %arg11[%swap3A_191] {strides = array<i32>} : memref<384xf32, #tpu.memory_space<vmem>>, vector<16xf32>,
    tpu.vector_store %arg11[%swap3A_191], %gather3A_190 {strides = array<i32>} : memref<384xf32, #tpu.memory_space<vmem>>, vector<16xf32>,
    %get3A_193 = arith.constant 112 : index
    %get3A_194 = tpu.vector_load %arg7[%get3A_193] {strides = array<i32>} : memref<128xi32, #tpu.memory_space<vmem>>, vector<16xi32>,
    %add3A_195 = arith.constant 4096 : i32
    %add3A_196 = vector.broadcast %add3A_195 : i32 to vector<16xi32>
    %add3A_197 = arith.addi %get3A_194, %add3A_196 : vector<16xi32>
    %gather3A_198 = tpu.vector_load_idx %arg9[%add3A_197] : memref<12288xf32, #tpu.memory_space<vmem>>[vector<16xi32>], vector<16xf32>,
    %swap3A_199 = arith.constant 240 : index
    %swap3A_200 = tpu.vector_load %arg11[%swap3A_199] {strides = array<i32>} : memref<384xf32, #tpu.memory_space<vmem>>, vector<16xf32>,
    tpu.vector_store %arg11[%swap3A_199], %gather3A_198 {strides = array<i32>} : memref<384xf32, #tpu.memory_space<vmem>>, vector<16xf32>,
    %get3A_201 = arith.constant 0 : index
    %get3A_202 = tpu.vector_load %arg7[%get3A_201] {strides = array<i32>} : memref<128xi32, #tpu.memory_space<vmem>>, vector<16xi32>,
    %add3A_203 = arith.constant 8192 : i32
    %add3A_204 = vector.broadcast %add3A_203 : i32 to vector<16xi32>
    %add3A_205 = arith.addi %get3A_202, %add3A_204 : vector<16xi32>
    %gather3A_206 = tpu.vector_load_idx %arg9[%add3A_205] : memref<12288xf32, #tpu.memory_space<vmem>>[vector<16xi32>], vector<16xf32>,
    %swap3A_207 = arith.constant 256 : index
    %swap3A_208 = tpu.vector_load %arg11[%swap3A_207] {strides = array<i32>} : memref<384xf32, #tpu.memory_space<vmem>>, vector<16xf32>,
    tpu.vector_store %arg11[%swap3A_207], %gather3A_206 {strides = array<i32>} : memref<384xf32, #tpu.memory_space<vmem>>, vector<16xf32>,
    %get3A_209 = arith.constant 16 : index
    %get3A_210 = tpu.vector_load %arg7[%get3A_209] {strides = array<i32>} : memref<128xi32, #tpu.memory_space<vmem>>, vector<16xi32>,
    %add3A_211 = arith.constant 8192 : i32
    %add3A_212 = vector.broadcast %add3A_211 : i32 to vector<16xi32>
    %add3A_213 = arith.addi %get3A_210, %add3A_212 : vector<16xi32>
    %gather3A_214 = tpu.vector_load_idx %arg9[%add3A_213] : memref<12288xf32, #tpu.memory_space<vmem>>[vector<16xi32>], vector<16xf32>,
    %swap3A_215 = arith.constant 272 : index
    %swap3A_216 = tpu.vector_load %arg11[%swap3A_215] {strides = array<i32>} : memref<384xf32, #tpu.memory_space<vmem>>, vector<16xf32>,
    tpu.vector_store %arg11[%swap3A_215], %gather3A_214 {strides = array<i32>} : memref<384xf32, #tpu.memory_space<vmem>>, vector<16xf32>,
    %get3A_217 = arith.constant 32 : index
    %get3A_218 = tpu.vector_load %arg7[%get3A_217] {strides = array<i32>} : memref<128xi32, #tpu.memory_space<vmem>>, vector<16xi32>,
    %add3A_219 = arith.constant 8192 : i32
    %add3A_220 = vector.broadcast %add3A_219 : i32 to vector<16xi32>
    %add3A_221 = arith.addi %get3A_218, %add3A_220 : vector<16xi32>
    %gather3A_222 = tpu.vector_load_idx %arg9[%add3A_221] : memref<12288xf32, #tpu.memory_space<vmem>>[vector<16xi32>], vector<16xf32>,
    %swap3A_223 = arith.constant 288 : index
    %swap3A_224 = tpu.vector_load %arg11[%swap3A_223] {strides = array<i32>} : memref<384xf32, #tpu.memory_space<vmem>>, vector<16xf32>,
    tpu.vector_store %arg11[%swap3A_223], %gather3A_222 {strides = array<i32>} : memref<384xf32, #tpu.memory_space<vmem>>, vector<16xf32>,
    %get3A_225 = arith.constant 48 : index
    %get3A_226 = tpu.vector_load %arg7[%get3A_225] {strides = array<i32>} : memref<128xi32, #tpu.memory_space<vmem>>, vector<16xi32>,
    %add3A_227 = arith.constant 8192 : i32
    %add3A_228 = vector.broadcast %add3A_227 : i32 to vector<16xi32>
    %add3A_229 = arith.addi %get3A_226, %add3A_228 : vector<16xi32>
    %gather3A_230 = tpu.vector_load_idx %arg9[%add3A_229] : memref<12288xf32, #tpu.memory_space<vmem>>[vector<16xi32>], vector<16xf32>,
    %swap3A_231 = arith.constant 304 : index
    %swap3A_232 = tpu.vector_load %arg11[%swap3A_231] {strides = array<i32>} : memref<384xf32, #tpu.memory_space<vmem>>, vector<16xf32>,
    tpu.vector_store %arg11[%swap3A_231], %gather3A_230 {strides = array<i32>} : memref<384xf32, #tpu.memory_space<vmem>>, vector<16xf32>,
    %get3A_233 = arith.constant 64 : index
    %get3A_234 = tpu.vector_load %arg7[%get3A_233] {strides = array<i32>} : memref<128xi32, #tpu.memory_space<vmem>>, vector<16xi32>,
    %add3A_235 = arith.constant 8192 : i32
    %add3A_236 = vector.broadcast %add3A_235 : i32 to vector<16xi32>
    %add3A_237 = arith.addi %get3A_234, %add3A_236 : vector<16xi32>
    %gather3A_238 = tpu.vector_load_idx %arg9[%add3A_237] : memref<12288xf32, #tpu.memory_space<vmem>>[vector<16xi32>], vector<16xf32>,
    %swap3A_239 = arith.constant 320 : index
    %swap3A_240 = tpu.vector_load %arg11[%swap3A_239] {strides = array<i32>} : memref<384xf32, #tpu.memory_space<vmem>>, vector<16xf32>,
    tpu.vector_store %arg11[%swap3A_239], %gather3A_238 {strides = array<i32>} : memref<384xf32, #tpu.memory_space<vmem>>, vector<16xf32>,
    %get3A_241 = arith.constant 80 : index
    %get3A_242 = tpu.vector_load %arg7[%get3A_241] {strides = array<i32>} : memref<128xi32, #tpu.memory_space<vmem>>, vector<16xi32>,
    %add3A_243 = arith.constant 8192 : i32
    %add3A_244 = vector.broadcast %add3A_243 : i32 to vector<16xi32>
    %add3A_245 = arith.addi %get3A_242, %add3A_244 : vector<16xi32>
    %gather3A_246 = tpu.vector_load_idx %arg9[%add3A_245] : memref<12288xf32, #tpu.memory_space<vmem>>[vector<16xi32>], vector<16xf32>,
    %swap3A_247 = arith.constant 336 : index
    %swap3A_248 = tpu.vector_load %arg11[%swap3A_247] {strides = array<i32>} : memref<384xf32, #tpu.memory_space<vmem>>, vector<16xf32>,
    tpu.vector_store %arg11[%swap3A_247], %gather3A_246 {strides = array<i32>} : memref<384xf32, #tpu.memory_space<vmem>>, vector<16xf32>,
    %get3A_249 = arith.constant 96 : index
    %get3A_250 = tpu.vector_load %arg7[%get3A_249] {strides = array<i32>} : memref<128xi32, #tpu.memory_space<vmem>>, vector<16xi32>,
    %add3A_251 = arith.constant 8192 : i32
    %add3A_252 = vector.broadcast %add3A_251 : i32 to vector<16xi32>
    %add3A_253 = arith.addi %get3A_250, %add3A_252 : vector<16xi32>
    %gather3A_254 = tpu.vector_load_idx %arg9[%add3A_253] : memref<12288xf32, #tpu.memory_space<vmem>>[vector<16xi32>], vector<16xf32>,
    %swap3A_255 = arith.constant 352 : index
    %swap3A_256 = tpu.vector_load %arg11[%swap3A_255] {strides = array<i32>} : memref<384xf32, #tpu.memory_space<vmem>>, vector<16xf32>,
    tpu.vector_store %arg11[%swap3A_255], %gather3A_254 {strides = array<i32>} : memref<384xf32, #tpu.memory_space<vmem>>, vector<16xf32>,
    %get3A_257 = arith.constant 112 : index
    %get3A_258 = tpu.vector_load %arg7[%get3A_257] {strides = array<i32>} : memref<128xi32, #tpu.memory_space<vmem>>, vector<16xi32>,
    %add3A_259 = arith.constant 8192 : i32
    %add3A_260 = vector.broadcast %add3A_259 : i32 to vector<16xi32>
    %add3A_261 = arith.addi %get3A_258, %add3A_260 : vector<16xi32>
    %gather3A_262 = tpu.vector_load_idx %arg9[%add3A_261] : memref<12288xf32, #tpu.memory_space<vmem>>[vector<16xi32>], vector<16xf32>,
    %swap3A_263 = arith.constant 368 : index
    %swap3A_264 = tpu.vector_load %arg11[%swap3A_263] {strides = array<i32>} : memref<384xf32, #tpu.memory_space<vmem>>, vector<16xf32>,
    tpu.vector_store %arg11[%swap3A_263], %gather3A_262 {strides = array<i32>} : memref<384xf32, #tpu.memory_space<vmem>>, vector<16xf32>,
    %dma_wait3A_265 = arith.constant 0 : i32
    %dma_wait3A_266 = arith.constant 0 : i32
    %dma_wait3A_267 = tpu.memref_slice %arg2[%dma_wait3A_265, %dma_wait3A_266] : memref<16384x128xf32, #tpu.memory_space<hbm>> -> memref<16384x128xf32, #tpu.memory_space<hbm>>
    tpu.wait_indirect_dma semaphore(%arg12 : memref<!tpu.dma_semaphore, #tpu.memory_space<semaphore_mem>>) src(%dma_wait3A_267 : memref<16384x128xf32, #tpu.memory_space<hbm>>) dst(%arg10 : memref<128x128xf32, #tpu.memory_space<vmem>>)
    "tpu.region"() ({
      %run_scoped3A = tpu.sem_alloc : memref<!tpu.dma_semaphore, #tpu.memory_space<semaphore_mem>>
      %dma_start3A_274 = arith.constant 0 : i32
      %dma_start3A_275 = tpu.memref_slice %arg5[%mul3A_2, %dma_start3A_274] : memref<4096x128xf32, #tpu.memory_space<hbm>> -> memref<128x128xf32, #tpu.memory_space<hbm>>
      %dma_start3A_276 = arith.constant 0 : i32
      %dma_start3A_277 = tpu.memref_slice %arg5[%mul3A_2, %dma_start3A_276] : memref<4096x128xf32, #tpu.memory_space<hbm>> -> memref<128x128xf32, #tpu.memory_space<hbm>>
      tpu.enqueue_dma source(%arg10 : memref<128x128xf32, #tpu.memory_space<vmem>>) target(%dma_start3A_277 : memref<128x128xf32, #tpu.memory_space<hbm>>) target_semaphore(%run_scoped3A : memref<!tpu.dma_semaphore, #tpu.memory_space<semaphore_mem>>)
      %dma_wait3A_278 = arith.constant 0 : i32
      %dma_wait3A_279 = tpu.memref_slice %arg5[%mul3A_2, %dma_wait3A_278] : memref<4096x128xf32, #tpu.memory_space<hbm>> -> memref<128x128xf32, #tpu.memory_space<hbm>>
      %dma_wait3A_280 = arith.constant 0 : i32
      %dma_wait3A_281 = tpu.memref_slice %arg5[%mul3A_2, %dma_wait3A_280] : memref<4096x128xf32, #tpu.memory_space<hbm>> -> memref<128x128xf32, #tpu.memory_space<hbm>>
      tpu.wait_dma2 semaphore(%run_scoped3A : memref<!tpu.dma_semaphore, #tpu.memory_space<semaphore_mem>>) src(%arg10 : memref<128x128xf32, #tpu.memory_space<vmem>>) dst(%dma_wait3A_281 : memref<128x128xf32, #tpu.memory_space<hbm>>)
      tpu.yield
    }) : () -> ()
    %add3A_268 = arith.constant 0 : i32
    %add3A_269 = arith.addi %add3A_268, %mul3A_2 : i32
    "tpu.region"() ({
      %run_scoped3A = tpu.sem_alloc : memref<!tpu.dma_semaphore, #tpu.memory_space<semaphore_mem>>
      %dma_start3A_274 = arith.constant 0 : i32
      %dma_start3A_275 = tpu.memref_slice %arg11[%dma_start3A_274] : memref<384xf32, #tpu.memory_space<vmem>> -> memref<128xf32, #tpu.memory_space<vmem>>
      %dma_start3A_276 = tpu.memref_slice %arg6[%add3A_269] : memref<12288xf32, #tpu.memory_space<hbm>> -> memref<128xf32, #tpu.memory_space<hbm>>
      %dma_start3A_277 = tpu.memref_slice %arg6[%add3A_269] : memref<12288xf32, #tpu.memory_space<hbm>> -> memref<128xf32, #tpu.memory_space<hbm>>
      %dma_start3A_278 = arith.constant 0 : i32
      %dma_start3A_279 = tpu.memref_slice %arg11[%dma_start3A_278] : memref<384xf32, #tpu.memory_space<vmem>> -> memref<128xf32, #tpu.memory_space<vmem>>
      tpu.enqueue_dma source(%dma_start3A_279 : memref<128xf32, #tpu.memory_space<vmem>>) target(%dma_start3A_277 : memref<128xf32, #tpu.memory_space<hbm>>) target_semaphore(%run_scoped3A : memref<!tpu.dma_semaphore, #tpu.memory_space<semaphore_mem>>)
      %dma_wait3A_280 = arith.constant 0 : i32
      %dma_wait3A_281 = tpu.memref_slice %arg11[%dma_wait3A_280] : memref<384xf32, #tpu.memory_space<vmem>> -> memref<128xf32, #tpu.memory_space<vmem>>
      %dma_wait3A_282 = tpu.memref_slice %arg6[%add3A_269] : memref<12288xf32, #tpu.memory_space<hbm>> -> memref<128xf32, #tpu.memory_space<hbm>>
      %dma_wait3A_283 = tpu.memref_slice %arg6[%add3A_269] : memref<12288xf32, #tpu.memory_space<hbm>> -> memref<128xf32, #tpu.memory_space<hbm>>
      %dma_wait3A_284 = arith.constant 0 : i32
      %dma_wait3A_285 = tpu.memref_slice %arg11[%dma_wait3A_284] : memref<384xf32, #tpu.memory_space<vmem>> -> memref<128xf32, #tpu.memory_space<vmem>>
      tpu.wait_dma2 semaphore(%run_scoped3A : memref<!tpu.dma_semaphore, #tpu.memory_space<semaphore_mem>>) src(%dma_wait3A_285 : memref<128xf32, #tpu.memory_space<vmem>>) dst(%dma_wait3A_283 : memref<128xf32, #tpu.memory_space<hbm>>)
      tpu.yield
    }) : () -> ()
    %add3A_270 = arith.constant 4096 : i32
    %add3A_271 = arith.addi %add3A_270, %mul3A_2 : i32
    "tpu.region"() ({
      %run_scoped3A = tpu.sem_alloc : memref<!tpu.dma_semaphore, #tpu.memory_space<semaphore_mem>>
      %dma_start3A_274 = arith.constant 128 : i32
      %dma_start3A_275 = tpu.memref_slice %arg11[%dma_start3A_274] : memref<384xf32, #tpu.memory_space<vmem>> -> memref<128xf32, #tpu.memory_space<vmem>>
      %dma_start3A_276 = tpu.memref_slice %arg6[%add3A_271] : memref<12288xf32, #tpu.memory_space<hbm>> -> memref<128xf32, #tpu.memory_space<hbm>>
      %dma_start3A_277 = tpu.memref_slice %arg6[%add3A_271] : memref<12288xf32, #tpu.memory_space<hbm>> -> memref<128xf32, #tpu.memory_space<hbm>>
      %dma_start3A_278 = arith.constant 128 : i32
      %dma_start3A_279 = tpu.memref_slice %arg11[%dma_start3A_278] : memref<384xf32, #tpu.memory_space<vmem>> -> memref<128xf32, #tpu.memory_space<vmem>>
      tpu.enqueue_dma source(%dma_start3A_279 : memref<128xf32, #tpu.memory_space<vmem>>) target(%dma_start3A_277 : memref<128xf32, #tpu.memory_space<hbm>>) target_semaphore(%run_scoped3A : memref<!tpu.dma_semaphore, #tpu.memory_space<semaphore_mem>>)
      %dma_wait3A_280 = arith.constant 128 : i32
      %dma_wait3A_281 = tpu.memref_slice %arg11[%dma_wait3A_280] : memref<384xf32, #tpu.memory_space<vmem>> -> memref<128xf32, #tpu.memory_space<vmem>>
      %dma_wait3A_282 = tpu.memref_slice %arg6[%add3A_271] : memref<12288xf32, #tpu.memory_space<hbm>> -> memref<128xf32, #tpu.memory_space<hbm>>
      %dma_wait3A_283 = tpu.memref_slice %arg6[%add3A_271] : memref<12288xf32, #tpu.memory_space<hbm>> -> memref<128xf32, #tpu.memory_space<hbm>>
      %dma_wait3A_284 = arith.constant 128 : i32
      %dma_wait3A_285 = tpu.memref_slice %arg11[%dma_wait3A_284] : memref<384xf32, #tpu.memory_space<vmem>> -> memref<128xf32, #tpu.memory_space<vmem>>
      tpu.wait_dma2 semaphore(%run_scoped3A : memref<!tpu.dma_semaphore, #tpu.memory_space<semaphore_mem>>) src(%dma_wait3A_285 : memref<128xf32, #tpu.memory_space<vmem>>) dst(%dma_wait3A_283 : memref<128xf32, #tpu.memory_space<hbm>>)
      tpu.yield
    }) : () -> ()
    %add3A_272 = arith.constant 8192 : i32
    %add3A_273 = arith.addi %add3A_272, %mul3A_2 : i32
    "tpu.region"() ({
      %run_scoped3A = tpu.sem_alloc : memref<!tpu.dma_semaphore, #tpu.memory_space<semaphore_mem>>
      %dma_start3A_274 = arith.constant 256 : i32
      %dma_start3A_275 = tpu.memref_slice %arg11[%dma_start3A_274] : memref<384xf32, #tpu.memory_space<vmem>> -> memref<128xf32, #tpu.memory_space<vmem>>
      %dma_start3A_276 = tpu.memref_slice %arg6[%add3A_273] : memref<12288xf32, #tpu.memory_space<hbm>> -> memref<128xf32, #tpu.memory_space<hbm>>
      %dma_start3A_277 = tpu.memref_slice %arg6[%add3A_273] : memref<12288xf32, #tpu.memory_space<hbm>> -> memref<128xf32, #tpu.memory_space<hbm>>
      %dma_start3A_278 = arith.constant 256 : i32
      %dma_start3A_279 = tpu.memref_slice %arg11[%dma_start3A_278] : memref<384xf32, #tpu.memory_space<vmem>> -> memref<128xf32, #tpu.memory_space<vmem>>
      tpu.enqueue_dma source(%dma_start3A_279 : memref<128xf32, #tpu.memory_space<vmem>>) target(%dma_start3A_277 : memref<128xf32, #tpu.memory_space<hbm>>) target_semaphore(%run_scoped3A : memref<!tpu.dma_semaphore, #tpu.memory_space<semaphore_mem>>)
      %dma_wait3A_280 = arith.constant 256 : i32
      %dma_wait3A_281 = tpu.memref_slice %arg11[%dma_wait3A_280] : memref<384xf32, #tpu.memory_space<vmem>> -> memref<128xf32, #tpu.memory_space<vmem>>
      %dma_wait3A_282 = tpu.memref_slice %arg6[%add3A_273] : memref<12288xf32, #tpu.memory_space<hbm>> -> memref<128xf32, #tpu.memory_space<hbm>>
      %dma_wait3A_283 = tpu.memref_slice %arg6[%add3A_273] : memref<12288xf32, #tpu.memory_space<hbm>> -> memref<128xf32, #tpu.memory_space<hbm>>
      %dma_wait3A_284 = arith.constant 256 : i32
      %dma_wait3A_285 = tpu.memref_slice %arg11[%dma_wait3A_284] : memref<384xf32, #tpu.memory_space<vmem>> -> memref<128xf32, #tpu.memory_space<vmem>>
      tpu.wait_dma2 semaphore(%run_scoped3A : memref<!tpu.dma_semaphore, #tpu.memory_space<semaphore_mem>>) src(%dma_wait3A_285 : memref<128xf32, #tpu.memory_space<vmem>>) dst(%dma_wait3A_283 : memref<128xf32, #tpu.memory_space<hbm>>)
      tpu.yield
    }) : () -> ()
    return
  }
}

module attributes {stable_mosaic.version = 14 : i64} {
  func.func @_scores_body(%arg0: memref<4x128x4096xf32, #tpu.memory_space<vmem>>, %arg1: memref<64x128xf32, #tpu.memory_space<vmem>>, %arg2: memref<64x128xf32, #tpu.memory_space<vmem>>, %arg3: memref<4x4096xf32, #tpu.memory_space<vmem>>) attributes {dimension_semantics = [], scalar_prefetch = 0 : i64, scratch_operands = 0 : i64, tpu.core_type = #tpu.core_type<tc>} {
    %get3A = arith.constant 0 : index
    %get3A_0 = arith.constant 0 : index
    %get3A_1 = vector.load %arg1[%get3A, %get3A_0] : memref<64x128xf32, #tpu.memory_space<vmem>>, vector<64x128xf32>
    %get3A_2 = arith.constant 0 : index
    %get3A_3 = arith.constant 0 : index
    %get3A_4 = vector.load %arg2[%get3A_2, %get3A_3] : memref<64x128xf32, #tpu.memory_space<vmem>>, vector<64x128xf32>
    %get3A_5 = arith.constant 0 : index
    %get3A_6 = arith.constant 0 : index
    %get3A_7 = arith.constant 0 : index
    %get3A_8 = vector.load %arg0[%get3A_5, %get3A_6, %get3A_7] : memref<4x128x4096xf32, #tpu.memory_space<vmem>>, vector<1x128x4096xf32>
    %get3A_9 = vector.shape_cast %get3A_8 : vector<1x128x4096xf32> to vector<128x4096xf32>
    %slice3A = vector.extract_strided_slice %get3A_9 {offsets = [0, 0], sizes = [128, 1], strides = [1, 1]} : vector<128x4096xf32> to vector<128x1xf32>
    %dot_general3A = arith.constant dense<0.000000e+00> : vector<64x1xf32>
    %dot_general3A_10 = tpu.matmul %get3A_1, %slice3A, %dot_general3A {dimension_numbers = #tpu.dot_dimension_numbers<[1], [0], [0], [1], [0, 0, 1, 1], [], []>, transpose_lhs_hint = false} : vector<64x128xf32>, vector<128x1xf32>, vector<64x1xf32> -> vector<64x1xf32>
    %dot_general3A_11 = arith.constant dense<0.000000e+00> : vector<64x4096xf32>
    %dot_general3A_12 = tpu.matmul %get3A_4, %get3A_9, %dot_general3A_11 {dimension_numbers = #tpu.dot_dimension_numbers<[1], [0], [0], [1], [0, 0, 1, 1], [], []>, transpose_lhs_hint = false} : vector<64x128xf32>, vector<128x4096xf32>, vector<64x4096xf32> -> vector<64x4096xf32>
    %transpose3A = tpu.transpose %dot_general3A_10, [1, 0] : vector<64x1xf32> -> vector<1x64xf32>
    %dot_general3A_13 = arith.constant dense<0.000000e+00> : vector<1x4096xf32>
    %dot_general3A_14 = tpu.matmul %transpose3A, %dot_general3A_12, %dot_general3A_13 {dimension_numbers = #tpu.dot_dimension_numbers<[1], [0], [0], [1], [0, 0, 1, 1], [], []>, transpose_lhs_hint = false} : vector<1x64xf32>, vector<64x4096xf32>, vector<1x4096xf32> -> vector<1x4096xf32>
    %mul3A = arith.constant 1.250000e-01 : f32
    %mul3A_15 = vector.broadcast %mul3A : f32 to vector<1x4096xf32>
    %mul3A_16 = arith.mulf %dot_general3A_14, %mul3A_15 : vector<1x4096xf32>
    %reduce_max3A = vector.shape_cast %mul3A_16 : vector<1x4096xf32> to vector<1x1x4096xf32>
    %reduce_max3A_17 = arith.constant dense<0xFF800000> : vector<1xf32>
    %reduce_max3A_18 = vector.multi_reduction <maximumf>, %reduce_max3A, %reduce_max3A_17 [1, 2] : vector<1x1x4096xf32> to vector<1xf32>
    %reduce_max3A_19 = vector.shape_cast %reduce_max3A_18 : vector<1xf32> to vector<1x1x1xf32>
    %reduce_max3A_20 = vector.extract %reduce_max3A_19[0, 0, 0] : f32 from vector<1x1x1xf32>
    %sub3A = vector.broadcast %reduce_max3A_20 : f32 to vector<1x4096xf32>
    %sub3A_21 = arith.subf %mul3A_16, %sub3A : vector<1x4096xf32>
    %exp3A = math.exp %sub3A_21 : vector<1x4096xf32>
    %swap3A = arith.constant 0 : index
    %swap3A_22 = arith.constant 0 : index
    %swap3A_23 = vector.load %arg3[%swap3A, %swap3A_22] : memref<4x4096xf32, #tpu.memory_space<vmem>>, vector<1x4096xf32>
    tpu.vector_store %arg3[%swap3A, %swap3A_22], %exp3A {strides = array<i32>} : memref<4x4096xf32, #tpu.memory_space<vmem>>, vector<1x4096xf32>,
    %get3A_24 = arith.constant 1 : index
    %get3A_25 = arith.constant 0 : index
    %get3A_26 = arith.constant 0 : index
    %get3A_27 = vector.load %arg0[%get3A_24, %get3A_25, %get3A_26] : memref<4x128x4096xf32, #tpu.memory_space<vmem>>, vector<1x128x4096xf32>
    %get3A_28 = vector.shape_cast %get3A_27 : vector<1x128x4096xf32> to vector<128x4096xf32>
    %slice3A_29 = vector.extract_strided_slice %get3A_28 {offsets = [0, 0], sizes = [128, 1], strides = [1, 1]} : vector<128x4096xf32> to vector<128x1xf32>
    %dot_general3A_30 = arith.constant dense<0.000000e+00> : vector<64x1xf32>
    %dot_general3A_31 = tpu.matmul %get3A_1, %slice3A_29, %dot_general3A_30 {dimension_numbers = #tpu.dot_dimension_numbers<[1], [0], [0], [1], [0, 0, 1, 1], [], []>, transpose_lhs_hint = false} : vector<64x128xf32>, vector<128x1xf32>, vector<64x1xf32> -> vector<64x1xf32>
    %dot_general3A_32 = arith.constant dense<0.000000e+00> : vector<64x4096xf32>
    %dot_general3A_33 = tpu.matmul %get3A_4, %get3A_28, %dot_general3A_32 {dimension_numbers = #tpu.dot_dimension_numbers<[1], [0], [0], [1], [0, 0, 1, 1], [], []>, transpose_lhs_hint = false} : vector<64x128xf32>, vector<128x4096xf32>, vector<64x4096xf32> -> vector<64x4096xf32>
    %transpose3A_34 = tpu.transpose %dot_general3A_31, [1, 0] : vector<64x1xf32> -> vector<1x64xf32>
    %dot_general3A_35 = arith.constant dense<0.000000e+00> : vector<1x4096xf32>
    %dot_general3A_36 = tpu.matmul %transpose3A_34, %dot_general3A_33, %dot_general3A_35 {dimension_numbers = #tpu.dot_dimension_numbers<[1], [0], [0], [1], [0, 0, 1, 1], [], []>, transpose_lhs_hint = false} : vector<1x64xf32>, vector<64x4096xf32>, vector<1x4096xf32> -> vector<1x4096xf32>
    %mul3A_37 = arith.constant 1.250000e-01 : f32
    %mul3A_38 = vector.broadcast %mul3A_37 : f32 to vector<1x4096xf32>
    %mul3A_39 = arith.mulf %dot_general3A_36, %mul3A_38 : vector<1x4096xf32>
    %reduce_max3A_40 = vector.shape_cast %mul3A_39 : vector<1x4096xf32> to vector<1x1x4096xf32>
    %reduce_max3A_41 = arith.constant dense<0xFF800000> : vector<1xf32>
    %reduce_max3A_42 = vector.multi_reduction <maximumf>, %reduce_max3A_40, %reduce_max3A_41 [1, 2] : vector<1x1x4096xf32> to vector<1xf32>
    %reduce_max3A_43 = vector.shape_cast %reduce_max3A_42 : vector<1xf32> to vector<1x1x1xf32>
    %reduce_max3A_44 = vector.extract %reduce_max3A_43[0, 0, 0] : f32 from vector<1x1x1xf32>
    %sub3A_45 = vector.broadcast %reduce_max3A_44 : f32 to vector<1x4096xf32>
    %sub3A_46 = arith.subf %mul3A_39, %sub3A_45 : vector<1x4096xf32>
    %exp3A_47 = math.exp %sub3A_46 : vector<1x4096xf32>
    %swap3A_48 = arith.constant 1 : index
    %swap3A_49 = arith.constant 0 : index
    %swap3A_50 = vector.load %arg3[%swap3A_48, %swap3A_49] : memref<4x4096xf32, #tpu.memory_space<vmem>>, vector<1x4096xf32>
    tpu.vector_store %arg3[%swap3A_48, %swap3A_49], %exp3A_47 {strides = array<i32>} : memref<4x4096xf32, #tpu.memory_space<vmem>>, vector<1x4096xf32>,
    %get3A_51 = arith.constant 2 : index
    %get3A_52 = arith.constant 0 : index
    %get3A_53 = arith.constant 0 : index
    %get3A_54 = vector.load %arg0[%get3A_51, %get3A_52, %get3A_53] : memref<4x128x4096xf32, #tpu.memory_space<vmem>>, vector<1x128x4096xf32>
    %get3A_55 = vector.shape_cast %get3A_54 : vector<1x128x4096xf32> to vector<128x4096xf32>
    %slice3A_56 = vector.extract_strided_slice %get3A_55 {offsets = [0, 0], sizes = [128, 1], strides = [1, 1]} : vector<128x4096xf32> to vector<128x1xf32>
    %dot_general3A_57 = arith.constant dense<0.000000e+00> : vector<64x1xf32>
    %dot_general3A_58 = tpu.matmul %get3A_1, %slice3A_56, %dot_general3A_57 {dimension_numbers = #tpu.dot_dimension_numbers<[1], [0], [0], [1], [0, 0, 1, 1], [], []>, transpose_lhs_hint = false} : vector<64x128xf32>, vector<128x1xf32>, vector<64x1xf32> -> vector<64x1xf32>
    %dot_general3A_59 = arith.constant dense<0.000000e+00> : vector<64x4096xf32>
    %dot_general3A_60 = tpu.matmul %get3A_4, %get3A_55, %dot_general3A_59 {dimension_numbers = #tpu.dot_dimension_numbers<[1], [0], [0], [1], [0, 0, 1, 1], [], []>, transpose_lhs_hint = false} : vector<64x128xf32>, vector<128x4096xf32>, vector<64x4096xf32> -> vector<64x4096xf32>
    %transpose3A_61 = tpu.transpose %dot_general3A_58, [1, 0] : vector<64x1xf32> -> vector<1x64xf32>
    %dot_general3A_62 = arith.constant dense<0.000000e+00> : vector<1x4096xf32>
    %dot_general3A_63 = tpu.matmul %transpose3A_61, %dot_general3A_60, %dot_general3A_62 {dimension_numbers = #tpu.dot_dimension_numbers<[1], [0], [0], [1], [0, 0, 1, 1], [], []>, transpose_lhs_hint = false} : vector<1x64xf32>, vector<64x4096xf32>, vector<1x4096xf32> -> vector<1x4096xf32>
    %mul3A_64 = arith.constant 1.250000e-01 : f32
    %mul3A_65 = vector.broadcast %mul3A_64 : f32 to vector<1x4096xf32>
    %mul3A_66 = arith.mulf %dot_general3A_63, %mul3A_65 : vector<1x4096xf32>
    %reduce_max3A_67 = vector.shape_cast %mul3A_66 : vector<1x4096xf32> to vector<1x1x4096xf32>
    %reduce_max3A_68 = arith.constant dense<0xFF800000> : vector<1xf32>
    %reduce_max3A_69 = vector.multi_reduction <maximumf>, %reduce_max3A_67, %reduce_max3A_68 [1, 2] : vector<1x1x4096xf32> to vector<1xf32>
    %reduce_max3A_70 = vector.shape_cast %reduce_max3A_69 : vector<1xf32> to vector<1x1x1xf32>
    %reduce_max3A_71 = vector.extract %reduce_max3A_70[0, 0, 0] : f32 from vector<1x1x1xf32>
    %sub3A_72 = vector.broadcast %reduce_max3A_71 : f32 to vector<1x4096xf32>
    %sub3A_73 = arith.subf %mul3A_66, %sub3A_72 : vector<1x4096xf32>
    %exp3A_74 = math.exp %sub3A_73 : vector<1x4096xf32>
    %swap3A_75 = arith.constant 2 : index
    %swap3A_76 = arith.constant 0 : index
    %swap3A_77 = vector.load %arg3[%swap3A_75, %swap3A_76] : memref<4x4096xf32, #tpu.memory_space<vmem>>, vector<1x4096xf32>
    tpu.vector_store %arg3[%swap3A_75, %swap3A_76], %exp3A_74 {strides = array<i32>} : memref<4x4096xf32, #tpu.memory_space<vmem>>, vector<1x4096xf32>,
    %get3A_78 = arith.constant 3 : index
    %get3A_79 = arith.constant 0 : index
    %get3A_80 = arith.constant 0 : index
    %get3A_81 = vector.load %arg0[%get3A_78, %get3A_79, %get3A_80] : memref<4x128x4096xf32, #tpu.memory_space<vmem>>, vector<1x128x4096xf32>
    %get3A_82 = vector.shape_cast %get3A_81 : vector<1x128x4096xf32> to vector<128x4096xf32>
    %slice3A_83 = vector.extract_strided_slice %get3A_82 {offsets = [0, 0], sizes = [128, 1], strides = [1, 1]} : vector<128x4096xf32> to vector<128x1xf32>
    %dot_general3A_84 = arith.constant dense<0.000000e+00> : vector<64x1xf32>
    %dot_general3A_85 = tpu.matmul %get3A_1, %slice3A_83, %dot_general3A_84 {dimension_numbers = #tpu.dot_dimension_numbers<[1], [0], [0], [1], [0, 0, 1, 1], [], []>, transpose_lhs_hint = false} : vector<64x128xf32>, vector<128x1xf32>, vector<64x1xf32> -> vector<64x1xf32>
    %dot_general3A_86 = arith.constant dense<0.000000e+00> : vector<64x4096xf32>
    %dot_general3A_87 = tpu.matmul %get3A_4, %get3A_82, %dot_general3A_86 {dimension_numbers = #tpu.dot_dimension_numbers<[1], [0], [0], [1], [0, 0, 1, 1], [], []>, transpose_lhs_hint = false} : vector<64x128xf32>, vector<128x4096xf32>, vector<64x4096xf32> -> vector<64x4096xf32>
    %transpose3A_88 = tpu.transpose %dot_general3A_85, [1, 0] : vector<64x1xf32> -> vector<1x64xf32>
    %dot_general3A_89 = arith.constant dense<0.000000e+00> : vector<1x4096xf32>
    %dot_general3A_90 = tpu.matmul %transpose3A_88, %dot_general3A_87, %dot_general3A_89 {dimension_numbers = #tpu.dot_dimension_numbers<[1], [0], [0], [1], [0, 0, 1, 1], [], []>, transpose_lhs_hint = false} : vector<1x64xf32>, vector<64x4096xf32>, vector<1x4096xf32> -> vector<1x4096xf32>
    %mul3A_91 = arith.constant 1.250000e-01 : f32
    %mul3A_92 = vector.broadcast %mul3A_91 : f32 to vector<1x4096xf32>
    %mul3A_93 = arith.mulf %dot_general3A_90, %mul3A_92 : vector<1x4096xf32>
    %reduce_max3A_94 = vector.shape_cast %mul3A_93 : vector<1x4096xf32> to vector<1x1x4096xf32>
    %reduce_max3A_95 = arith.constant dense<0xFF800000> : vector<1xf32>
    %reduce_max3A_96 = vector.multi_reduction <maximumf>, %reduce_max3A_94, %reduce_max3A_95 [1, 2] : vector<1x1x4096xf32> to vector<1xf32>
    %reduce_max3A_97 = vector.shape_cast %reduce_max3A_96 : vector<1xf32> to vector<1x1x1xf32>
    %reduce_max3A_98 = vector.extract %reduce_max3A_97[0, 0, 0] : f32 from vector<1x1x1xf32>
    %sub3A_99 = vector.broadcast %reduce_max3A_98 : f32 to vector<1x4096xf32>
    %sub3A_100 = arith.subf %mul3A_93, %sub3A_99 : vector<1x4096xf32>
    %exp3A_101 = math.exp %sub3A_100 : vector<1x4096xf32>
    %swap3A_102 = arith.constant 3 : index
    %swap3A_103 = arith.constant 0 : index
    %swap3A_104 = vector.load %arg3[%swap3A_102, %swap3A_103] : memref<4x4096xf32, #tpu.memory_space<vmem>>, vector<1x4096xf32>
    tpu.vector_store %arg3[%swap3A_102, %swap3A_103], %exp3A_101 {strides = array<i32>} : memref<4x4096xf32, #tpu.memory_space<vmem>>, vector<1x4096xf32>,
    return
  }
}

module attributes {stable_mosaic.version = 14 : i64} {
  func.func @_sort_body(%arg0: memref<4x32x128xf32, #tpu.memory_space<vmem>>, %arg1: memref<4x1x1xf32, #tpu.memory_space<vmem>>, %arg2: memref<4x8x128xi32, #tpu.memory_space<vmem>>) attributes {dimension_semantics = [], scalar_prefetch = 0 : i64, scratch_operands = 0 : i64, tpu.core_type = #tpu.core_type<tc>} {
    %get3A = arith.constant 0 : index
    %get3A_0 = arith.constant 0 : index
    %get3A_1 = arith.constant 0 : index
    %get3A_2 = vector.load %arg0[%get3A, %get3A_0, %get3A_1] : memref<4x32x128xf32, #tpu.memory_space<vmem>>, vector<4x32x128xf32>
    %get3A_3 = arith.constant 0 : index
    %get3A_4 = arith.constant 0 : index
    %get3A_5 = arith.constant 0 : index
    %get3A_6 = vector.load %arg1[%get3A_3, %get3A_4, %get3A_5] : memref<4x1x1xf32, #tpu.memory_space<vmem>>, vector<4x1x1xf32>
    %div3A = vector.broadcast %get3A_6 : vector<4x1x1xf32> to vector<4x32x128xf32>
    %div3A_7 = arith.divf %get3A_2, %div3A : vector<4x32x128xf32>
    %bitcast_convert_type3A = tpu.bitcast %div3A_7 : vector<4x32x128xf32> -> vector<4x32x128xi32>
    %not3A = arith.constant dense<-1> : vector<4x32x128xi32>
    %not3A_8 = arith.xori %bitcast_convert_type3A, %not3A : vector<4x32x128xi32>
    %iota3A = tpu.iota {dimensions = array<i32: 1>} : vector<4x32x128xi32>
    %iota3A_9 = tpu.iota {dimensions = array<i32: 2>} : vector<4x32x128xi32>
    %mul3A = arith.constant 128 : i32
    %mul3A_10 = vector.broadcast %mul3A : i32 to vector<4x32x128xi32>
    %mul3A_11 = arith.muli %iota3A, %mul3A_10 : vector<4x32x128xi32>
    %add3A = arith.addi %mul3A_11, %iota3A_9 : vector<4x32x128xi32>
    %and3A = arith.constant 1 : i32
    %and3A_12 = vector.broadcast %and3A : i32 to vector<4x32x128xi32>
    %and3A_13 = arith.andi %iota3A_9, %and3A_12 : vector<4x32x128xi32>
    %eq3A = arith.constant 0 : i32
    %eq3A_14 = vector.broadcast %eq3A : i32 to vector<4x32x128xi32>
    %eq3A_15 = arith.cmpi eq, %and3A_13, %eq3A_14 : vector<4x32x128xi32>
    %slice3A = vector.extract_strided_slice %not3A_8 {offsets = [0, 0, 1], sizes = [4, 32, 127], strides = [1, 1, 1]} : vector<4x32x128xi32> to vector<4x32x127xi32>
    %slice3A_16 = vector.extract_strided_slice %not3A_8 {offsets = [0, 0, 0], sizes = [4, 32, 1], strides = [1, 1, 1]} : vector<4x32x128xi32> to vector<4x32x1xi32>
    %concatenate3A = tpu.concatenate %slice3A, %slice3A_16 in 2 : vector<4x32x127xi32>, vector<4x32x1xi32> -> vector<4x32x128xi32>
    %slice3A_17 = vector.extract_strided_slice %not3A_8 {offsets = [0, 0, 127], sizes = [4, 32, 1], strides = [1, 1, 1]} : vector<4x32x128xi32> to vector<4x32x1xi32>
    %slice3A_18 = vector.extract_strided_slice %not3A_8 {offsets = [0, 0, 0], sizes = [4, 32, 127], strides = [1, 1, 1]} : vector<4x32x128xi32> to vector<4x32x127xi32>
    %concatenate3A_19 = tpu.concatenate %slice3A_17, %slice3A_18 in 2 : vector<4x32x1xi32>, vector<4x32x127xi32> -> vector<4x32x128xi32>
    %select_n3A = arith.select %eq3A_15, %concatenate3A, %concatenate3A_19 : vector<4x32x128xi1>, vector<4x32x128xi32>
    %and3A_20 = arith.constant 1 : i32
    %and3A_21 = vector.broadcast %and3A_20 : i32 to vector<4x32x128xi32>
    %and3A_22 = arith.andi %iota3A_9, %and3A_21 : vector<4x32x128xi32>
    %eq3A_23 = arith.constant 0 : i32
    %eq3A_24 = vector.broadcast %eq3A_23 : i32 to vector<4x32x128xi32>
    %eq3A_25 = arith.cmpi eq, %and3A_22, %eq3A_24 : vector<4x32x128xi32>
    %slice3A_26 = vector.extract_strided_slice %add3A {offsets = [0, 0, 1], sizes = [4, 32, 127], strides = [1, 1, 1]} : vector<4x32x128xi32> to vector<4x32x127xi32>
    %slice3A_27 = vector.extract_strided_slice %add3A {offsets = [0, 0, 0], sizes = [4, 32, 1], strides = [1, 1, 1]} : vector<4x32x128xi32> to vector<4x32x1xi32>
    %concatenate3A_28 = tpu.concatenate %slice3A_26, %slice3A_27 in 2 : vector<4x32x127xi32>, vector<4x32x1xi32> -> vector<4x32x128xi32>
    %slice3A_29 = vector.extract_strided_slice %add3A {offsets = [0, 0, 127], sizes = [4, 32, 1], strides = [1, 1, 1]} : vector<4x32x128xi32> to vector<4x32x1xi32>
    %slice3A_30 = vector.extract_strided_slice %add3A {offsets = [0, 0, 0], sizes = [4, 32, 127], strides = [1, 1, 1]} : vector<4x32x128xi32> to vector<4x32x127xi32>
    %concatenate3A_31 = tpu.concatenate %slice3A_29, %slice3A_30 in 2 : vector<4x32x1xi32>, vector<4x32x127xi32> -> vector<4x32x128xi32>
    %select_n3A_32 = arith.select %eq3A_25, %concatenate3A_28, %concatenate3A_31 : vector<4x32x128xi1>, vector<4x32x128xi32>
    %and3A_33 = arith.constant 1 : i32
    %and3A_34 = vector.broadcast %and3A_33 : i32 to vector<4x32x128xi32>
    %and3A_35 = arith.andi %add3A, %and3A_34 : vector<4x32x128xi32>
    %eq3A_36 = arith.constant 0 : i32
    %eq3A_37 = vector.broadcast %eq3A_36 : i32 to vector<4x32x128xi32>
    %eq3A_38 = arith.cmpi eq, %and3A_35, %eq3A_37 : vector<4x32x128xi32>
    %and3A_39 = arith.constant 2 : i32
    %and3A_40 = vector.broadcast %and3A_39 : i32 to vector<4x32x128xi32>
    %and3A_41 = arith.andi %add3A, %and3A_40 : vector<4x32x128xi32>
    %eq3A_42 = arith.constant 0 : i32
    %eq3A_43 = vector.broadcast %eq3A_42 : i32 to vector<4x32x128xi32>
    %eq3A_44 = arith.cmpi eq, %and3A_41, %eq3A_43 : vector<4x32x128xi32>
    %eq3A_45 = arith.xori %eq3A_44, %eq3A_38 : vector<4x32x128xi1>
    %eq3A_46 = arith.constant dense<true> : vector<4x32x128xi1>
    %eq3A_47 = arith.xori %eq3A_45, %eq3A_46 : vector<4x32x128xi1>
    %gt3A = arith.cmpi ugt, %not3A_8, %select_n3A : vector<4x32x128xi32>
    %eq3A_48 = arith.cmpi eq, %not3A_8, %select_n3A : vector<4x32x128xi32>
    %gt3A_49 = arith.cmpi sgt, %add3A, %select_n3A_32 : vector<4x32x128xi32>
    %and3A_50 = arith.andi %eq3A_48, %gt3A_49 : vector<4x32x128xi1>
    %or3A = arith.ori %gt3A, %and3A_50 : vector<4x32x128xi1>
    %eq3A_51 = arith.xori %or3A, %eq3A_47 : vector<4x32x128xi1>
    %eq3A_52 = arith.constant dense<true> : vector<4x32x128xi1>
    %eq3A_53 = arith.xori %eq3A_51, %eq3A_52 : vector<4x32x128xi1>
    %select_n3A_54 = arith.select %eq3A_53, %select_n3A, %not3A_8 : vector<4x32x128xi1>, vector<4x32x128xi32>
    %select_n3A_55 = arith.select %eq3A_53, %select_n3A_32, %add3A : vector<4x32x128xi1>, vector<4x32x128xi32>
    %and3A_56 = arith.constant 2 : i32
    %and3A_57 = vector.broadcast %and3A_56 : i32 to vector<4x32x128xi32>
    %and3A_58 = arith.andi %iota3A_9, %and3A_57 : vector<4x32x128xi32>
    %eq3A_59 = arith.constant 0 : i32
    %eq3A_60 = vector.broadcast %eq3A_59 : i32 to vector<4x32x128xi32>
    %eq3A_61 = arith.cmpi eq, %and3A_58, %eq3A_60 : vector<4x32x128xi32>
    %slice3A_62 = vector.extract_strided_slice %select_n3A_54 {offsets = [0, 0, 2], sizes = [4, 32, 126], strides = [1, 1, 1]} : vector<4x32x128xi32> to vector<4x32x126xi32>
    %slice3A_63 = vector.extract_strided_slice %select_n3A_54 {offsets = [0, 0, 0], sizes = [4, 32, 2], strides = [1, 1, 1]} : vector<4x32x128xi32> to vector<4x32x2xi32>
    %concatenate3A_64 = tpu.concatenate %slice3A_62, %slice3A_63 in 2 : vector<4x32x126xi32>, vector<4x32x2xi32> -> vector<4x32x128xi32>
    %slice3A_65 = vector.extract_strided_slice %select_n3A_54 {offsets = [0, 0, 126], sizes = [4, 32, 2], strides = [1, 1, 1]} : vector<4x32x128xi32> to vector<4x32x2xi32>
    %slice3A_66 = vector.extract_strided_slice %select_n3A_54 {offsets = [0, 0, 0], sizes = [4, 32, 126], strides = [1, 1, 1]} : vector<4x32x128xi32> to vector<4x32x126xi32>
    %concatenate3A_67 = tpu.concatenate %slice3A_65, %slice3A_66 in 2 : vector<4x32x2xi32>, vector<4x32x126xi32> -> vector<4x32x128xi32>
    %select_n3A_68 = arith.select %eq3A_61, %concatenate3A_64, %concatenate3A_67 : vector<4x32x128xi1>, vector<4x32x128xi32>
    %and3A_69 = arith.constant 2 : i32
    %and3A_70 = vector.broadcast %and3A_69 : i32 to vector<4x32x128xi32>
    %and3A_71 = arith.andi %iota3A_9, %and3A_70 : vector<4x32x128xi32>
    %eq3A_72 = arith.constant 0 : i32
    %eq3A_73 = vector.broadcast %eq3A_72 : i32 to vector<4x32x128xi32>
    %eq3A_74 = arith.cmpi eq, %and3A_71, %eq3A_73 : vector<4x32x128xi32>
    %slice3A_75 = vector.extract_strided_slice %select_n3A_55 {offsets = [0, 0, 2], sizes = [4, 32, 126], strides = [1, 1, 1]} : vector<4x32x128xi32> to vector<4x32x126xi32>
    %slice3A_76 = vector.extract_strided_slice %select_n3A_55 {offsets = [0, 0, 0], sizes = [4, 32, 2], strides = [1, 1, 1]} : vector<4x32x128xi32> to vector<4x32x2xi32>
    %concatenate3A_77 = tpu.concatenate %slice3A_75, %slice3A_76 in 2 : vector<4x32x126xi32>, vector<4x32x2xi32> -> vector<4x32x128xi32>
    %slice3A_78 = vector.extract_strided_slice %select_n3A_55 {offsets = [0, 0, 126], sizes = [4, 32, 2], strides = [1, 1, 1]} : vector<4x32x128xi32> to vector<4x32x2xi32>
    %slice3A_79 = vector.extract_strided_slice %select_n3A_55 {offsets = [0, 0, 0], sizes = [4, 32, 126], strides = [1, 1, 1]} : vector<4x32x128xi32> to vector<4x32x126xi32>
    %concatenate3A_80 = tpu.concatenate %slice3A_78, %slice3A_79 in 2 : vector<4x32x2xi32>, vector<4x32x126xi32> -> vector<4x32x128xi32>
    %select_n3A_81 = arith.select %eq3A_74, %concatenate3A_77, %concatenate3A_80 : vector<4x32x128xi1>, vector<4x32x128xi32>
    %and3A_82 = arith.constant 2 : i32
    %and3A_83 = vector.broadcast %and3A_82 : i32 to vector<4x32x128xi32>
    %and3A_84 = arith.andi %add3A, %and3A_83 : vector<4x32x128xi32>
    %eq3A_85 = arith.constant 0 : i32
    %eq3A_86 = vector.broadcast %eq3A_85 : i32 to vector<4x32x128xi32>
    %eq3A_87 = arith.cmpi eq, %and3A_84, %eq3A_86 : vector<4x32x128xi32>
    %and3A_88 = arith.constant 4 : i32
    %and3A_89 = vector.broadcast %and3A_88 : i32 to vector<4x32x128xi32>
    %and3A_90 = arith.andi %add3A, %and3A_89 : vector<4x32x128xi32>
    %eq3A_91 = arith.constant 0 : i32
    %eq3A_92 = vector.broadcast %eq3A_91 : i32 to vector<4x32x128xi32>
    %eq3A_93 = arith.cmpi eq, %and3A_90, %eq3A_92 : vector<4x32x128xi32>
    %eq3A_94 = arith.xori %eq3A_93, %eq3A_87 : vector<4x32x128xi1>
    %eq3A_95 = arith.constant dense<true> : vector<4x32x128xi1>
    %eq3A_96 = arith.xori %eq3A_94, %eq3A_95 : vector<4x32x128xi1>
    %gt3A_97 = arith.cmpi ugt, %select_n3A_54, %select_n3A_68 : vector<4x32x128xi32>
    %eq3A_98 = arith.cmpi eq, %select_n3A_54, %select_n3A_68 : vector<4x32x128xi32>
    %gt3A_99 = arith.cmpi sgt, %select_n3A_55, %select_n3A_81 : vector<4x32x128xi32>
    %and3A_100 = arith.andi %eq3A_98, %gt3A_99 : vector<4x32x128xi1>
    %or3A_101 = arith.ori %gt3A_97, %and3A_100 : vector<4x32x128xi1>
    %eq3A_102 = arith.xori %or3A_101, %eq3A_96 : vector<4x32x128xi1>
    %eq3A_103 = arith.constant dense<true> : vector<4x32x128xi1>
    %eq3A_104 = arith.xori %eq3A_102, %eq3A_103 : vector<4x32x128xi1>
    %select_n3A_105 = arith.select %eq3A_104, %select_n3A_68, %select_n3A_54 : vector<4x32x128xi1>, vector<4x32x128xi32>
    %select_n3A_106 = arith.select %eq3A_104, %select_n3A_81, %select_n3A_55 : vector<4x32x128xi1>, vector<4x32x128xi32>
    %and3A_107 = arith.constant 1 : i32
    %and3A_108 = vector.broadcast %and3A_107 : i32 to vector<4x32x128xi32>
    %and3A_109 = arith.andi %iota3A_9, %and3A_108 : vector<4x32x128xi32>
    %eq3A_110 = arith.constant 0 : i32
    %eq3A_111 = vector.broadcast %eq3A_110 : i32 to vector<4x32x128xi32>
    %eq3A_112 = arith.cmpi eq, %and3A_109, %eq3A_111 : vector<4x32x128xi32>
    %slice3A_113 = vector.extract_strided_slice %select_n3A_105 {offsets = [0, 0, 1], sizes = [4, 32, 127], strides = [1, 1, 1]} : vector<4x32x128xi32> to vector<4x32x127xi32>
    %slice3A_114 = vector.extract_strided_slice %select_n3A_105 {offsets = [0, 0, 0], sizes = [4, 32, 1], strides = [1, 1, 1]} : vector<4x32x128xi32> to vector<4x32x1xi32>
    %concatenate3A_115 = tpu.concatenate %slice3A_113, %slice3A_114 in 2 : vector<4x32x127xi32>, vector<4x32x1xi32> -> vector<4x32x128xi32>
    %slice3A_116 = vector.extract_strided_slice %select_n3A_105 {offsets = [0, 0, 127], sizes = [4, 32, 1], strides = [1, 1, 1]} : vector<4x32x128xi32> to vector<4x32x1xi32>
    %slice3A_117 = vector.extract_strided_slice %select_n3A_105 {offsets = [0, 0, 0], sizes = [4, 32, 127], strides = [1, 1, 1]} : vector<4x32x128xi32> to vector<4x32x127xi32>
    %concatenate3A_118 = tpu.concatenate %slice3A_116, %slice3A_117 in 2 : vector<4x32x1xi32>, vector<4x32x127xi32> -> vector<4x32x128xi32>
    %select_n3A_119 = arith.select %eq3A_112, %concatenate3A_115, %concatenate3A_118 : vector<4x32x128xi1>, vector<4x32x128xi32>
    %and3A_120 = arith.constant 1 : i32
    %and3A_121 = vector.broadcast %and3A_120 : i32 to vector<4x32x128xi32>
    %and3A_122 = arith.andi %iota3A_9, %and3A_121 : vector<4x32x128xi32>
    %eq3A_123 = arith.constant 0 : i32
    %eq3A_124 = vector.broadcast %eq3A_123 : i32 to vector<4x32x128xi32>
    %eq3A_125 = arith.cmpi eq, %and3A_122, %eq3A_124 : vector<4x32x128xi32>
    %slice3A_126 = vector.extract_strided_slice %select_n3A_106 {offsets = [0, 0, 1], sizes = [4, 32, 127], strides = [1, 1, 1]} : vector<4x32x128xi32> to vector<4x32x127xi32>
    %slice3A_127 = vector.extract_strided_slice %select_n3A_106 {offsets = [0, 0, 0], sizes = [4, 32, 1], strides = [1, 1, 1]} : vector<4x32x128xi32> to vector<4x32x1xi32>
    %concatenate3A_128 = tpu.concatenate %slice3A_126, %slice3A_127 in 2 : vector<4x32x127xi32>, vector<4x32x1xi32> -> vector<4x32x128xi32>
    %slice3A_129 = vector.extract_strided_slice %select_n3A_106 {offsets = [0, 0, 127], sizes = [4, 32, 1], strides = [1, 1, 1]} : vector<4x32x128xi32> to vector<4x32x1xi32>
    %slice3A_130 = vector.extract_strided_slice %select_n3A_106 {offsets = [0, 0, 0], sizes = [4, 32, 127], strides = [1, 1, 1]} : vector<4x32x128xi32> to vector<4x32x127xi32>
    %concatenate3A_131 = tpu.concatenate %slice3A_129, %slice3A_130 in 2 : vector<4x32x1xi32>, vector<4x32x127xi32> -> vector<4x32x128xi32>
    %select_n3A_132 = arith.select %eq3A_125, %concatenate3A_128, %concatenate3A_131 : vector<4x32x128xi1>, vector<4x32x128xi32>
    %and3A_133 = arith.constant 1 : i32
    %and3A_134 = vector.broadcast %and3A_133 : i32 to vector<4x32x128xi32>
    %and3A_135 = arith.andi %add3A, %and3A_134 : vector<4x32x128xi32>
    %eq3A_136 = arith.constant 0 : i32
    %eq3A_137 = vector.broadcast %eq3A_136 : i32 to vector<4x32x128xi32>
    %eq3A_138 = arith.cmpi eq, %and3A_135, %eq3A_137 : vector<4x32x128xi32>
    %and3A_139 = arith.constant 4 : i32
    %and3A_140 = vector.broadcast %and3A_139 : i32 to vector<4x32x128xi32>
    %and3A_141 = arith.andi %add3A, %and3A_140 : vector<4x32x128xi32>
    %eq3A_142 = arith.constant 0 : i32
    %eq3A_143 = vector.broadcast %eq3A_142 : i32 to vector<4x32x128xi32>
    %eq3A_144 = arith.cmpi eq, %and3A_141, %eq3A_143 : vector<4x32x128xi32>
    %eq3A_145 = arith.xori %eq3A_144, %eq3A_138 : vector<4x32x128xi1>
    %eq3A_146 = arith.constant dense<true> : vector<4x32x128xi1>
    %eq3A_147 = arith.xori %eq3A_145, %eq3A_146 : vector<4x32x128xi1>
    %gt3A_148 = arith.cmpi ugt, %select_n3A_105, %select_n3A_119 : vector<4x32x128xi32>
    %eq3A_149 = arith.cmpi eq, %select_n3A_105, %select_n3A_119 : vector<4x32x128xi32>
    %gt3A_150 = arith.cmpi sgt, %select_n3A_106, %select_n3A_132 : vector<4x32x128xi32>
    %and3A_151 = arith.andi %eq3A_149, %gt3A_150 : vector<4x32x128xi1>
    %or3A_152 = arith.ori %gt3A_148, %and3A_151 : vector<4x32x128xi1>
    %eq3A_153 = arith.xori %or3A_152, %eq3A_147 : vector<4x32x128xi1>
    %eq3A_154 = arith.constant dense<true> : vector<4x32x128xi1>
    %eq3A_155 = arith.xori %eq3A_153, %eq3A_154 : vector<4x32x128xi1>
    %select_n3A_156 = arith.select %eq3A_155, %select_n3A_119, %select_n3A_105 : vector<4x32x128xi1>, vector<4x32x128xi32>
    %select_n3A_157 = arith.select %eq3A_155, %select_n3A_132, %select_n3A_106 : vector<4x32x128xi1>, vector<4x32x128xi32>
    %and3A_158 = arith.constant 4 : i32
    %and3A_159 = vector.broadcast %and3A_158 : i32 to vector<4x32x128xi32>
    %and3A_160 = arith.andi %iota3A_9, %and3A_159 : vector<4x32x128xi32>
    %eq3A_161 = arith.constant 0 : i32
    %eq3A_162 = vector.broadcast %eq3A_161 : i32 to vector<4x32x128xi32>
    %eq3A_163 = arith.cmpi eq, %and3A_160, %eq3A_162 : vector<4x32x128xi32>
    %slice3A_164 = vector.extract_strided_slice %select_n3A_156 {offsets = [0, 0, 4], sizes = [4, 32, 124], strides = [1, 1, 1]} : vector<4x32x128xi32> to vector<4x32x124xi32>
    %slice3A_165 = vector.extract_strided_slice %select_n3A_156 {offsets = [0, 0, 0], sizes = [4, 32, 4], strides = [1, 1, 1]} : vector<4x32x128xi32> to vector<4x32x4xi32>
    %concatenate3A_166 = tpu.concatenate %slice3A_164, %slice3A_165 in 2 : vector<4x32x124xi32>, vector<4x32x4xi32> -> vector<4x32x128xi32>
    %slice3A_167 = vector.extract_strided_slice %select_n3A_156 {offsets = [0, 0, 124], sizes = [4, 32, 4], strides = [1, 1, 1]} : vector<4x32x128xi32> to vector<4x32x4xi32>
    %slice3A_168 = vector.extract_strided_slice %select_n3A_156 {offsets = [0, 0, 0], sizes = [4, 32, 124], strides = [1, 1, 1]} : vector<4x32x128xi32> to vector<4x32x124xi32>
    %concatenate3A_169 = tpu.concatenate %slice3A_167, %slice3A_168 in 2 : vector<4x32x4xi32>, vector<4x32x124xi32> -> vector<4x32x128xi32>
    %select_n3A_170 = arith.select %eq3A_163, %concatenate3A_166, %concatenate3A_169 : vector<4x32x128xi1>, vector<4x32x128xi32>
    %and3A_171 = arith.constant 4 : i32
    %and3A_172 = vector.broadcast %and3A_171 : i32 to vector<4x32x128xi32>
    %and3A_173 = arith.andi %iota3A_9, %and3A_172 : vector<4x32x128xi32>
    %eq3A_174 = arith.constant 0 : i32
    %eq3A_175 = vector.broadcast %eq3A_174 : i32 to vector<4x32x128xi32>
    %eq3A_176 = arith.cmpi eq, %and3A_173, %eq3A_175 : vector<4x32x128xi32>
    %slice3A_177 = vector.extract_strided_slice %select_n3A_157 {offsets = [0, 0, 4], sizes = [4, 32, 124], strides = [1, 1, 1]} : vector<4x32x128xi32> to vector<4x32x124xi32>
    %slice3A_178 = vector.extract_strided_slice %select_n3A_157 {offsets = [0, 0, 0], sizes = [4, 32, 4], strides = [1, 1, 1]} : vector<4x32x128xi32> to vector<4x32x4xi32>
    %concatenate3A_179 = tpu.concatenate %slice3A_177, %slice3A_178 in 2 : vector<4x32x124xi32>, vector<4x32x4xi32> -> vector<4x32x128xi32>
    %slice3A_180 = vector.extract_strided_slice %select_n3A_157 {offsets = [0, 0, 124], sizes = [4, 32, 4], strides = [1, 1, 1]} : vector<4x32x128xi32> to vector<4x32x4xi32>
    %slice3A_181 = vector.extract_strided_slice %select_n3A_157 {offsets = [0, 0, 0], sizes = [4, 32, 124], strides = [1, 1, 1]} : vector<4x32x128xi32> to vector<4x32x124xi32>
    %concatenate3A_182 = tpu.concatenate %slice3A_180, %slice3A_181 in 2 : vector<4x32x4xi32>, vector<4x32x124xi32> -> vector<4x32x128xi32>
    %select_n3A_183 = arith.select %eq3A_176, %concatenate3A_179, %concatenate3A_182 : vector<4x32x128xi1>, vector<4x32x128xi32>
    %and3A_184 = arith.constant 4 : i32
    %and3A_185 = vector.broadcast %and3A_184 : i32 to vector<4x32x128xi32>
    %and3A_186 = arith.andi %add3A, %and3A_185 : vector<4x32x128xi32>
    %eq3A_187 = arith.constant 0 : i32
    %eq3A_188 = vector.broadcast %eq3A_187 : i32 to vector<4x32x128xi32>
    %eq3A_189 = arith.cmpi eq, %and3A_186, %eq3A_188 : vector<4x32x128xi32>
    %and3A_190 = arith.constant 8 : i32
    %and3A_191 = vector.broadcast %and3A_190 : i32 to vector<4x32x128xi32>
    %and3A_192 = arith.andi %add3A, %and3A_191 : vector<4x32x128xi32>
    %eq3A_193 = arith.constant 0 : i32
    %eq3A_194 = vector.broadcast %eq3A_193 : i32 to vector<4x32x128xi32>
    %eq3A_195 = arith.cmpi eq, %and3A_192, %eq3A_194 : vector<4x32x128xi32>
    %eq3A_196 = arith.xori %eq3A_195, %eq3A_189 : vector<4x32x128xi1>
    %eq3A_197 = arith.constant dense<true> : vector<4x32x128xi1>
    %eq3A_198 = arith.xori %eq3A_196, %eq3A_197 : vector<4x32x128xi1>
    %gt3A_199 = arith.cmpi ugt, %select_n3A_156, %select_n3A_170 : vector<4x32x128xi32>
    %eq3A_200 = arith.cmpi eq, %select_n3A_156, %select_n3A_170 : vector<4x32x128xi32>
    %gt3A_201 = arith.cmpi sgt, %select_n3A_157, %select_n3A_183 : vector<4x32x128xi32>
    %and3A_202 = arith.andi %eq3A_200, %gt3A_201 : vector<4x32x128xi1>
    %or3A_203 = arith.ori %gt3A_199, %and3A_202 : vector<4x32x128xi1>
    %eq3A_204 = arith.xori %or3A_203, %eq3A_198 : vector<4x32x128xi1>
    %eq3A_205 = arith.constant dense<true> : vector<4x32x128xi1>
    %eq3A_206 = arith.xori %eq3A_204, %eq3A_205 : vector<4x32x128xi1>
    %select_n3A_207 = arith.select %eq3A_206, %select_n3A_170, %select_n3A_156 : vector<4x32x128xi1>, vector<4x32x128xi32>
    %select_n3A_208 = arith.select %eq3A_206, %select_n3A_183, %select_n3A_157 : vector<4x32x128xi1>, vector<4x32x128xi32>
    %and3A_209 = arith.constant 2 : i32
    %and3A_210 = vector.broadcast %and3A_209 : i32 to vector<4x32x128xi32>
    %and3A_211 = arith.andi %iota3A_9, %and3A_210 : vector<4x32x128xi32>
    %eq3A_212 = arith.constant 0 : i32
    %eq3A_213 = vector.broadcast %eq3A_212 : i32 to vector<4x32x128xi32>
    %eq3A_214 = arith.cmpi eq, %and3A_211, %eq3A_213 : vector<4x32x128xi32>
    %slice3A_215 = vector.extract_strided_slice %select_n3A_207 {offsets = [0, 0, 2], sizes = [4, 32, 126], strides = [1, 1, 1]} : vector<4x32x128xi32> to vector<4x32x126xi32>
    %slice3A_216 = vector.extract_strided_slice %select_n3A_207 {offsets = [0, 0, 0], sizes = [4, 32, 2], strides = [1, 1, 1]} : vector<4x32x128xi32> to vector<4x32x2xi32>
    %concatenate3A_217 = tpu.concatenate %slice3A_215, %slice3A_216 in 2 : vector<4x32x126xi32>, vector<4x32x2xi32> -> vector<4x32x128xi32>
    %slice3A_218 = vector.extract_strided_slice %select_n3A_207 {offsets = [0, 0, 126], sizes = [4, 32, 2], strides = [1, 1, 1]} : vector<4x32x128xi32> to vector<4x32x2xi32>
    %slice3A_219 = vector.extract_strided_slice %select_n3A_207 {offsets = [0, 0, 0], sizes = [4, 32, 126], strides = [1, 1, 1]} : vector<4x32x128xi32> to vector<4x32x126xi32>
    %concatenate3A_220 = tpu.concatenate %slice3A_218, %slice3A_219 in 2 : vector<4x32x2xi32>, vector<4x32x126xi32> -> vector<4x32x128xi32>
    %select_n3A_221 = arith.select %eq3A_214, %concatenate3A_217, %concatenate3A_220 : vector<4x32x128xi1>, vector<4x32x128xi32>
    %and3A_222 = arith.constant 2 : i32
    %and3A_223 = vector.broadcast %and3A_222 : i32 to vector<4x32x128xi32>
    %and3A_224 = arith.andi %iota3A_9, %and3A_223 : vector<4x32x128xi32>
    %eq3A_225 = arith.constant 0 : i32
    %eq3A_226 = vector.broadcast %eq3A_225 : i32 to vector<4x32x128xi32>
    %eq3A_227 = arith.cmpi eq, %and3A_224, %eq3A_226 : vector<4x32x128xi32>
    %slice3A_228 = vector.extract_strided_slice %select_n3A_208 {offsets = [0, 0, 2], sizes = [4, 32, 126], strides = [1, 1, 1]} : vector<4x32x128xi32> to vector<4x32x126xi32>
    %slice3A_229 = vector.extract_strided_slice %select_n3A_208 {offsets = [0, 0, 0], sizes = [4, 32, 2], strides = [1, 1, 1]} : vector<4x32x128xi32> to vector<4x32x2xi32>
    %concatenate3A_230 = tpu.concatenate %slice3A_228, %slice3A_229 in 2 : vector<4x32x126xi32>, vector<4x32x2xi32> -> vector<4x32x128xi32>
    %slice3A_231 = vector.extract_strided_slice %select_n3A_208 {offsets = [0, 0, 126], sizes = [4, 32, 2], strides = [1, 1, 1]} : vector<4x32x128xi32> to vector<4x32x2xi32>
    %slice3A_232 = vector.extract_strided_slice %select_n3A_208 {offsets = [0, 0, 0], sizes = [4, 32, 126], strides = [1, 1, 1]} : vector<4x32x128xi32> to vector<4x32x126xi32>
    %concatenate3A_233 = tpu.concatenate %slice3A_231, %slice3A_232 in 2 : vector<4x32x2xi32>, vector<4x32x126xi32> -> vector<4x32x128xi32>
    %select_n3A_234 = arith.select %eq3A_227, %concatenate3A_230, %concatenate3A_233 : vector<4x32x128xi1>, vector<4x32x128xi32>
    %and3A_235 = arith.constant 2 : i32
    %and3A_236 = vector.broadcast %and3A_235 : i32 to vector<4x32x128xi32>
    %and3A_237 = arith.andi %add3A, %and3A_236 : vector<4x32x128xi32>
    %eq3A_238 = arith.constant 0 : i32
    %eq3A_239 = vector.broadcast %eq3A_238 : i32 to vector<4x32x128xi32>
    %eq3A_240 = arith.cmpi eq, %and3A_237, %eq3A_239 : vector<4x32x128xi32>
    %and3A_241 = arith.constant 8 : i32
    %and3A_242 = vector.broadcast %and3A_241 : i32 to vector<4x32x128xi32>
    %and3A_243 = arith.andi %add3A, %and3A_242 : vector<4x32x128xi32>
    %eq3A_244 = arith.constant 0 : i32
    %eq3A_245 = vector.broadcast %eq3A_244 : i32 to vector<4x32x128xi32>
    %eq3A_246 = arith.cmpi eq, %and3A_243, %eq3A_245 : vector<4x32x128xi32>
    %eq3A_247 = arith.xori %eq3A_246, %eq3A_240 : vector<4x32x128xi1>
    %eq3A_248 = arith.constant dense<true> : vector<4x32x128xi1>
    %eq3A_249 = arith.xori %eq3A_247, %eq3A_248 : vector<4x32x128xi1>
    %gt3A_250 = arith.cmpi ugt, %select_n3A_207, %select_n3A_221 : vector<4x32x128xi32>
    %eq3A_251 = arith.cmpi eq, %select_n3A_207, %select_n3A_221 : vector<4x32x128xi32>
    %gt3A_252 = arith.cmpi sgt, %select_n3A_208, %select_n3A_234 : vector<4x32x128xi32>
    %and3A_253 = arith.andi %eq3A_251, %gt3A_252 : vector<4x32x128xi1>
    %or3A_254 = arith.ori %gt3A_250, %and3A_253 : vector<4x32x128xi1>
    %eq3A_255 = arith.xori %or3A_254, %eq3A_249 : vector<4x32x128xi1>
    %eq3A_256 = arith.constant dense<true> : vector<4x32x128xi1>
    %eq3A_257 = arith.xori %eq3A_255, %eq3A_256 : vector<4x32x128xi1>
    %select_n3A_258 = arith.select %eq3A_257, %select_n3A_221, %select_n3A_207 : vector<4x32x128xi1>, vector<4x32x128xi32>
    %select_n3A_259 = arith.select %eq3A_257, %select_n3A_234, %select_n3A_208 : vector<4x32x128xi1>, vector<4x32x128xi32>
    %and3A_260 = arith.constant 1 : i32
    %and3A_261 = vector.broadcast %and3A_260 : i32 to vector<4x32x128xi32>
    %and3A_262 = arith.andi %iota3A_9, %and3A_261 : vector<4x32x128xi32>
    %eq3A_263 = arith.constant 0 : i32
    %eq3A_264 = vector.broadcast %eq3A_263 : i32 to vector<4x32x128xi32>
    %eq3A_265 = arith.cmpi eq, %and3A_262, %eq3A_264 : vector<4x32x128xi32>
    %slice3A_266 = vector.extract_strided_slice %select_n3A_258 {offsets = [0, 0, 1], sizes = [4, 32, 127], strides = [1, 1, 1]} : vector<4x32x128xi32> to vector<4x32x127xi32>
    %slice3A_267 = vector.extract_strided_slice %select_n3A_258 {offsets = [0, 0, 0], sizes = [4, 32, 1], strides = [1, 1, 1]} : vector<4x32x128xi32> to vector<4x32x1xi32>
    %concatenate3A_268 = tpu.concatenate %slice3A_266, %slice3A_267 in 2 : vector<4x32x127xi32>, vector<4x32x1xi32> -> vector<4x32x128xi32>
    %slice3A_269 = vector.extract_strided_slice %select_n3A_258 {offsets = [0, 0, 127], sizes = [4, 32, 1], strides = [1, 1, 1]} : vector<4x32x128xi32> to vector<4x32x1xi32>
    %slice3A_270 = vector.extract_strided_slice %select_n3A_258 {offsets = [0, 0, 0], sizes = [4, 32, 127], strides = [1, 1, 1]} : vector<4x32x128xi32> to vector<4x32x127xi32>
    %concatenate3A_271 = tpu.concatenate %slice3A_269, %slice3A_270 in 2 : vector<4x32x1xi32>, vector<4x32x127xi32> -> vector<4x32x128xi32>
    %select_n3A_272 = arith.select %eq3A_265, %concatenate3A_268, %concatenate3A_271 : vector<4x32x128xi1>, vector<4x32x128xi32>
    %and3A_273 = arith.constant 1 : i32
    %and3A_274 = vector.broadcast %and3A_273 : i32 to vector<4x32x128xi32>
    %and3A_275 = arith.andi %iota3A_9, %and3A_274 : vector<4x32x128xi32>
    %eq3A_276 = arith.constant 0 : i32
    %eq3A_277 = vector.broadcast %eq3A_276 : i32 to vector<4x32x128xi32>
    %eq3A_278 = arith.cmpi eq, %and3A_275, %eq3A_277 : vector<4x32x128xi32>
    %slice3A_279 = vector.extract_strided_slice %select_n3A_259 {offsets = [0, 0, 1], sizes = [4, 32, 127], strides = [1, 1, 1]} : vector<4x32x128xi32> to vector<4x32x127xi32>
    %slice3A_280 = vector.extract_strided_slice %select_n3A_259 {offsets = [0, 0, 0], sizes = [4, 32, 1], strides = [1, 1, 1]} : vector<4x32x128xi32> to vector<4x32x1xi32>
    %concatenate3A_281 = tpu.concatenate %slice3A_279, %slice3A_280 in 2 : vector<4x32x127xi32>, vector<4x32x1xi32> -> vector<4x32x128xi32>
    %slice3A_282 = vector.extract_strided_slice %select_n3A_259 {offsets = [0, 0, 127], sizes = [4, 32, 1], strides = [1, 1, 1]} : vector<4x32x128xi32> to vector<4x32x1xi32>
    %slice3A_283 = vector.extract_strided_slice %select_n3A_259 {offsets = [0, 0, 0], sizes = [4, 32, 127], strides = [1, 1, 1]} : vector<4x32x128xi32> to vector<4x32x127xi32>
    %concatenate3A_284 = tpu.concatenate %slice3A_282, %slice3A_283 in 2 : vector<4x32x1xi32>, vector<4x32x127xi32> -> vector<4x32x128xi32>
    %select_n3A_285 = arith.select %eq3A_278, %concatenate3A_281, %concatenate3A_284 : vector<4x32x128xi1>, vector<4x32x128xi32>
    %and3A_286 = arith.constant 1 : i32
    %and3A_287 = vector.broadcast %and3A_286 : i32 to vector<4x32x128xi32>
    %and3A_288 = arith.andi %add3A, %and3A_287 : vector<4x32x128xi32>
    %eq3A_289 = arith.constant 0 : i32
    %eq3A_290 = vector.broadcast %eq3A_289 : i32 to vector<4x32x128xi32>
    %eq3A_291 = arith.cmpi eq, %and3A_288, %eq3A_290 : vector<4x32x128xi32>
    %and3A_292 = arith.constant 8 : i32
    %and3A_293 = vector.broadcast %and3A_292 : i32 to vector<4x32x128xi32>
    %and3A_294 = arith.andi %add3A, %and3A_293 : vector<4x32x128xi32>
    %eq3A_295 = arith.constant 0 : i32
    %eq3A_296 = vector.broadcast %eq3A_295 : i32 to vector<4x32x128xi32>
    %eq3A_297 = arith.cmpi eq, %and3A_294, %eq3A_296 : vector<4x32x128xi32>
    %eq3A_298 = arith.xori %eq3A_297, %eq3A_291 : vector<4x32x128xi1>
    %eq3A_299 = arith.constant dense<true> : vector<4x32x128xi1>
    %eq3A_300 = arith.xori %eq3A_298, %eq3A_299 : vector<4x32x128xi1>
    %gt3A_301 = arith.cmpi ugt, %select_n3A_258, %select_n3A_272 : vector<4x32x128xi32>
    %eq3A_302 = arith.cmpi eq, %select_n3A_258, %select_n3A_272 : vector<4x32x128xi32>
    %gt3A_303 = arith.cmpi sgt, %select_n3A_259, %select_n3A_285 : vector<4x32x128xi32>
    %and3A_304 = arith.andi %eq3A_302, %gt3A_303 : vector<4x32x128xi1>
    %or3A_305 = arith.ori %gt3A_301, %and3A_304 : vector<4x32x128xi1>
    %eq3A_306 = arith.xori %or3A_305, %eq3A_300 : vector<4x32x128xi1>
    %eq3A_307 = arith.constant dense<true> : vector<4x32x128xi1>
    %eq3A_308 = arith.xori %eq3A_306, %eq3A_307 : vector<4x32x128xi1>
    %select_n3A_309 = arith.select %eq3A_308, %select_n3A_272, %select_n3A_258 : vector<4x32x128xi1>, vector<4x32x128xi32>
    %select_n3A_310 = arith.select %eq3A_308, %select_n3A_285, %select_n3A_259 : vector<4x32x128xi1>, vector<4x32x128xi32>
    %and3A_311 = arith.constant 8 : i32
    %and3A_312 = vector.broadcast %and3A_311 : i32 to vector<4x32x128xi32>
    %and3A_313 = arith.andi %iota3A_9, %and3A_312 : vector<4x32x128xi32>
    %eq3A_314 = arith.constant 0 : i32
    %eq3A_315 = vector.broadcast %eq3A_314 : i32 to vector<4x32x128xi32>
    %eq3A_316 = arith.cmpi eq, %and3A_313, %eq3A_315 : vector<4x32x128xi32>
    %slice3A_317 = vector.extract_strided_slice %select_n3A_309 {offsets = [0, 0, 8], sizes = [4, 32, 120], strides = [1, 1, 1]} : vector<4x32x128xi32> to vector<4x32x120xi32>
    %slice3A_318 = vector.extract_strided_slice %select_n3A_309 {offsets = [0, 0, 0], sizes = [4, 32, 8], strides = [1, 1, 1]} : vector<4x32x128xi32> to vector<4x32x8xi32>
    %concatenate3A_319 = tpu.concatenate %slice3A_317, %slice3A_318 in 2 : vector<4x32x120xi32>, vector<4x32x8xi32> -> vector<4x32x128xi32>
    %slice3A_320 = vector.extract_strided_slice %select_n3A_309 {offsets = [0, 0, 120], sizes = [4, 32, 8], strides = [1, 1, 1]} : vector<4x32x128xi32> to vector<4x32x8xi32>
    %slice3A_321 = vector.extract_strided_slice %select_n3A_309 {offsets = [0, 0, 0], sizes = [4, 32, 120], strides = [1, 1, 1]} : vector<4x32x128xi32> to vector<4x32x120xi32>
    %concatenate3A_322 = tpu.concatenate %slice3A_320, %slice3A_321 in 2 : vector<4x32x8xi32>, vector<4x32x120xi32> -> vector<4x32x128xi32>
    %select_n3A_323 = arith.select %eq3A_316, %concatenate3A_319, %concatenate3A_322 : vector<4x32x128xi1>, vector<4x32x128xi32>
    %and3A_324 = arith.constant 8 : i32
    %and3A_325 = vector.broadcast %and3A_324 : i32 to vector<4x32x128xi32>
    %and3A_326 = arith.andi %iota3A_9, %and3A_325 : vector<4x32x128xi32>
    %eq3A_327 = arith.constant 0 : i32
    %eq3A_328 = vector.broadcast %eq3A_327 : i32 to vector<4x32x128xi32>
    %eq3A_329 = arith.cmpi eq, %and3A_326, %eq3A_328 : vector<4x32x128xi32>
    %slice3A_330 = vector.extract_strided_slice %select_n3A_310 {offsets = [0, 0, 8], sizes = [4, 32, 120], strides = [1, 1, 1]} : vector<4x32x128xi32> to vector<4x32x120xi32>
    %slice3A_331 = vector.extract_strided_slice %select_n3A_310 {offsets = [0, 0, 0], sizes = [4, 32, 8], strides = [1, 1, 1]} : vector<4x32x128xi32> to vector<4x32x8xi32>
    %concatenate3A_332 = tpu.concatenate %slice3A_330, %slice3A_331 in 2 : vector<4x32x120xi32>, vector<4x32x8xi32> -> vector<4x32x128xi32>
    %slice3A_333 = vector.extract_strided_slice %select_n3A_310 {offsets = [0, 0, 120], sizes = [4, 32, 8], strides = [1, 1, 1]} : vector<4x32x128xi32> to vector<4x32x8xi32>
    %slice3A_334 = vector.extract_strided_slice %select_n3A_310 {offsets = [0, 0, 0], sizes = [4, 32, 120], strides = [1, 1, 1]} : vector<4x32x128xi32> to vector<4x32x120xi32>
    %concatenate3A_335 = tpu.concatenate %slice3A_333, %slice3A_334 in 2 : vector<4x32x8xi32>, vector<4x32x120xi32> -> vector<4x32x128xi32>
    %select_n3A_336 = arith.select %eq3A_329, %concatenate3A_332, %concatenate3A_335 : vector<4x32x128xi1>, vector<4x32x128xi32>
    %and3A_337 = arith.constant 8 : i32
    %and3A_338 = vector.broadcast %and3A_337 : i32 to vector<4x32x128xi32>
    %and3A_339 = arith.andi %add3A, %and3A_338 : vector<4x32x128xi32>
    %eq3A_340 = arith.constant 0 : i32
    %eq3A_341 = vector.broadcast %eq3A_340 : i32 to vector<4x32x128xi32>
    %eq3A_342 = arith.cmpi eq, %and3A_339, %eq3A_341 : vector<4x32x128xi32>
    %and3A_343 = arith.constant 16 : i32
    %and3A_344 = vector.broadcast %and3A_343 : i32 to vector<4x32x128xi32>
    %and3A_345 = arith.andi %add3A, %and3A_344 : vector<4x32x128xi32>
    %eq3A_346 = arith.constant 0 : i32
    %eq3A_347 = vector.broadcast %eq3A_346 : i32 to vector<4x32x128xi32>
    %eq3A_348 = arith.cmpi eq, %and3A_345, %eq3A_347 : vector<4x32x128xi32>
    %eq3A_349 = arith.xori %eq3A_348, %eq3A_342 : vector<4x32x128xi1>
    %eq3A_350 = arith.constant dense<true> : vector<4x32x128xi1>
    %eq3A_351 = arith.xori %eq3A_349, %eq3A_350 : vector<4x32x128xi1>
    %gt3A_352 = arith.cmpi ugt, %select_n3A_309, %select_n3A_323 : vector<4x32x128xi32>
    %eq3A_353 = arith.cmpi eq, %select_n3A_309, %select_n3A_323 : vector<4x32x128xi32>
    %gt3A_354 = arith.cmpi sgt, %select_n3A_310, %select_n3A_336 : vector<4x32x128xi32>
    %and3A_355 = arith.andi %eq3A_353, %gt3A_354 : vector<4x32x128xi1>
    %or3A_356 = arith.ori %gt3A_352, %and3A_355 : vector<4x32x128xi1>
    %eq3A_357 = arith.xori %or3A_356, %eq3A_351 : vector<4x32x128xi1>
    %eq3A_358 = arith.constant dense<true> : vector<4x32x128xi1>
    %eq3A_359 = arith.xori %eq3A_357, %eq3A_358 : vector<4x32x128xi1>
    %select_n3A_360 = arith.select %eq3A_359, %select_n3A_323, %select_n3A_309 : vector<4x32x128xi1>, vector<4x32x128xi32>
    %select_n3A_361 = arith.select %eq3A_359, %select_n3A_336, %select_n3A_310 : vector<4x32x128xi1>, vector<4x32x128xi32>
    %and3A_362 = arith.constant 4 : i32
    %and3A_363 = vector.broadcast %and3A_362 : i32 to vector<4x32x128xi32>
    %and3A_364 = arith.andi %iota3A_9, %and3A_363 : vector<4x32x128xi32>
    %eq3A_365 = arith.constant 0 : i32
    %eq3A_366 = vector.broadcast %eq3A_365 : i32 to vector<4x32x128xi32>
    %eq3A_367 = arith.cmpi eq, %and3A_364, %eq3A_366 : vector<4x32x128xi32>
    %slice3A_368 = vector.extract_strided_slice %select_n3A_360 {offsets = [0, 0, 4], sizes = [4, 32, 124], strides = [1, 1, 1]} : vector<4x32x128xi32> to vector<4x32x124xi32>
    %slice3A_369 = vector.extract_strided_slice %select_n3A_360 {offsets = [0, 0, 0], sizes = [4, 32, 4], strides = [1, 1, 1]} : vector<4x32x128xi32> to vector<4x32x4xi32>
    %concatenate3A_370 = tpu.concatenate %slice3A_368, %slice3A_369 in 2 : vector<4x32x124xi32>, vector<4x32x4xi32> -> vector<4x32x128xi32>
    %slice3A_371 = vector.extract_strided_slice %select_n3A_360 {offsets = [0, 0, 124], sizes = [4, 32, 4], strides = [1, 1, 1]} : vector<4x32x128xi32> to vector<4x32x4xi32>
    %slice3A_372 = vector.extract_strided_slice %select_n3A_360 {offsets = [0, 0, 0], sizes = [4, 32, 124], strides = [1, 1, 1]} : vector<4x32x128xi32> to vector<4x32x124xi32>
    %concatenate3A_373 = tpu.concatenate %slice3A_371, %slice3A_372 in 2 : vector<4x32x4xi32>, vector<4x32x124xi32> -> vector<4x32x128xi32>
    %select_n3A_374 = arith.select %eq3A_367, %concatenate3A_370, %concatenate3A_373 : vector<4x32x128xi1>, vector<4x32x128xi32>
    %and3A_375 = arith.constant 4 : i32
    %and3A_376 = vector.broadcast %and3A_375 : i32 to vector<4x32x128xi32>
    %and3A_377 = arith.andi %iota3A_9, %and3A_376 : vector<4x32x128xi32>
    %eq3A_378 = arith.constant 0 : i32
    %eq3A_379 = vector.broadcast %eq3A_378 : i32 to vector<4x32x128xi32>
    %eq3A_380 = arith.cmpi eq, %and3A_377, %eq3A_379 : vector<4x32x128xi32>
    %slice3A_381 = vector.extract_strided_slice %select_n3A_361 {offsets = [0, 0, 4], sizes = [4, 32, 124], strides = [1, 1, 1]} : vector<4x32x128xi32> to vector<4x32x124xi32>
    %slice3A_382 = vector.extract_strided_slice %select_n3A_361 {offsets = [0, 0, 0], sizes = [4, 32, 4], strides = [1, 1, 1]} : vector<4x32x128xi32> to vector<4x32x4xi32>
    %concatenate3A_383 = tpu.concatenate %slice3A_381, %slice3A_382 in 2 : vector<4x32x124xi32>, vector<4x32x4xi32> -> vector<4x32x128xi32>
    %slice3A_384 = vector.extract_strided_slice %select_n3A_361 {offsets = [0, 0, 124], sizes = [4, 32, 4], strides = [1, 1, 1]} : vector<4x32x128xi32> to vector<4x32x4xi32>
    %slice3A_385 = vector.extract_strided_slice %select_n3A_361 {offsets = [0, 0, 0], sizes = [4, 32, 124], strides = [1, 1, 1]} : vector<4x32x128xi32> to vector<4x32x124xi32>
    %concatenate3A_386 = tpu.concatenate %slice3A_384, %slice3A_385 in 2 : vector<4x32x4xi32>, vector<4x32x124xi32> -> vector<4x32x128xi32>
    %select_n3A_387 = arith.select %eq3A_380, %concatenate3A_383, %concatenate3A_386 : vector<4x32x128xi1>, vector<4x32x128xi32>
    %and3A_388 = arith.constant 4 : i32
    %and3A_389 = vector.broadcast %and3A_388 : i32 to vector<4x32x128xi32>
    %and3A_390 = arith.andi %add3A, %and3A_389 : vector<4x32x128xi32>
    %eq3A_391 = arith.constant 0 : i32
    %eq3A_392 = vector.broadcast %eq3A_391 : i32 to vector<4x32x128xi32>
    %eq3A_393 = arith.cmpi eq, %and3A_390, %eq3A_392 : vector<4x32x128xi32>
    %and3A_394 = arith.constant 16 : i32
    %and3A_395 = vector.broadcast %and3A_394 : i32 to vector<4x32x128xi32>
    %and3A_396 = arith.andi %add3A, %and3A_395 : vector<4x32x128xi32>
    %eq3A_397 = arith.constant 0 : i32
    %eq3A_398 = vector.broadcast %eq3A_397 : i32 to vector<4x32x128xi32>
    %eq3A_399 = arith.cmpi eq, %and3A_396, %eq3A_398 : vector<4x32x128xi32>
    %eq3A_400 = arith.xori %eq3A_399, %eq3A_393 : vector<4x32x128xi1>
    %eq3A_401 = arith.constant dense<true> : vector<4x32x128xi1>
    %eq3A_402 = arith.xori %eq3A_400, %eq3A_401 : vector<4x32x128xi1>
    %gt3A_403 = arith.cmpi ugt, %select_n3A_360, %select_n3A_374 : vector<4x32x128xi32>
    %eq3A_404 = arith.cmpi eq, %select_n3A_360, %select_n3A_374 : vector<4x32x128xi32>
    %gt3A_405 = arith.cmpi sgt, %select_n3A_361, %select_n3A_387 : vector<4x32x128xi32>
    %and3A_406 = arith.andi %eq3A_404, %gt3A_405 : vector<4x32x128xi1>
    %or3A_407 = arith.ori %gt3A_403, %and3A_406 : vector<4x32x128xi1>
    %eq3A_408 = arith.xori %or3A_407, %eq3A_402 : vector<4x32x128xi1>
    %eq3A_409 = arith.constant dense<true> : vector<4x32x128xi1>
    %eq3A_410 = arith.xori %eq3A_408, %eq3A_409 : vector<4x32x128xi1>
    %select_n3A_411 = arith.select %eq3A_410, %select_n3A_374, %select_n3A_360 : vector<4x32x128xi1>, vector<4x32x128xi32>
    %select_n3A_412 = arith.select %eq3A_410, %select_n3A_387, %select_n3A_361 : vector<4x32x128xi1>, vector<4x32x128xi32>
    %and3A_413 = arith.constant 2 : i32
    %and3A_414 = vector.broadcast %and3A_413 : i32 to vector<4x32x128xi32>
    %and3A_415 = arith.andi %iota3A_9, %and3A_414 : vector<4x32x128xi32>
    %eq3A_416 = arith.constant 0 : i32
    %eq3A_417 = vector.broadcast %eq3A_416 : i32 to vector<4x32x128xi32>
    %eq3A_418 = arith.cmpi eq, %and3A_415, %eq3A_417 : vector<4x32x128xi32>
    %slice3A_419 = vector.extract_strided_slice %select_n3A_411 {offsets = [0, 0, 2], sizes = [4, 32, 126], strides = [1, 1, 1]} : vector<4x32x128xi32> to vector<4x32x126xi32>
    %slice3A_420 = vector.extract_strided_slice %select_n3A_411 {offsets = [0, 0, 0], sizes = [4, 32, 2], strides = [1, 1, 1]} : vector<4x32x128xi32> to vector<4x32x2xi32>
    %concatenate3A_421 = tpu.concatenate %slice3A_419, %slice3A_420 in 2 : vector<4x32x126xi32>, vector<4x32x2xi32> -> vector<4x32x128xi32>
    %slice3A_422 = vector.extract_strided_slice %select_n3A_411 {offsets = [0, 0, 126], sizes = [4, 32, 2], strides = [1, 1, 1]} : vector<4x32x128xi32> to vector<4x32x2xi32>
    %slice3A_423 = vector.extract_strided_slice %select_n3A_411 {offsets = [0, 0, 0], sizes = [4, 32, 126], strides = [1, 1, 1]} : vector<4x32x128xi32> to vector<4x32x126xi32>
    %concatenate3A_424 = tpu.concatenate %slice3A_422, %slice3A_423 in 2 : vector<4x32x2xi32>, vector<4x32x126xi32> -> vector<4x32x128xi32>
    %select_n3A_425 = arith.select %eq3A_418, %concatenate3A_421, %concatenate3A_424 : vector<4x32x128xi1>, vector<4x32x128xi32>
    %and3A_426 = arith.constant 2 : i32
    %and3A_427 = vector.broadcast %and3A_426 : i32 to vector<4x32x128xi32>
    %and3A_428 = arith.andi %iota3A_9, %and3A_427 : vector<4x32x128xi32>
    %eq3A_429 = arith.constant 0 : i32
    %eq3A_430 = vector.broadcast %eq3A_429 : i32 to vector<4x32x128xi32>
    %eq3A_431 = arith.cmpi eq, %and3A_428, %eq3A_430 : vector<4x32x128xi32>
    %slice3A_432 = vector.extract_strided_slice %select_n3A_412 {offsets = [0, 0, 2], sizes = [4, 32, 126], strides = [1, 1, 1]} : vector<4x32x128xi32> to vector<4x32x126xi32>
    %slice3A_433 = vector.extract_strided_slice %select_n3A_412 {offsets = [0, 0, 0], sizes = [4, 32, 2], strides = [1, 1, 1]} : vector<4x32x128xi32> to vector<4x32x2xi32>
    %concatenate3A_434 = tpu.concatenate %slice3A_432, %slice3A_433 in 2 : vector<4x32x126xi32>, vector<4x32x2xi32> -> vector<4x32x128xi32>
    %slice3A_435 = vector.extract_strided_slice %select_n3A_412 {offsets = [0, 0, 126], sizes = [4, 32, 2], strides = [1, 1, 1]} : vector<4x32x128xi32> to vector<4x32x2xi32>
    %slice3A_436 = vector.extract_strided_slice %select_n3A_412 {offsets = [0, 0, 0], sizes = [4, 32, 126], strides = [1, 1, 1]} : vector<4x32x128xi32> to vector<4x32x126xi32>
    %concatenate3A_437 = tpu.concatenate %slice3A_435, %slice3A_436 in 2 : vector<4x32x2xi32>, vector<4x32x126xi32> -> vector<4x32x128xi32>
    %select_n3A_438 = arith.select %eq3A_431, %concatenate3A_434, %concatenate3A_437 : vector<4x32x128xi1>, vector<4x32x128xi32>
    %and3A_439 = arith.constant 2 : i32
    %and3A_440 = vector.broadcast %and3A_439 : i32 to vector<4x32x128xi32>
    %and3A_441 = arith.andi %add3A, %and3A_440 : vector<4x32x128xi32>
    %eq3A_442 = arith.constant 0 : i32
    %eq3A_443 = vector.broadcast %eq3A_442 : i32 to vector<4x32x128xi32>
    %eq3A_444 = arith.cmpi eq, %and3A_441, %eq3A_443 : vector<4x32x128xi32>
    %and3A_445 = arith.constant 16 : i32
    %and3A_446 = vector.broadcast %and3A_445 : i32 to vector<4x32x128xi32>
    %and3A_447 = arith.andi %add3A, %and3A_446 : vector<4x32x128xi32>
    %eq3A_448 = arith.constant 0 : i32
    %eq3A_449 = vector.broadcast %eq3A_448 : i32 to vector<4x32x128xi32>
    %eq3A_450 = arith.cmpi eq, %and3A_447, %eq3A_449 : vector<4x32x128xi32>
    %eq3A_451 = arith.xori %eq3A_450, %eq3A_444 : vector<4x32x128xi1>
    %eq3A_452 = arith.constant dense<true> : vector<4x32x128xi1>
    %eq3A_453 = arith.xori %eq3A_451, %eq3A_452 : vector<4x32x128xi1>
    %gt3A_454 = arith.cmpi ugt, %select_n3A_411, %select_n3A_425 : vector<4x32x128xi32>
    %eq3A_455 = arith.cmpi eq, %select_n3A_411, %select_n3A_425 : vector<4x32x128xi32>
    %gt3A_456 = arith.cmpi sgt, %select_n3A_412, %select_n3A_438 : vector<4x32x128xi32>
    %and3A_457 = arith.andi %eq3A_455, %gt3A_456 : vector<4x32x128xi1>
    %or3A_458 = arith.ori %gt3A_454, %and3A_457 : vector<4x32x128xi1>
    %eq3A_459 = arith.xori %or3A_458, %eq3A_453 : vector<4x32x128xi1>
    %eq3A_460 = arith.constant dense<true> : vector<4x32x128xi1>
    %eq3A_461 = arith.xori %eq3A_459, %eq3A_460 : vector<4x32x128xi1>
    %select_n3A_462 = arith.select %eq3A_461, %select_n3A_425, %select_n3A_411 : vector<4x32x128xi1>, vector<4x32x128xi32>
    %select_n3A_463 = arith.select %eq3A_461, %select_n3A_438, %select_n3A_412 : vector<4x32x128xi1>, vector<4x32x128xi32>
    %and3A_464 = arith.constant 1 : i32
    %and3A_465 = vector.broadcast %and3A_464 : i32 to vector<4x32x128xi32>
    %and3A_466 = arith.andi %iota3A_9, %and3A_465 : vector<4x32x128xi32>
    %eq3A_467 = arith.constant 0 : i32
    %eq3A_468 = vector.broadcast %eq3A_467 : i32 to vector<4x32x128xi32>
    %eq3A_469 = arith.cmpi eq, %and3A_466, %eq3A_468 : vector<4x32x128xi32>
    %slice3A_470 = vector.extract_strided_slice %select_n3A_462 {offsets = [0, 0, 1], sizes = [4, 32, 127], strides = [1, 1, 1]} : vector<4x32x128xi32> to vector<4x32x127xi32>
    %slice3A_471 = vector.extract_strided_slice %select_n3A_462 {offsets = [0, 0, 0], sizes = [4, 32, 1], strides = [1, 1, 1]} : vector<4x32x128xi32> to vector<4x32x1xi32>
    %concatenate3A_472 = tpu.concatenate %slice3A_470, %slice3A_471 in 2 : vector<4x32x127xi32>, vector<4x32x1xi32> -> vector<4x32x128xi32>
    %slice3A_473 = vector.extract_strided_slice %select_n3A_462 {offsets = [0, 0, 127], sizes = [4, 32, 1], strides = [1, 1, 1]} : vector<4x32x128xi32> to vector<4x32x1xi32>
    %slice3A_474 = vector.extract_strided_slice %select_n3A_462 {offsets = [0, 0, 0], sizes = [4, 32, 127], strides = [1, 1, 1]} : vector<4x32x128xi32> to vector<4x32x127xi32>
    %concatenate3A_475 = tpu.concatenate %slice3A_473, %slice3A_474 in 2 : vector<4x32x1xi32>, vector<4x32x127xi32> -> vector<4x32x128xi32>
    %select_n3A_476 = arith.select %eq3A_469, %concatenate3A_472, %concatenate3A_475 : vector<4x32x128xi1>, vector<4x32x128xi32>
    %and3A_477 = arith.constant 1 : i32
    %and3A_478 = vector.broadcast %and3A_477 : i32 to vector<4x32x128xi32>
    %and3A_479 = arith.andi %iota3A_9, %and3A_478 : vector<4x32x128xi32>
    %eq3A_480 = arith.constant 0 : i32
    %eq3A_481 = vector.broadcast %eq3A_480 : i32 to vector<4x32x128xi32>
    %eq3A_482 = arith.cmpi eq, %and3A_479, %eq3A_481 : vector<4x32x128xi32>
    %slice3A_483 = vector.extract_strided_slice %select_n3A_463 {offsets = [0, 0, 1], sizes = [4, 32, 127], strides = [1, 1, 1]} : vector<4x32x128xi32> to vector<4x32x127xi32>
    %slice3A_484 = vector.extract_strided_slice %select_n3A_463 {offsets = [0, 0, 0], sizes = [4, 32, 1], strides = [1, 1, 1]} : vector<4x32x128xi32> to vector<4x32x1xi32>
    %concatenate3A_485 = tpu.concatenate %slice3A_483, %slice3A_484 in 2 : vector<4x32x127xi32>, vector<4x32x1xi32> -> vector<4x32x128xi32>
    %slice3A_486 = vector.extract_strided_slice %select_n3A_463 {offsets = [0, 0, 127], sizes = [4, 32, 1], strides = [1, 1, 1]} : vector<4x32x128xi32> to vector<4x32x1xi32>
    %slice3A_487 = vector.extract_strided_slice %select_n3A_463 {offsets = [0, 0, 0], sizes = [4, 32, 127], strides = [1, 1, 1]} : vector<4x32x128xi32> to vector<4x32x127xi32>
    %concatenate3A_488 = tpu.concatenate %slice3A_486, %slice3A_487 in 2 : vector<4x32x1xi32>, vector<4x32x127xi32> -> vector<4x32x128xi32>
    %select_n3A_489 = arith.select %eq3A_482, %concatenate3A_485, %concatenate3A_488 : vector<4x32x128xi1>, vector<4x32x128xi32>
    %and3A_490 = arith.constant 1 : i32
    %and3A_491 = vector.broadcast %and3A_490 : i32 to vector<4x32x128xi32>
    %and3A_492 = arith.andi %add3A, %and3A_491 : vector<4x32x128xi32>
    %eq3A_493 = arith.constant 0 : i32
    %eq3A_494 = vector.broadcast %eq3A_493 : i32 to vector<4x32x128xi32>
    %eq3A_495 = arith.cmpi eq, %and3A_492, %eq3A_494 : vector<4x32x128xi32>
    %and3A_496 = arith.constant 16 : i32
    %and3A_497 = vector.broadcast %and3A_496 : i32 to vector<4x32x128xi32>
    %and3A_498 = arith.andi %add3A, %and3A_497 : vector<4x32x128xi32>
    %eq3A_499 = arith.constant 0 : i32
    %eq3A_500 = vector.broadcast %eq3A_499 : i32 to vector<4x32x128xi32>
    %eq3A_501 = arith.cmpi eq, %and3A_498, %eq3A_500 : vector<4x32x128xi32>
    %eq3A_502 = arith.xori %eq3A_501, %eq3A_495 : vector<4x32x128xi1>
    %eq3A_503 = arith.constant dense<true> : vector<4x32x128xi1>
    %eq3A_504 = arith.xori %eq3A_502, %eq3A_503 : vector<4x32x128xi1>
    %gt3A_505 = arith.cmpi ugt, %select_n3A_462, %select_n3A_476 : vector<4x32x128xi32>
    %eq3A_506 = arith.cmpi eq, %select_n3A_462, %select_n3A_476 : vector<4x32x128xi32>
    %gt3A_507 = arith.cmpi sgt, %select_n3A_463, %select_n3A_489 : vector<4x32x128xi32>
    %and3A_508 = arith.andi %eq3A_506, %gt3A_507 : vector<4x32x128xi1>
    %or3A_509 = arith.ori %gt3A_505, %and3A_508 : vector<4x32x128xi1>
    %eq3A_510 = arith.xori %or3A_509, %eq3A_504 : vector<4x32x128xi1>
    %eq3A_511 = arith.constant dense<true> : vector<4x32x128xi1>
    %eq3A_512 = arith.xori %eq3A_510, %eq3A_511 : vector<4x32x128xi1>
    %select_n3A_513 = arith.select %eq3A_512, %select_n3A_476, %select_n3A_462 : vector<4x32x128xi1>, vector<4x32x128xi32>
    %select_n3A_514 = arith.select %eq3A_512, %select_n3A_489, %select_n3A_463 : vector<4x32x128xi1>, vector<4x32x128xi32>
    %and3A_515 = arith.constant 16 : i32
    %and3A_516 = vector.broadcast %and3A_515 : i32 to vector<4x32x128xi32>
    %and3A_517 = arith.andi %iota3A_9, %and3A_516 : vector<4x32x128xi32>
    %eq3A_518 = arith.constant 0 : i32
    %eq3A_519 = vector.broadcast %eq3A_518 : i32 to vector<4x32x128xi32>
    %eq3A_520 = arith.cmpi eq, %and3A_517, %eq3A_519 : vector<4x32x128xi32>
    %slice3A_521 = vector.extract_strided_slice %select_n3A_513 {offsets = [0, 0, 16], sizes = [4, 32, 112], strides = [1, 1, 1]} : vector<4x32x128xi32> to vector<4x32x112xi32>
    %slice3A_522 = vector.extract_strided_slice %select_n3A_513 {offsets = [0, 0, 0], sizes = [4, 32, 16], strides = [1, 1, 1]} : vector<4x32x128xi32> to vector<4x32x16xi32>
    %concatenate3A_523 = tpu.concatenate %slice3A_521, %slice3A_522 in 2 : vector<4x32x112xi32>, vector<4x32x16xi32> -> vector<4x32x128xi32>
    %slice3A_524 = vector.extract_strided_slice %select_n3A_513 {offsets = [0, 0, 112], sizes = [4, 32, 16], strides = [1, 1, 1]} : vector<4x32x128xi32> to vector<4x32x16xi32>
    %slice3A_525 = vector.extract_strided_slice %select_n3A_513 {offsets = [0, 0, 0], sizes = [4, 32, 112], strides = [1, 1, 1]} : vector<4x32x128xi32> to vector<4x32x112xi32>
    %concatenate3A_526 = tpu.concatenate %slice3A_524, %slice3A_525 in 2 : vector<4x32x16xi32>, vector<4x32x112xi32> -> vector<4x32x128xi32>
    %select_n3A_527 = arith.select %eq3A_520, %concatenate3A_523, %concatenate3A_526 : vector<4x32x128xi1>, vector<4x32x128xi32>
    %and3A_528 = arith.constant 16 : i32
    %and3A_529 = vector.broadcast %and3A_528 : i32 to vector<4x32x128xi32>
    %and3A_530 = arith.andi %iota3A_9, %and3A_529 : vector<4x32x128xi32>
    %eq3A_531 = arith.constant 0 : i32
    %eq3A_532 = vector.broadcast %eq3A_531 : i32 to vector<4x32x128xi32>
    %eq3A_533 = arith.cmpi eq, %and3A_530, %eq3A_532 : vector<4x32x128xi32>
    %slice3A_534 = vector.extract_strided_slice %select_n3A_514 {offsets = [0, 0, 16], sizes = [4, 32, 112], strides = [1, 1, 1]} : vector<4x32x128xi32> to vector<4x32x112xi32>
    %slice3A_535 = vector.extract_strided_slice %select_n3A_514 {offsets = [0, 0, 0], sizes = [4, 32, 16], strides = [1, 1, 1]} : vector<4x32x128xi32> to vector<4x32x16xi32>
    %concatenate3A_536 = tpu.concatenate %slice3A_534, %slice3A_535 in 2 : vector<4x32x112xi32>, vector<4x32x16xi32> -> vector<4x32x128xi32>
    %slice3A_537 = vector.extract_strided_slice %select_n3A_514 {offsets = [0, 0, 112], sizes = [4, 32, 16], strides = [1, 1, 1]} : vector<4x32x128xi32> to vector<4x32x16xi32>
    %slice3A_538 = vector.extract_strided_slice %select_n3A_514 {offsets = [0, 0, 0], sizes = [4, 32, 112], strides = [1, 1, 1]} : vector<4x32x128xi32> to vector<4x32x112xi32>
    %concatenate3A_539 = tpu.concatenate %slice3A_537, %slice3A_538 in 2 : vector<4x32x16xi32>, vector<4x32x112xi32> -> vector<4x32x128xi32>
    %select_n3A_540 = arith.select %eq3A_533, %concatenate3A_536, %concatenate3A_539 : vector<4x32x128xi1>, vector<4x32x128xi32>
    %and3A_541 = arith.constant 16 : i32
    %and3A_542 = vector.broadcast %and3A_541 : i32 to vector<4x32x128xi32>
    %and3A_543 = arith.andi %add3A, %and3A_542 : vector<4x32x128xi32>
    %eq3A_544 = arith.constant 0 : i32
    %eq3A_545 = vector.broadcast %eq3A_544 : i32 to vector<4x32x128xi32>
    %eq3A_546 = arith.cmpi eq, %and3A_543, %eq3A_545 : vector<4x32x128xi32>
    %and3A_547 = arith.constant 32 : i32
    %and3A_548 = vector.broadcast %and3A_547 : i32 to vector<4x32x128xi32>
    %and3A_549 = arith.andi %add3A, %and3A_548 : vector<4x32x128xi32>
    %eq3A_550 = arith.constant 0 : i32
    %eq3A_551 = vector.broadcast %eq3A_550 : i32 to vector<4x32x128xi32>
    %eq3A_552 = arith.cmpi eq, %and3A_549, %eq3A_551 : vector<4x32x128xi32>
    %eq3A_553 = arith.xori %eq3A_552, %eq3A_546 : vector<4x32x128xi1>
    %eq3A_554 = arith.constant dense<true> : vector<4x32x128xi1>
    %eq3A_555 = arith.xori %eq3A_553, %eq3A_554 : vector<4x32x128xi1>
    %gt3A_556 = arith.cmpi ugt, %select_n3A_513, %select_n3A_527 : vector<4x32x128xi32>
    %eq3A_557 = arith.cmpi eq, %select_n3A_513, %select_n3A_527 : vector<4x32x128xi32>
    %gt3A_558 = arith.cmpi sgt, %select_n3A_514, %select_n3A_540 : vector<4x32x128xi32>
    %and3A_559 = arith.andi %eq3A_557, %gt3A_558 : vector<4x32x128xi1>
    %or3A_560 = arith.ori %gt3A_556, %and3A_559 : vector<4x32x128xi1>
    %eq3A_561 = arith.xori %or3A_560, %eq3A_555 : vector<4x32x128xi1>
    %eq3A_562 = arith.constant dense<true> : vector<4x32x128xi1>
    %eq3A_563 = arith.xori %eq3A_561, %eq3A_562 : vector<4x32x128xi1>
    %select_n3A_564 = arith.select %eq3A_563, %select_n3A_527, %select_n3A_513 : vector<4x32x128xi1>, vector<4x32x128xi32>
    %select_n3A_565 = arith.select %eq3A_563, %select_n3A_540, %select_n3A_514 : vector<4x32x128xi1>, vector<4x32x128xi32>
    %and3A_566 = arith.constant 8 : i32
    %and3A_567 = vector.broadcast %and3A_566 : i32 to vector<4x32x128xi32>
    %and3A_568 = arith.andi %iota3A_9, %and3A_567 : vector<4x32x128xi32>
    %eq3A_569 = arith.constant 0 : i32
    %eq3A_570 = vector.broadcast %eq3A_569 : i32 to vector<4x32x128xi32>
    %eq3A_571 = arith.cmpi eq, %and3A_568, %eq3A_570 : vector<4x32x128xi32>
    %slice3A_572 = vector.extract_strided_slice %select_n3A_564 {offsets = [0, 0, 8], sizes = [4, 32, 120], strides = [1, 1, 1]} : vector<4x32x128xi32> to vector<4x32x120xi32>
    %slice3A_573 = vector.extract_strided_slice %select_n3A_564 {offsets = [0, 0, 0], sizes = [4, 32, 8], strides = [1, 1, 1]} : vector<4x32x128xi32> to vector<4x32x8xi32>
    %concatenate3A_574 = tpu.concatenate %slice3A_572, %slice3A_573 in 2 : vector<4x32x120xi32>, vector<4x32x8xi32> -> vector<4x32x128xi32>
    %slice3A_575 = vector.extract_strided_slice %select_n3A_564 {offsets = [0, 0, 120], sizes = [4, 32, 8], strides = [1, 1, 1]} : vector<4x32x128xi32> to vector<4x32x8xi32>
    %slice3A_576 = vector.extract_strided_slice %select_n3A_564 {offsets = [0, 0, 0], sizes = [4, 32, 120], strides = [1, 1, 1]} : vector<4x32x128xi32> to vector<4x32x120xi32>
    %concatenate3A_577 = tpu.concatenate %slice3A_575, %slice3A_576 in 2 : vector<4x32x8xi32>, vector<4x32x120xi32> -> vector<4x32x128xi32>
    %select_n3A_578 = arith.select %eq3A_571, %concatenate3A_574, %concatenate3A_577 : vector<4x32x128xi1>, vector<4x32x128xi32>
    %and3A_579 = arith.constant 8 : i32
    %and3A_580 = vector.broadcast %and3A_579 : i32 to vector<4x32x128xi32>
    %and3A_581 = arith.andi %iota3A_9, %and3A_580 : vector<4x32x128xi32>
    %eq3A_582 = arith.constant 0 : i32
    %eq3A_583 = vector.broadcast %eq3A_582 : i32 to vector<4x32x128xi32>
    %eq3A_584 = arith.cmpi eq, %and3A_581, %eq3A_583 : vector<4x32x128xi32>
    %slice3A_585 = vector.extract_strided_slice %select_n3A_565 {offsets = [0, 0, 8], sizes = [4, 32, 120], strides = [1, 1, 1]} : vector<4x32x128xi32> to vector<4x32x120xi32>
    %slice3A_586 = vector.extract_strided_slice %select_n3A_565 {offsets = [0, 0, 0], sizes = [4, 32, 8], strides = [1, 1, 1]} : vector<4x32x128xi32> to vector<4x32x8xi32>
    %concatenate3A_587 = tpu.concatenate %slice3A_585, %slice3A_586 in 2 : vector<4x32x120xi32>, vector<4x32x8xi32> -> vector<4x32x128xi32>
    %slice3A_588 = vector.extract_strided_slice %select_n3A_565 {offsets = [0, 0, 120], sizes = [4, 32, 8], strides = [1, 1, 1]} : vector<4x32x128xi32> to vector<4x32x8xi32>
    %slice3A_589 = vector.extract_strided_slice %select_n3A_565 {offsets = [0, 0, 0], sizes = [4, 32, 120], strides = [1, 1, 1]} : vector<4x32x128xi32> to vector<4x32x120xi32>
    %concatenate3A_590 = tpu.concatenate %slice3A_588, %slice3A_589 in 2 : vector<4x32x8xi32>, vector<4x32x120xi32> -> vector<4x32x128xi32>
    %select_n3A_591 = arith.select %eq3A_584, %concatenate3A_587, %concatenate3A_590 : vector<4x32x128xi1>, vector<4x32x128xi32>
    %and3A_592 = arith.constant 8 : i32
    %and3A_593 = vector.broadcast %and3A_592 : i32 to vector<4x32x128xi32>
    %and3A_594 = arith.andi %add3A, %and3A_593 : vector<4x32x128xi32>
    %eq3A_595 = arith.constant 0 : i32
    %eq3A_596 = vector.broadcast %eq3A_595 : i32 to vector<4x32x128xi32>
    %eq3A_597 = arith.cmpi eq, %and3A_594, %eq3A_596 : vector<4x32x128xi32>
    %and3A_598 = arith.constant 32 : i32
    %and3A_599 = vector.broadcast %and3A_598 : i32 to vector<4x32x128xi32>
    %and3A_600 = arith.andi %add3A, %and3A_599 : vector<4x32x128xi32>
    %eq3A_601 = arith.constant 0 : i32
    %eq3A_602 = vector.broadcast %eq3A_601 : i32 to vector<4x32x128xi32>
    %eq3A_603 = arith.cmpi eq, %and3A_600, %eq3A_602 : vector<4x32x128xi32>
    %eq3A_604 = arith.xori %eq3A_603, %eq3A_597 : vector<4x32x128xi1>
    %eq3A_605 = arith.constant dense<true> : vector<4x32x128xi1>
    %eq3A_606 = arith.xori %eq3A_604, %eq3A_605 : vector<4x32x128xi1>
    %gt3A_607 = arith.cmpi ugt, %select_n3A_564, %select_n3A_578 : vector<4x32x128xi32>
    %eq3A_608 = arith.cmpi eq, %select_n3A_564, %select_n3A_578 : vector<4x32x128xi32>
    %gt3A_609 = arith.cmpi sgt, %select_n3A_565, %select_n3A_591 : vector<4x32x128xi32>
    %and3A_610 = arith.andi %eq3A_608, %gt3A_609 : vector<4x32x128xi1>
    %or3A_611 = arith.ori %gt3A_607, %and3A_610 : vector<4x32x128xi1>
    %eq3A_612 = arith.xori %or3A_611, %eq3A_606 : vector<4x32x128xi1>
    %eq3A_613 = arith.constant dense<true> : vector<4x32x128xi1>
    %eq3A_614 = arith.xori %eq3A_612, %eq3A_613 : vector<4x32x128xi1>
    %select_n3A_615 = arith.select %eq3A_614, %select_n3A_578, %select_n3A_564 : vector<4x32x128xi1>, vector<4x32x128xi32>
    %select_n3A_616 = arith.select %eq3A_614, %select_n3A_591, %select_n3A_565 : vector<4x32x128xi1>, vector<4x32x128xi32>
    %and3A_617 = arith.constant 4 : i32
    %and3A_618 = vector.broadcast %and3A_617 : i32 to vector<4x32x128xi32>
    %and3A_619 = arith.andi %iota3A_9, %and3A_618 : vector<4x32x128xi32>
    %eq3A_620 = arith.constant 0 : i32
    %eq3A_621 = vector.broadcast %eq3A_620 : i32 to vector<4x32x128xi32>
    %eq3A_622 = arith.cmpi eq, %and3A_619, %eq3A_621 : vector<4x32x128xi32>
    %slice3A_623 = vector.extract_strided_slice %select_n3A_615 {offsets = [0, 0, 4], sizes = [4, 32, 124], strides = [1, 1, 1]} : vector<4x32x128xi32> to vector<4x32x124xi32>
    %slice3A_624 = vector.extract_strided_slice %select_n3A_615 {offsets = [0, 0, 0], sizes = [4, 32, 4], strides = [1, 1, 1]} : vector<4x32x128xi32> to vector<4x32x4xi32>
    %concatenate3A_625 = tpu.concatenate %slice3A_623, %slice3A_624 in 2 : vector<4x32x124xi32>, vector<4x32x4xi32> -> vector<4x32x128xi32>
    %slice3A_626 = vector.extract_strided_slice %select_n3A_615 {offsets = [0, 0, 124], sizes = [4, 32, 4], strides = [1, 1, 1]} : vector<4x32x128xi32> to vector<4x32x4xi32>
    %slice3A_627 = vector.extract_strided_slice %select_n3A_615 {offsets = [0, 0, 0], sizes = [4, 32, 124], strides = [1, 1, 1]} : vector<4x32x128xi32> to vector<4x32x124xi32>
    %concatenate3A_628 = tpu.concatenate %slice3A_626, %slice3A_627 in 2 : vector<4x32x4xi32>, vector<4x32x124xi32> -> vector<4x32x128xi32>
    %select_n3A_629 = arith.select %eq3A_622, %concatenate3A_625, %concatenate3A_628 : vector<4x32x128xi1>, vector<4x32x128xi32>
    %and3A_630 = arith.constant 4 : i32
    %and3A_631 = vector.broadcast %and3A_630 : i32 to vector<4x32x128xi32>
    %and3A_632 = arith.andi %iota3A_9, %and3A_631 : vector<4x32x128xi32>
    %eq3A_633 = arith.constant 0 : i32
    %eq3A_634 = vector.broadcast %eq3A_633 : i32 to vector<4x32x128xi32>
    %eq3A_635 = arith.cmpi eq, %and3A_632, %eq3A_634 : vector<4x32x128xi32>
    %slice3A_636 = vector.extract_strided_slice %select_n3A_616 {offsets = [0, 0, 4], sizes = [4, 32, 124], strides = [1, 1, 1]} : vector<4x32x128xi32> to vector<4x32x124xi32>
    %slice3A_637 = vector.extract_strided_slice %select_n3A_616 {offsets = [0, 0, 0], sizes = [4, 32, 4], strides = [1, 1, 1]} : vector<4x32x128xi32> to vector<4x32x4xi32>
    %concatenate3A_638 = tpu.concatenate %slice3A_636, %slice3A_637 in 2 : vector<4x32x124xi32>, vector<4x32x4xi32> -> vector<4x32x128xi32>
    %slice3A_639 = vector.extract_strided_slice %select_n3A_616 {offsets = [0, 0, 124], sizes = [4, 32, 4], strides = [1, 1, 1]} : vector<4x32x128xi32> to vector<4x32x4xi32>
    %slice3A_640 = vector.extract_strided_slice %select_n3A_616 {offsets = [0, 0, 0], sizes = [4, 32, 124], strides = [1, 1, 1]} : vector<4x32x128xi32> to vector<4x32x124xi32>
    %concatenate3A_641 = tpu.concatenate %slice3A_639, %slice3A_640 in 2 : vector<4x32x4xi32>, vector<4x32x124xi32> -> vector<4x32x128xi32>
    %select_n3A_642 = arith.select %eq3A_635, %concatenate3A_638, %concatenate3A_641 : vector<4x32x128xi1>, vector<4x32x128xi32>
    %and3A_643 = arith.constant 4 : i32
    %and3A_644 = vector.broadcast %and3A_643 : i32 to vector<4x32x128xi32>
    %and3A_645 = arith.andi %add3A, %and3A_644 : vector<4x32x128xi32>
    %eq3A_646 = arith.constant 0 : i32
    %eq3A_647 = vector.broadcast %eq3A_646 : i32 to vector<4x32x128xi32>
    %eq3A_648 = arith.cmpi eq, %and3A_645, %eq3A_647 : vector<4x32x128xi32>
    %and3A_649 = arith.constant 32 : i32
    %and3A_650 = vector.broadcast %and3A_649 : i32 to vector<4x32x128xi32>
    %and3A_651 = arith.andi %add3A, %and3A_650 : vector<4x32x128xi32>
    %eq3A_652 = arith.constant 0 : i32
    %eq3A_653 = vector.broadcast %eq3A_652 : i32 to vector<4x32x128xi32>
    %eq3A_654 = arith.cmpi eq, %and3A_651, %eq3A_653 : vector<4x32x128xi32>
    %eq3A_655 = arith.xori %eq3A_654, %eq3A_648 : vector<4x32x128xi1>
    %eq3A_656 = arith.constant dense<true> : vector<4x32x128xi1>
    %eq3A_657 = arith.xori %eq3A_655, %eq3A_656 : vector<4x32x128xi1>
    %gt3A_658 = arith.cmpi ugt, %select_n3A_615, %select_n3A_629 : vector<4x32x128xi32>
    %eq3A_659 = arith.cmpi eq, %select_n3A_615, %select_n3A_629 : vector<4x32x128xi32>
    %gt3A_660 = arith.cmpi sgt, %select_n3A_616, %select_n3A_642 : vector<4x32x128xi32>
    %and3A_661 = arith.andi %eq3A_659, %gt3A_660 : vector<4x32x128xi1>
    %or3A_662 = arith.ori %gt3A_658, %and3A_661 : vector<4x32x128xi1>
    %eq3A_663 = arith.xori %or3A_662, %eq3A_657 : vector<4x32x128xi1>
    %eq3A_664 = arith.constant dense<true> : vector<4x32x128xi1>
    %eq3A_665 = arith.xori %eq3A_663, %eq3A_664 : vector<4x32x128xi1>
    %select_n3A_666 = arith.select %eq3A_665, %select_n3A_629, %select_n3A_615 : vector<4x32x128xi1>, vector<4x32x128xi32>
    %select_n3A_667 = arith.select %eq3A_665, %select_n3A_642, %select_n3A_616 : vector<4x32x128xi1>, vector<4x32x128xi32>
    %and3A_668 = arith.constant 2 : i32
    %and3A_669 = vector.broadcast %and3A_668 : i32 to vector<4x32x128xi32>
    %and3A_670 = arith.andi %iota3A_9, %and3A_669 : vector<4x32x128xi32>
    %eq3A_671 = arith.constant 0 : i32
    %eq3A_672 = vector.broadcast %eq3A_671 : i32 to vector<4x32x128xi32>
    %eq3A_673 = arith.cmpi eq, %and3A_670, %eq3A_672 : vector<4x32x128xi32>
    %slice3A_674 = vector.extract_strided_slice %select_n3A_666 {offsets = [0, 0, 2], sizes = [4, 32, 126], strides = [1, 1, 1]} : vector<4x32x128xi32> to vector<4x32x126xi32>
    %slice3A_675 = vector.extract_strided_slice %select_n3A_666 {offsets = [0, 0, 0], sizes = [4, 32, 2], strides = [1, 1, 1]} : vector<4x32x128xi32> to vector<4x32x2xi32>
    %concatenate3A_676 = tpu.concatenate %slice3A_674, %slice3A_675 in 2 : vector<4x32x126xi32>, vector<4x32x2xi32> -> vector<4x32x128xi32>
    %slice3A_677 = vector.extract_strided_slice %select_n3A_666 {offsets = [0, 0, 126], sizes = [4, 32, 2], strides = [1, 1, 1]} : vector<4x32x128xi32> to vector<4x32x2xi32>
    %slice3A_678 = vector.extract_strided_slice %select_n3A_666 {offsets = [0, 0, 0], sizes = [4, 32, 126], strides = [1, 1, 1]} : vector<4x32x128xi32> to vector<4x32x126xi32>
    %concatenate3A_679 = tpu.concatenate %slice3A_677, %slice3A_678 in 2 : vector<4x32x2xi32>, vector<4x32x126xi32> -> vector<4x32x128xi32>
    %select_n3A_680 = arith.select %eq3A_673, %concatenate3A_676, %concatenate3A_679 : vector<4x32x128xi1>, vector<4x32x128xi32>
    %and3A_681 = arith.constant 2 : i32
    %and3A_682 = vector.broadcast %and3A_681 : i32 to vector<4x32x128xi32>
    %and3A_683 = arith.andi %iota3A_9, %and3A_682 : vector<4x32x128xi32>
    %eq3A_684 = arith.constant 0 : i32
    %eq3A_685 = vector.broadcast %eq3A_684 : i32 to vector<4x32x128xi32>
    %eq3A_686 = arith.cmpi eq, %and3A_683, %eq3A_685 : vector<4x32x128xi32>
    %slice3A_687 = vector.extract_strided_slice %select_n3A_667 {offsets = [0, 0, 2], sizes = [4, 32, 126], strides = [1, 1, 1]} : vector<4x32x128xi32> to vector<4x32x126xi32>
    %slice3A_688 = vector.extract_strided_slice %select_n3A_667 {offsets = [0, 0, 0], sizes = [4, 32, 2], strides = [1, 1, 1]} : vector<4x32x128xi32> to vector<4x32x2xi32>
    %concatenate3A_689 = tpu.concatenate %slice3A_687, %slice3A_688 in 2 : vector<4x32x126xi32>, vector<4x32x2xi32> -> vector<4x32x128xi32>
    %slice3A_690 = vector.extract_strided_slice %select_n3A_667 {offsets = [0, 0, 126], sizes = [4, 32, 2], strides = [1, 1, 1]} : vector<4x32x128xi32> to vector<4x32x2xi32>
    %slice3A_691 = vector.extract_strided_slice %select_n3A_667 {offsets = [0, 0, 0], sizes = [4, 32, 126], strides = [1, 1, 1]} : vector<4x32x128xi32> to vector<4x32x126xi32>
    %concatenate3A_692 = tpu.concatenate %slice3A_690, %slice3A_691 in 2 : vector<4x32x2xi32>, vector<4x32x126xi32> -> vector<4x32x128xi32>
    %select_n3A_693 = arith.select %eq3A_686, %concatenate3A_689, %concatenate3A_692 : vector<4x32x128xi1>, vector<4x32x128xi32>
    %and3A_694 = arith.constant 2 : i32
    %and3A_695 = vector.broadcast %and3A_694 : i32 to vector<4x32x128xi32>
    %and3A_696 = arith.andi %add3A, %and3A_695 : vector<4x32x128xi32>
    %eq3A_697 = arith.constant 0 : i32
    %eq3A_698 = vector.broadcast %eq3A_697 : i32 to vector<4x32x128xi32>
    %eq3A_699 = arith.cmpi eq, %and3A_696, %eq3A_698 : vector<4x32x128xi32>
    %and3A_700 = arith.constant 32 : i32
    %and3A_701 = vector.broadcast %and3A_700 : i32 to vector<4x32x128xi32>
    %and3A_702 = arith.andi %add3A, %and3A_701 : vector<4x32x128xi32>
    %eq3A_703 = arith.constant 0 : i32
    %eq3A_704 = vector.broadcast %eq3A_703 : i32 to vector<4x32x128xi32>
    %eq3A_705 = arith.cmpi eq, %and3A_702, %eq3A_704 : vector<4x32x128xi32>
    %eq3A_706 = arith.xori %eq3A_705, %eq3A_699 : vector<4x32x128xi1>
    %eq3A_707 = arith.constant dense<true> : vector<4x32x128xi1>
    %eq3A_708 = arith.xori %eq3A_706, %eq3A_707 : vector<4x32x128xi1>
    %gt3A_709 = arith.cmpi ugt, %select_n3A_666, %select_n3A_680 : vector<4x32x128xi32>
    %eq3A_710 = arith.cmpi eq, %select_n3A_666, %select_n3A_680 : vector<4x32x128xi32>
    %gt3A_711 = arith.cmpi sgt, %select_n3A_667, %select_n3A_693 : vector<4x32x128xi32>
    %and3A_712 = arith.andi %eq3A_710, %gt3A_711 : vector<4x32x128xi1>
    %or3A_713 = arith.ori %gt3A_709, %and3A_712 : vector<4x32x128xi1>
    %eq3A_714 = arith.xori %or3A_713, %eq3A_708 : vector<4x32x128xi1>
    %eq3A_715 = arith.constant dense<true> : vector<4x32x128xi1>
    %eq3A_716 = arith.xori %eq3A_714, %eq3A_715 : vector<4x32x128xi1>
    %select_n3A_717 = arith.select %eq3A_716, %select_n3A_680, %select_n3A_666 : vector<4x32x128xi1>, vector<4x32x128xi32>
    %select_n3A_718 = arith.select %eq3A_716, %select_n3A_693, %select_n3A_667 : vector<4x32x128xi1>, vector<4x32x128xi32>
    %and3A_719 = arith.constant 1 : i32
    %and3A_720 = vector.broadcast %and3A_719 : i32 to vector<4x32x128xi32>
    %and3A_721 = arith.andi %iota3A_9, %and3A_720 : vector<4x32x128xi32>
    %eq3A_722 = arith.constant 0 : i32
    %eq3A_723 = vector.broadcast %eq3A_722 : i32 to vector<4x32x128xi32>
    %eq3A_724 = arith.cmpi eq, %and3A_721, %eq3A_723 : vector<4x32x128xi32>
    %slice3A_725 = vector.extract_strided_slice %select_n3A_717 {offsets = [0, 0, 1], sizes = [4, 32, 127], strides = [1, 1, 1]} : vector<4x32x128xi32> to vector<4x32x127xi32>
    %slice3A_726 = vector.extract_strided_slice %select_n3A_717 {offsets = [0, 0, 0], sizes = [4, 32, 1], strides = [1, 1, 1]} : vector<4x32x128xi32> to vector<4x32x1xi32>
    %concatenate3A_727 = tpu.concatenate %slice3A_725, %slice3A_726 in 2 : vector<4x32x127xi32>, vector<4x32x1xi32> -> vector<4x32x128xi32>
    %slice3A_728 = vector.extract_strided_slice %select_n3A_717 {offsets = [0, 0, 127], sizes = [4, 32, 1], strides = [1, 1, 1]} : vector<4x32x128xi32> to vector<4x32x1xi32>
    %slice3A_729 = vector.extract_strided_slice %select_n3A_717 {offsets = [0, 0, 0], sizes = [4, 32, 127], strides = [1, 1, 1]} : vector<4x32x128xi32> to vector<4x32x127xi32>
    %concatenate3A_730 = tpu.concatenate %slice3A_728, %slice3A_729 in 2 : vector<4x32x1xi32>, vector<4x32x127xi32> -> vector<4x32x128xi32>
    %select_n3A_731 = arith.select %eq3A_724, %concatenate3A_727, %concatenate3A_730 : vector<4x32x128xi1>, vector<4x32x128xi32>
    %and3A_732 = arith.constant 1 : i32
    %and3A_733 = vector.broadcast %and3A_732 : i32 to vector<4x32x128xi32>
    %and3A_734 = arith.andi %iota3A_9, %and3A_733 : vector<4x32x128xi32>
    %eq3A_735 = arith.constant 0 : i32
    %eq3A_736 = vector.broadcast %eq3A_735 : i32 to vector<4x32x128xi32>
    %eq3A_737 = arith.cmpi eq, %and3A_734, %eq3A_736 : vector<4x32x128xi32>
    %slice3A_738 = vector.extract_strided_slice %select_n3A_718 {offsets = [0, 0, 1], sizes = [4, 32, 127], strides = [1, 1, 1]} : vector<4x32x128xi32> to vector<4x32x127xi32>
    %slice3A_739 = vector.extract_strided_slice %select_n3A_718 {offsets = [0, 0, 0], sizes = [4, 32, 1], strides = [1, 1, 1]} : vector<4x32x128xi32> to vector<4x32x1xi32>
    %concatenate3A_740 = tpu.concatenate %slice3A_738, %slice3A_739 in 2 : vector<4x32x127xi32>, vector<4x32x1xi32> -> vector<4x32x128xi32>
    %slice3A_741 = vector.extract_strided_slice %select_n3A_718 {offsets = [0, 0, 127], sizes = [4, 32, 1], strides = [1, 1, 1]} : vector<4x32x128xi32> to vector<4x32x1xi32>
    %slice3A_742 = vector.extract_strided_slice %select_n3A_718 {offsets = [0, 0, 0], sizes = [4, 32, 127], strides = [1, 1, 1]} : vector<4x32x128xi32> to vector<4x32x127xi32>
    %concatenate3A_743 = tpu.concatenate %slice3A_741, %slice3A_742 in 2 : vector<4x32x1xi32>, vector<4x32x127xi32> -> vector<4x32x128xi32>
    %select_n3A_744 = arith.select %eq3A_737, %concatenate3A_740, %concatenate3A_743 : vector<4x32x128xi1>, vector<4x32x128xi32>
    %and3A_745 = arith.constant 1 : i32
    %and3A_746 = vector.broadcast %and3A_745 : i32 to vector<4x32x128xi32>
    %and3A_747 = arith.andi %add3A, %and3A_746 : vector<4x32x128xi32>
    %eq3A_748 = arith.constant 0 : i32
    %eq3A_749 = vector.broadcast %eq3A_748 : i32 to vector<4x32x128xi32>
    %eq3A_750 = arith.cmpi eq, %and3A_747, %eq3A_749 : vector<4x32x128xi32>
    %and3A_751 = arith.constant 32 : i32
    %and3A_752 = vector.broadcast %and3A_751 : i32 to vector<4x32x128xi32>
    %and3A_753 = arith.andi %add3A, %and3A_752 : vector<4x32x128xi32>
    %eq3A_754 = arith.constant 0 : i32
    %eq3A_755 = vector.broadcast %eq3A_754 : i32 to vector<4x32x128xi32>
    %eq3A_756 = arith.cmpi eq, %and3A_753, %eq3A_755 : vector<4x32x128xi32>
    %eq3A_757 = arith.xori %eq3A_756, %eq3A_750 : vector<4x32x128xi1>
    %eq3A_758 = arith.constant dense<true> : vector<4x32x128xi1>
    %eq3A_759 = arith.xori %eq3A_757, %eq3A_758 : vector<4x32x128xi1>
    %gt3A_760 = arith.cmpi ugt, %select_n3A_717, %select_n3A_731 : vector<4x32x128xi32>
    %eq3A_761 = arith.cmpi eq, %select_n3A_717, %select_n3A_731 : vector<4x32x128xi32>
    %gt3A_762 = arith.cmpi sgt, %select_n3A_718, %select_n3A_744 : vector<4x32x128xi32>
    %and3A_763 = arith.andi %eq3A_761, %gt3A_762 : vector<4x32x128xi1>
    %or3A_764 = arith.ori %gt3A_760, %and3A_763 : vector<4x32x128xi1>
    %eq3A_765 = arith.xori %or3A_764, %eq3A_759 : vector<4x32x128xi1>
    %eq3A_766 = arith.constant dense<true> : vector<4x32x128xi1>
    %eq3A_767 = arith.xori %eq3A_765, %eq3A_766 : vector<4x32x128xi1>
    %select_n3A_768 = arith.select %eq3A_767, %select_n3A_731, %select_n3A_717 : vector<4x32x128xi1>, vector<4x32x128xi32>
    %select_n3A_769 = arith.select %eq3A_767, %select_n3A_744, %select_n3A_718 : vector<4x32x128xi1>, vector<4x32x128xi32>
    %and3A_770 = arith.constant 32 : i32
    %and3A_771 = vector.broadcast %and3A_770 : i32 to vector<4x32x128xi32>
    %and3A_772 = arith.andi %iota3A_9, %and3A_771 : vector<4x32x128xi32>
    %eq3A_773 = arith.constant 0 : i32
    %eq3A_774 = vector.broadcast %eq3A_773 : i32 to vector<4x32x128xi32>
    %eq3A_775 = arith.cmpi eq, %and3A_772, %eq3A_774 : vector<4x32x128xi32>
    %slice3A_776 = vector.extract_strided_slice %select_n3A_768 {offsets = [0, 0, 32], sizes = [4, 32, 96], strides = [1, 1, 1]} : vector<4x32x128xi32> to vector<4x32x96xi32>
    %slice3A_777 = vector.extract_strided_slice %select_n3A_768 {offsets = [0, 0, 0], sizes = [4, 32, 32], strides = [1, 1, 1]} : vector<4x32x128xi32> to vector<4x32x32xi32>
    %concatenate3A_778 = tpu.concatenate %slice3A_776, %slice3A_777 in 2 : vector<4x32x96xi32>, vector<4x32x32xi32> -> vector<4x32x128xi32>
    %slice3A_779 = vector.extract_strided_slice %select_n3A_768 {offsets = [0, 0, 96], sizes = [4, 32, 32], strides = [1, 1, 1]} : vector<4x32x128xi32> to vector<4x32x32xi32>
    %slice3A_780 = vector.extract_strided_slice %select_n3A_768 {offsets = [0, 0, 0], sizes = [4, 32, 96], strides = [1, 1, 1]} : vector<4x32x128xi32> to vector<4x32x96xi32>
    %concatenate3A_781 = tpu.concatenate %slice3A_779, %slice3A_780 in 2 : vector<4x32x32xi32>, vector<4x32x96xi32> -> vector<4x32x128xi32>
    %select_n3A_782 = arith.select %eq3A_775, %concatenate3A_778, %concatenate3A_781 : vector<4x32x128xi1>, vector<4x32x128xi32>
    %and3A_783 = arith.constant 32 : i32
    %and3A_784 = vector.broadcast %and3A_783 : i32 to vector<4x32x128xi32>
    %and3A_785 = arith.andi %iota3A_9, %and3A_784 : vector<4x32x128xi32>
    %eq3A_786 = arith.constant 0 : i32
    %eq3A_787 = vector.broadcast %eq3A_786 : i32 to vector<4x32x128xi32>
    %eq3A_788 = arith.cmpi eq, %and3A_785, %eq3A_787 : vector<4x32x128xi32>
    %slice3A_789 = vector.extract_strided_slice %select_n3A_769 {offsets = [0, 0, 32], sizes = [4, 32, 96], strides = [1, 1, 1]} : vector<4x32x128xi32> to vector<4x32x96xi32>
    %slice3A_790 = vector.extract_strided_slice %select_n3A_769 {offsets = [0, 0, 0], sizes = [4, 32, 32], strides = [1, 1, 1]} : vector<4x32x128xi32> to vector<4x32x32xi32>
    %concatenate3A_791 = tpu.concatenate %slice3A_789, %slice3A_790 in 2 : vector<4x32x96xi32>, vector<4x32x32xi32> -> vector<4x32x128xi32>
    %slice3A_792 = vector.extract_strided_slice %select_n3A_769 {offsets = [0, 0, 96], sizes = [4, 32, 32], strides = [1, 1, 1]} : vector<4x32x128xi32> to vector<4x32x32xi32>
    %slice3A_793 = vector.extract_strided_slice %select_n3A_769 {offsets = [0, 0, 0], sizes = [4, 32, 96], strides = [1, 1, 1]} : vector<4x32x128xi32> to vector<4x32x96xi32>
    %concatenate3A_794 = tpu.concatenate %slice3A_792, %slice3A_793 in 2 : vector<4x32x32xi32>, vector<4x32x96xi32> -> vector<4x32x128xi32>
    %select_n3A_795 = arith.select %eq3A_788, %concatenate3A_791, %concatenate3A_794 : vector<4x32x128xi1>, vector<4x32x128xi32>
    %and3A_796 = arith.constant 32 : i32
    %and3A_797 = vector.broadcast %and3A_796 : i32 to vector<4x32x128xi32>
    %and3A_798 = arith.andi %add3A, %and3A_797 : vector<4x32x128xi32>
    %eq3A_799 = arith.constant 0 : i32
    %eq3A_800 = vector.broadcast %eq3A_799 : i32 to vector<4x32x128xi32>
    %eq3A_801 = arith.cmpi eq, %and3A_798, %eq3A_800 : vector<4x32x128xi32>
    %and3A_802 = arith.constant 64 : i32
    %and3A_803 = vector.broadcast %and3A_802 : i32 to vector<4x32x128xi32>
    %and3A_804 = arith.andi %add3A, %and3A_803 : vector<4x32x128xi32>
    %eq3A_805 = arith.constant 0 : i32
    %eq3A_806 = vector.broadcast %eq3A_805 : i32 to vector<4x32x128xi32>
    %eq3A_807 = arith.cmpi eq, %and3A_804, %eq3A_806 : vector<4x32x128xi32>
    %eq3A_808 = arith.xori %eq3A_807, %eq3A_801 : vector<4x32x128xi1>
    %eq3A_809 = arith.constant dense<true> : vector<4x32x128xi1>
    %eq3A_810 = arith.xori %eq3A_808, %eq3A_809 : vector<4x32x128xi1>
    %gt3A_811 = arith.cmpi ugt, %select_n3A_768, %select_n3A_782 : vector<4x32x128xi32>
    %eq3A_812 = arith.cmpi eq, %select_n3A_768, %select_n3A_782 : vector<4x32x128xi32>
    %gt3A_813 = arith.cmpi sgt, %select_n3A_769, %select_n3A_795 : vector<4x32x128xi32>
    %and3A_814 = arith.andi %eq3A_812, %gt3A_813 : vector<4x32x128xi1>
    %or3A_815 = arith.ori %gt3A_811, %and3A_814 : vector<4x32x128xi1>
    %eq3A_816 = arith.xori %or3A_815, %eq3A_810 : vector<4x32x128xi1>
    %eq3A_817 = arith.constant dense<true> : vector<4x32x128xi1>
    %eq3A_818 = arith.xori %eq3A_816, %eq3A_817 : vector<4x32x128xi1>
    %select_n3A_819 = arith.select %eq3A_818, %select_n3A_782, %select_n3A_768 : vector<4x32x128xi1>, vector<4x32x128xi32>
    %select_n3A_820 = arith.select %eq3A_818, %select_n3A_795, %select_n3A_769 : vector<4x32x128xi1>, vector<4x32x128xi32>
    %and3A_821 = arith.constant 16 : i32
    %and3A_822 = vector.broadcast %and3A_821 : i32 to vector<4x32x128xi32>
    %and3A_823 = arith.andi %iota3A_9, %and3A_822 : vector<4x32x128xi32>
    %eq3A_824 = arith.constant 0 : i32
    %eq3A_825 = vector.broadcast %eq3A_824 : i32 to vector<4x32x128xi32>
    %eq3A_826 = arith.cmpi eq, %and3A_823, %eq3A_825 : vector<4x32x128xi32>
    %slice3A_827 = vector.extract_strided_slice %select_n3A_819 {offsets = [0, 0, 16], sizes = [4, 32, 112], strides = [1, 1, 1]} : vector<4x32x128xi32> to vector<4x32x112xi32>
    %slice3A_828 = vector.extract_strided_slice %select_n3A_819 {offsets = [0, 0, 0], sizes = [4, 32, 16], strides = [1, 1, 1]} : vector<4x32x128xi32> to vector<4x32x16xi32>
    %concatenate3A_829 = tpu.concatenate %slice3A_827, %slice3A_828 in 2 : vector<4x32x112xi32>, vector<4x32x16xi32> -> vector<4x32x128xi32>
    %slice3A_830 = vector.extract_strided_slice %select_n3A_819 {offsets = [0, 0, 112], sizes = [4, 32, 16], strides = [1, 1, 1]} : vector<4x32x128xi32> to vector<4x32x16xi32>
    %slice3A_831 = vector.extract_strided_slice %select_n3A_819 {offsets = [0, 0, 0], sizes = [4, 32, 112], strides = [1, 1, 1]} : vector<4x32x128xi32> to vector<4x32x112xi32>
    %concatenate3A_832 = tpu.concatenate %slice3A_830, %slice3A_831 in 2 : vector<4x32x16xi32>, vector<4x32x112xi32> -> vector<4x32x128xi32>
    %select_n3A_833 = arith.select %eq3A_826, %concatenate3A_829, %concatenate3A_832 : vector<4x32x128xi1>, vector<4x32x128xi32>
    %and3A_834 = arith.constant 16 : i32
    %and3A_835 = vector.broadcast %and3A_834 : i32 to vector<4x32x128xi32>
    %and3A_836 = arith.andi %iota3A_9, %and3A_835 : vector<4x32x128xi32>
    %eq3A_837 = arith.constant 0 : i32
    %eq3A_838 = vector.broadcast %eq3A_837 : i32 to vector<4x32x128xi32>
    %eq3A_839 = arith.cmpi eq, %and3A_836, %eq3A_838 : vector<4x32x128xi32>
    %slice3A_840 = vector.extract_strided_slice %select_n3A_820 {offsets = [0, 0, 16], sizes = [4, 32, 112], strides = [1, 1, 1]} : vector<4x32x128xi32> to vector<4x32x112xi32>
    %slice3A_841 = vector.extract_strided_slice %select_n3A_820 {offsets = [0, 0, 0], sizes = [4, 32, 16], strides = [1, 1, 1]} : vector<4x32x128xi32> to vector<4x32x16xi32>
    %concatenate3A_842 = tpu.concatenate %slice3A_840, %slice3A_841 in 2 : vector<4x32x112xi32>, vector<4x32x16xi32> -> vector<4x32x128xi32>
    %slice3A_843 = vector.extract_strided_slice %select_n3A_820 {offsets = [0, 0, 112], sizes = [4, 32, 16], strides = [1, 1, 1]} : vector<4x32x128xi32> to vector<4x32x16xi32>
    %slice3A_844 = vector.extract_strided_slice %select_n3A_820 {offsets = [0, 0, 0], sizes = [4, 32, 112], strides = [1, 1, 1]} : vector<4x32x128xi32> to vector<4x32x112xi32>
    %concatenate3A_845 = tpu.concatenate %slice3A_843, %slice3A_844 in 2 : vector<4x32x16xi32>, vector<4x32x112xi32> -> vector<4x32x128xi32>
    %select_n3A_846 = arith.select %eq3A_839, %concatenate3A_842, %concatenate3A_845 : vector<4x32x128xi1>, vector<4x32x128xi32>
    %and3A_847 = arith.constant 16 : i32
    %and3A_848 = vector.broadcast %and3A_847 : i32 to vector<4x32x128xi32>
    %and3A_849 = arith.andi %add3A, %and3A_848 : vector<4x32x128xi32>
    %eq3A_850 = arith.constant 0 : i32
    %eq3A_851 = vector.broadcast %eq3A_850 : i32 to vector<4x32x128xi32>
    %eq3A_852 = arith.cmpi eq, %and3A_849, %eq3A_851 : vector<4x32x128xi32>
    %and3A_853 = arith.constant 64 : i32
    %and3A_854 = vector.broadcast %and3A_853 : i32 to vector<4x32x128xi32>
    %and3A_855 = arith.andi %add3A, %and3A_854 : vector<4x32x128xi32>
    %eq3A_856 = arith.constant 0 : i32
    %eq3A_857 = vector.broadcast %eq3A_856 : i32 to vector<4x32x128xi32>
    %eq3A_858 = arith.cmpi eq, %and3A_855, %eq3A_857 : vector<4x32x128xi32>
    %eq3A_859 = arith.xori %eq3A_858, %eq3A_852 : vector<4x32x128xi1>
    %eq3A_860 = arith.constant dense<true> : vector<4x32x128xi1>
    %eq3A_861 = arith.xori %eq3A_859, %eq3A_860 : vector<4x32x128xi1>
    %gt3A_862 = arith.cmpi ugt, %select_n3A_819, %select_n3A_833 : vector<4x32x128xi32>
    %eq3A_863 = arith.cmpi eq, %select_n3A_819, %select_n3A_833 : vector<4x32x128xi32>
    %gt3A_864 = arith.cmpi sgt, %select_n3A_820, %select_n3A_846 : vector<4x32x128xi32>
    %and3A_865 = arith.andi %eq3A_863, %gt3A_864 : vector<4x32x128xi1>
    %or3A_866 = arith.ori %gt3A_862, %and3A_865 : vector<4x32x128xi1>
    %eq3A_867 = arith.xori %or3A_866, %eq3A_861 : vector<4x32x128xi1>
    %eq3A_868 = arith.constant dense<true> : vector<4x32x128xi1>
    %eq3A_869 = arith.xori %eq3A_867, %eq3A_868 : vector<4x32x128xi1>
    %select_n3A_870 = arith.select %eq3A_869, %select_n3A_833, %select_n3A_819 : vector<4x32x128xi1>, vector<4x32x128xi32>
    %select_n3A_871 = arith.select %eq3A_869, %select_n3A_846, %select_n3A_820 : vector<4x32x128xi1>, vector<4x32x128xi32>
    %and3A_872 = arith.constant 8 : i32
    %and3A_873 = vector.broadcast %and3A_872 : i32 to vector<4x32x128xi32>
    %and3A_874 = arith.andi %iota3A_9, %and3A_873 : vector<4x32x128xi32>
    %eq3A_875 = arith.constant 0 : i32
    %eq3A_876 = vector.broadcast %eq3A_875 : i32 to vector<4x32x128xi32>
    %eq3A_877 = arith.cmpi eq, %and3A_874, %eq3A_876 : vector<4x32x128xi32>
    %slice3A_878 = vector.extract_strided_slice %select_n3A_870 {offsets = [0, 0, 8], sizes = [4, 32, 120], strides = [1, 1, 1]} : vector<4x32x128xi32> to vector<4x32x120xi32>
    %slice3A_879 = vector.extract_strided_slice %select_n3A_870 {offsets = [0, 0, 0], sizes = [4, 32, 8], strides = [1, 1, 1]} : vector<4x32x128xi32> to vector<4x32x8xi32>
    %concatenate3A_880 = tpu.concatenate %slice3A_878, %slice3A_879 in 2 : vector<4x32x120xi32>, vector<4x32x8xi32> -> vector<4x32x128xi32>
    %slice3A_881 = vector.extract_strided_slice %select_n3A_870 {offsets = [0, 0, 120], sizes = [4, 32, 8], strides = [1, 1, 1]} : vector<4x32x128xi32> to vector<4x32x8xi32>
    %slice3A_882 = vector.extract_strided_slice %select_n3A_870 {offsets = [0, 0, 0], sizes = [4, 32, 120], strides = [1, 1, 1]} : vector<4x32x128xi32> to vector<4x32x120xi32>
    %concatenate3A_883 = tpu.concatenate %slice3A_881, %slice3A_882 in 2 : vector<4x32x8xi32>, vector<4x32x120xi32> -> vector<4x32x128xi32>
    %select_n3A_884 = arith.select %eq3A_877, %concatenate3A_880, %concatenate3A_883 : vector<4x32x128xi1>, vector<4x32x128xi32>
    %and3A_885 = arith.constant 8 : i32
    %and3A_886 = vector.broadcast %and3A_885 : i32 to vector<4x32x128xi32>
    %and3A_887 = arith.andi %iota3A_9, %and3A_886 : vector<4x32x128xi32>
    %eq3A_888 = arith.constant 0 : i32
    %eq3A_889 = vector.broadcast %eq3A_888 : i32 to vector<4x32x128xi32>
    %eq3A_890 = arith.cmpi eq, %and3A_887, %eq3A_889 : vector<4x32x128xi32>
    %slice3A_891 = vector.extract_strided_slice %select_n3A_871 {offsets = [0, 0, 8], sizes = [4, 32, 120], strides = [1, 1, 1]} : vector<4x32x128xi32> to vector<4x32x120xi32>
    %slice3A_892 = vector.extract_strided_slice %select_n3A_871 {offsets = [0, 0, 0], sizes = [4, 32, 8], strides = [1, 1, 1]} : vector<4x32x128xi32> to vector<4x32x8xi32>
    %concatenate3A_893 = tpu.concatenate %slice3A_891, %slice3A_892 in 2 : vector<4x32x120xi32>, vector<4x32x8xi32> -> vector<4x32x128xi32>
    %slice3A_894 = vector.extract_strided_slice %select_n3A_871 {offsets = [0, 0, 120], sizes = [4, 32, 8], strides = [1, 1, 1]} : vector<4x32x128xi32> to vector<4x32x8xi32>
    %slice3A_895 = vector.extract_strided_slice %select_n3A_871 {offsets = [0, 0, 0], sizes = [4, 32, 120], strides = [1, 1, 1]} : vector<4x32x128xi32> to vector<4x32x120xi32>
    %concatenate3A_896 = tpu.concatenate %slice3A_894, %slice3A_895 in 2 : vector<4x32x8xi32>, vector<4x32x120xi32> -> vector<4x32x128xi32>
    %select_n3A_897 = arith.select %eq3A_890, %concatenate3A_893, %concatenate3A_896 : vector<4x32x128xi1>, vector<4x32x128xi32>
    %and3A_898 = arith.constant 8 : i32
    %and3A_899 = vector.broadcast %and3A_898 : i32 to vector<4x32x128xi32>
    %and3A_900 = arith.andi %add3A, %and3A_899 : vector<4x32x128xi32>
    %eq3A_901 = arith.constant 0 : i32
    %eq3A_902 = vector.broadcast %eq3A_901 : i32 to vector<4x32x128xi32>
    %eq3A_903 = arith.cmpi eq, %and3A_900, %eq3A_902 : vector<4x32x128xi32>
    %and3A_904 = arith.constant 64 : i32
    %and3A_905 = vector.broadcast %and3A_904 : i32 to vector<4x32x128xi32>
    %and3A_906 = arith.andi %add3A, %and3A_905 : vector<4x32x128xi32>
    %eq3A_907 = arith.constant 0 : i32
    %eq3A_908 = vector.broadcast %eq3A_907 : i32 to vector<4x32x128xi32>
    %eq3A_909 = arith.cmpi eq, %and3A_906, %eq3A_908 : vector<4x32x128xi32>
    %eq3A_910 = arith.xori %eq3A_909, %eq3A_903 : vector<4x32x128xi1>
    %eq3A_911 = arith.constant dense<true> : vector<4x32x128xi1>
    %eq3A_912 = arith.xori %eq3A_910, %eq3A_911 : vector<4x32x128xi1>
    %gt3A_913 = arith.cmpi ugt, %select_n3A_870, %select_n3A_884 : vector<4x32x128xi32>
    %eq3A_914 = arith.cmpi eq, %select_n3A_870, %select_n3A_884 : vector<4x32x128xi32>
    %gt3A_915 = arith.cmpi sgt, %select_n3A_871, %select_n3A_897 : vector<4x32x128xi32>
    %and3A_916 = arith.andi %eq3A_914, %gt3A_915 : vector<4x32x128xi1>
    %or3A_917 = arith.ori %gt3A_913, %and3A_916 : vector<4x32x128xi1>
    %eq3A_918 = arith.xori %or3A_917, %eq3A_912 : vector<4x32x128xi1>
    %eq3A_919 = arith.constant dense<true> : vector<4x32x128xi1>
    %eq3A_920 = arith.xori %eq3A_918, %eq3A_919 : vector<4x32x128xi1>
    %select_n3A_921 = arith.select %eq3A_920, %select_n3A_884, %select_n3A_870 : vector<4x32x128xi1>, vector<4x32x128xi32>
    %select_n3A_922 = arith.select %eq3A_920, %select_n3A_897, %select_n3A_871 : vector<4x32x128xi1>, vector<4x32x128xi32>
    %and3A_923 = arith.constant 4 : i32
    %and3A_924 = vector.broadcast %and3A_923 : i32 to vector<4x32x128xi32>
    %and3A_925 = arith.andi %iota3A_9, %and3A_924 : vector<4x32x128xi32>
    %eq3A_926 = arith.constant 0 : i32
    %eq3A_927 = vector.broadcast %eq3A_926 : i32 to vector<4x32x128xi32>
    %eq3A_928 = arith.cmpi eq, %and3A_925, %eq3A_927 : vector<4x32x128xi32>
    %slice3A_929 = vector.extract_strided_slice %select_n3A_921 {offsets = [0, 0, 4], sizes = [4, 32, 124], strides = [1, 1, 1]} : vector<4x32x128xi32> to vector<4x32x124xi32>
    %slice3A_930 = vector.extract_strided_slice %select_n3A_921 {offsets = [0, 0, 0], sizes = [4, 32, 4], strides = [1, 1, 1]} : vector<4x32x128xi32> to vector<4x32x4xi32>
    %concatenate3A_931 = tpu.concatenate %slice3A_929, %slice3A_930 in 2 : vector<4x32x124xi32>, vector<4x32x4xi32> -> vector<4x32x128xi32>
    %slice3A_932 = vector.extract_strided_slice %select_n3A_921 {offsets = [0, 0, 124], sizes = [4, 32, 4], strides = [1, 1, 1]} : vector<4x32x128xi32> to vector<4x32x4xi32>
    %slice3A_933 = vector.extract_strided_slice %select_n3A_921 {offsets = [0, 0, 0], sizes = [4, 32, 124], strides = [1, 1, 1]} : vector<4x32x128xi32> to vector<4x32x124xi32>
    %concatenate3A_934 = tpu.concatenate %slice3A_932, %slice3A_933 in 2 : vector<4x32x4xi32>, vector<4x32x124xi32> -> vector<4x32x128xi32>
    %select_n3A_935 = arith.select %eq3A_928, %concatenate3A_931, %concatenate3A_934 : vector<4x32x128xi1>, vector<4x32x128xi32>
    %and3A_936 = arith.constant 4 : i32
    %and3A_937 = vector.broadcast %and3A_936 : i32 to vector<4x32x128xi32>
    %and3A_938 = arith.andi %iota3A_9, %and3A_937 : vector<4x32x128xi32>
    %eq3A_939 = arith.constant 0 : i32
    %eq3A_940 = vector.broadcast %eq3A_939 : i32 to vector<4x32x128xi32>
    %eq3A_941 = arith.cmpi eq, %and3A_938, %eq3A_940 : vector<4x32x128xi32>
    %slice3A_942 = vector.extract_strided_slice %select_n3A_922 {offsets = [0, 0, 4], sizes = [4, 32, 124], strides = [1, 1, 1]} : vector<4x32x128xi32> to vector<4x32x124xi32>
    %slice3A_943 = vector.extract_strided_slice %select_n3A_922 {offsets = [0, 0, 0], sizes = [4, 32, 4], strides = [1, 1, 1]} : vector<4x32x128xi32> to vector<4x32x4xi32>
    %concatenate3A_944 = tpu.concatenate %slice3A_942, %slice3A_943 in 2 : vector<4x32x124xi32>, vector<4x32x4xi32> -> vector<4x32x128xi32>
    %slice3A_945 = vector.extract_strided_slice %select_n3A_922 {offsets = [0, 0, 124], sizes = [4, 32, 4], strides = [1, 1, 1]} : vector<4x32x128xi32> to vector<4x32x4xi32>
    %slice3A_946 = vector.extract_strided_slice %select_n3A_922 {offsets = [0, 0, 0], sizes = [4, 32, 124], strides = [1, 1, 1]} : vector<4x32x128xi32> to vector<4x32x124xi32>
    %concatenate3A_947 = tpu.concatenate %slice3A_945, %slice3A_946 in 2 : vector<4x32x4xi32>, vector<4x32x124xi32> -> vector<4x32x128xi32>
    %select_n3A_948 = arith.select %eq3A_941, %concatenate3A_944, %concatenate3A_947 : vector<4x32x128xi1>, vector<4x32x128xi32>
    %and3A_949 = arith.constant 4 : i32
    %and3A_950 = vector.broadcast %and3A_949 : i32 to vector<4x32x128xi32>
    %and3A_951 = arith.andi %add3A, %and3A_950 : vector<4x32x128xi32>
    %eq3A_952 = arith.constant 0 : i32
    %eq3A_953 = vector.broadcast %eq3A_952 : i32 to vector<4x32x128xi32>
    %eq3A_954 = arith.cmpi eq, %and3A_951, %eq3A_953 : vector<4x32x128xi32>
    %and3A_955 = arith.constant 64 : i32
    %and3A_956 = vector.broadcast %and3A_955 : i32 to vector<4x32x128xi32>
    %and3A_957 = arith.andi %add3A, %and3A_956 : vector<4x32x128xi32>
    %eq3A_958 = arith.constant 0 : i32
    %eq3A_959 = vector.broadcast %eq3A_958 : i32 to vector<4x32x128xi32>
    %eq3A_960 = arith.cmpi eq, %and3A_957, %eq3A_959 : vector<4x32x128xi32>
    %eq3A_961 = arith.xori %eq3A_960, %eq3A_954 : vector<4x32x128xi1>
    %eq3A_962 = arith.constant dense<true> : vector<4x32x128xi1>
    %eq3A_963 = arith.xori %eq3A_961, %eq3A_962 : vector<4x32x128xi1>
    %gt3A_964 = arith.cmpi ugt, %select_n3A_921, %select_n3A_935 : vector<4x32x128xi32>
    %eq3A_965 = arith.cmpi eq, %select_n3A_921, %select_n3A_935 : vector<4x32x128xi32>
    %gt3A_966 = arith.cmpi sgt, %select_n3A_922, %select_n3A_948 : vector<4x32x128xi32>
    %and3A_967 = arith.andi %eq3A_965, %gt3A_966 : vector<4x32x128xi1>
    %or3A_968 = arith.ori %gt3A_964, %and3A_967 : vector<4x32x128xi1>
    %eq3A_969 = arith.xori %or3A_968, %eq3A_963 : vector<4x32x128xi1>
    %eq3A_970 = arith.constant dense<true> : vector<4x32x128xi1>
    %eq3A_971 = arith.xori %eq3A_969, %eq3A_970 : vector<4x32x128xi1>
    %select_n3A_972 = arith.select %eq3A_971, %select_n3A_935, %select_n3A_921 : vector<4x32x128xi1>, vector<4x32x128xi32>
    %select_n3A_973 = arith.select %eq3A_971, %select_n3A_948, %select_n3A_922 : vector<4x32x128xi1>, vector<4x32x128xi32>
    %and3A_974 = arith.constant 2 : i32
    %and3A_975 = vector.broadcast %and3A_974 : i32 to vector<4x32x128xi32>
    %and3A_976 = arith.andi %iota3A_9, %and3A_975 : vector<4x32x128xi32>
    %eq3A_977 = arith.constant 0 : i32
    %eq3A_978 = vector.broadcast %eq3A_977 : i32 to vector<4x32x128xi32>
    %eq3A_979 = arith.cmpi eq, %and3A_976, %eq3A_978 : vector<4x32x128xi32>
    %slice3A_980 = vector.extract_strided_slice %select_n3A_972 {offsets = [0, 0, 2], sizes = [4, 32, 126], strides = [1, 1, 1]} : vector<4x32x128xi32> to vector<4x32x126xi32>
    %slice3A_981 = vector.extract_strided_slice %select_n3A_972 {offsets = [0, 0, 0], sizes = [4, 32, 2], strides = [1, 1, 1]} : vector<4x32x128xi32> to vector<4x32x2xi32>
    %concatenate3A_982 = tpu.concatenate %slice3A_980, %slice3A_981 in 2 : vector<4x32x126xi32>, vector<4x32x2xi32> -> vector<4x32x128xi32>
    %slice3A_983 = vector.extract_strided_slice %select_n3A_972 {offsets = [0, 0, 126], sizes = [4, 32, 2], strides = [1, 1, 1]} : vector<4x32x128xi32> to vector<4x32x2xi32>
    %slice3A_984 = vector.extract_strided_slice %select_n3A_972 {offsets = [0, 0, 0], sizes = [4, 32, 126], strides = [1, 1, 1]} : vector<4x32x128xi32> to vector<4x32x126xi32>
    %concatenate3A_985 = tpu.concatenate %slice3A_983, %slice3A_984 in 2 : vector<4x32x2xi32>, vector<4x32x126xi32> -> vector<4x32x128xi32>
    %select_n3A_986 = arith.select %eq3A_979, %concatenate3A_982, %concatenate3A_985 : vector<4x32x128xi1>, vector<4x32x128xi32>
    %and3A_987 = arith.constant 2 : i32
    %and3A_988 = vector.broadcast %and3A_987 : i32 to vector<4x32x128xi32>
    %and3A_989 = arith.andi %iota3A_9, %and3A_988 : vector<4x32x128xi32>
    %eq3A_990 = arith.constant 0 : i32
    %eq3A_991 = vector.broadcast %eq3A_990 : i32 to vector<4x32x128xi32>
    %eq3A_992 = arith.cmpi eq, %and3A_989, %eq3A_991 : vector<4x32x128xi32>
    %slice3A_993 = vector.extract_strided_slice %select_n3A_973 {offsets = [0, 0, 2], sizes = [4, 32, 126], strides = [1, 1, 1]} : vector<4x32x128xi32> to vector<4x32x126xi32>
    %slice3A_994 = vector.extract_strided_slice %select_n3A_973 {offsets = [0, 0, 0], sizes = [4, 32, 2], strides = [1, 1, 1]} : vector<4x32x128xi32> to vector<4x32x2xi32>
    %concatenate3A_995 = tpu.concatenate %slice3A_993, %slice3A_994 in 2 : vector<4x32x126xi32>, vector<4x32x2xi32> -> vector<4x32x128xi32>
    %slice3A_996 = vector.extract_strided_slice %select_n3A_973 {offsets = [0, 0, 126], sizes = [4, 32, 2], strides = [1, 1, 1]} : vector<4x32x128xi32> to vector<4x32x2xi32>
    %slice3A_997 = vector.extract_strided_slice %select_n3A_973 {offsets = [0, 0, 0], sizes = [4, 32, 126], strides = [1, 1, 1]} : vector<4x32x128xi32> to vector<4x32x126xi32>
    %concatenate3A_998 = tpu.concatenate %slice3A_996, %slice3A_997 in 2 : vector<4x32x2xi32>, vector<4x32x126xi32> -> vector<4x32x128xi32>
    %select_n3A_999 = arith.select %eq3A_992, %concatenate3A_995, %concatenate3A_998 : vector<4x32x128xi1>, vector<4x32x128xi32>
    %and3A_1000 = arith.constant 2 : i32
    %and3A_1001 = vector.broadcast %and3A_1000 : i32 to vector<4x32x128xi32>
    %and3A_1002 = arith.andi %add3A, %and3A_1001 : vector<4x32x128xi32>
    %eq3A_1003 = arith.constant 0 : i32
    %eq3A_1004 = vector.broadcast %eq3A_1003 : i32 to vector<4x32x128xi32>
    %eq3A_1005 = arith.cmpi eq, %and3A_1002, %eq3A_1004 : vector<4x32x128xi32>
    %and3A_1006 = arith.constant 64 : i32
    %and3A_1007 = vector.broadcast %and3A_1006 : i32 to vector<4x32x128xi32>
    %and3A_1008 = arith.andi %add3A, %and3A_1007 : vector<4x32x128xi32>
    %eq3A_1009 = arith.constant 0 : i32
    %eq3A_1010 = vector.broadcast %eq3A_1009 : i32 to vector<4x32x128xi32>
    %eq3A_1011 = arith.cmpi eq, %and3A_1008, %eq3A_1010 : vector<4x32x128xi32>
    %eq3A_1012 = arith.xori %eq3A_1011, %eq3A_1005 : vector<4x32x128xi1>
    %eq3A_1013 = arith.constant dense<true> : vector<4x32x128xi1>
    %eq3A_1014 = arith.xori %eq3A_1012, %eq3A_1013 : vector<4x32x128xi1>
    %gt3A_1015 = arith.cmpi ugt, %select_n3A_972, %select_n3A_986 : vector<4x32x128xi32>
    %eq3A_1016 = arith.cmpi eq, %select_n3A_972, %select_n3A_986 : vector<4x32x128xi32>
    %gt3A_1017 = arith.cmpi sgt, %select_n3A_973, %select_n3A_999 : vector<4x32x128xi32>
    %and3A_1018 = arith.andi %eq3A_1016, %gt3A_1017 : vector<4x32x128xi1>
    %or3A_1019 = arith.ori %gt3A_1015, %and3A_1018 : vector<4x32x128xi1>
    %eq3A_1020 = arith.xori %or3A_1019, %eq3A_1014 : vector<4x32x128xi1>
    %eq3A_1021 = arith.constant dense<true> : vector<4x32x128xi1>
    %eq3A_1022 = arith.xori %eq3A_1020, %eq3A_1021 : vector<4x32x128xi1>
    %select_n3A_1023 = arith.select %eq3A_1022, %select_n3A_986, %select_n3A_972 : vector<4x32x128xi1>, vector<4x32x128xi32>
    %select_n3A_1024 = arith.select %eq3A_1022, %select_n3A_999, %select_n3A_973 : vector<4x32x128xi1>, vector<4x32x128xi32>
    %and3A_1025 = arith.constant 1 : i32
    %and3A_1026 = vector.broadcast %and3A_1025 : i32 to vector<4x32x128xi32>
    %and3A_1027 = arith.andi %iota3A_9, %and3A_1026 : vector<4x32x128xi32>
    %eq3A_1028 = arith.constant 0 : i32
    %eq3A_1029 = vector.broadcast %eq3A_1028 : i32 to vector<4x32x128xi32>
    %eq3A_1030 = arith.cmpi eq, %and3A_1027, %eq3A_1029 : vector<4x32x128xi32>
    %slice3A_1031 = vector.extract_strided_slice %select_n3A_1023 {offsets = [0, 0, 1], sizes = [4, 32, 127], strides = [1, 1, 1]} : vector<4x32x128xi32> to vector<4x32x127xi32>
    %slice3A_1032 = vector.extract_strided_slice %select_n3A_1023 {offsets = [0, 0, 0], sizes = [4, 32, 1], strides = [1, 1, 1]} : vector<4x32x128xi32> to vector<4x32x1xi32>
    %concatenate3A_1033 = tpu.concatenate %slice3A_1031, %slice3A_1032 in 2 : vector<4x32x127xi32>, vector<4x32x1xi32> -> vector<4x32x128xi32>
    %slice3A_1034 = vector.extract_strided_slice %select_n3A_1023 {offsets = [0, 0, 127], sizes = [4, 32, 1], strides = [1, 1, 1]} : vector<4x32x128xi32> to vector<4x32x1xi32>
    %slice3A_1035 = vector.extract_strided_slice %select_n3A_1023 {offsets = [0, 0, 0], sizes = [4, 32, 127], strides = [1, 1, 1]} : vector<4x32x128xi32> to vector<4x32x127xi32>
    %concatenate3A_1036 = tpu.concatenate %slice3A_1034, %slice3A_1035 in 2 : vector<4x32x1xi32>, vector<4x32x127xi32> -> vector<4x32x128xi32>
    %select_n3A_1037 = arith.select %eq3A_1030, %concatenate3A_1033, %concatenate3A_1036 : vector<4x32x128xi1>, vector<4x32x128xi32>
    %and3A_1038 = arith.constant 1 : i32
    %and3A_1039 = vector.broadcast %and3A_1038 : i32 to vector<4x32x128xi32>
    %and3A_1040 = arith.andi %iota3A_9, %and3A_1039 : vector<4x32x128xi32>
    %eq3A_1041 = arith.constant 0 : i32
    %eq3A_1042 = vector.broadcast %eq3A_1041 : i32 to vector<4x32x128xi32>
    %eq3A_1043 = arith.cmpi eq, %and3A_1040, %eq3A_1042 : vector<4x32x128xi32>
    %slice3A_1044 = vector.extract_strided_slice %select_n3A_1024 {offsets = [0, 0, 1], sizes = [4, 32, 127], strides = [1, 1, 1]} : vector<4x32x128xi32> to vector<4x32x127xi32>
    %slice3A_1045 = vector.extract_strided_slice %select_n3A_1024 {offsets = [0, 0, 0], sizes = [4, 32, 1], strides = [1, 1, 1]} : vector<4x32x128xi32> to vector<4x32x1xi32>
    %concatenate3A_1046 = tpu.concatenate %slice3A_1044, %slice3A_1045 in 2 : vector<4x32x127xi32>, vector<4x32x1xi32> -> vector<4x32x128xi32>
    %slice3A_1047 = vector.extract_strided_slice %select_n3A_1024 {offsets = [0, 0, 127], sizes = [4, 32, 1], strides = [1, 1, 1]} : vector<4x32x128xi32> to vector<4x32x1xi32>
    %slice3A_1048 = vector.extract_strided_slice %select_n3A_1024 {offsets = [0, 0, 0], sizes = [4, 32, 127], strides = [1, 1, 1]} : vector<4x32x128xi32> to vector<4x32x127xi32>
    %concatenate3A_1049 = tpu.concatenate %slice3A_1047, %slice3A_1048 in 2 : vector<4x32x1xi32>, vector<4x32x127xi32> -> vector<4x32x128xi32>
    %select_n3A_1050 = arith.select %eq3A_1043, %concatenate3A_1046, %concatenate3A_1049 : vector<4x32x128xi1>, vector<4x32x128xi32>
    %and3A_1051 = arith.constant 1 : i32
    %and3A_1052 = vector.broadcast %and3A_1051 : i32 to vector<4x32x128xi32>
    %and3A_1053 = arith.andi %add3A, %and3A_1052 : vector<4x32x128xi32>
    %eq3A_1054 = arith.constant 0 : i32
    %eq3A_1055 = vector.broadcast %eq3A_1054 : i32 to vector<4x32x128xi32>
    %eq3A_1056 = arith.cmpi eq, %and3A_1053, %eq3A_1055 : vector<4x32x128xi32>
    %and3A_1057 = arith.constant 64 : i32
    %and3A_1058 = vector.broadcast %and3A_1057 : i32 to vector<4x32x128xi32>
    %and3A_1059 = arith.andi %add3A, %and3A_1058 : vector<4x32x128xi32>
    %eq3A_1060 = arith.constant 0 : i32
    %eq3A_1061 = vector.broadcast %eq3A_1060 : i32 to vector<4x32x128xi32>
    %eq3A_1062 = arith.cmpi eq, %and3A_1059, %eq3A_1061 : vector<4x32x128xi32>
    %eq3A_1063 = arith.xori %eq3A_1062, %eq3A_1056 : vector<4x32x128xi1>
    %eq3A_1064 = arith.constant dense<true> : vector<4x32x128xi1>
    %eq3A_1065 = arith.xori %eq3A_1063, %eq3A_1064 : vector<4x32x128xi1>
    %gt3A_1066 = arith.cmpi ugt, %select_n3A_1023, %select_n3A_1037 : vector<4x32x128xi32>
    %eq3A_1067 = arith.cmpi eq, %select_n3A_1023, %select_n3A_1037 : vector<4x32x128xi32>
    %gt3A_1068 = arith.cmpi sgt, %select_n3A_1024, %select_n3A_1050 : vector<4x32x128xi32>
    %and3A_1069 = arith.andi %eq3A_1067, %gt3A_1068 : vector<4x32x128xi1>
    %or3A_1070 = arith.ori %gt3A_1066, %and3A_1069 : vector<4x32x128xi1>
    %eq3A_1071 = arith.xori %or3A_1070, %eq3A_1065 : vector<4x32x128xi1>
    %eq3A_1072 = arith.constant dense<true> : vector<4x32x128xi1>
    %eq3A_1073 = arith.xori %eq3A_1071, %eq3A_1072 : vector<4x32x128xi1>
    %select_n3A_1074 = arith.select %eq3A_1073, %select_n3A_1037, %select_n3A_1023 : vector<4x32x128xi1>, vector<4x32x128xi32>
    %select_n3A_1075 = arith.select %eq3A_1073, %select_n3A_1050, %select_n3A_1024 : vector<4x32x128xi1>, vector<4x32x128xi32>
    %and3A_1076 = arith.constant 64 : i32
    %and3A_1077 = vector.broadcast %and3A_1076 : i32 to vector<4x32x128xi32>
    %and3A_1078 = arith.andi %iota3A_9, %and3A_1077 : vector<4x32x128xi32>
    %eq3A_1079 = arith.constant 0 : i32
    %eq3A_1080 = vector.broadcast %eq3A_1079 : i32 to vector<4x32x128xi32>
    %eq3A_1081 = arith.cmpi eq, %and3A_1078, %eq3A_1080 : vector<4x32x128xi32>
    %slice3A_1082 = vector.extract_strided_slice %select_n3A_1074 {offsets = [0, 0, 64], sizes = [4, 32, 64], strides = [1, 1, 1]} : vector<4x32x128xi32> to vector<4x32x64xi32>
    %slice3A_1083 = vector.extract_strided_slice %select_n3A_1074 {offsets = [0, 0, 0], sizes = [4, 32, 64], strides = [1, 1, 1]} : vector<4x32x128xi32> to vector<4x32x64xi32>
    %concatenate3A_1084 = tpu.concatenate %slice3A_1082, %slice3A_1083 in 2 : vector<4x32x64xi32>, vector<4x32x64xi32> -> vector<4x32x128xi32>
    %slice3A_1085 = vector.extract_strided_slice %select_n3A_1074 {offsets = [0, 0, 64], sizes = [4, 32, 64], strides = [1, 1, 1]} : vector<4x32x128xi32> to vector<4x32x64xi32>
    %slice3A_1086 = vector.extract_strided_slice %select_n3A_1074 {offsets = [0, 0, 0], sizes = [4, 32, 64], strides = [1, 1, 1]} : vector<4x32x128xi32> to vector<4x32x64xi32>
    %concatenate3A_1087 = tpu.concatenate %slice3A_1085, %slice3A_1086 in 2 : vector<4x32x64xi32>, vector<4x32x64xi32> -> vector<4x32x128xi32>
    %select_n3A_1088 = arith.select %eq3A_1081, %concatenate3A_1084, %concatenate3A_1087 : vector<4x32x128xi1>, vector<4x32x128xi32>
    %and3A_1089 = arith.constant 64 : i32
    %and3A_1090 = vector.broadcast %and3A_1089 : i32 to vector<4x32x128xi32>
    %and3A_1091 = arith.andi %iota3A_9, %and3A_1090 : vector<4x32x128xi32>
    %eq3A_1092 = arith.constant 0 : i32
    %eq3A_1093 = vector.broadcast %eq3A_1092 : i32 to vector<4x32x128xi32>
    %eq3A_1094 = arith.cmpi eq, %and3A_1091, %eq3A_1093 : vector<4x32x128xi32>
    %slice3A_1095 = vector.extract_strided_slice %select_n3A_1075 {offsets = [0, 0, 64], sizes = [4, 32, 64], strides = [1, 1, 1]} : vector<4x32x128xi32> to vector<4x32x64xi32>
    %slice3A_1096 = vector.extract_strided_slice %select_n3A_1075 {offsets = [0, 0, 0], sizes = [4, 32, 64], strides = [1, 1, 1]} : vector<4x32x128xi32> to vector<4x32x64xi32>
    %concatenate3A_1097 = tpu.concatenate %slice3A_1095, %slice3A_1096 in 2 : vector<4x32x64xi32>, vector<4x32x64xi32> -> vector<4x32x128xi32>
    %slice3A_1098 = vector.extract_strided_slice %select_n3A_1075 {offsets = [0, 0, 64], sizes = [4, 32, 64], strides = [1, 1, 1]} : vector<4x32x128xi32> to vector<4x32x64xi32>
    %slice3A_1099 = vector.extract_strided_slice %select_n3A_1075 {offsets = [0, 0, 0], sizes = [4, 32, 64], strides = [1, 1, 1]} : vector<4x32x128xi32> to vector<4x32x64xi32>
    %concatenate3A_1100 = tpu.concatenate %slice3A_1098, %slice3A_1099 in 2 : vector<4x32x64xi32>, vector<4x32x64xi32> -> vector<4x32x128xi32>
    %select_n3A_1101 = arith.select %eq3A_1094, %concatenate3A_1097, %concatenate3A_1100 : vector<4x32x128xi1>, vector<4x32x128xi32>
    %and3A_1102 = arith.constant 64 : i32
    %and3A_1103 = vector.broadcast %and3A_1102 : i32 to vector<4x32x128xi32>
    %and3A_1104 = arith.andi %add3A, %and3A_1103 : vector<4x32x128xi32>
    %eq3A_1105 = arith.constant 0 : i32
    %eq3A_1106 = vector.broadcast %eq3A_1105 : i32 to vector<4x32x128xi32>
    %eq3A_1107 = arith.cmpi eq, %and3A_1104, %eq3A_1106 : vector<4x32x128xi32>
    %and3A_1108 = arith.constant 128 : i32
    %and3A_1109 = vector.broadcast %and3A_1108 : i32 to vector<4x32x128xi32>
    %and3A_1110 = arith.andi %add3A, %and3A_1109 : vector<4x32x128xi32>
    %eq3A_1111 = arith.constant 0 : i32
    %eq3A_1112 = vector.broadcast %eq3A_1111 : i32 to vector<4x32x128xi32>
    %eq3A_1113 = arith.cmpi eq, %and3A_1110, %eq3A_1112 : vector<4x32x128xi32>
    %eq3A_1114 = arith.xori %eq3A_1113, %eq3A_1107 : vector<4x32x128xi1>
    %eq3A_1115 = arith.constant dense<true> : vector<4x32x128xi1>
    %eq3A_1116 = arith.xori %eq3A_1114, %eq3A_1115 : vector<4x32x128xi1>
    %gt3A_1117 = arith.cmpi ugt, %select_n3A_1074, %select_n3A_1088 : vector<4x32x128xi32>
    %eq3A_1118 = arith.cmpi eq, %select_n3A_1074, %select_n3A_1088 : vector<4x32x128xi32>
    %gt3A_1119 = arith.cmpi sgt, %select_n3A_1075, %select_n3A_1101 : vector<4x32x128xi32>
    %and3A_1120 = arith.andi %eq3A_1118, %gt3A_1119 : vector<4x32x128xi1>
    %or3A_1121 = arith.ori %gt3A_1117, %and3A_1120 : vector<4x32x128xi1>
    %eq3A_1122 = arith.xori %or3A_1121, %eq3A_1116 : vector<4x32x128xi1>
    %eq3A_1123 = arith.constant dense<true> : vector<4x32x128xi1>
    %eq3A_1124 = arith.xori %eq3A_1122, %eq3A_1123 : vector<4x32x128xi1>
    %select_n3A_1125 = arith.select %eq3A_1124, %select_n3A_1088, %select_n3A_1074 : vector<4x32x128xi1>, vector<4x32x128xi32>
    %select_n3A_1126 = arith.select %eq3A_1124, %select_n3A_1101, %select_n3A_1075 : vector<4x32x128xi1>, vector<4x32x128xi32>
    %and3A_1127 = arith.constant 32 : i32
    %and3A_1128 = vector.broadcast %and3A_1127 : i32 to vector<4x32x128xi32>
    %and3A_1129 = arith.andi %iota3A_9, %and3A_1128 : vector<4x32x128xi32>
    %eq3A_1130 = arith.constant 0 : i32
    %eq3A_1131 = vector.broadcast %eq3A_1130 : i32 to vector<4x32x128xi32>
    %eq3A_1132 = arith.cmpi eq, %and3A_1129, %eq3A_1131 : vector<4x32x128xi32>
    %slice3A_1133 = vector.extract_strided_slice %select_n3A_1125 {offsets = [0, 0, 32], sizes = [4, 32, 96], strides = [1, 1, 1]} : vector<4x32x128xi32> to vector<4x32x96xi32>
    %slice3A_1134 = vector.extract_strided_slice %select_n3A_1125 {offsets = [0, 0, 0], sizes = [4, 32, 32], strides = [1, 1, 1]} : vector<4x32x128xi32> to vector<4x32x32xi32>
    %concatenate3A_1135 = tpu.concatenate %slice3A_1133, %slice3A_1134 in 2 : vector<4x32x96xi32>, vector<4x32x32xi32> -> vector<4x32x128xi32>
    %slice3A_1136 = vector.extract_strided_slice %select_n3A_1125 {offsets = [0, 0, 96], sizes = [4, 32, 32], strides = [1, 1, 1]} : vector<4x32x128xi32> to vector<4x32x32xi32>
    %slice3A_1137 = vector.extract_strided_slice %select_n3A_1125 {offsets = [0, 0, 0], sizes = [4, 32, 96], strides = [1, 1, 1]} : vector<4x32x128xi32> to vector<4x32x96xi32>
    %concatenate3A_1138 = tpu.concatenate %slice3A_1136, %slice3A_1137 in 2 : vector<4x32x32xi32>, vector<4x32x96xi32> -> vector<4x32x128xi32>
    %select_n3A_1139 = arith.select %eq3A_1132, %concatenate3A_1135, %concatenate3A_1138 : vector<4x32x128xi1>, vector<4x32x128xi32>
    %and3A_1140 = arith.constant 32 : i32
    %and3A_1141 = vector.broadcast %and3A_1140 : i32 to vector<4x32x128xi32>
    %and3A_1142 = arith.andi %iota3A_9, %and3A_1141 : vector<4x32x128xi32>
    %eq3A_1143 = arith.constant 0 : i32
    %eq3A_1144 = vector.broadcast %eq3A_1143 : i32 to vector<4x32x128xi32>
    %eq3A_1145 = arith.cmpi eq, %and3A_1142, %eq3A_1144 : vector<4x32x128xi32>
    %slice3A_1146 = vector.extract_strided_slice %select_n3A_1126 {offsets = [0, 0, 32], sizes = [4, 32, 96], strides = [1, 1, 1]} : vector<4x32x128xi32> to vector<4x32x96xi32>
    %slice3A_1147 = vector.extract_strided_slice %select_n3A_1126 {offsets = [0, 0, 0], sizes = [4, 32, 32], strides = [1, 1, 1]} : vector<4x32x128xi32> to vector<4x32x32xi32>
    %concatenate3A_1148 = tpu.concatenate %slice3A_1146, %slice3A_1147 in 2 : vector<4x32x96xi32>, vector<4x32x32xi32> -> vector<4x32x128xi32>
    %slice3A_1149 = vector.extract_strided_slice %select_n3A_1126 {offsets = [0, 0, 96], sizes = [4, 32, 32], strides = [1, 1, 1]} : vector<4x32x128xi32> to vector<4x32x32xi32>
    %slice3A_1150 = vector.extract_strided_slice %select_n3A_1126 {offsets = [0, 0, 0], sizes = [4, 32, 96], strides = [1, 1, 1]} : vector<4x32x128xi32> to vector<4x32x96xi32>
    %concatenate3A_1151 = tpu.concatenate %slice3A_1149, %slice3A_1150 in 2 : vector<4x32x32xi32>, vector<4x32x96xi32> -> vector<4x32x128xi32>
    %select_n3A_1152 = arith.select %eq3A_1145, %concatenate3A_1148, %concatenate3A_1151 : vector<4x32x128xi1>, vector<4x32x128xi32>
    %and3A_1153 = arith.constant 32 : i32
    %and3A_1154 = vector.broadcast %and3A_1153 : i32 to vector<4x32x128xi32>
    %and3A_1155 = arith.andi %add3A, %and3A_1154 : vector<4x32x128xi32>
    %eq3A_1156 = arith.constant 0 : i32
    %eq3A_1157 = vector.broadcast %eq3A_1156 : i32 to vector<4x32x128xi32>
    %eq3A_1158 = arith.cmpi eq, %and3A_1155, %eq3A_1157 : vector<4x32x128xi32>
    %and3A_1159 = arith.constant 128 : i32
    %and3A_1160 = vector.broadcast %and3A_1159 : i32 to vector<4x32x128xi32>
    %and3A_1161 = arith.andi %add3A, %and3A_1160 : vector<4x32x128xi32>
    %eq3A_1162 = arith.constant 0 : i32
    %eq3A_1163 = vector.broadcast %eq3A_1162 : i32 to vector<4x32x128xi32>
    %eq3A_1164 = arith.cmpi eq, %and3A_1161, %eq3A_1163 : vector<4x32x128xi32>
    %eq3A_1165 = arith.xori %eq3A_1164, %eq3A_1158 : vector<4x32x128xi1>
    %eq3A_1166 = arith.constant dense<true> : vector<4x32x128xi1>
    %eq3A_1167 = arith.xori %eq3A_1165, %eq3A_1166 : vector<4x32x128xi1>
    %gt3A_1168 = arith.cmpi ugt, %select_n3A_1125, %select_n3A_1139 : vector<4x32x128xi32>
    %eq3A_1169 = arith.cmpi eq, %select_n3A_1125, %select_n3A_1139 : vector<4x32x128xi32>
    %gt3A_1170 = arith.cmpi sgt, %select_n3A_1126, %select_n3A_1152 : vector<4x32x128xi32>
    %and3A_1171 = arith.andi %eq3A_1169, %gt3A_1170 : vector<4x32x128xi1>
    %or3A_1172 = arith.ori %gt3A_1168, %and3A_1171 : vector<4x32x128xi1>
    %eq3A_1173 = arith.xori %or3A_1172, %eq3A_1167 : vector<4x32x128xi1>
    %eq3A_1174 = arith.constant dense<true> : vector<4x32x128xi1>
    %eq3A_1175 = arith.xori %eq3A_1173, %eq3A_1174 : vector<4x32x128xi1>
    %select_n3A_1176 = arith.select %eq3A_1175, %select_n3A_1139, %select_n3A_1125 : vector<4x32x128xi1>, vector<4x32x128xi32>
    %select_n3A_1177 = arith.select %eq3A_1175, %select_n3A_1152, %select_n3A_1126 : vector<4x32x128xi1>, vector<4x32x128xi32>
    %and3A_1178 = arith.constant 16 : i32
    %and3A_1179 = vector.broadcast %and3A_1178 : i32 to vector<4x32x128xi32>
    %and3A_1180 = arith.andi %iota3A_9, %and3A_1179 : vector<4x32x128xi32>
    %eq3A_1181 = arith.constant 0 : i32
    %eq3A_1182 = vector.broadcast %eq3A_1181 : i32 to vector<4x32x128xi32>
    %eq3A_1183 = arith.cmpi eq, %and3A_1180, %eq3A_1182 : vector<4x32x128xi32>
    %slice3A_1184 = vector.extract_strided_slice %select_n3A_1176 {offsets = [0, 0, 16], sizes = [4, 32, 112], strides = [1, 1, 1]} : vector<4x32x128xi32> to vector<4x32x112xi32>
    %slice3A_1185 = vector.extract_strided_slice %select_n3A_1176 {offsets = [0, 0, 0], sizes = [4, 32, 16], strides = [1, 1, 1]} : vector<4x32x128xi32> to vector<4x32x16xi32>
    %concatenate3A_1186 = tpu.concatenate %slice3A_1184, %slice3A_1185 in 2 : vector<4x32x112xi32>, vector<4x32x16xi32> -> vector<4x32x128xi32>
    %slice3A_1187 = vector.extract_strided_slice %select_n3A_1176 {offsets = [0, 0, 112], sizes = [4, 32, 16], strides = [1, 1, 1]} : vector<4x32x128xi32> to vector<4x32x16xi32>
    %slice3A_1188 = vector.extract_strided_slice %select_n3A_1176 {offsets = [0, 0, 0], sizes = [4, 32, 112], strides = [1, 1, 1]} : vector<4x32x128xi32> to vector<4x32x112xi32>
    %concatenate3A_1189 = tpu.concatenate %slice3A_1187, %slice3A_1188 in 2 : vector<4x32x16xi32>, vector<4x32x112xi32> -> vector<4x32x128xi32>
    %select_n3A_1190 = arith.select %eq3A_1183, %concatenate3A_1186, %concatenate3A_1189 : vector<4x32x128xi1>, vector<4x32x128xi32>
    %and3A_1191 = arith.constant 16 : i32
    %and3A_1192 = vector.broadcast %and3A_1191 : i32 to vector<4x32x128xi32>
    %and3A_1193 = arith.andi %iota3A_9, %and3A_1192 : vector<4x32x128xi32>
    %eq3A_1194 = arith.constant 0 : i32
    %eq3A_1195 = vector.broadcast %eq3A_1194 : i32 to vector<4x32x128xi32>
    %eq3A_1196 = arith.cmpi eq, %and3A_1193, %eq3A_1195 : vector<4x32x128xi32>
    %slice3A_1197 = vector.extract_strided_slice %select_n3A_1177 {offsets = [0, 0, 16], sizes = [4, 32, 112], strides = [1, 1, 1]} : vector<4x32x128xi32> to vector<4x32x112xi32>
    %slice3A_1198 = vector.extract_strided_slice %select_n3A_1177 {offsets = [0, 0, 0], sizes = [4, 32, 16], strides = [1, 1, 1]} : vector<4x32x128xi32> to vector<4x32x16xi32>
    %concatenate3A_1199 = tpu.concatenate %slice3A_1197, %slice3A_1198 in 2 : vector<4x32x112xi32>, vector<4x32x16xi32> -> vector<4x32x128xi32>
    %slice3A_1200 = vector.extract_strided_slice %select_n3A_1177 {offsets = [0, 0, 112], sizes = [4, 32, 16], strides = [1, 1, 1]} : vector<4x32x128xi32> to vector<4x32x16xi32>
    %slice3A_1201 = vector.extract_strided_slice %select_n3A_1177 {offsets = [0, 0, 0], sizes = [4, 32, 112], strides = [1, 1, 1]} : vector<4x32x128xi32> to vector<4x32x112xi32>
    %concatenate3A_1202 = tpu.concatenate %slice3A_1200, %slice3A_1201 in 2 : vector<4x32x16xi32>, vector<4x32x112xi32> -> vector<4x32x128xi32>
    %select_n3A_1203 = arith.select %eq3A_1196, %concatenate3A_1199, %concatenate3A_1202 : vector<4x32x128xi1>, vector<4x32x128xi32>
    %and3A_1204 = arith.constant 16 : i32
    %and3A_1205 = vector.broadcast %and3A_1204 : i32 to vector<4x32x128xi32>
    %and3A_1206 = arith.andi %add3A, %and3A_1205 : vector<4x32x128xi32>
    %eq3A_1207 = arith.constant 0 : i32
    %eq3A_1208 = vector.broadcast %eq3A_1207 : i32 to vector<4x32x128xi32>
    %eq3A_1209 = arith.cmpi eq, %and3A_1206, %eq3A_1208 : vector<4x32x128xi32>
    %and3A_1210 = arith.constant 128 : i32
    %and3A_1211 = vector.broadcast %and3A_1210 : i32 to vector<4x32x128xi32>
    %and3A_1212 = arith.andi %add3A, %and3A_1211 : vector<4x32x128xi32>
    %eq3A_1213 = arith.constant 0 : i32
    %eq3A_1214 = vector.broadcast %eq3A_1213 : i32 to vector<4x32x128xi32>
    %eq3A_1215 = arith.cmpi eq, %and3A_1212, %eq3A_1214 : vector<4x32x128xi32>
    %eq3A_1216 = arith.xori %eq3A_1215, %eq3A_1209 : vector<4x32x128xi1>
    %eq3A_1217 = arith.constant dense<true> : vector<4x32x128xi1>
    %eq3A_1218 = arith.xori %eq3A_1216, %eq3A_1217 : vector<4x32x128xi1>
    %gt3A_1219 = arith.cmpi ugt, %select_n3A_1176, %select_n3A_1190 : vector<4x32x128xi32>
    %eq3A_1220 = arith.cmpi eq, %select_n3A_1176, %select_n3A_1190 : vector<4x32x128xi32>
    %gt3A_1221 = arith.cmpi sgt, %select_n3A_1177, %select_n3A_1203 : vector<4x32x128xi32>
    %and3A_1222 = arith.andi %eq3A_1220, %gt3A_1221 : vector<4x32x128xi1>
    %or3A_1223 = arith.ori %gt3A_1219, %and3A_1222 : vector<4x32x128xi1>
    %eq3A_1224 = arith.xori %or3A_1223, %eq3A_1218 : vector<4x32x128xi1>
    %eq3A_1225 = arith.constant dense<true> : vector<4x32x128xi1>
    %eq3A_1226 = arith.xori %eq3A_1224, %eq3A_1225 : vector<4x32x128xi1>
    %select_n3A_1227 = arith.select %eq3A_1226, %select_n3A_1190, %select_n3A_1176 : vector<4x32x128xi1>, vector<4x32x128xi32>
    %select_n3A_1228 = arith.select %eq3A_1226, %select_n3A_1203, %select_n3A_1177 : vector<4x32x128xi1>, vector<4x32x128xi32>
    %and3A_1229 = arith.constant 8 : i32
    %and3A_1230 = vector.broadcast %and3A_1229 : i32 to vector<4x32x128xi32>
    %and3A_1231 = arith.andi %iota3A_9, %and3A_1230 : vector<4x32x128xi32>
    %eq3A_1232 = arith.constant 0 : i32
    %eq3A_1233 = vector.broadcast %eq3A_1232 : i32 to vector<4x32x128xi32>
    %eq3A_1234 = arith.cmpi eq, %and3A_1231, %eq3A_1233 : vector<4x32x128xi32>
    %slice3A_1235 = vector.extract_strided_slice %select_n3A_1227 {offsets = [0, 0, 8], sizes = [4, 32, 120], strides = [1, 1, 1]} : vector<4x32x128xi32> to vector<4x32x120xi32>
    %slice3A_1236 = vector.extract_strided_slice %select_n3A_1227 {offsets = [0, 0, 0], sizes = [4, 32, 8], strides = [1, 1, 1]} : vector<4x32x128xi32> to vector<4x32x8xi32>
    %concatenate3A_1237 = tpu.concatenate %slice3A_1235, %slice3A_1236 in 2 : vector<4x32x120xi32>, vector<4x32x8xi32> -> vector<4x32x128xi32>
    %slice3A_1238 = vector.extract_strided_slice %select_n3A_1227 {offsets = [0, 0, 120], sizes = [4, 32, 8], strides = [1, 1, 1]} : vector<4x32x128xi32> to vector<4x32x8xi32>
    %slice3A_1239 = vector.extract_strided_slice %select_n3A_1227 {offsets = [0, 0, 0], sizes = [4, 32, 120], strides = [1, 1, 1]} : vector<4x32x128xi32> to vector<4x32x120xi32>
    %concatenate3A_1240 = tpu.concatenate %slice3A_1238, %slice3A_1239 in 2 : vector<4x32x8xi32>, vector<4x32x120xi32> -> vector<4x32x128xi32>
    %select_n3A_1241 = arith.select %eq3A_1234, %concatenate3A_1237, %concatenate3A_1240 : vector<4x32x128xi1>, vector<4x32x128xi32>
    %and3A_1242 = arith.constant 8 : i32
    %and3A_1243 = vector.broadcast %and3A_1242 : i32 to vector<4x32x128xi32>
    %and3A_1244 = arith.andi %iota3A_9, %and3A_1243 : vector<4x32x128xi32>
    %eq3A_1245 = arith.constant 0 : i32
    %eq3A_1246 = vector.broadcast %eq3A_1245 : i32 to vector<4x32x128xi32>
    %eq3A_1247 = arith.cmpi eq, %and3A_1244, %eq3A_1246 : vector<4x32x128xi32>
    %slice3A_1248 = vector.extract_strided_slice %select_n3A_1228 {offsets = [0, 0, 8], sizes = [4, 32, 120], strides = [1, 1, 1]} : vector<4x32x128xi32> to vector<4x32x120xi32>
    %slice3A_1249 = vector.extract_strided_slice %select_n3A_1228 {offsets = [0, 0, 0], sizes = [4, 32, 8], strides = [1, 1, 1]} : vector<4x32x128xi32> to vector<4x32x8xi32>
    %concatenate3A_1250 = tpu.concatenate %slice3A_1248, %slice3A_1249 in 2 : vector<4x32x120xi32>, vector<4x32x8xi32> -> vector<4x32x128xi32>
    %slice3A_1251 = vector.extract_strided_slice %select_n3A_1228 {offsets = [0, 0, 120], sizes = [4, 32, 8], strides = [1, 1, 1]} : vector<4x32x128xi32> to vector<4x32x8xi32>
    %slice3A_1252 = vector.extract_strided_slice %select_n3A_1228 {offsets = [0, 0, 0], sizes = [4, 32, 120], strides = [1, 1, 1]} : vector<4x32x128xi32> to vector<4x32x120xi32>
    %concatenate3A_1253 = tpu.concatenate %slice3A_1251, %slice3A_1252 in 2 : vector<4x32x8xi32>, vector<4x32x120xi32> -> vector<4x32x128xi32>
    %select_n3A_1254 = arith.select %eq3A_1247, %concatenate3A_1250, %concatenate3A_1253 : vector<4x32x128xi1>, vector<4x32x128xi32>
    %and3A_1255 = arith.constant 8 : i32
    %and3A_1256 = vector.broadcast %and3A_1255 : i32 to vector<4x32x128xi32>
    %and3A_1257 = arith.andi %add3A, %and3A_1256 : vector<4x32x128xi32>
    %eq3A_1258 = arith.constant 0 : i32
    %eq3A_1259 = vector.broadcast %eq3A_1258 : i32 to vector<4x32x128xi32>
    %eq3A_1260 = arith.cmpi eq, %and3A_1257, %eq3A_1259 : vector<4x32x128xi32>
    %and3A_1261 = arith.constant 128 : i32
    %and3A_1262 = vector.broadcast %and3A_1261 : i32 to vector<4x32x128xi32>
    %and3A_1263 = arith.andi %add3A, %and3A_1262 : vector<4x32x128xi32>
    %eq3A_1264 = arith.constant 0 : i32
    %eq3A_1265 = vector.broadcast %eq3A_1264 : i32 to vector<4x32x128xi32>
    %eq3A_1266 = arith.cmpi eq, %and3A_1263, %eq3A_1265 : vector<4x32x128xi32>
    %eq3A_1267 = arith.xori %eq3A_1266, %eq3A_1260 : vector<4x32x128xi1>
    %eq3A_1268 = arith.constant dense<true> : vector<4x32x128xi1>
    %eq3A_1269 = arith.xori %eq3A_1267, %eq3A_1268 : vector<4x32x128xi1>
    %gt3A_1270 = arith.cmpi ugt, %select_n3A_1227, %select_n3A_1241 : vector<4x32x128xi32>
    %eq3A_1271 = arith.cmpi eq, %select_n3A_1227, %select_n3A_1241 : vector<4x32x128xi32>
    %gt3A_1272 = arith.cmpi sgt, %select_n3A_1228, %select_n3A_1254 : vector<4x32x128xi32>
    %and3A_1273 = arith.andi %eq3A_1271, %gt3A_1272 : vector<4x32x128xi1>
    %or3A_1274 = arith.ori %gt3A_1270, %and3A_1273 : vector<4x32x128xi1>
    %eq3A_1275 = arith.xori %or3A_1274, %eq3A_1269 : vector<4x32x128xi1>
    %eq3A_1276 = arith.constant dense<true> : vector<4x32x128xi1>
    %eq3A_1277 = arith.xori %eq3A_1275, %eq3A_1276 : vector<4x32x128xi1>
    %select_n3A_1278 = arith.select %eq3A_1277, %select_n3A_1241, %select_n3A_1227 : vector<4x32x128xi1>, vector<4x32x128xi32>
    %select_n3A_1279 = arith.select %eq3A_1277, %select_n3A_1254, %select_n3A_1228 : vector<4x32x128xi1>, vector<4x32x128xi32>
    %and3A_1280 = arith.constant 4 : i32
    %and3A_1281 = vector.broadcast %and3A_1280 : i32 to vector<4x32x128xi32>
    %and3A_1282 = arith.andi %iota3A_9, %and3A_1281 : vector<4x32x128xi32>
    %eq3A_1283 = arith.constant 0 : i32
    %eq3A_1284 = vector.broadcast %eq3A_1283 : i32 to vector<4x32x128xi32>
    %eq3A_1285 = arith.cmpi eq, %and3A_1282, %eq3A_1284 : vector<4x32x128xi32>
    %slice3A_1286 = vector.extract_strided_slice %select_n3A_1278 {offsets = [0, 0, 4], sizes = [4, 32, 124], strides = [1, 1, 1]} : vector<4x32x128xi32> to vector<4x32x124xi32>
    %slice3A_1287 = vector.extract_strided_slice %select_n3A_1278 {offsets = [0, 0, 0], sizes = [4, 32, 4], strides = [1, 1, 1]} : vector<4x32x128xi32> to vector<4x32x4xi32>
    %concatenate3A_1288 = tpu.concatenate %slice3A_1286, %slice3A_1287 in 2 : vector<4x32x124xi32>, vector<4x32x4xi32> -> vector<4x32x128xi32>
    %slice3A_1289 = vector.extract_strided_slice %select_n3A_1278 {offsets = [0, 0, 124], sizes = [4, 32, 4], strides = [1, 1, 1]} : vector<4x32x128xi32> to vector<4x32x4xi32>
    %slice3A_1290 = vector.extract_strided_slice %select_n3A_1278 {offsets = [0, 0, 0], sizes = [4, 32, 124], strides = [1, 1, 1]} : vector<4x32x128xi32> to vector<4x32x124xi32>
    %concatenate3A_1291 = tpu.concatenate %slice3A_1289, %slice3A_1290 in 2 : vector<4x32x4xi32>, vector<4x32x124xi32> -> vector<4x32x128xi32>
    %select_n3A_1292 = arith.select %eq3A_1285, %concatenate3A_1288, %concatenate3A_1291 : vector<4x32x128xi1>, vector<4x32x128xi32>
    %and3A_1293 = arith.constant 4 : i32
    %and3A_1294 = vector.broadcast %and3A_1293 : i32 to vector<4x32x128xi32>
    %and3A_1295 = arith.andi %iota3A_9, %and3A_1294 : vector<4x32x128xi32>
    %eq3A_1296 = arith.constant 0 : i32
    %eq3A_1297 = vector.broadcast %eq3A_1296 : i32 to vector<4x32x128xi32>
    %eq3A_1298 = arith.cmpi eq, %and3A_1295, %eq3A_1297 : vector<4x32x128xi32>
    %slice3A_1299 = vector.extract_strided_slice %select_n3A_1279 {offsets = [0, 0, 4], sizes = [4, 32, 124], strides = [1, 1, 1]} : vector<4x32x128xi32> to vector<4x32x124xi32>
    %slice3A_1300 = vector.extract_strided_slice %select_n3A_1279 {offsets = [0, 0, 0], sizes = [4, 32, 4], strides = [1, 1, 1]} : vector<4x32x128xi32> to vector<4x32x4xi32>
    %concatenate3A_1301 = tpu.concatenate %slice3A_1299, %slice3A_1300 in 2 : vector<4x32x124xi32>, vector<4x32x4xi32> -> vector<4x32x128xi32>
    %slice3A_1302 = vector.extract_strided_slice %select_n3A_1279 {offsets = [0, 0, 124], sizes = [4, 32, 4], strides = [1, 1, 1]} : vector<4x32x128xi32> to vector<4x32x4xi32>
    %slice3A_1303 = vector.extract_strided_slice %select_n3A_1279 {offsets = [0, 0, 0], sizes = [4, 32, 124], strides = [1, 1, 1]} : vector<4x32x128xi32> to vector<4x32x124xi32>
    %concatenate3A_1304 = tpu.concatenate %slice3A_1302, %slice3A_1303 in 2 : vector<4x32x4xi32>, vector<4x32x124xi32> -> vector<4x32x128xi32>
    %select_n3A_1305 = arith.select %eq3A_1298, %concatenate3A_1301, %concatenate3A_1304 : vector<4x32x128xi1>, vector<4x32x128xi32>
    %and3A_1306 = arith.constant 4 : i32
    %and3A_1307 = vector.broadcast %and3A_1306 : i32 to vector<4x32x128xi32>
    %and3A_1308 = arith.andi %add3A, %and3A_1307 : vector<4x32x128xi32>
    %eq3A_1309 = arith.constant 0 : i32
    %eq3A_1310 = vector.broadcast %eq3A_1309 : i32 to vector<4x32x128xi32>
    %eq3A_1311 = arith.cmpi eq, %and3A_1308, %eq3A_1310 : vector<4x32x128xi32>
    %and3A_1312 = arith.constant 128 : i32
    %and3A_1313 = vector.broadcast %and3A_1312 : i32 to vector<4x32x128xi32>
    %and3A_1314 = arith.andi %add3A, %and3A_1313 : vector<4x32x128xi32>
    %eq3A_1315 = arith.constant 0 : i32
    %eq3A_1316 = vector.broadcast %eq3A_1315 : i32 to vector<4x32x128xi32>
    %eq3A_1317 = arith.cmpi eq, %and3A_1314, %eq3A_1316 : vector<4x32x128xi32>
    %eq3A_1318 = arith.xori %eq3A_1317, %eq3A_1311 : vector<4x32x128xi1>
    %eq3A_1319 = arith.constant dense<true> : vector<4x32x128xi1>
    %eq3A_1320 = arith.xori %eq3A_1318, %eq3A_1319 : vector<4x32x128xi1>
    %gt3A_1321 = arith.cmpi ugt, %select_n3A_1278, %select_n3A_1292 : vector<4x32x128xi32>
    %eq3A_1322 = arith.cmpi eq, %select_n3A_1278, %select_n3A_1292 : vector<4x32x128xi32>
    %gt3A_1323 = arith.cmpi sgt, %select_n3A_1279, %select_n3A_1305 : vector<4x32x128xi32>
    %and3A_1324 = arith.andi %eq3A_1322, %gt3A_1323 : vector<4x32x128xi1>
    %or3A_1325 = arith.ori %gt3A_1321, %and3A_1324 : vector<4x32x128xi1>
    %eq3A_1326 = arith.xori %or3A_1325, %eq3A_1320 : vector<4x32x128xi1>
    %eq3A_1327 = arith.constant dense<true> : vector<4x32x128xi1>
    %eq3A_1328 = arith.xori %eq3A_1326, %eq3A_1327 : vector<4x32x128xi1>
    %select_n3A_1329 = arith.select %eq3A_1328, %select_n3A_1292, %select_n3A_1278 : vector<4x32x128xi1>, vector<4x32x128xi32>
    %select_n3A_1330 = arith.select %eq3A_1328, %select_n3A_1305, %select_n3A_1279 : vector<4x32x128xi1>, vector<4x32x128xi32>
    %and3A_1331 = arith.constant 2 : i32
    %and3A_1332 = vector.broadcast %and3A_1331 : i32 to vector<4x32x128xi32>
    %and3A_1333 = arith.andi %iota3A_9, %and3A_1332 : vector<4x32x128xi32>
    %eq3A_1334 = arith.constant 0 : i32
    %eq3A_1335 = vector.broadcast %eq3A_1334 : i32 to vector<4x32x128xi32>
    %eq3A_1336 = arith.cmpi eq, %and3A_1333, %eq3A_1335 : vector<4x32x128xi32>
    %slice3A_1337 = vector.extract_strided_slice %select_n3A_1329 {offsets = [0, 0, 2], sizes = [4, 32, 126], strides = [1, 1, 1]} : vector<4x32x128xi32> to vector<4x32x126xi32>
    %slice3A_1338 = vector.extract_strided_slice %select_n3A_1329 {offsets = [0, 0, 0], sizes = [4, 32, 2], strides = [1, 1, 1]} : vector<4x32x128xi32> to vector<4x32x2xi32>
    %concatenate3A_1339 = tpu.concatenate %slice3A_1337, %slice3A_1338 in 2 : vector<4x32x126xi32>, vector<4x32x2xi32> -> vector<4x32x128xi32>
    %slice3A_1340 = vector.extract_strided_slice %select_n3A_1329 {offsets = [0, 0, 126], sizes = [4, 32, 2], strides = [1, 1, 1]} : vector<4x32x128xi32> to vector<4x32x2xi32>
    %slice3A_1341 = vector.extract_strided_slice %select_n3A_1329 {offsets = [0, 0, 0], sizes = [4, 32, 126], strides = [1, 1, 1]} : vector<4x32x128xi32> to vector<4x32x126xi32>
    %concatenate3A_1342 = tpu.concatenate %slice3A_1340, %slice3A_1341 in 2 : vector<4x32x2xi32>, vector<4x32x126xi32> -> vector<4x32x128xi32>
    %select_n3A_1343 = arith.select %eq3A_1336, %concatenate3A_1339, %concatenate3A_1342 : vector<4x32x128xi1>, vector<4x32x128xi32>
    %and3A_1344 = arith.constant 2 : i32
    %and3A_1345 = vector.broadcast %and3A_1344 : i32 to vector<4x32x128xi32>
    %and3A_1346 = arith.andi %iota3A_9, %and3A_1345 : vector<4x32x128xi32>
    %eq3A_1347 = arith.constant 0 : i32
    %eq3A_1348 = vector.broadcast %eq3A_1347 : i32 to vector<4x32x128xi32>
    %eq3A_1349 = arith.cmpi eq, %and3A_1346, %eq3A_1348 : vector<4x32x128xi32>
    %slice3A_1350 = vector.extract_strided_slice %select_n3A_1330 {offsets = [0, 0, 2], sizes = [4, 32, 126], strides = [1, 1, 1]} : vector<4x32x128xi32> to vector<4x32x126xi32>
    %slice3A_1351 = vector.extract_strided_slice %select_n3A_1330 {offsets = [0, 0, 0], sizes = [4, 32, 2], strides = [1, 1, 1]} : vector<4x32x128xi32> to vector<4x32x2xi32>
    %concatenate3A_1352 = tpu.concatenate %slice3A_1350, %slice3A_1351 in 2 : vector<4x32x126xi32>, vector<4x32x2xi32> -> vector<4x32x128xi32>
    %slice3A_1353 = vector.extract_strided_slice %select_n3A_1330 {offsets = [0, 0, 126], sizes = [4, 32, 2], strides = [1, 1, 1]} : vector<4x32x128xi32> to vector<4x32x2xi32>
    %slice3A_1354 = vector.extract_strided_slice %select_n3A_1330 {offsets = [0, 0, 0], sizes = [4, 32, 126], strides = [1, 1, 1]} : vector<4x32x128xi32> to vector<4x32x126xi32>
    %concatenate3A_1355 = tpu.concatenate %slice3A_1353, %slice3A_1354 in 2 : vector<4x32x2xi32>, vector<4x32x126xi32> -> vector<4x32x128xi32>
    %select_n3A_1356 = arith.select %eq3A_1349, %concatenate3A_1352, %concatenate3A_1355 : vector<4x32x128xi1>, vector<4x32x128xi32>
    %and3A_1357 = arith.constant 2 : i32
    %and3A_1358 = vector.broadcast %and3A_1357 : i32 to vector<4x32x128xi32>
    %and3A_1359 = arith.andi %add3A, %and3A_1358 : vector<4x32x128xi32>
    %eq3A_1360 = arith.constant 0 : i32
    %eq3A_1361 = vector.broadcast %eq3A_1360 : i32 to vector<4x32x128xi32>
    %eq3A_1362 = arith.cmpi eq, %and3A_1359, %eq3A_1361 : vector<4x32x128xi32>
    %and3A_1363 = arith.constant 128 : i32
    %and3A_1364 = vector.broadcast %and3A_1363 : i32 to vector<4x32x128xi32>
    %and3A_1365 = arith.andi %add3A, %and3A_1364 : vector<4x32x128xi32>
    %eq3A_1366 = arith.constant 0 : i32
    %eq3A_1367 = vector.broadcast %eq3A_1366 : i32 to vector<4x32x128xi32>
    %eq3A_1368 = arith.cmpi eq, %and3A_1365, %eq3A_1367 : vector<4x32x128xi32>
    %eq3A_1369 = arith.xori %eq3A_1368, %eq3A_1362 : vector<4x32x128xi1>
    %eq3A_1370 = arith.constant dense<true> : vector<4x32x128xi1>
    %eq3A_1371 = arith.xori %eq3A_1369, %eq3A_1370 : vector<4x32x128xi1>
    %gt3A_1372 = arith.cmpi ugt, %select_n3A_1329, %select_n3A_1343 : vector<4x32x128xi32>
    %eq3A_1373 = arith.cmpi eq, %select_n3A_1329, %select_n3A_1343 : vector<4x32x128xi32>
    %gt3A_1374 = arith.cmpi sgt, %select_n3A_1330, %select_n3A_1356 : vector<4x32x128xi32>
    %and3A_1375 = arith.andi %eq3A_1373, %gt3A_1374 : vector<4x32x128xi1>
    %or3A_1376 = arith.ori %gt3A_1372, %and3A_1375 : vector<4x32x128xi1>
    %eq3A_1377 = arith.xori %or3A_1376, %eq3A_1371 : vector<4x32x128xi1>
    %eq3A_1378 = arith.constant dense<true> : vector<4x32x128xi1>
    %eq3A_1379 = arith.xori %eq3A_1377, %eq3A_1378 : vector<4x32x128xi1>
    %select_n3A_1380 = arith.select %eq3A_1379, %select_n3A_1343, %select_n3A_1329 : vector<4x32x128xi1>, vector<4x32x128xi32>
    %select_n3A_1381 = arith.select %eq3A_1379, %select_n3A_1356, %select_n3A_1330 : vector<4x32x128xi1>, vector<4x32x128xi32>
    %and3A_1382 = arith.constant 1 : i32
    %and3A_1383 = vector.broadcast %and3A_1382 : i32 to vector<4x32x128xi32>
    %and3A_1384 = arith.andi %iota3A_9, %and3A_1383 : vector<4x32x128xi32>
    %eq3A_1385 = arith.constant 0 : i32
    %eq3A_1386 = vector.broadcast %eq3A_1385 : i32 to vector<4x32x128xi32>
    %eq3A_1387 = arith.cmpi eq, %and3A_1384, %eq3A_1386 : vector<4x32x128xi32>
    %slice3A_1388 = vector.extract_strided_slice %select_n3A_1380 {offsets = [0, 0, 1], sizes = [4, 32, 127], strides = [1, 1, 1]} : vector<4x32x128xi32> to vector<4x32x127xi32>
    %slice3A_1389 = vector.extract_strided_slice %select_n3A_1380 {offsets = [0, 0, 0], sizes = [4, 32, 1], strides = [1, 1, 1]} : vector<4x32x128xi32> to vector<4x32x1xi32>
    %concatenate3A_1390 = tpu.concatenate %slice3A_1388, %slice3A_1389 in 2 : vector<4x32x127xi32>, vector<4x32x1xi32> -> vector<4x32x128xi32>
    %slice3A_1391 = vector.extract_strided_slice %select_n3A_1380 {offsets = [0, 0, 127], sizes = [4, 32, 1], strides = [1, 1, 1]} : vector<4x32x128xi32> to vector<4x32x1xi32>
    %slice3A_1392 = vector.extract_strided_slice %select_n3A_1380 {offsets = [0, 0, 0], sizes = [4, 32, 127], strides = [1, 1, 1]} : vector<4x32x128xi32> to vector<4x32x127xi32>
    %concatenate3A_1393 = tpu.concatenate %slice3A_1391, %slice3A_1392 in 2 : vector<4x32x1xi32>, vector<4x32x127xi32> -> vector<4x32x128xi32>
    %select_n3A_1394 = arith.select %eq3A_1387, %concatenate3A_1390, %concatenate3A_1393 : vector<4x32x128xi1>, vector<4x32x128xi32>
    %and3A_1395 = arith.constant 1 : i32
    %and3A_1396 = vector.broadcast %and3A_1395 : i32 to vector<4x32x128xi32>
    %and3A_1397 = arith.andi %iota3A_9, %and3A_1396 : vector<4x32x128xi32>
    %eq3A_1398 = arith.constant 0 : i32
    %eq3A_1399 = vector.broadcast %eq3A_1398 : i32 to vector<4x32x128xi32>
    %eq3A_1400 = arith.cmpi eq, %and3A_1397, %eq3A_1399 : vector<4x32x128xi32>
    %slice3A_1401 = vector.extract_strided_slice %select_n3A_1381 {offsets = [0, 0, 1], sizes = [4, 32, 127], strides = [1, 1, 1]} : vector<4x32x128xi32> to vector<4x32x127xi32>
    %slice3A_1402 = vector.extract_strided_slice %select_n3A_1381 {offsets = [0, 0, 0], sizes = [4, 32, 1], strides = [1, 1, 1]} : vector<4x32x128xi32> to vector<4x32x1xi32>
    %concatenate3A_1403 = tpu.concatenate %slice3A_1401, %slice3A_1402 in 2 : vector<4x32x127xi32>, vector<4x32x1xi32> -> vector<4x32x128xi32>
    %slice3A_1404 = vector.extract_strided_slice %select_n3A_1381 {offsets = [0, 0, 127], sizes = [4, 32, 1], strides = [1, 1, 1]} : vector<4x32x128xi32> to vector<4x32x1xi32>
    %slice3A_1405 = vector.extract_strided_slice %select_n3A_1381 {offsets = [0, 0, 0], sizes = [4, 32, 127], strides = [1, 1, 1]} : vector<4x32x128xi32> to vector<4x32x127xi32>
    %concatenate3A_1406 = tpu.concatenate %slice3A_1404, %slice3A_1405 in 2 : vector<4x32x1xi32>, vector<4x32x127xi32> -> vector<4x32x128xi32>
    %select_n3A_1407 = arith.select %eq3A_1400, %concatenate3A_1403, %concatenate3A_1406 : vector<4x32x128xi1>, vector<4x32x128xi32>
    %and3A_1408 = arith.constant 1 : i32
    %and3A_1409 = vector.broadcast %and3A_1408 : i32 to vector<4x32x128xi32>
    %and3A_1410 = arith.andi %add3A, %and3A_1409 : vector<4x32x128xi32>
    %eq3A_1411 = arith.constant 0 : i32
    %eq3A_1412 = vector.broadcast %eq3A_1411 : i32 to vector<4x32x128xi32>
    %eq3A_1413 = arith.cmpi eq, %and3A_1410, %eq3A_1412 : vector<4x32x128xi32>
    %and3A_1414 = arith.constant 128 : i32
    %and3A_1415 = vector.broadcast %and3A_1414 : i32 to vector<4x32x128xi32>
    %and3A_1416 = arith.andi %add3A, %and3A_1415 : vector<4x32x128xi32>
    %eq3A_1417 = arith.constant 0 : i32
    %eq3A_1418 = vector.broadcast %eq3A_1417 : i32 to vector<4x32x128xi32>
    %eq3A_1419 = arith.cmpi eq, %and3A_1416, %eq3A_1418 : vector<4x32x128xi32>
    %eq3A_1420 = arith.xori %eq3A_1419, %eq3A_1413 : vector<4x32x128xi1>
    %eq3A_1421 = arith.constant dense<true> : vector<4x32x128xi1>
    %eq3A_1422 = arith.xori %eq3A_1420, %eq3A_1421 : vector<4x32x128xi1>
    %gt3A_1423 = arith.cmpi ugt, %select_n3A_1380, %select_n3A_1394 : vector<4x32x128xi32>
    %eq3A_1424 = arith.cmpi eq, %select_n3A_1380, %select_n3A_1394 : vector<4x32x128xi32>
    %gt3A_1425 = arith.cmpi sgt, %select_n3A_1381, %select_n3A_1407 : vector<4x32x128xi32>
    %and3A_1426 = arith.andi %eq3A_1424, %gt3A_1425 : vector<4x32x128xi1>
    %or3A_1427 = arith.ori %gt3A_1423, %and3A_1426 : vector<4x32x128xi1>
    %eq3A_1428 = arith.xori %or3A_1427, %eq3A_1422 : vector<4x32x128xi1>
    %eq3A_1429 = arith.constant dense<true> : vector<4x32x128xi1>
    %eq3A_1430 = arith.xori %eq3A_1428, %eq3A_1429 : vector<4x32x128xi1>
    %select_n3A_1431 = arith.select %eq3A_1430, %select_n3A_1394, %select_n3A_1380 : vector<4x32x128xi1>, vector<4x32x128xi32>
    %select_n3A_1432 = arith.select %eq3A_1430, %select_n3A_1407, %select_n3A_1381 : vector<4x32x128xi1>, vector<4x32x128xi32>
    %reshape3A = vector.shape_cast %select_n3A_1431 : vector<4x32x128xi32> to vector<4x16x2x1x128xi32>
    %slice3A_1433 = vector.extract_strided_slice %reshape3A {offsets = [0, 0, 1, 0, 0], sizes = [4, 16, 1, 1, 128], strides = [1, 1, 1, 1, 1]} : vector<4x16x2x1x128xi32> to vector<4x16x1x1x128xi32>
    %slice3A_1434 = vector.extract_strided_slice %reshape3A {offsets = [0, 0, 0, 0, 0], sizes = [4, 16, 1, 1, 128], strides = [1, 1, 1, 1, 1]} : vector<4x16x2x1x128xi32> to vector<4x16x1x1x128xi32>
    %concatenate3A_1435 = tpu.concatenate %slice3A_1433, %slice3A_1434 in 2 : vector<4x16x1x1x128xi32>, vector<4x16x1x1x128xi32> -> vector<4x16x2x1x128xi32>
    %reshape3A_1436 = vector.shape_cast %concatenate3A_1435 : vector<4x16x2x1x128xi32> to vector<4x32x128xi32>
    %reshape3A_1437 = vector.shape_cast %select_n3A_1432 : vector<4x32x128xi32> to vector<4x16x2x1x128xi32>
    %slice3A_1438 = vector.extract_strided_slice %reshape3A_1437 {offsets = [0, 0, 1, 0, 0], sizes = [4, 16, 1, 1, 128], strides = [1, 1, 1, 1, 1]} : vector<4x16x2x1x128xi32> to vector<4x16x1x1x128xi32>
    %slice3A_1439 = vector.extract_strided_slice %reshape3A_1437 {offsets = [0, 0, 0, 0, 0], sizes = [4, 16, 1, 1, 128], strides = [1, 1, 1, 1, 1]} : vector<4x16x2x1x128xi32> to vector<4x16x1x1x128xi32>
    %concatenate3A_1440 = tpu.concatenate %slice3A_1438, %slice3A_1439 in 2 : vector<4x16x1x1x128xi32>, vector<4x16x1x1x128xi32> -> vector<4x16x2x1x128xi32>
    %reshape3A_1441 = vector.shape_cast %concatenate3A_1440 : vector<4x16x2x1x128xi32> to vector<4x32x128xi32>
    %and3A_1442 = arith.constant 128 : i32
    %and3A_1443 = vector.broadcast %and3A_1442 : i32 to vector<4x32x128xi32>
    %and3A_1444 = arith.andi %add3A, %and3A_1443 : vector<4x32x128xi32>
    %eq3A_1445 = arith.constant 0 : i32
    %eq3A_1446 = vector.broadcast %eq3A_1445 : i32 to vector<4x32x128xi32>
    %eq3A_1447 = arith.cmpi eq, %and3A_1444, %eq3A_1446 : vector<4x32x128xi32>
    %and3A_1448 = arith.constant 256 : i32
    %and3A_1449 = vector.broadcast %and3A_1448 : i32 to vector<4x32x128xi32>
    %and3A_1450 = arith.andi %add3A, %and3A_1449 : vector<4x32x128xi32>
    %eq3A_1451 = arith.constant 0 : i32
    %eq3A_1452 = vector.broadcast %eq3A_1451 : i32 to vector<4x32x128xi32>
    %eq3A_1453 = arith.cmpi eq, %and3A_1450, %eq3A_1452 : vector<4x32x128xi32>
    %eq3A_1454 = arith.xori %eq3A_1453, %eq3A_1447 : vector<4x32x128xi1>
    %eq3A_1455 = arith.constant dense<true> : vector<4x32x128xi1>
    %eq3A_1456 = arith.xori %eq3A_1454, %eq3A_1455 : vector<4x32x128xi1>
    %gt3A_1457 = arith.cmpi ugt, %select_n3A_1431, %reshape3A_1436 : vector<4x32x128xi32>
    %eq3A_1458 = arith.cmpi eq, %select_n3A_1431, %reshape3A_1436 : vector<4x32x128xi32>
    %gt3A_1459 = arith.cmpi sgt, %select_n3A_1432, %reshape3A_1441 : vector<4x32x128xi32>
    %and3A_1460 = arith.andi %eq3A_1458, %gt3A_1459 : vector<4x32x128xi1>
    %or3A_1461 = arith.ori %gt3A_1457, %and3A_1460 : vector<4x32x128xi1>
    %eq3A_1462 = arith.xori %or3A_1461, %eq3A_1456 : vector<4x32x128xi1>
    %eq3A_1463 = arith.constant dense<true> : vector<4x32x128xi1>
    %eq3A_1464 = arith.xori %eq3A_1462, %eq3A_1463 : vector<4x32x128xi1>
    %select_n3A_1465 = arith.select %eq3A_1464, %reshape3A_1436, %select_n3A_1431 : vector<4x32x128xi1>, vector<4x32x128xi32>
    %select_n3A_1466 = arith.select %eq3A_1464, %reshape3A_1441, %select_n3A_1432 : vector<4x32x128xi1>, vector<4x32x128xi32>
    %and3A_1467 = arith.constant 64 : i32
    %and3A_1468 = vector.broadcast %and3A_1467 : i32 to vector<4x32x128xi32>
    %and3A_1469 = arith.andi %iota3A_9, %and3A_1468 : vector<4x32x128xi32>
    %eq3A_1470 = arith.constant 0 : i32
    %eq3A_1471 = vector.broadcast %eq3A_1470 : i32 to vector<4x32x128xi32>
    %eq3A_1472 = arith.cmpi eq, %and3A_1469, %eq3A_1471 : vector<4x32x128xi32>
    %slice3A_1473 = vector.extract_strided_slice %select_n3A_1465 {offsets = [0, 0, 64], sizes = [4, 32, 64], strides = [1, 1, 1]} : vector<4x32x128xi32> to vector<4x32x64xi32>
    %slice3A_1474 = vector.extract_strided_slice %select_n3A_1465 {offsets = [0, 0, 0], sizes = [4, 32, 64], strides = [1, 1, 1]} : vector<4x32x128xi32> to vector<4x32x64xi32>
    %concatenate3A_1475 = tpu.concatenate %slice3A_1473, %slice3A_1474 in 2 : vector<4x32x64xi32>, vector<4x32x64xi32> -> vector<4x32x128xi32>
    %slice3A_1476 = vector.extract_strided_slice %select_n3A_1465 {offsets = [0, 0, 64], sizes = [4, 32, 64], strides = [1, 1, 1]} : vector<4x32x128xi32> to vector<4x32x64xi32>
    %slice3A_1477 = vector.extract_strided_slice %select_n3A_1465 {offsets = [0, 0, 0], sizes = [4, 32, 64], strides = [1, 1, 1]} : vector<4x32x128xi32> to vector<4x32x64xi32>
    %concatenate3A_1478 = tpu.concatenate %slice3A_1476, %slice3A_1477 in 2 : vector<4x32x64xi32>, vector<4x32x64xi32> -> vector<4x32x128xi32>
    %select_n3A_1479 = arith.select %eq3A_1472, %concatenate3A_1475, %concatenate3A_1478 : vector<4x32x128xi1>, vector<4x32x128xi32>
    %and3A_1480 = arith.constant 64 : i32
    %and3A_1481 = vector.broadcast %and3A_1480 : i32 to vector<4x32x128xi32>
    %and3A_1482 = arith.andi %iota3A_9, %and3A_1481 : vector<4x32x128xi32>
    %eq3A_1483 = arith.constant 0 : i32
    %eq3A_1484 = vector.broadcast %eq3A_1483 : i32 to vector<4x32x128xi32>
    %eq3A_1485 = arith.cmpi eq, %and3A_1482, %eq3A_1484 : vector<4x32x128xi32>
    %slice3A_1486 = vector.extract_strided_slice %select_n3A_1466 {offsets = [0, 0, 64], sizes = [4, 32, 64], strides = [1, 1, 1]} : vector<4x32x128xi32> to vector<4x32x64xi32>
    %slice3A_1487 = vector.extract_strided_slice %select_n3A_1466 {offsets = [0, 0, 0], sizes = [4, 32, 64], strides = [1, 1, 1]} : vector<4x32x128xi32> to vector<4x32x64xi32>
    %concatenate3A_1488 = tpu.concatenate %slice3A_1486, %slice3A_1487 in 2 : vector<4x32x64xi32>, vector<4x32x64xi32> -> vector<4x32x128xi32>
    %slice3A_1489 = vector.extract_strided_slice %select_n3A_1466 {offsets = [0, 0, 64], sizes = [4, 32, 64], strides = [1, 1, 1]} : vector<4x32x128xi32> to vector<4x32x64xi32>
    %slice3A_1490 = vector.extract_strided_slice %select_n3A_1466 {offsets = [0, 0, 0], sizes = [4, 32, 64], strides = [1, 1, 1]} : vector<4x32x128xi32> to vector<4x32x64xi32>
    %concatenate3A_1491 = tpu.concatenate %slice3A_1489, %slice3A_1490 in 2 : vector<4x32x64xi32>, vector<4x32x64xi32> -> vector<4x32x128xi32>
    %select_n3A_1492 = arith.select %eq3A_1485, %concatenate3A_1488, %concatenate3A_1491 : vector<4x32x128xi1>, vector<4x32x128xi32>
    %and3A_1493 = arith.constant 64 : i32
    %and3A_1494 = vector.broadcast %and3A_1493 : i32 to vector<4x32x128xi32>
    %and3A_1495 = arith.andi %add3A, %and3A_1494 : vector<4x32x128xi32>
    %eq3A_1496 = arith.constant 0 : i32
    %eq3A_1497 = vector.broadcast %eq3A_1496 : i32 to vector<4x32x128xi32>
    %eq3A_1498 = arith.cmpi eq, %and3A_1495, %eq3A_1497 : vector<4x32x128xi32>
    %and3A_1499 = arith.constant 256 : i32
    %and3A_1500 = vector.broadcast %and3A_1499 : i32 to vector<4x32x128xi32>
    %and3A_1501 = arith.andi %add3A, %and3A_1500 : vector<4x32x128xi32>
    %eq3A_1502 = arith.constant 0 : i32
    %eq3A_1503 = vector.broadcast %eq3A_1502 : i32 to vector<4x32x128xi32>
    %eq3A_1504 = arith.cmpi eq, %and3A_1501, %eq3A_1503 : vector<4x32x128xi32>
    %eq3A_1505 = arith.xori %eq3A_1504, %eq3A_1498 : vector<4x32x128xi1>
    %eq3A_1506 = arith.constant dense<true> : vector<4x32x128xi1>
    %eq3A_1507 = arith.xori %eq3A_1505, %eq3A_1506 : vector<4x32x128xi1>
    %gt3A_1508 = arith.cmpi ugt, %select_n3A_1465, %select_n3A_1479 : vector<4x32x128xi32>
    %eq3A_1509 = arith.cmpi eq, %select_n3A_1465, %select_n3A_1479 : vector<4x32x128xi32>
    %gt3A_1510 = arith.cmpi sgt, %select_n3A_1466, %select_n3A_1492 : vector<4x32x128xi32>
    %and3A_1511 = arith.andi %eq3A_1509, %gt3A_1510 : vector<4x32x128xi1>
    %or3A_1512 = arith.ori %gt3A_1508, %and3A_1511 : vector<4x32x128xi1>
    %eq3A_1513 = arith.xori %or3A_1512, %eq3A_1507 : vector<4x32x128xi1>
    %eq3A_1514 = arith.constant dense<true> : vector<4x32x128xi1>
    %eq3A_1515 = arith.xori %eq3A_1513, %eq3A_1514 : vector<4x32x128xi1>
    %select_n3A_1516 = arith.select %eq3A_1515, %select_n3A_1479, %select_n3A_1465 : vector<4x32x128xi1>, vector<4x32x128xi32>
    %select_n3A_1517 = arith.select %eq3A_1515, %select_n3A_1492, %select_n3A_1466 : vector<4x32x128xi1>, vector<4x32x128xi32>
    %and3A_1518 = arith.constant 32 : i32
    %and3A_1519 = vector.broadcast %and3A_1518 : i32 to vector<4x32x128xi32>
    %and3A_1520 = arith.andi %iota3A_9, %and3A_1519 : vector<4x32x128xi32>
    %eq3A_1521 = arith.constant 0 : i32
    %eq3A_1522 = vector.broadcast %eq3A_1521 : i32 to vector<4x32x128xi32>
    %eq3A_1523 = arith.cmpi eq, %and3A_1520, %eq3A_1522 : vector<4x32x128xi32>
    %slice3A_1524 = vector.extract_strided_slice %select_n3A_1516 {offsets = [0, 0, 32], sizes = [4, 32, 96], strides = [1, 1, 1]} : vector<4x32x128xi32> to vector<4x32x96xi32>
    %slice3A_1525 = vector.extract_strided_slice %select_n3A_1516 {offsets = [0, 0, 0], sizes = [4, 32, 32], strides = [1, 1, 1]} : vector<4x32x128xi32> to vector<4x32x32xi32>
    %concatenate3A_1526 = tpu.concatenate %slice3A_1524, %slice3A_1525 in 2 : vector<4x32x96xi32>, vector<4x32x32xi32> -> vector<4x32x128xi32>
    %slice3A_1527 = vector.extract_strided_slice %select_n3A_1516 {offsets = [0, 0, 96], sizes = [4, 32, 32], strides = [1, 1, 1]} : vector<4x32x128xi32> to vector<4x32x32xi32>
    %slice3A_1528 = vector.extract_strided_slice %select_n3A_1516 {offsets = [0, 0, 0], sizes = [4, 32, 96], strides = [1, 1, 1]} : vector<4x32x128xi32> to vector<4x32x96xi32>
    %concatenate3A_1529 = tpu.concatenate %slice3A_1527, %slice3A_1528 in 2 : vector<4x32x32xi32>, vector<4x32x96xi32> -> vector<4x32x128xi32>
    %select_n3A_1530 = arith.select %eq3A_1523, %concatenate3A_1526, %concatenate3A_1529 : vector<4x32x128xi1>, vector<4x32x128xi32>
    %and3A_1531 = arith.constant 32 : i32
    %and3A_1532 = vector.broadcast %and3A_1531 : i32 to vector<4x32x128xi32>
    %and3A_1533 = arith.andi %iota3A_9, %and3A_1532 : vector<4x32x128xi32>
    %eq3A_1534 = arith.constant 0 : i32
    %eq3A_1535 = vector.broadcast %eq3A_1534 : i32 to vector<4x32x128xi32>
    %eq3A_1536 = arith.cmpi eq, %and3A_1533, %eq3A_1535 : vector<4x32x128xi32>
    %slice3A_1537 = vector.extract_strided_slice %select_n3A_1517 {offsets = [0, 0, 32], sizes = [4, 32, 96], strides = [1, 1, 1]} : vector<4x32x128xi32> to vector<4x32x96xi32>
    %slice3A_1538 = vector.extract_strided_slice %select_n3A_1517 {offsets = [0, 0, 0], sizes = [4, 32, 32], strides = [1, 1, 1]} : vector<4x32x128xi32> to vector<4x32x32xi32>
    %concatenate3A_1539 = tpu.concatenate %slice3A_1537, %slice3A_1538 in 2 : vector<4x32x96xi32>, vector<4x32x32xi32> -> vector<4x32x128xi32>
    %slice3A_1540 = vector.extract_strided_slice %select_n3A_1517 {offsets = [0, 0, 96], sizes = [4, 32, 32], strides = [1, 1, 1]} : vector<4x32x128xi32> to vector<4x32x32xi32>
    %slice3A_1541 = vector.extract_strided_slice %select_n3A_1517 {offsets = [0, 0, 0], sizes = [4, 32, 96], strides = [1, 1, 1]} : vector<4x32x128xi32> to vector<4x32x96xi32>
    %concatenate3A_1542 = tpu.concatenate %slice3A_1540, %slice3A_1541 in 2 : vector<4x32x32xi32>, vector<4x32x96xi32> -> vector<4x32x128xi32>
    %select_n3A_1543 = arith.select %eq3A_1536, %concatenate3A_1539, %concatenate3A_1542 : vector<4x32x128xi1>, vector<4x32x128xi32>
    %and3A_1544 = arith.constant 32 : i32
    %and3A_1545 = vector.broadcast %and3A_1544 : i32 to vector<4x32x128xi32>
    %and3A_1546 = arith.andi %add3A, %and3A_1545 : vector<4x32x128xi32>
    %eq3A_1547 = arith.constant 0 : i32
    %eq3A_1548 = vector.broadcast %eq3A_1547 : i32 to vector<4x32x128xi32>
    %eq3A_1549 = arith.cmpi eq, %and3A_1546, %eq3A_1548 : vector<4x32x128xi32>
    %and3A_1550 = arith.constant 256 : i32
    %and3A_1551 = vector.broadcast %and3A_1550 : i32 to vector<4x32x128xi32>
    %and3A_1552 = arith.andi %add3A, %and3A_1551 : vector<4x32x128xi32>
    %eq3A_1553 = arith.constant 0 : i32
    %eq3A_1554 = vector.broadcast %eq3A_1553 : i32 to vector<4x32x128xi32>
    %eq3A_1555 = arith.cmpi eq, %and3A_1552, %eq3A_1554 : vector<4x32x128xi32>
    %eq3A_1556 = arith.xori %eq3A_1555, %eq3A_1549 : vector<4x32x128xi1>
    %eq3A_1557 = arith.constant dense<true> : vector<4x32x128xi1>
    %eq3A_1558 = arith.xori %eq3A_1556, %eq3A_1557 : vector<4x32x128xi1>
    %gt3A_1559 = arith.cmpi ugt, %select_n3A_1516, %select_n3A_1530 : vector<4x32x128xi32>
    %eq3A_1560 = arith.cmpi eq, %select_n3A_1516, %select_n3A_1530 : vector<4x32x128xi32>
    %gt3A_1561 = arith.cmpi sgt, %select_n3A_1517, %select_n3A_1543 : vector<4x32x128xi32>
    %and3A_1562 = arith.andi %eq3A_1560, %gt3A_1561 : vector<4x32x128xi1>
    %or3A_1563 = arith.ori %gt3A_1559, %and3A_1562 : vector<4x32x128xi1>
    %eq3A_1564 = arith.xori %or3A_1563, %eq3A_1558 : vector<4x32x128xi1>
    %eq3A_1565 = arith.constant dense<true> : vector<4x32x128xi1>
    %eq3A_1566 = arith.xori %eq3A_1564, %eq3A_1565 : vector<4x32x128xi1>
    %select_n3A_1567 = arith.select %eq3A_1566, %select_n3A_1530, %select_n3A_1516 : vector<4x32x128xi1>, vector<4x32x128xi32>
    %select_n3A_1568 = arith.select %eq3A_1566, %select_n3A_1543, %select_n3A_1517 : vector<4x32x128xi1>, vector<4x32x128xi32>
    %and3A_1569 = arith.constant 16 : i32
    %and3A_1570 = vector.broadcast %and3A_1569 : i32 to vector<4x32x128xi32>
    %and3A_1571 = arith.andi %iota3A_9, %and3A_1570 : vector<4x32x128xi32>
    %eq3A_1572 = arith.constant 0 : i32
    %eq3A_1573 = vector.broadcast %eq3A_1572 : i32 to vector<4x32x128xi32>
    %eq3A_1574 = arith.cmpi eq, %and3A_1571, %eq3A_1573 : vector<4x32x128xi32>
    %slice3A_1575 = vector.extract_strided_slice %select_n3A_1567 {offsets = [0, 0, 16], sizes = [4, 32, 112], strides = [1, 1, 1]} : vector<4x32x128xi32> to vector<4x32x112xi32>
    %slice3A_1576 = vector.extract_strided_slice %select_n3A_1567 {offsets = [0, 0, 0], sizes = [4, 32, 16], strides = [1, 1, 1]} : vector<4x32x128xi32> to vector<4x32x16xi32>
    %concatenate3A_1577 = tpu.concatenate %slice3A_1575, %slice3A_1576 in 2 : vector<4x32x112xi32>, vector<4x32x16xi32> -> vector<4x32x128xi32>
    %slice3A_1578 = vector.extract_strided_slice %select_n3A_1567 {offsets = [0, 0, 112], sizes = [4, 32, 16], strides = [1, 1, 1]} : vector<4x32x128xi32> to vector<4x32x16xi32>
    %slice3A_1579 = vector.extract_strided_slice %select_n3A_1567 {offsets = [0, 0, 0], sizes = [4, 32, 112], strides = [1, 1, 1]} : vector<4x32x128xi32> to vector<4x32x112xi32>
    %concatenate3A_1580 = tpu.concatenate %slice3A_1578, %slice3A_1579 in 2 : vector<4x32x16xi32>, vector<4x32x112xi32> -> vector<4x32x128xi32>
    %select_n3A_1581 = arith.select %eq3A_1574, %concatenate3A_1577, %concatenate3A_1580 : vector<4x32x128xi1>, vector<4x32x128xi32>
    %and3A_1582 = arith.constant 16 : i32
    %and3A_1583 = vector.broadcast %and3A_1582 : i32 to vector<4x32x128xi32>
    %and3A_1584 = arith.andi %iota3A_9, %and3A_1583 : vector<4x32x128xi32>
    %eq3A_1585 = arith.constant 0 : i32
    %eq3A_1586 = vector.broadcast %eq3A_1585 : i32 to vector<4x32x128xi32>
    %eq3A_1587 = arith.cmpi eq, %and3A_1584, %eq3A_1586 : vector<4x32x128xi32>
    %slice3A_1588 = vector.extract_strided_slice %select_n3A_1568 {offsets = [0, 0, 16], sizes = [4, 32, 112], strides = [1, 1, 1]} : vector<4x32x128xi32> to vector<4x32x112xi32>
    %slice3A_1589 = vector.extract_strided_slice %select_n3A_1568 {offsets = [0, 0, 0], sizes = [4, 32, 16], strides = [1, 1, 1]} : vector<4x32x128xi32> to vector<4x32x16xi32>
    %concatenate3A_1590 = tpu.concatenate %slice3A_1588, %slice3A_1589 in 2 : vector<4x32x112xi32>, vector<4x32x16xi32> -> vector<4x32x128xi32>
    %slice3A_1591 = vector.extract_strided_slice %select_n3A_1568 {offsets = [0, 0, 112], sizes = [4, 32, 16], strides = [1, 1, 1]} : vector<4x32x128xi32> to vector<4x32x16xi32>
    %slice3A_1592 = vector.extract_strided_slice %select_n3A_1568 {offsets = [0, 0, 0], sizes = [4, 32, 112], strides = [1, 1, 1]} : vector<4x32x128xi32> to vector<4x32x112xi32>
    %concatenate3A_1593 = tpu.concatenate %slice3A_1591, %slice3A_1592 in 2 : vector<4x32x16xi32>, vector<4x32x112xi32> -> vector<4x32x128xi32>
    %select_n3A_1594 = arith.select %eq3A_1587, %concatenate3A_1590, %concatenate3A_1593 : vector<4x32x128xi1>, vector<4x32x128xi32>
    %and3A_1595 = arith.constant 16 : i32
    %and3A_1596 = vector.broadcast %and3A_1595 : i32 to vector<4x32x128xi32>
    %and3A_1597 = arith.andi %add3A, %and3A_1596 : vector<4x32x128xi32>
    %eq3A_1598 = arith.constant 0 : i32
    %eq3A_1599 = vector.broadcast %eq3A_1598 : i32 to vector<4x32x128xi32>
    %eq3A_1600 = arith.cmpi eq, %and3A_1597, %eq3A_1599 : vector<4x32x128xi32>
    %and3A_1601 = arith.constant 256 : i32
    %and3A_1602 = vector.broadcast %and3A_1601 : i32 to vector<4x32x128xi32>
    %and3A_1603 = arith.andi %add3A, %and3A_1602 : vector<4x32x128xi32>
    %eq3A_1604 = arith.constant 0 : i32
    %eq3A_1605 = vector.broadcast %eq3A_1604 : i32 to vector<4x32x128xi32>
    %eq3A_1606 = arith.cmpi eq, %and3A_1603, %eq3A_1605 : vector<4x32x128xi32>
    %eq3A_1607 = arith.xori %eq3A_1606, %eq3A_1600 : vector<4x32x128xi1>
    %eq3A_1608 = arith.constant dense<true> : vector<4x32x128xi1>
    %eq3A_1609 = arith.xori %eq3A_1607, %eq3A_1608 : vector<4x32x128xi1>
    %gt3A_1610 = arith.cmpi ugt, %select_n3A_1567, %select_n3A_1581 : vector<4x32x128xi32>
    %eq3A_1611 = arith.cmpi eq, %select_n3A_1567, %select_n3A_1581 : vector<4x32x128xi32>
    %gt3A_1612 = arith.cmpi sgt, %select_n3A_1568, %select_n3A_1594 : vector<4x32x128xi32>
    %and3A_1613 = arith.andi %eq3A_1611, %gt3A_1612 : vector<4x32x128xi1>
    %or3A_1614 = arith.ori %gt3A_1610, %and3A_1613 : vector<4x32x128xi1>
    %eq3A_1615 = arith.xori %or3A_1614, %eq3A_1609 : vector<4x32x128xi1>
    %eq3A_1616 = arith.constant dense<true> : vector<4x32x128xi1>
    %eq3A_1617 = arith.xori %eq3A_1615, %eq3A_1616 : vector<4x32x128xi1>
    %select_n3A_1618 = arith.select %eq3A_1617, %select_n3A_1581, %select_n3A_1567 : vector<4x32x128xi1>, vector<4x32x128xi32>
    %select_n3A_1619 = arith.select %eq3A_1617, %select_n3A_1594, %select_n3A_1568 : vector<4x32x128xi1>, vector<4x32x128xi32>
    %and3A_1620 = arith.constant 8 : i32
    %and3A_1621 = vector.broadcast %and3A_1620 : i32 to vector<4x32x128xi32>
    %and3A_1622 = arith.andi %iota3A_9, %and3A_1621 : vector<4x32x128xi32>
    %eq3A_1623 = arith.constant 0 : i32
    %eq3A_1624 = vector.broadcast %eq3A_1623 : i32 to vector<4x32x128xi32>
    %eq3A_1625 = arith.cmpi eq, %and3A_1622, %eq3A_1624 : vector<4x32x128xi32>
    %slice3A_1626 = vector.extract_strided_slice %select_n3A_1618 {offsets = [0, 0, 8], sizes = [4, 32, 120], strides = [1, 1, 1]} : vector<4x32x128xi32> to vector<4x32x120xi32>
    %slice3A_1627 = vector.extract_strided_slice %select_n3A_1618 {offsets = [0, 0, 0], sizes = [4, 32, 8], strides = [1, 1, 1]} : vector<4x32x128xi32> to vector<4x32x8xi32>
    %concatenate3A_1628 = tpu.concatenate %slice3A_1626, %slice3A_1627 in 2 : vector<4x32x120xi32>, vector<4x32x8xi32> -> vector<4x32x128xi32>
    %slice3A_1629 = vector.extract_strided_slice %select_n3A_1618 {offsets = [0, 0, 120], sizes = [4, 32, 8], strides = [1, 1, 1]} : vector<4x32x128xi32> to vector<4x32x8xi32>
    %slice3A_1630 = vector.extract_strided_slice %select_n3A_1618 {offsets = [0, 0, 0], sizes = [4, 32, 120], strides = [1, 1, 1]} : vector<4x32x128xi32> to vector<4x32x120xi32>
    %concatenate3A_1631 = tpu.concatenate %slice3A_1629, %slice3A_1630 in 2 : vector<4x32x8xi32>, vector<4x32x120xi32> -> vector<4x32x128xi32>
    %select_n3A_1632 = arith.select %eq3A_1625, %concatenate3A_1628, %concatenate3A_1631 : vector<4x32x128xi1>, vector<4x32x128xi32>
    %and3A_1633 = arith.constant 8 : i32
    %and3A_1634 = vector.broadcast %and3A_1633 : i32 to vector<4x32x128xi32>
    %and3A_1635 = arith.andi %iota3A_9, %and3A_1634 : vector<4x32x128xi32>
    %eq3A_1636 = arith.constant 0 : i32
    %eq3A_1637 = vector.broadcast %eq3A_1636 : i32 to vector<4x32x128xi32>
    %eq3A_1638 = arith.cmpi eq, %and3A_1635, %eq3A_1637 : vector<4x32x128xi32>
    %slice3A_1639 = vector.extract_strided_slice %select_n3A_1619 {offsets = [0, 0, 8], sizes = [4, 32, 120], strides = [1, 1, 1]} : vector<4x32x128xi32> to vector<4x32x120xi32>
    %slice3A_1640 = vector.extract_strided_slice %select_n3A_1619 {offsets = [0, 0, 0], sizes = [4, 32, 8], strides = [1, 1, 1]} : vector<4x32x128xi32> to vector<4x32x8xi32>
    %concatenate3A_1641 = tpu.concatenate %slice3A_1639, %slice3A_1640 in 2 : vector<4x32x120xi32>, vector<4x32x8xi32> -> vector<4x32x128xi32>
    %slice3A_1642 = vector.extract_strided_slice %select_n3A_1619 {offsets = [0, 0, 120], sizes = [4, 32, 8], strides = [1, 1, 1]} : vector<4x32x128xi32> to vector<4x32x8xi32>
    %slice3A_1643 = vector.extract_strided_slice %select_n3A_1619 {offsets = [0, 0, 0], sizes = [4, 32, 120], strides = [1, 1, 1]} : vector<4x32x128xi32> to vector<4x32x120xi32>
    %concatenate3A_1644 = tpu.concatenate %slice3A_1642, %slice3A_1643 in 2 : vector<4x32x8xi32>, vector<4x32x120xi32> -> vector<4x32x128xi32>
    %select_n3A_1645 = arith.select %eq3A_1638, %concatenate3A_1641, %concatenate3A_1644 : vector<4x32x128xi1>, vector<4x32x128xi32>
    %and3A_1646 = arith.constant 8 : i32
    %and3A_1647 = vector.broadcast %and3A_1646 : i32 to vector<4x32x128xi32>
    %and3A_1648 = arith.andi %add3A, %and3A_1647 : vector<4x32x128xi32>
    %eq3A_1649 = arith.constant 0 : i32
    %eq3A_1650 = vector.broadcast %eq3A_1649 : i32 to vector<4x32x128xi32>
    %eq3A_1651 = arith.cmpi eq, %and3A_1648, %eq3A_1650 : vector<4x32x128xi32>
    %and3A_1652 = arith.constant 256 : i32
    %and3A_1653 = vector.broadcast %and3A_1652 : i32 to vector<4x32x128xi32>
    %and3A_1654 = arith.andi %add3A, %and3A_1653 : vector<4x32x128xi32>
    %eq3A_1655 = arith.constant 0 : i32
    %eq3A_1656 = vector.broadcast %eq3A_1655 : i32 to vector<4x32x128xi32>
    %eq3A_1657 = arith.cmpi eq, %and3A_1654, %eq3A_1656 : vector<4x32x128xi32>
    %eq3A_1658 = arith.xori %eq3A_1657, %eq3A_1651 : vector<4x32x128xi1>
    %eq3A_1659 = arith.constant dense<true> : vector<4x32x128xi1>
    %eq3A_1660 = arith.xori %eq3A_1658, %eq3A_1659 : vector<4x32x128xi1>
    %gt3A_1661 = arith.cmpi ugt, %select_n3A_1618, %select_n3A_1632 : vector<4x32x128xi32>
    %eq3A_1662 = arith.cmpi eq, %select_n3A_1618, %select_n3A_1632 : vector<4x32x128xi32>
    %gt3A_1663 = arith.cmpi sgt, %select_n3A_1619, %select_n3A_1645 : vector<4x32x128xi32>
    %and3A_1664 = arith.andi %eq3A_1662, %gt3A_1663 : vector<4x32x128xi1>
    %or3A_1665 = arith.ori %gt3A_1661, %and3A_1664 : vector<4x32x128xi1>
    %eq3A_1666 = arith.xori %or3A_1665, %eq3A_1660 : vector<4x32x128xi1>
    %eq3A_1667 = arith.constant dense<true> : vector<4x32x128xi1>
    %eq3A_1668 = arith.xori %eq3A_1666, %eq3A_1667 : vector<4x32x128xi1>
    %select_n3A_1669 = arith.select %eq3A_1668, %select_n3A_1632, %select_n3A_1618 : vector<4x32x128xi1>, vector<4x32x128xi32>
    %select_n3A_1670 = arith.select %eq3A_1668, %select_n3A_1645, %select_n3A_1619 : vector<4x32x128xi1>, vector<4x32x128xi32>
    %and3A_1671 = arith.constant 4 : i32
    %and3A_1672 = vector.broadcast %and3A_1671 : i32 to vector<4x32x128xi32>
    %and3A_1673 = arith.andi %iota3A_9, %and3A_1672 : vector<4x32x128xi32>
    %eq3A_1674 = arith.constant 0 : i32
    %eq3A_1675 = vector.broadcast %eq3A_1674 : i32 to vector<4x32x128xi32>
    %eq3A_1676 = arith.cmpi eq, %and3A_1673, %eq3A_1675 : vector<4x32x128xi32>
    %slice3A_1677 = vector.extract_strided_slice %select_n3A_1669 {offsets = [0, 0, 4], sizes = [4, 32, 124], strides = [1, 1, 1]} : vector<4x32x128xi32> to vector<4x32x124xi32>
    %slice3A_1678 = vector.extract_strided_slice %select_n3A_1669 {offsets = [0, 0, 0], sizes = [4, 32, 4], strides = [1, 1, 1]} : vector<4x32x128xi32> to vector<4x32x4xi32>
    %concatenate3A_1679 = tpu.concatenate %slice3A_1677, %slice3A_1678 in 2 : vector<4x32x124xi32>, vector<4x32x4xi32> -> vector<4x32x128xi32>
    %slice3A_1680 = vector.extract_strided_slice %select_n3A_1669 {offsets = [0, 0, 124], sizes = [4, 32, 4], strides = [1, 1, 1]} : vector<4x32x128xi32> to vector<4x32x4xi32>
    %slice3A_1681 = vector.extract_strided_slice %select_n3A_1669 {offsets = [0, 0, 0], sizes = [4, 32, 124], strides = [1, 1, 1]} : vector<4x32x128xi32> to vector<4x32x124xi32>
    %concatenate3A_1682 = tpu.concatenate %slice3A_1680, %slice3A_1681 in 2 : vector<4x32x4xi32>, vector<4x32x124xi32> -> vector<4x32x128xi32>
    %select_n3A_1683 = arith.select %eq3A_1676, %concatenate3A_1679, %concatenate3A_1682 : vector<4x32x128xi1>, vector<4x32x128xi32>
    %and3A_1684 = arith.constant 4 : i32
    %and3A_1685 = vector.broadcast %and3A_1684 : i32 to vector<4x32x128xi32>
    %and3A_1686 = arith.andi %iota3A_9, %and3A_1685 : vector<4x32x128xi32>
    %eq3A_1687 = arith.constant 0 : i32
    %eq3A_1688 = vector.broadcast %eq3A_1687 : i32 to vector<4x32x128xi32>
    %eq3A_1689 = arith.cmpi eq, %and3A_1686, %eq3A_1688 : vector<4x32x128xi32>
    %slice3A_1690 = vector.extract_strided_slice %select_n3A_1670 {offsets = [0, 0, 4], sizes = [4, 32, 124], strides = [1, 1, 1]} : vector<4x32x128xi32> to vector<4x32x124xi32>
    %slice3A_1691 = vector.extract_strided_slice %select_n3A_1670 {offsets = [0, 0, 0], sizes = [4, 32, 4], strides = [1, 1, 1]} : vector<4x32x128xi32> to vector<4x32x4xi32>
    %concatenate3A_1692 = tpu.concatenate %slice3A_1690, %slice3A_1691 in 2 : vector<4x32x124xi32>, vector<4x32x4xi32> -> vector<4x32x128xi32>
    %slice3A_1693 = vector.extract_strided_slice %select_n3A_1670 {offsets = [0, 0, 124], sizes = [4, 32, 4], strides = [1, 1, 1]} : vector<4x32x128xi32> to vector<4x32x4xi32>
    %slice3A_1694 = vector.extract_strided_slice %select_n3A_1670 {offsets = [0, 0, 0], sizes = [4, 32, 124], strides = [1, 1, 1]} : vector<4x32x128xi32> to vector<4x32x124xi32>
    %concatenate3A_1695 = tpu.concatenate %slice3A_1693, %slice3A_1694 in 2 : vector<4x32x4xi32>, vector<4x32x124xi32> -> vector<4x32x128xi32>
    %select_n3A_1696 = arith.select %eq3A_1689, %concatenate3A_1692, %concatenate3A_1695 : vector<4x32x128xi1>, vector<4x32x128xi32>
    %and3A_1697 = arith.constant 4 : i32
    %and3A_1698 = vector.broadcast %and3A_1697 : i32 to vector<4x32x128xi32>
    %and3A_1699 = arith.andi %add3A, %and3A_1698 : vector<4x32x128xi32>
    %eq3A_1700 = arith.constant 0 : i32
    %eq3A_1701 = vector.broadcast %eq3A_1700 : i32 to vector<4x32x128xi32>
    %eq3A_1702 = arith.cmpi eq, %and3A_1699, %eq3A_1701 : vector<4x32x128xi32>
    %and3A_1703 = arith.constant 256 : i32
    %and3A_1704 = vector.broadcast %and3A_1703 : i32 to vector<4x32x128xi32>
    %and3A_1705 = arith.andi %add3A, %and3A_1704 : vector<4x32x128xi32>
    %eq3A_1706 = arith.constant 0 : i32
    %eq3A_1707 = vector.broadcast %eq3A_1706 : i32 to vector<4x32x128xi32>
    %eq3A_1708 = arith.cmpi eq, %and3A_1705, %eq3A_1707 : vector<4x32x128xi32>
    %eq3A_1709 = arith.xori %eq3A_1708, %eq3A_1702 : vector<4x32x128xi1>
    %eq3A_1710 = arith.constant dense<true> : vector<4x32x128xi1>
    %eq3A_1711 = arith.xori %eq3A_1709, %eq3A_1710 : vector<4x32x128xi1>
    %gt3A_1712 = arith.cmpi ugt, %select_n3A_1669, %select_n3A_1683 : vector<4x32x128xi32>
    %eq3A_1713 = arith.cmpi eq, %select_n3A_1669, %select_n3A_1683 : vector<4x32x128xi32>
    %gt3A_1714 = arith.cmpi sgt, %select_n3A_1670, %select_n3A_1696 : vector<4x32x128xi32>
    %and3A_1715 = arith.andi %eq3A_1713, %gt3A_1714 : vector<4x32x128xi1>
    %or3A_1716 = arith.ori %gt3A_1712, %and3A_1715 : vector<4x32x128xi1>
    %eq3A_1717 = arith.xori %or3A_1716, %eq3A_1711 : vector<4x32x128xi1>
    %eq3A_1718 = arith.constant dense<true> : vector<4x32x128xi1>
    %eq3A_1719 = arith.xori %eq3A_1717, %eq3A_1718 : vector<4x32x128xi1>
    %select_n3A_1720 = arith.select %eq3A_1719, %select_n3A_1683, %select_n3A_1669 : vector<4x32x128xi1>, vector<4x32x128xi32>
    %select_n3A_1721 = arith.select %eq3A_1719, %select_n3A_1696, %select_n3A_1670 : vector<4x32x128xi1>, vector<4x32x128xi32>
    %and3A_1722 = arith.constant 2 : i32
    %and3A_1723 = vector.broadcast %and3A_1722 : i32 to vector<4x32x128xi32>
    %and3A_1724 = arith.andi %iota3A_9, %and3A_1723 : vector<4x32x128xi32>
    %eq3A_1725 = arith.constant 0 : i32
    %eq3A_1726 = vector.broadcast %eq3A_1725 : i32 to vector<4x32x128xi32>
    %eq3A_1727 = arith.cmpi eq, %and3A_1724, %eq3A_1726 : vector<4x32x128xi32>
    %slice3A_1728 = vector.extract_strided_slice %select_n3A_1720 {offsets = [0, 0, 2], sizes = [4, 32, 126], strides = [1, 1, 1]} : vector<4x32x128xi32> to vector<4x32x126xi32>
    %slice3A_1729 = vector.extract_strided_slice %select_n3A_1720 {offsets = [0, 0, 0], sizes = [4, 32, 2], strides = [1, 1, 1]} : vector<4x32x128xi32> to vector<4x32x2xi32>
    %concatenate3A_1730 = tpu.concatenate %slice3A_1728, %slice3A_1729 in 2 : vector<4x32x126xi32>, vector<4x32x2xi32> -> vector<4x32x128xi32>
    %slice3A_1731 = vector.extract_strided_slice %select_n3A_1720 {offsets = [0, 0, 126], sizes = [4, 32, 2], strides = [1, 1, 1]} : vector<4x32x128xi32> to vector<4x32x2xi32>
    %slice3A_1732 = vector.extract_strided_slice %select_n3A_1720 {offsets = [0, 0, 0], sizes = [4, 32, 126], strides = [1, 1, 1]} : vector<4x32x128xi32> to vector<4x32x126xi32>
    %concatenate3A_1733 = tpu.concatenate %slice3A_1731, %slice3A_1732 in 2 : vector<4x32x2xi32>, vector<4x32x126xi32> -> vector<4x32x128xi32>
    %select_n3A_1734 = arith.select %eq3A_1727, %concatenate3A_1730, %concatenate3A_1733 : vector<4x32x128xi1>, vector<4x32x128xi32>
    %and3A_1735 = arith.constant 2 : i32
    %and3A_1736 = vector.broadcast %and3A_1735 : i32 to vector<4x32x128xi32>
    %and3A_1737 = arith.andi %iota3A_9, %and3A_1736 : vector<4x32x128xi32>
    %eq3A_1738 = arith.constant 0 : i32
    %eq3A_1739 = vector.broadcast %eq3A_1738 : i32 to vector<4x32x128xi32>
    %eq3A_1740 = arith.cmpi eq, %and3A_1737, %eq3A_1739 : vector<4x32x128xi32>
    %slice3A_1741 = vector.extract_strided_slice %select_n3A_1721 {offsets = [0, 0, 2], sizes = [4, 32, 126], strides = [1, 1, 1]} : vector<4x32x128xi32> to vector<4x32x126xi32>
    %slice3A_1742 = vector.extract_strided_slice %select_n3A_1721 {offsets = [0, 0, 0], sizes = [4, 32, 2], strides = [1, 1, 1]} : vector<4x32x128xi32> to vector<4x32x2xi32>
    %concatenate3A_1743 = tpu.concatenate %slice3A_1741, %slice3A_1742 in 2 : vector<4x32x126xi32>, vector<4x32x2xi32> -> vector<4x32x128xi32>
    %slice3A_1744 = vector.extract_strided_slice %select_n3A_1721 {offsets = [0, 0, 126], sizes = [4, 32, 2], strides = [1, 1, 1]} : vector<4x32x128xi32> to vector<4x32x2xi32>
    %slice3A_1745 = vector.extract_strided_slice %select_n3A_1721 {offsets = [0, 0, 0], sizes = [4, 32, 126], strides = [1, 1, 1]} : vector<4x32x128xi32> to vector<4x32x126xi32>
    %concatenate3A_1746 = tpu.concatenate %slice3A_1744, %slice3A_1745 in 2 : vector<4x32x2xi32>, vector<4x32x126xi32> -> vector<4x32x128xi32>
    %select_n3A_1747 = arith.select %eq3A_1740, %concatenate3A_1743, %concatenate3A_1746 : vector<4x32x128xi1>, vector<4x32x128xi32>
    %and3A_1748 = arith.constant 2 : i32
    %and3A_1749 = vector.broadcast %and3A_1748 : i32 to vector<4x32x128xi32>
    %and3A_1750 = arith.andi %add3A, %and3A_1749 : vector<4x32x128xi32>
    %eq3A_1751 = arith.constant 0 : i32
    %eq3A_1752 = vector.broadcast %eq3A_1751 : i32 to vector<4x32x128xi32>
    %eq3A_1753 = arith.cmpi eq, %and3A_1750, %eq3A_1752 : vector<4x32x128xi32>
    %and3A_1754 = arith.constant 256 : i32
    %and3A_1755 = vector.broadcast %and3A_1754 : i32 to vector<4x32x128xi32>
    %and3A_1756 = arith.andi %add3A, %and3A_1755 : vector<4x32x128xi32>
    %eq3A_1757 = arith.constant 0 : i32
    %eq3A_1758 = vector.broadcast %eq3A_1757 : i32 to vector<4x32x128xi32>
    %eq3A_1759 = arith.cmpi eq, %and3A_1756, %eq3A_1758 : vector<4x32x128xi32>
    %eq3A_1760 = arith.xori %eq3A_1759, %eq3A_1753 : vector<4x32x128xi1>
    %eq3A_1761 = arith.constant dense<true> : vector<4x32x128xi1>
    %eq3A_1762 = arith.xori %eq3A_1760, %eq3A_1761 : vector<4x32x128xi1>
    %gt3A_1763 = arith.cmpi ugt, %select_n3A_1720, %select_n3A_1734 : vector<4x32x128xi32>
    %eq3A_1764 = arith.cmpi eq, %select_n3A_1720, %select_n3A_1734 : vector<4x32x128xi32>
    %gt3A_1765 = arith.cmpi sgt, %select_n3A_1721, %select_n3A_1747 : vector<4x32x128xi32>
    %and3A_1766 = arith.andi %eq3A_1764, %gt3A_1765 : vector<4x32x128xi1>
    %or3A_1767 = arith.ori %gt3A_1763, %and3A_1766 : vector<4x32x128xi1>
    %eq3A_1768 = arith.xori %or3A_1767, %eq3A_1762 : vector<4x32x128xi1>
    %eq3A_1769 = arith.constant dense<true> : vector<4x32x128xi1>
    %eq3A_1770 = arith.xori %eq3A_1768, %eq3A_1769 : vector<4x32x128xi1>
    %select_n3A_1771 = arith.select %eq3A_1770, %select_n3A_1734, %select_n3A_1720 : vector<4x32x128xi1>, vector<4x32x128xi32>
    %select_n3A_1772 = arith.select %eq3A_1770, %select_n3A_1747, %select_n3A_1721 : vector<4x32x128xi1>, vector<4x32x128xi32>
    %and3A_1773 = arith.constant 1 : i32
    %and3A_1774 = vector.broadcast %and3A_1773 : i32 to vector<4x32x128xi32>
    %and3A_1775 = arith.andi %iota3A_9, %and3A_1774 : vector<4x32x128xi32>
    %eq3A_1776 = arith.constant 0 : i32
    %eq3A_1777 = vector.broadcast %eq3A_1776 : i32 to vector<4x32x128xi32>
    %eq3A_1778 = arith.cmpi eq, %and3A_1775, %eq3A_1777 : vector<4x32x128xi32>
    %slice3A_1779 = vector.extract_strided_slice %select_n3A_1771 {offsets = [0, 0, 1], sizes = [4, 32, 127], strides = [1, 1, 1]} : vector<4x32x128xi32> to vector<4x32x127xi32>
    %slice3A_1780 = vector.extract_strided_slice %select_n3A_1771 {offsets = [0, 0, 0], sizes = [4, 32, 1], strides = [1, 1, 1]} : vector<4x32x128xi32> to vector<4x32x1xi32>
    %concatenate3A_1781 = tpu.concatenate %slice3A_1779, %slice3A_1780 in 2 : vector<4x32x127xi32>, vector<4x32x1xi32> -> vector<4x32x128xi32>
    %slice3A_1782 = vector.extract_strided_slice %select_n3A_1771 {offsets = [0, 0, 127], sizes = [4, 32, 1], strides = [1, 1, 1]} : vector<4x32x128xi32> to vector<4x32x1xi32>
    %slice3A_1783 = vector.extract_strided_slice %select_n3A_1771 {offsets = [0, 0, 0], sizes = [4, 32, 127], strides = [1, 1, 1]} : vector<4x32x128xi32> to vector<4x32x127xi32>
    %concatenate3A_1784 = tpu.concatenate %slice3A_1782, %slice3A_1783 in 2 : vector<4x32x1xi32>, vector<4x32x127xi32> -> vector<4x32x128xi32>
    %select_n3A_1785 = arith.select %eq3A_1778, %concatenate3A_1781, %concatenate3A_1784 : vector<4x32x128xi1>, vector<4x32x128xi32>
    %and3A_1786 = arith.constant 1 : i32
    %and3A_1787 = vector.broadcast %and3A_1786 : i32 to vector<4x32x128xi32>
    %and3A_1788 = arith.andi %iota3A_9, %and3A_1787 : vector<4x32x128xi32>
    %eq3A_1789 = arith.constant 0 : i32
    %eq3A_1790 = vector.broadcast %eq3A_1789 : i32 to vector<4x32x128xi32>
    %eq3A_1791 = arith.cmpi eq, %and3A_1788, %eq3A_1790 : vector<4x32x128xi32>
    %slice3A_1792 = vector.extract_strided_slice %select_n3A_1772 {offsets = [0, 0, 1], sizes = [4, 32, 127], strides = [1, 1, 1]} : vector<4x32x128xi32> to vector<4x32x127xi32>
    %slice3A_1793 = vector.extract_strided_slice %select_n3A_1772 {offsets = [0, 0, 0], sizes = [4, 32, 1], strides = [1, 1, 1]} : vector<4x32x128xi32> to vector<4x32x1xi32>
    %concatenate3A_1794 = tpu.concatenate %slice3A_1792, %slice3A_1793 in 2 : vector<4x32x127xi32>, vector<4x32x1xi32> -> vector<4x32x128xi32>
    %slice3A_1795 = vector.extract_strided_slice %select_n3A_1772 {offsets = [0, 0, 127], sizes = [4, 32, 1], strides = [1, 1, 1]} : vector<4x32x128xi32> to vector<4x32x1xi32>
    %slice3A_1796 = vector.extract_strided_slice %select_n3A_1772 {offsets = [0, 0, 0], sizes = [4, 32, 127], strides = [1, 1, 1]} : vector<4x32x128xi32> to vector<4x32x127xi32>
    %concatenate3A_1797 = tpu.concatenate %slice3A_1795, %slice3A_1796 in 2 : vector<4x32x1xi32>, vector<4x32x127xi32> -> vector<4x32x128xi32>
    %select_n3A_1798 = arith.select %eq3A_1791, %concatenate3A_1794, %concatenate3A_1797 : vector<4x32x128xi1>, vector<4x32x128xi32>
    %and3A_1799 = arith.constant 1 : i32
    %and3A_1800 = vector.broadcast %and3A_1799 : i32 to vector<4x32x128xi32>
    %and3A_1801 = arith.andi %add3A, %and3A_1800 : vector<4x32x128xi32>
    %eq3A_1802 = arith.constant 0 : i32
    %eq3A_1803 = vector.broadcast %eq3A_1802 : i32 to vector<4x32x128xi32>
    %eq3A_1804 = arith.cmpi eq, %and3A_1801, %eq3A_1803 : vector<4x32x128xi32>
    %and3A_1805 = arith.constant 256 : i32
    %and3A_1806 = vector.broadcast %and3A_1805 : i32 to vector<4x32x128xi32>
    %and3A_1807 = arith.andi %add3A, %and3A_1806 : vector<4x32x128xi32>
    %eq3A_1808 = arith.constant 0 : i32
    %eq3A_1809 = vector.broadcast %eq3A_1808 : i32 to vector<4x32x128xi32>
    %eq3A_1810 = arith.cmpi eq, %and3A_1807, %eq3A_1809 : vector<4x32x128xi32>
    %eq3A_1811 = arith.xori %eq3A_1810, %eq3A_1804 : vector<4x32x128xi1>
    %eq3A_1812 = arith.constant dense<true> : vector<4x32x128xi1>
    %eq3A_1813 = arith.xori %eq3A_1811, %eq3A_1812 : vector<4x32x128xi1>
    %gt3A_1814 = arith.cmpi ugt, %select_n3A_1771, %select_n3A_1785 : vector<4x32x128xi32>
    %eq3A_1815 = arith.cmpi eq, %select_n3A_1771, %select_n3A_1785 : vector<4x32x128xi32>
    %gt3A_1816 = arith.cmpi sgt, %select_n3A_1772, %select_n3A_1798 : vector<4x32x128xi32>
    %and3A_1817 = arith.andi %eq3A_1815, %gt3A_1816 : vector<4x32x128xi1>
    %or3A_1818 = arith.ori %gt3A_1814, %and3A_1817 : vector<4x32x128xi1>
    %eq3A_1819 = arith.xori %or3A_1818, %eq3A_1813 : vector<4x32x128xi1>
    %eq3A_1820 = arith.constant dense<true> : vector<4x32x128xi1>
    %eq3A_1821 = arith.xori %eq3A_1819, %eq3A_1820 : vector<4x32x128xi1>
    %select_n3A_1822 = arith.select %eq3A_1821, %select_n3A_1785, %select_n3A_1771 : vector<4x32x128xi1>, vector<4x32x128xi32>
    %select_n3A_1823 = arith.select %eq3A_1821, %select_n3A_1798, %select_n3A_1772 : vector<4x32x128xi1>, vector<4x32x128xi32>
    %reshape3A_1824 = vector.shape_cast %select_n3A_1822 : vector<4x32x128xi32> to vector<4x8x2x2x128xi32>
    %slice3A_1825 = vector.extract_strided_slice %reshape3A_1824 {offsets = [0, 0, 1, 0, 0], sizes = [4, 8, 1, 2, 128], strides = [1, 1, 1, 1, 1]} : vector<4x8x2x2x128xi32> to vector<4x8x1x2x128xi32>
    %slice3A_1826 = vector.extract_strided_slice %reshape3A_1824 {offsets = [0, 0, 0, 0, 0], sizes = [4, 8, 1, 2, 128], strides = [1, 1, 1, 1, 1]} : vector<4x8x2x2x128xi32> to vector<4x8x1x2x128xi32>
    %concatenate3A_1827 = tpu.concatenate %slice3A_1825, %slice3A_1826 in 2 : vector<4x8x1x2x128xi32>, vector<4x8x1x2x128xi32> -> vector<4x8x2x2x128xi32>
    %reshape3A_1828 = vector.shape_cast %concatenate3A_1827 : vector<4x8x2x2x128xi32> to vector<4x32x128xi32>
    %reshape3A_1829 = vector.shape_cast %select_n3A_1823 : vector<4x32x128xi32> to vector<4x8x2x2x128xi32>
    %slice3A_1830 = vector.extract_strided_slice %reshape3A_1829 {offsets = [0, 0, 1, 0, 0], sizes = [4, 8, 1, 2, 128], strides = [1, 1, 1, 1, 1]} : vector<4x8x2x2x128xi32> to vector<4x8x1x2x128xi32>
    %slice3A_1831 = vector.extract_strided_slice %reshape3A_1829 {offsets = [0, 0, 0, 0, 0], sizes = [4, 8, 1, 2, 128], strides = [1, 1, 1, 1, 1]} : vector<4x8x2x2x128xi32> to vector<4x8x1x2x128xi32>
    %concatenate3A_1832 = tpu.concatenate %slice3A_1830, %slice3A_1831 in 2 : vector<4x8x1x2x128xi32>, vector<4x8x1x2x128xi32> -> vector<4x8x2x2x128xi32>
    %reshape3A_1833 = vector.shape_cast %concatenate3A_1832 : vector<4x8x2x2x128xi32> to vector<4x32x128xi32>
    %and3A_1834 = arith.constant 256 : i32
    %and3A_1835 = vector.broadcast %and3A_1834 : i32 to vector<4x32x128xi32>
    %and3A_1836 = arith.andi %add3A, %and3A_1835 : vector<4x32x128xi32>
    %eq3A_1837 = arith.constant 0 : i32
    %eq3A_1838 = vector.broadcast %eq3A_1837 : i32 to vector<4x32x128xi32>
    %eq3A_1839 = arith.cmpi eq, %and3A_1836, %eq3A_1838 : vector<4x32x128xi32>
    %and3A_1840 = arith.constant 512 : i32
    %and3A_1841 = vector.broadcast %and3A_1840 : i32 to vector<4x32x128xi32>
    %and3A_1842 = arith.andi %add3A, %and3A_1841 : vector<4x32x128xi32>
    %eq3A_1843 = arith.constant 0 : i32
    %eq3A_1844 = vector.broadcast %eq3A_1843 : i32 to vector<4x32x128xi32>
    %eq3A_1845 = arith.cmpi eq, %and3A_1842, %eq3A_1844 : vector<4x32x128xi32>
    %eq3A_1846 = arith.xori %eq3A_1845, %eq3A_1839 : vector<4x32x128xi1>
    %eq3A_1847 = arith.constant dense<true> : vector<4x32x128xi1>
    %eq3A_1848 = arith.xori %eq3A_1846, %eq3A_1847 : vector<4x32x128xi1>
    %gt3A_1849 = arith.cmpi ugt, %select_n3A_1822, %reshape3A_1828 : vector<4x32x128xi32>
    %eq3A_1850 = arith.cmpi eq, %select_n3A_1822, %reshape3A_1828 : vector<4x32x128xi32>
    %gt3A_1851 = arith.cmpi sgt, %select_n3A_1823, %reshape3A_1833 : vector<4x32x128xi32>
    %and3A_1852 = arith.andi %eq3A_1850, %gt3A_1851 : vector<4x32x128xi1>
    %or3A_1853 = arith.ori %gt3A_1849, %and3A_1852 : vector<4x32x128xi1>
    %eq3A_1854 = arith.xori %or3A_1853, %eq3A_1848 : vector<4x32x128xi1>
    %eq3A_1855 = arith.constant dense<true> : vector<4x32x128xi1>
    %eq3A_1856 = arith.xori %eq3A_1854, %eq3A_1855 : vector<4x32x128xi1>
    %select_n3A_1857 = arith.select %eq3A_1856, %reshape3A_1828, %select_n3A_1822 : vector<4x32x128xi1>, vector<4x32x128xi32>
    %select_n3A_1858 = arith.select %eq3A_1856, %reshape3A_1833, %select_n3A_1823 : vector<4x32x128xi1>, vector<4x32x128xi32>
    %reshape3A_1859 = vector.shape_cast %select_n3A_1857 : vector<4x32x128xi32> to vector<4x16x2x1x128xi32>
    %slice3A_1860 = vector.extract_strided_slice %reshape3A_1859 {offsets = [0, 0, 1, 0, 0], sizes = [4, 16, 1, 1, 128], strides = [1, 1, 1, 1, 1]} : vector<4x16x2x1x128xi32> to vector<4x16x1x1x128xi32>
    %slice3A_1861 = vector.extract_strided_slice %reshape3A_1859 {offsets = [0, 0, 0, 0, 0], sizes = [4, 16, 1, 1, 128], strides = [1, 1, 1, 1, 1]} : vector<4x16x2x1x128xi32> to vector<4x16x1x1x128xi32>
    %concatenate3A_1862 = tpu.concatenate %slice3A_1860, %slice3A_1861 in 2 : vector<4x16x1x1x128xi32>, vector<4x16x1x1x128xi32> -> vector<4x16x2x1x128xi32>
    %reshape3A_1863 = vector.shape_cast %concatenate3A_1862 : vector<4x16x2x1x128xi32> to vector<4x32x128xi32>
    %reshape3A_1864 = vector.shape_cast %select_n3A_1858 : vector<4x32x128xi32> to vector<4x16x2x1x128xi32>
    %slice3A_1865 = vector.extract_strided_slice %reshape3A_1864 {offsets = [0, 0, 1, 0, 0], sizes = [4, 16, 1, 1, 128], strides = [1, 1, 1, 1, 1]} : vector<4x16x2x1x128xi32> to vector<4x16x1x1x128xi32>
    %slice3A_1866 = vector.extract_strided_slice %reshape3A_1864 {offsets = [0, 0, 0, 0, 0], sizes = [4, 16, 1, 1, 128], strides = [1, 1, 1, 1, 1]} : vector<4x16x2x1x128xi32> to vector<4x16x1x1x128xi32>
    %concatenate3A_1867 = tpu.concatenate %slice3A_1865, %slice3A_1866 in 2 : vector<4x16x1x1x128xi32>, vector<4x16x1x1x128xi32> -> vector<4x16x2x1x128xi32>
    %reshape3A_1868 = vector.shape_cast %concatenate3A_1867 : vector<4x16x2x1x128xi32> to vector<4x32x128xi32>
    %and3A_1869 = arith.constant 128 : i32
    %and3A_1870 = vector.broadcast %and3A_1869 : i32 to vector<4x32x128xi32>
    %and3A_1871 = arith.andi %add3A, %and3A_1870 : vector<4x32x128xi32>
    %eq3A_1872 = arith.constant 0 : i32
    %eq3A_1873 = vector.broadcast %eq3A_1872 : i32 to vector<4x32x128xi32>
    %eq3A_1874 = arith.cmpi eq, %and3A_1871, %eq3A_1873 : vector<4x32x128xi32>
    %and3A_1875 = arith.constant 512 : i32
    %and3A_1876 = vector.broadcast %and3A_1875 : i32 to vector<4x32x128xi32>
    %and3A_1877 = arith.andi %add3A, %and3A_1876 : vector<4x32x128xi32>
    %eq3A_1878 = arith.constant 0 : i32
    %eq3A_1879 = vector.broadcast %eq3A_1878 : i32 to vector<4x32x128xi32>
    %eq3A_1880 = arith.cmpi eq, %and3A_1877, %eq3A_1879 : vector<4x32x128xi32>
    %eq3A_1881 = arith.xori %eq3A_1880, %eq3A_1874 : vector<4x32x128xi1>
    %eq3A_1882 = arith.constant dense<true> : vector<4x32x128xi1>
    %eq3A_1883 = arith.xori %eq3A_1881, %eq3A_1882 : vector<4x32x128xi1>
    %gt3A_1884 = arith.cmpi ugt, %select_n3A_1857, %reshape3A_1863 : vector<4x32x128xi32>
    %eq3A_1885 = arith.cmpi eq, %select_n3A_1857, %reshape3A_1863 : vector<4x32x128xi32>
    %gt3A_1886 = arith.cmpi sgt, %select_n3A_1858, %reshape3A_1868 : vector<4x32x128xi32>
    %and3A_1887 = arith.andi %eq3A_1885, %gt3A_1886 : vector<4x32x128xi1>
    %or3A_1888 = arith.ori %gt3A_1884, %and3A_1887 : vector<4x32x128xi1>
    %eq3A_1889 = arith.xori %or3A_1888, %eq3A_1883 : vector<4x32x128xi1>
    %eq3A_1890 = arith.constant dense<true> : vector<4x32x128xi1>
    %eq3A_1891 = arith.xori %eq3A_1889, %eq3A_1890 : vector<4x32x128xi1>
    %select_n3A_1892 = arith.select %eq3A_1891, %reshape3A_1863, %select_n3A_1857 : vector<4x32x128xi1>, vector<4x32x128xi32>
    %select_n3A_1893 = arith.select %eq3A_1891, %reshape3A_1868, %select_n3A_1858 : vector<4x32x128xi1>, vector<4x32x128xi32>
    %and3A_1894 = arith.constant 64 : i32
    %and3A_1895 = vector.broadcast %and3A_1894 : i32 to vector<4x32x128xi32>
    %and3A_1896 = arith.andi %iota3A_9, %and3A_1895 : vector<4x32x128xi32>
    %eq3A_1897 = arith.constant 0 : i32
    %eq3A_1898 = vector.broadcast %eq3A_1897 : i32 to vector<4x32x128xi32>
    %eq3A_1899 = arith.cmpi eq, %and3A_1896, %eq3A_1898 : vector<4x32x128xi32>
    %slice3A_1900 = vector.extract_strided_slice %select_n3A_1892 {offsets = [0, 0, 64], sizes = [4, 32, 64], strides = [1, 1, 1]} : vector<4x32x128xi32> to vector<4x32x64xi32>
    %slice3A_1901 = vector.extract_strided_slice %select_n3A_1892 {offsets = [0, 0, 0], sizes = [4, 32, 64], strides = [1, 1, 1]} : vector<4x32x128xi32> to vector<4x32x64xi32>
    %concatenate3A_1902 = tpu.concatenate %slice3A_1900, %slice3A_1901 in 2 : vector<4x32x64xi32>, vector<4x32x64xi32> -> vector<4x32x128xi32>
    %slice3A_1903 = vector.extract_strided_slice %select_n3A_1892 {offsets = [0, 0, 64], sizes = [4, 32, 64], strides = [1, 1, 1]} : vector<4x32x128xi32> to vector<4x32x64xi32>
    %slice3A_1904 = vector.extract_strided_slice %select_n3A_1892 {offsets = [0, 0, 0], sizes = [4, 32, 64], strides = [1, 1, 1]} : vector<4x32x128xi32> to vector<4x32x64xi32>
    %concatenate3A_1905 = tpu.concatenate %slice3A_1903, %slice3A_1904 in 2 : vector<4x32x64xi32>, vector<4x32x64xi32> -> vector<4x32x128xi32>
    %select_n3A_1906 = arith.select %eq3A_1899, %concatenate3A_1902, %concatenate3A_1905 : vector<4x32x128xi1>, vector<4x32x128xi32>
    %and3A_1907 = arith.constant 64 : i32
    %and3A_1908 = vector.broadcast %and3A_1907 : i32 to vector<4x32x128xi32>
    %and3A_1909 = arith.andi %iota3A_9, %and3A_1908 : vector<4x32x128xi32>
    %eq3A_1910 = arith.constant 0 : i32
    %eq3A_1911 = vector.broadcast %eq3A_1910 : i32 to vector<4x32x128xi32>
    %eq3A_1912 = arith.cmpi eq, %and3A_1909, %eq3A_1911 : vector<4x32x128xi32>
    %slice3A_1913 = vector.extract_strided_slice %select_n3A_1893 {offsets = [0, 0, 64], sizes = [4, 32, 64], strides = [1, 1, 1]} : vector<4x32x128xi32> to vector<4x32x64xi32>
    %slice3A_1914 = vector.extract_strided_slice %select_n3A_1893 {offsets = [0, 0, 0], sizes = [4, 32, 64], strides = [1, 1, 1]} : vector<4x32x128xi32> to vector<4x32x64xi32>
    %concatenate3A_1915 = tpu.concatenate %slice3A_1913, %slice3A_1914 in 2 : vector<4x32x64xi32>, vector<4x32x64xi32> -> vector<4x32x128xi32>
    %slice3A_1916 = vector.extract_strided_slice %select_n3A_1893 {offsets = [0, 0, 64], sizes = [4, 32, 64], strides = [1, 1, 1]} : vector<4x32x128xi32> to vector<4x32x64xi32>
    %slice3A_1917 = vector.extract_strided_slice %select_n3A_1893 {offsets = [0, 0, 0], sizes = [4, 32, 64], strides = [1, 1, 1]} : vector<4x32x128xi32> to vector<4x32x64xi32>
    %concatenate3A_1918 = tpu.concatenate %slice3A_1916, %slice3A_1917 in 2 : vector<4x32x64xi32>, vector<4x32x64xi32> -> vector<4x32x128xi32>
    %select_n3A_1919 = arith.select %eq3A_1912, %concatenate3A_1915, %concatenate3A_1918 : vector<4x32x128xi1>, vector<4x32x128xi32>
    %and3A_1920 = arith.constant 64 : i32
    %and3A_1921 = vector.broadcast %and3A_1920 : i32 to vector<4x32x128xi32>
    %and3A_1922 = arith.andi %add3A, %and3A_1921 : vector<4x32x128xi32>
    %eq3A_1923 = arith.constant 0 : i32
    %eq3A_1924 = vector.broadcast %eq3A_1923 : i32 to vector<4x32x128xi32>
    %eq3A_1925 = arith.cmpi eq, %and3A_1922, %eq3A_1924 : vector<4x32x128xi32>
    %and3A_1926 = arith.constant 512 : i32
    %and3A_1927 = vector.broadcast %and3A_1926 : i32 to vector<4x32x128xi32>
    %and3A_1928 = arith.andi %add3A, %and3A_1927 : vector<4x32x128xi32>
    %eq3A_1929 = arith.constant 0 : i32
    %eq3A_1930 = vector.broadcast %eq3A_1929 : i32 to vector<4x32x128xi32>
    %eq3A_1931 = arith.cmpi eq, %and3A_1928, %eq3A_1930 : vector<4x32x128xi32>
    %eq3A_1932 = arith.xori %eq3A_1931, %eq3A_1925 : vector<4x32x128xi1>
    %eq3A_1933 = arith.constant dense<true> : vector<4x32x128xi1>
    %eq3A_1934 = arith.xori %eq3A_1932, %eq3A_1933 : vector<4x32x128xi1>
    %gt3A_1935 = arith.cmpi ugt, %select_n3A_1892, %select_n3A_1906 : vector<4x32x128xi32>
    %eq3A_1936 = arith.cmpi eq, %select_n3A_1892, %select_n3A_1906 : vector<4x32x128xi32>
    %gt3A_1937 = arith.cmpi sgt, %select_n3A_1893, %select_n3A_1919 : vector<4x32x128xi32>
    %and3A_1938 = arith.andi %eq3A_1936, %gt3A_1937 : vector<4x32x128xi1>
    %or3A_1939 = arith.ori %gt3A_1935, %and3A_1938 : vector<4x32x128xi1>
    %eq3A_1940 = arith.xori %or3A_1939, %eq3A_1934 : vector<4x32x128xi1>
    %eq3A_1941 = arith.constant dense<true> : vector<4x32x128xi1>
    %eq3A_1942 = arith.xori %eq3A_1940, %eq3A_1941 : vector<4x32x128xi1>
    %select_n3A_1943 = arith.select %eq3A_1942, %select_n3A_1906, %select_n3A_1892 : vector<4x32x128xi1>, vector<4x32x128xi32>
    %select_n3A_1944 = arith.select %eq3A_1942, %select_n3A_1919, %select_n3A_1893 : vector<4x32x128xi1>, vector<4x32x128xi32>
    %and3A_1945 = arith.constant 32 : i32
    %and3A_1946 = vector.broadcast %and3A_1945 : i32 to vector<4x32x128xi32>
    %and3A_1947 = arith.andi %iota3A_9, %and3A_1946 : vector<4x32x128xi32>
    %eq3A_1948 = arith.constant 0 : i32
    %eq3A_1949 = vector.broadcast %eq3A_1948 : i32 to vector<4x32x128xi32>
    %eq3A_1950 = arith.cmpi eq, %and3A_1947, %eq3A_1949 : vector<4x32x128xi32>
    %slice3A_1951 = vector.extract_strided_slice %select_n3A_1943 {offsets = [0, 0, 32], sizes = [4, 32, 96], strides = [1, 1, 1]} : vector<4x32x128xi32> to vector<4x32x96xi32>
    %slice3A_1952 = vector.extract_strided_slice %select_n3A_1943 {offsets = [0, 0, 0], sizes = [4, 32, 32], strides = [1, 1, 1]} : vector<4x32x128xi32> to vector<4x32x32xi32>
    %concatenate3A_1953 = tpu.concatenate %slice3A_1951, %slice3A_1952 in 2 : vector<4x32x96xi32>, vector<4x32x32xi32> -> vector<4x32x128xi32>
    %slice3A_1954 = vector.extract_strided_slice %select_n3A_1943 {offsets = [0, 0, 96], sizes = [4, 32, 32], strides = [1, 1, 1]} : vector<4x32x128xi32> to vector<4x32x32xi32>
    %slice3A_1955 = vector.extract_strided_slice %select_n3A_1943 {offsets = [0, 0, 0], sizes = [4, 32, 96], strides = [1, 1, 1]} : vector<4x32x128xi32> to vector<4x32x96xi32>
    %concatenate3A_1956 = tpu.concatenate %slice3A_1954, %slice3A_1955 in 2 : vector<4x32x32xi32>, vector<4x32x96xi32> -> vector<4x32x128xi32>
    %select_n3A_1957 = arith.select %eq3A_1950, %concatenate3A_1953, %concatenate3A_1956 : vector<4x32x128xi1>, vector<4x32x128xi32>
    %and3A_1958 = arith.constant 32 : i32
    %and3A_1959 = vector.broadcast %and3A_1958 : i32 to vector<4x32x128xi32>
    %and3A_1960 = arith.andi %iota3A_9, %and3A_1959 : vector<4x32x128xi32>
    %eq3A_1961 = arith.constant 0 : i32
    %eq3A_1962 = vector.broadcast %eq3A_1961 : i32 to vector<4x32x128xi32>
    %eq3A_1963 = arith.cmpi eq, %and3A_1960, %eq3A_1962 : vector<4x32x128xi32>
    %slice3A_1964 = vector.extract_strided_slice %select_n3A_1944 {offsets = [0, 0, 32], sizes = [4, 32, 96], strides = [1, 1, 1]} : vector<4x32x128xi32> to vector<4x32x96xi32>
    %slice3A_1965 = vector.extract_strided_slice %select_n3A_1944 {offsets = [0, 0, 0], sizes = [4, 32, 32], strides = [1, 1, 1]} : vector<4x32x128xi32> to vector<4x32x32xi32>
    %concatenate3A_1966 = tpu.concatenate %slice3A_1964, %slice3A_1965 in 2 : vector<4x32x96xi32>, vector<4x32x32xi32> -> vector<4x32x128xi32>
    %slice3A_1967 = vector.extract_strided_slice %select_n3A_1944 {offsets = [0, 0, 96], sizes = [4, 32, 32], strides = [1, 1, 1]} : vector<4x32x128xi32> to vector<4x32x32xi32>
    %slice3A_1968 = vector.extract_strided_slice %select_n3A_1944 {offsets = [0, 0, 0], sizes = [4, 32, 96], strides = [1, 1, 1]} : vector<4x32x128xi32> to vector<4x32x96xi32>
    %concatenate3A_1969 = tpu.concatenate %slice3A_1967, %slice3A_1968 in 2 : vector<4x32x32xi32>, vector<4x32x96xi32> -> vector<4x32x128xi32>
    %select_n3A_1970 = arith.select %eq3A_1963, %concatenate3A_1966, %concatenate3A_1969 : vector<4x32x128xi1>, vector<4x32x128xi32>
    %and3A_1971 = arith.constant 32 : i32
    %and3A_1972 = vector.broadcast %and3A_1971 : i32 to vector<4x32x128xi32>
    %and3A_1973 = arith.andi %add3A, %and3A_1972 : vector<4x32x128xi32>
    %eq3A_1974 = arith.constant 0 : i32
    %eq3A_1975 = vector.broadcast %eq3A_1974 : i32 to vector<4x32x128xi32>
    %eq3A_1976 = arith.cmpi eq, %and3A_1973, %eq3A_1975 : vector<4x32x128xi32>
    %and3A_1977 = arith.constant 512 : i32
    %and3A_1978 = vector.broadcast %and3A_1977 : i32 to vector<4x32x128xi32>
    %and3A_1979 = arith.andi %add3A, %and3A_1978 : vector<4x32x128xi32>
    %eq3A_1980 = arith.constant 0 : i32
    %eq3A_1981 = vector.broadcast %eq3A_1980 : i32 to vector<4x32x128xi32>
    %eq3A_1982 = arith.cmpi eq, %and3A_1979, %eq3A_1981 : vector<4x32x128xi32>
    %eq3A_1983 = arith.xori %eq3A_1982, %eq3A_1976 : vector<4x32x128xi1>
    %eq3A_1984 = arith.constant dense<true> : vector<4x32x128xi1>
    %eq3A_1985 = arith.xori %eq3A_1983, %eq3A_1984 : vector<4x32x128xi1>
    %gt3A_1986 = arith.cmpi ugt, %select_n3A_1943, %select_n3A_1957 : vector<4x32x128xi32>
    %eq3A_1987 = arith.cmpi eq, %select_n3A_1943, %select_n3A_1957 : vector<4x32x128xi32>
    %gt3A_1988 = arith.cmpi sgt, %select_n3A_1944, %select_n3A_1970 : vector<4x32x128xi32>
    %and3A_1989 = arith.andi %eq3A_1987, %gt3A_1988 : vector<4x32x128xi1>
    %or3A_1990 = arith.ori %gt3A_1986, %and3A_1989 : vector<4x32x128xi1>
    %eq3A_1991 = arith.xori %or3A_1990, %eq3A_1985 : vector<4x32x128xi1>
    %eq3A_1992 = arith.constant dense<true> : vector<4x32x128xi1>
    %eq3A_1993 = arith.xori %eq3A_1991, %eq3A_1992 : vector<4x32x128xi1>
    %select_n3A_1994 = arith.select %eq3A_1993, %select_n3A_1957, %select_n3A_1943 : vector<4x32x128xi1>, vector<4x32x128xi32>
    %select_n3A_1995 = arith.select %eq3A_1993, %select_n3A_1970, %select_n3A_1944 : vector<4x32x128xi1>, vector<4x32x128xi32>
    %and3A_1996 = arith.constant 16 : i32
    %and3A_1997 = vector.broadcast %and3A_1996 : i32 to vector<4x32x128xi32>
    %and3A_1998 = arith.andi %iota3A_9, %and3A_1997 : vector<4x32x128xi32>
    %eq3A_1999 = arith.constant 0 : i32
    %eq3A_2000 = vector.broadcast %eq3A_1999 : i32 to vector<4x32x128xi32>
    %eq3A_2001 = arith.cmpi eq, %and3A_1998, %eq3A_2000 : vector<4x32x128xi32>
    %slice3A_2002 = vector.extract_strided_slice %select_n3A_1994 {offsets = [0, 0, 16], sizes = [4, 32, 112], strides = [1, 1, 1]} : vector<4x32x128xi32> to vector<4x32x112xi32>
    %slice3A_2003 = vector.extract_strided_slice %select_n3A_1994 {offsets = [0, 0, 0], sizes = [4, 32, 16], strides = [1, 1, 1]} : vector<4x32x128xi32> to vector<4x32x16xi32>
    %concatenate3A_2004 = tpu.concatenate %slice3A_2002, %slice3A_2003 in 2 : vector<4x32x112xi32>, vector<4x32x16xi32> -> vector<4x32x128xi32>
    %slice3A_2005 = vector.extract_strided_slice %select_n3A_1994 {offsets = [0, 0, 112], sizes = [4, 32, 16], strides = [1, 1, 1]} : vector<4x32x128xi32> to vector<4x32x16xi32>
    %slice3A_2006 = vector.extract_strided_slice %select_n3A_1994 {offsets = [0, 0, 0], sizes = [4, 32, 112], strides = [1, 1, 1]} : vector<4x32x128xi32> to vector<4x32x112xi32>
    %concatenate3A_2007 = tpu.concatenate %slice3A_2005, %slice3A_2006 in 2 : vector<4x32x16xi32>, vector<4x32x112xi32> -> vector<4x32x128xi32>
    %select_n3A_2008 = arith.select %eq3A_2001, %concatenate3A_2004, %concatenate3A_2007 : vector<4x32x128xi1>, vector<4x32x128xi32>
    %and3A_2009 = arith.constant 16 : i32
    %and3A_2010 = vector.broadcast %and3A_2009 : i32 to vector<4x32x128xi32>
    %and3A_2011 = arith.andi %iota3A_9, %and3A_2010 : vector<4x32x128xi32>
    %eq3A_2012 = arith.constant 0 : i32
    %eq3A_2013 = vector.broadcast %eq3A_2012 : i32 to vector<4x32x128xi32>
    %eq3A_2014 = arith.cmpi eq, %and3A_2011, %eq3A_2013 : vector<4x32x128xi32>
    %slice3A_2015 = vector.extract_strided_slice %select_n3A_1995 {offsets = [0, 0, 16], sizes = [4, 32, 112], strides = [1, 1, 1]} : vector<4x32x128xi32> to vector<4x32x112xi32>
    %slice3A_2016 = vector.extract_strided_slice %select_n3A_1995 {offsets = [0, 0, 0], sizes = [4, 32, 16], strides = [1, 1, 1]} : vector<4x32x128xi32> to vector<4x32x16xi32>
    %concatenate3A_2017 = tpu.concatenate %slice3A_2015, %slice3A_2016 in 2 : vector<4x32x112xi32>, vector<4x32x16xi32> -> vector<4x32x128xi32>
    %slice3A_2018 = vector.extract_strided_slice %select_n3A_1995 {offsets = [0, 0, 112], sizes = [4, 32, 16], strides = [1, 1, 1]} : vector<4x32x128xi32> to vector<4x32x16xi32>
    %slice3A_2019 = vector.extract_strided_slice %select_n3A_1995 {offsets = [0, 0, 0], sizes = [4, 32, 112], strides = [1, 1, 1]} : vector<4x32x128xi32> to vector<4x32x112xi32>
    %concatenate3A_2020 = tpu.concatenate %slice3A_2018, %slice3A_2019 in 2 : vector<4x32x16xi32>, vector<4x32x112xi32> -> vector<4x32x128xi32>
    %select_n3A_2021 = arith.select %eq3A_2014, %concatenate3A_2017, %concatenate3A_2020 : vector<4x32x128xi1>, vector<4x32x128xi32>
    %and3A_2022 = arith.constant 16 : i32
    %and3A_2023 = vector.broadcast %and3A_2022 : i32 to vector<4x32x128xi32>
    %and3A_2024 = arith.andi %add3A, %and3A_2023 : vector<4x32x128xi32>
    %eq3A_2025 = arith.constant 0 : i32
    %eq3A_2026 = vector.broadcast %eq3A_2025 : i32 to vector<4x32x128xi32>
    %eq3A_2027 = arith.cmpi eq, %and3A_2024, %eq3A_2026 : vector<4x32x128xi32>
    %and3A_2028 = arith.constant 512 : i32
    %and3A_2029 = vector.broadcast %and3A_2028 : i32 to vector<4x32x128xi32>
    %and3A_2030 = arith.andi %add3A, %and3A_2029 : vector<4x32x128xi32>
    %eq3A_2031 = arith.constant 0 : i32
    %eq3A_2032 = vector.broadcast %eq3A_2031 : i32 to vector<4x32x128xi32>
    %eq3A_2033 = arith.cmpi eq, %and3A_2030, %eq3A_2032 : vector<4x32x128xi32>
    %eq3A_2034 = arith.xori %eq3A_2033, %eq3A_2027 : vector<4x32x128xi1>
    %eq3A_2035 = arith.constant dense<true> : vector<4x32x128xi1>
    %eq3A_2036 = arith.xori %eq3A_2034, %eq3A_2035 : vector<4x32x128xi1>
    %gt3A_2037 = arith.cmpi ugt, %select_n3A_1994, %select_n3A_2008 : vector<4x32x128xi32>
    %eq3A_2038 = arith.cmpi eq, %select_n3A_1994, %select_n3A_2008 : vector<4x32x128xi32>
    %gt3A_2039 = arith.cmpi sgt, %select_n3A_1995, %select_n3A_2021 : vector<4x32x128xi32>
    %and3A_2040 = arith.andi %eq3A_2038, %gt3A_2039 : vector<4x32x128xi1>
    %or3A_2041 = arith.ori %gt3A_2037, %and3A_2040 : vector<4x32x128xi1>
    %eq3A_2042 = arith.xori %or3A_2041, %eq3A_2036 : vector<4x32x128xi1>
    %eq3A_2043 = arith.constant dense<true> : vector<4x32x128xi1>
    %eq3A_2044 = arith.xori %eq3A_2042, %eq3A_2043 : vector<4x32x128xi1>
    %select_n3A_2045 = arith.select %eq3A_2044, %select_n3A_2008, %select_n3A_1994 : vector<4x32x128xi1>, vector<4x32x128xi32>
    %select_n3A_2046 = arith.select %eq3A_2044, %select_n3A_2021, %select_n3A_1995 : vector<4x32x128xi1>, vector<4x32x128xi32>
    %and3A_2047 = arith.constant 8 : i32
    %and3A_2048 = vector.broadcast %and3A_2047 : i32 to vector<4x32x128xi32>
    %and3A_2049 = arith.andi %iota3A_9, %and3A_2048 : vector<4x32x128xi32>
    %eq3A_2050 = arith.constant 0 : i32
    %eq3A_2051 = vector.broadcast %eq3A_2050 : i32 to vector<4x32x128xi32>
    %eq3A_2052 = arith.cmpi eq, %and3A_2049, %eq3A_2051 : vector<4x32x128xi32>
    %slice3A_2053 = vector.extract_strided_slice %select_n3A_2045 {offsets = [0, 0, 8], sizes = [4, 32, 120], strides = [1, 1, 1]} : vector<4x32x128xi32> to vector<4x32x120xi32>
    %slice3A_2054 = vector.extract_strided_slice %select_n3A_2045 {offsets = [0, 0, 0], sizes = [4, 32, 8], strides = [1, 1, 1]} : vector<4x32x128xi32> to vector<4x32x8xi32>
    %concatenate3A_2055 = tpu.concatenate %slice3A_2053, %slice3A_2054 in 2 : vector<4x32x120xi32>, vector<4x32x8xi32> -> vector<4x32x128xi32>
    %slice3A_2056 = vector.extract_strided_slice %select_n3A_2045 {offsets = [0, 0, 120], sizes = [4, 32, 8], strides = [1, 1, 1]} : vector<4x32x128xi32> to vector<4x32x8xi32>
    %slice3A_2057 = vector.extract_strided_slice %select_n3A_2045 {offsets = [0, 0, 0], sizes = [4, 32, 120], strides = [1, 1, 1]} : vector<4x32x128xi32> to vector<4x32x120xi32>
    %concatenate3A_2058 = tpu.concatenate %slice3A_2056, %slice3A_2057 in 2 : vector<4x32x8xi32>, vector<4x32x120xi32> -> vector<4x32x128xi32>
    %select_n3A_2059 = arith.select %eq3A_2052, %concatenate3A_2055, %concatenate3A_2058 : vector<4x32x128xi1>, vector<4x32x128xi32>
    %and3A_2060 = arith.constant 8 : i32
    %and3A_2061 = vector.broadcast %and3A_2060 : i32 to vector<4x32x128xi32>
    %and3A_2062 = arith.andi %iota3A_9, %and3A_2061 : vector<4x32x128xi32>
    %eq3A_2063 = arith.constant 0 : i32
    %eq3A_2064 = vector.broadcast %eq3A_2063 : i32 to vector<4x32x128xi32>
    %eq3A_2065 = arith.cmpi eq, %and3A_2062, %eq3A_2064 : vector<4x32x128xi32>
    %slice3A_2066 = vector.extract_strided_slice %select_n3A_2046 {offsets = [0, 0, 8], sizes = [4, 32, 120], strides = [1, 1, 1]} : vector<4x32x128xi32> to vector<4x32x120xi32>
    %slice3A_2067 = vector.extract_strided_slice %select_n3A_2046 {offsets = [0, 0, 0], sizes = [4, 32, 8], strides = [1, 1, 1]} : vector<4x32x128xi32> to vector<4x32x8xi32>
    %concatenate3A_2068 = tpu.concatenate %slice3A_2066, %slice3A_2067 in 2 : vector<4x32x120xi32>, vector<4x32x8xi32> -> vector<4x32x128xi32>
    %slice3A_2069 = vector.extract_strided_slice %select_n3A_2046 {offsets = [0, 0, 120], sizes = [4, 32, 8], strides = [1, 1, 1]} : vector<4x32x128xi32> to vector<4x32x8xi32>
    %slice3A_2070 = vector.extract_strided_slice %select_n3A_2046 {offsets = [0, 0, 0], sizes = [4, 32, 120], strides = [1, 1, 1]} : vector<4x32x128xi32> to vector<4x32x120xi32>
    %concatenate3A_2071 = tpu.concatenate %slice3A_2069, %slice3A_2070 in 2 : vector<4x32x8xi32>, vector<4x32x120xi32> -> vector<4x32x128xi32>
    %select_n3A_2072 = arith.select %eq3A_2065, %concatenate3A_2068, %concatenate3A_2071 : vector<4x32x128xi1>, vector<4x32x128xi32>
    %and3A_2073 = arith.constant 8 : i32
    %and3A_2074 = vector.broadcast %and3A_2073 : i32 to vector<4x32x128xi32>
    %and3A_2075 = arith.andi %add3A, %and3A_2074 : vector<4x32x128xi32>
    %eq3A_2076 = arith.constant 0 : i32
    %eq3A_2077 = vector.broadcast %eq3A_2076 : i32 to vector<4x32x128xi32>
    %eq3A_2078 = arith.cmpi eq, %and3A_2075, %eq3A_2077 : vector<4x32x128xi32>
    %and3A_2079 = arith.constant 512 : i32
    %and3A_2080 = vector.broadcast %and3A_2079 : i32 to vector<4x32x128xi32>
    %and3A_2081 = arith.andi %add3A, %and3A_2080 : vector<4x32x128xi32>
    %eq3A_2082 = arith.constant 0 : i32
    %eq3A_2083 = vector.broadcast %eq3A_2082 : i32 to vector<4x32x128xi32>
    %eq3A_2084 = arith.cmpi eq, %and3A_2081, %eq3A_2083 : vector<4x32x128xi32>
    %eq3A_2085 = arith.xori %eq3A_2084, %eq3A_2078 : vector<4x32x128xi1>
    %eq3A_2086 = arith.constant dense<true> : vector<4x32x128xi1>
    %eq3A_2087 = arith.xori %eq3A_2085, %eq3A_2086 : vector<4x32x128xi1>
    %gt3A_2088 = arith.cmpi ugt, %select_n3A_2045, %select_n3A_2059 : vector<4x32x128xi32>
    %eq3A_2089 = arith.cmpi eq, %select_n3A_2045, %select_n3A_2059 : vector<4x32x128xi32>
    %gt3A_2090 = arith.cmpi sgt, %select_n3A_2046, %select_n3A_2072 : vector<4x32x128xi32>
    %and3A_2091 = arith.andi %eq3A_2089, %gt3A_2090 : vector<4x32x128xi1>
    %or3A_2092 = arith.ori %gt3A_2088, %and3A_2091 : vector<4x32x128xi1>
    %eq3A_2093 = arith.xori %or3A_2092, %eq3A_2087 : vector<4x32x128xi1>
    %eq3A_2094 = arith.constant dense<true> : vector<4x32x128xi1>
    %eq3A_2095 = arith.xori %eq3A_2093, %eq3A_2094 : vector<4x32x128xi1>
    %select_n3A_2096 = arith.select %eq3A_2095, %select_n3A_2059, %select_n3A_2045 : vector<4x32x128xi1>, vector<4x32x128xi32>
    %select_n3A_2097 = arith.select %eq3A_2095, %select_n3A_2072, %select_n3A_2046 : vector<4x32x128xi1>, vector<4x32x128xi32>
    %and3A_2098 = arith.constant 4 : i32
    %and3A_2099 = vector.broadcast %and3A_2098 : i32 to vector<4x32x128xi32>
    %and3A_2100 = arith.andi %iota3A_9, %and3A_2099 : vector<4x32x128xi32>
    %eq3A_2101 = arith.constant 0 : i32
    %eq3A_2102 = vector.broadcast %eq3A_2101 : i32 to vector<4x32x128xi32>
    %eq3A_2103 = arith.cmpi eq, %and3A_2100, %eq3A_2102 : vector<4x32x128xi32>
    %slice3A_2104 = vector.extract_strided_slice %select_n3A_2096 {offsets = [0, 0, 4], sizes = [4, 32, 124], strides = [1, 1, 1]} : vector<4x32x128xi32> to vector<4x32x124xi32>
    %slice3A_2105 = vector.extract_strided_slice %select_n3A_2096 {offsets = [0, 0, 0], sizes = [4, 32, 4], strides = [1, 1, 1]} : vector<4x32x128xi32> to vector<4x32x4xi32>
    %concatenate3A_2106 = tpu.concatenate %slice3A_2104, %slice3A_2105 in 2 : vector<4x32x124xi32>, vector<4x32x4xi32> -> vector<4x32x128xi32>
    %slice3A_2107 = vector.extract_strided_slice %select_n3A_2096 {offsets = [0, 0, 124], sizes = [4, 32, 4], strides = [1, 1, 1]} : vector<4x32x128xi32> to vector<4x32x4xi32>
    %slice3A_2108 = vector.extract_strided_slice %select_n3A_2096 {offsets = [0, 0, 0], sizes = [4, 32, 124], strides = [1, 1, 1]} : vector<4x32x128xi32> to vector<4x32x124xi32>
    %concatenate3A_2109 = tpu.concatenate %slice3A_2107, %slice3A_2108 in 2 : vector<4x32x4xi32>, vector<4x32x124xi32> -> vector<4x32x128xi32>
    %select_n3A_2110 = arith.select %eq3A_2103, %concatenate3A_2106, %concatenate3A_2109 : vector<4x32x128xi1>, vector<4x32x128xi32>
    %and3A_2111 = arith.constant 4 : i32
    %and3A_2112 = vector.broadcast %and3A_2111 : i32 to vector<4x32x128xi32>
    %and3A_2113 = arith.andi %iota3A_9, %and3A_2112 : vector<4x32x128xi32>
    %eq3A_2114 = arith.constant 0 : i32
    %eq3A_2115 = vector.broadcast %eq3A_2114 : i32 to vector<4x32x128xi32>
    %eq3A_2116 = arith.cmpi eq, %and3A_2113, %eq3A_2115 : vector<4x32x128xi32>
    %slice3A_2117 = vector.extract_strided_slice %select_n3A_2097 {offsets = [0, 0, 4], sizes = [4, 32, 124], strides = [1, 1, 1]} : vector<4x32x128xi32> to vector<4x32x124xi32>
    %slice3A_2118 = vector.extract_strided_slice %select_n3A_2097 {offsets = [0, 0, 0], sizes = [4, 32, 4], strides = [1, 1, 1]} : vector<4x32x128xi32> to vector<4x32x4xi32>
    %concatenate3A_2119 = tpu.concatenate %slice3A_2117, %slice3A_2118 in 2 : vector<4x32x124xi32>, vector<4x32x4xi32> -> vector<4x32x128xi32>
    %slice3A_2120 = vector.extract_strided_slice %select_n3A_2097 {offsets = [0, 0, 124], sizes = [4, 32, 4], strides = [1, 1, 1]} : vector<4x32x128xi32> to vector<4x32x4xi32>
    %slice3A_2121 = vector.extract_strided_slice %select_n3A_2097 {offsets = [0, 0, 0], sizes = [4, 32, 124], strides = [1, 1, 1]} : vector<4x32x128xi32> to vector<4x32x124xi32>
    %concatenate3A_2122 = tpu.concatenate %slice3A_2120, %slice3A_2121 in 2 : vector<4x32x4xi32>, vector<4x32x124xi32> -> vector<4x32x128xi32>
    %select_n3A_2123 = arith.select %eq3A_2116, %concatenate3A_2119, %concatenate3A_2122 : vector<4x32x128xi1>, vector<4x32x128xi32>
    %and3A_2124 = arith.constant 4 : i32
    %and3A_2125 = vector.broadcast %and3A_2124 : i32 to vector<4x32x128xi32>
    %and3A_2126 = arith.andi %add3A, %and3A_2125 : vector<4x32x128xi32>
    %eq3A_2127 = arith.constant 0 : i32
    %eq3A_2128 = vector.broadcast %eq3A_2127 : i32 to vector<4x32x128xi32>
    %eq3A_2129 = arith.cmpi eq, %and3A_2126, %eq3A_2128 : vector<4x32x128xi32>
    %and3A_2130 = arith.constant 512 : i32
    %and3A_2131 = vector.broadcast %and3A_2130 : i32 to vector<4x32x128xi32>
    %and3A_2132 = arith.andi %add3A, %and3A_2131 : vector<4x32x128xi32>
    %eq3A_2133 = arith.constant 0 : i32
    %eq3A_2134 = vector.broadcast %eq3A_2133 : i32 to vector<4x32x128xi32>
    %eq3A_2135 = arith.cmpi eq, %and3A_2132, %eq3A_2134 : vector<4x32x128xi32>
    %eq3A_2136 = arith.xori %eq3A_2135, %eq3A_2129 : vector<4x32x128xi1>
    %eq3A_2137 = arith.constant dense<true> : vector<4x32x128xi1>
    %eq3A_2138 = arith.xori %eq3A_2136, %eq3A_2137 : vector<4x32x128xi1>
    %gt3A_2139 = arith.cmpi ugt, %select_n3A_2096, %select_n3A_2110 : vector<4x32x128xi32>
    %eq3A_2140 = arith.cmpi eq, %select_n3A_2096, %select_n3A_2110 : vector<4x32x128xi32>
    %gt3A_2141 = arith.cmpi sgt, %select_n3A_2097, %select_n3A_2123 : vector<4x32x128xi32>
    %and3A_2142 = arith.andi %eq3A_2140, %gt3A_2141 : vector<4x32x128xi1>
    %or3A_2143 = arith.ori %gt3A_2139, %and3A_2142 : vector<4x32x128xi1>
    %eq3A_2144 = arith.xori %or3A_2143, %eq3A_2138 : vector<4x32x128xi1>
    %eq3A_2145 = arith.constant dense<true> : vector<4x32x128xi1>
    %eq3A_2146 = arith.xori %eq3A_2144, %eq3A_2145 : vector<4x32x128xi1>
    %select_n3A_2147 = arith.select %eq3A_2146, %select_n3A_2110, %select_n3A_2096 : vector<4x32x128xi1>, vector<4x32x128xi32>
    %select_n3A_2148 = arith.select %eq3A_2146, %select_n3A_2123, %select_n3A_2097 : vector<4x32x128xi1>, vector<4x32x128xi32>
    %and3A_2149 = arith.constant 2 : i32
    %and3A_2150 = vector.broadcast %and3A_2149 : i32 to vector<4x32x128xi32>
    %and3A_2151 = arith.andi %iota3A_9, %and3A_2150 : vector<4x32x128xi32>
    %eq3A_2152 = arith.constant 0 : i32
    %eq3A_2153 = vector.broadcast %eq3A_2152 : i32 to vector<4x32x128xi32>
    %eq3A_2154 = arith.cmpi eq, %and3A_2151, %eq3A_2153 : vector<4x32x128xi32>
    %slice3A_2155 = vector.extract_strided_slice %select_n3A_2147 {offsets = [0, 0, 2], sizes = [4, 32, 126], strides = [1, 1, 1]} : vector<4x32x128xi32> to vector<4x32x126xi32>
    %slice3A_2156 = vector.extract_strided_slice %select_n3A_2147 {offsets = [0, 0, 0], sizes = [4, 32, 2], strides = [1, 1, 1]} : vector<4x32x128xi32> to vector<4x32x2xi32>
    %concatenate3A_2157 = tpu.concatenate %slice3A_2155, %slice3A_2156 in 2 : vector<4x32x126xi32>, vector<4x32x2xi32> -> vector<4x32x128xi32>
    %slice3A_2158 = vector.extract_strided_slice %select_n3A_2147 {offsets = [0, 0, 126], sizes = [4, 32, 2], strides = [1, 1, 1]} : vector<4x32x128xi32> to vector<4x32x2xi32>
    %slice3A_2159 = vector.extract_strided_slice %select_n3A_2147 {offsets = [0, 0, 0], sizes = [4, 32, 126], strides = [1, 1, 1]} : vector<4x32x128xi32> to vector<4x32x126xi32>
    %concatenate3A_2160 = tpu.concatenate %slice3A_2158, %slice3A_2159 in 2 : vector<4x32x2xi32>, vector<4x32x126xi32> -> vector<4x32x128xi32>
    %select_n3A_2161 = arith.select %eq3A_2154, %concatenate3A_2157, %concatenate3A_2160 : vector<4x32x128xi1>, vector<4x32x128xi32>
    %and3A_2162 = arith.constant 2 : i32
    %and3A_2163 = vector.broadcast %and3A_2162 : i32 to vector<4x32x128xi32>
    %and3A_2164 = arith.andi %iota3A_9, %and3A_2163 : vector<4x32x128xi32>
    %eq3A_2165 = arith.constant 0 : i32
    %eq3A_2166 = vector.broadcast %eq3A_2165 : i32 to vector<4x32x128xi32>
    %eq3A_2167 = arith.cmpi eq, %and3A_2164, %eq3A_2166 : vector<4x32x128xi32>
    %slice3A_2168 = vector.extract_strided_slice %select_n3A_2148 {offsets = [0, 0, 2], sizes = [4, 32, 126], strides = [1, 1, 1]} : vector<4x32x128xi32> to vector<4x32x126xi32>
    %slice3A_2169 = vector.extract_strided_slice %select_n3A_2148 {offsets = [0, 0, 0], sizes = [4, 32, 2], strides = [1, 1, 1]} : vector<4x32x128xi32> to vector<4x32x2xi32>
    %concatenate3A_2170 = tpu.concatenate %slice3A_2168, %slice3A_2169 in 2 : vector<4x32x126xi32>, vector<4x32x2xi32> -> vector<4x32x128xi32>
    %slice3A_2171 = vector.extract_strided_slice %select_n3A_2148 {offsets = [0, 0, 126], sizes = [4, 32, 2], strides = [1, 1, 1]} : vector<4x32x128xi32> to vector<4x32x2xi32>
    %slice3A_2172 = vector.extract_strided_slice %select_n3A_2148 {offsets = [0, 0, 0], sizes = [4, 32, 126], strides = [1, 1, 1]} : vector<4x32x128xi32> to vector<4x32x126xi32>
    %concatenate3A_2173 = tpu.concatenate %slice3A_2171, %slice3A_2172 in 2 : vector<4x32x2xi32>, vector<4x32x126xi32> -> vector<4x32x128xi32>
    %select_n3A_2174 = arith.select %eq3A_2167, %concatenate3A_2170, %concatenate3A_2173 : vector<4x32x128xi1>, vector<4x32x128xi32>
    %and3A_2175 = arith.constant 2 : i32
    %and3A_2176 = vector.broadcast %and3A_2175 : i32 to vector<4x32x128xi32>
    %and3A_2177 = arith.andi %add3A, %and3A_2176 : vector<4x32x128xi32>
    %eq3A_2178 = arith.constant 0 : i32
    %eq3A_2179 = vector.broadcast %eq3A_2178 : i32 to vector<4x32x128xi32>
    %eq3A_2180 = arith.cmpi eq, %and3A_2177, %eq3A_2179 : vector<4x32x128xi32>
    %and3A_2181 = arith.constant 512 : i32
    %and3A_2182 = vector.broadcast %and3A_2181 : i32 to vector<4x32x128xi32>
    %and3A_2183 = arith.andi %add3A, %and3A_2182 : vector<4x32x128xi32>
    %eq3A_2184 = arith.constant 0 : i32
    %eq3A_2185 = vector.broadcast %eq3A_2184 : i32 to vector<4x32x128xi32>
    %eq3A_2186 = arith.cmpi eq, %and3A_2183, %eq3A_2185 : vector<4x32x128xi32>
    %eq3A_2187 = arith.xori %eq3A_2186, %eq3A_2180 : vector<4x32x128xi1>
    %eq3A_2188 = arith.constant dense<true> : vector<4x32x128xi1>
    %eq3A_2189 = arith.xori %eq3A_2187, %eq3A_2188 : vector<4x32x128xi1>
    %gt3A_2190 = arith.cmpi ugt, %select_n3A_2147, %select_n3A_2161 : vector<4x32x128xi32>
    %eq3A_2191 = arith.cmpi eq, %select_n3A_2147, %select_n3A_2161 : vector<4x32x128xi32>
    %gt3A_2192 = arith.cmpi sgt, %select_n3A_2148, %select_n3A_2174 : vector<4x32x128xi32>
    %and3A_2193 = arith.andi %eq3A_2191, %gt3A_2192 : vector<4x32x128xi1>
    %or3A_2194 = arith.ori %gt3A_2190, %and3A_2193 : vector<4x32x128xi1>
    %eq3A_2195 = arith.xori %or3A_2194, %eq3A_2189 : vector<4x32x128xi1>
    %eq3A_2196 = arith.constant dense<true> : vector<4x32x128xi1>
    %eq3A_2197 = arith.xori %eq3A_2195, %eq3A_2196 : vector<4x32x128xi1>
    %select_n3A_2198 = arith.select %eq3A_2197, %select_n3A_2161, %select_n3A_2147 : vector<4x32x128xi1>, vector<4x32x128xi32>
    %select_n3A_2199 = arith.select %eq3A_2197, %select_n3A_2174, %select_n3A_2148 : vector<4x32x128xi1>, vector<4x32x128xi32>
    %and3A_2200 = arith.constant 1 : i32
    %and3A_2201 = vector.broadcast %and3A_2200 : i32 to vector<4x32x128xi32>
    %and3A_2202 = arith.andi %iota3A_9, %and3A_2201 : vector<4x32x128xi32>
    %eq3A_2203 = arith.constant 0 : i32
    %eq3A_2204 = vector.broadcast %eq3A_2203 : i32 to vector<4x32x128xi32>
    %eq3A_2205 = arith.cmpi eq, %and3A_2202, %eq3A_2204 : vector<4x32x128xi32>
    %slice3A_2206 = vector.extract_strided_slice %select_n3A_2198 {offsets = [0, 0, 1], sizes = [4, 32, 127], strides = [1, 1, 1]} : vector<4x32x128xi32> to vector<4x32x127xi32>
    %slice3A_2207 = vector.extract_strided_slice %select_n3A_2198 {offsets = [0, 0, 0], sizes = [4, 32, 1], strides = [1, 1, 1]} : vector<4x32x128xi32> to vector<4x32x1xi32>
    %concatenate3A_2208 = tpu.concatenate %slice3A_2206, %slice3A_2207 in 2 : vector<4x32x127xi32>, vector<4x32x1xi32> -> vector<4x32x128xi32>
    %slice3A_2209 = vector.extract_strided_slice %select_n3A_2198 {offsets = [0, 0, 127], sizes = [4, 32, 1], strides = [1, 1, 1]} : vector<4x32x128xi32> to vector<4x32x1xi32>
    %slice3A_2210 = vector.extract_strided_slice %select_n3A_2198 {offsets = [0, 0, 0], sizes = [4, 32, 127], strides = [1, 1, 1]} : vector<4x32x128xi32> to vector<4x32x127xi32>
    %concatenate3A_2211 = tpu.concatenate %slice3A_2209, %slice3A_2210 in 2 : vector<4x32x1xi32>, vector<4x32x127xi32> -> vector<4x32x128xi32>
    %select_n3A_2212 = arith.select %eq3A_2205, %concatenate3A_2208, %concatenate3A_2211 : vector<4x32x128xi1>, vector<4x32x128xi32>
    %and3A_2213 = arith.constant 1 : i32
    %and3A_2214 = vector.broadcast %and3A_2213 : i32 to vector<4x32x128xi32>
    %and3A_2215 = arith.andi %iota3A_9, %and3A_2214 : vector<4x32x128xi32>
    %eq3A_2216 = arith.constant 0 : i32
    %eq3A_2217 = vector.broadcast %eq3A_2216 : i32 to vector<4x32x128xi32>
    %eq3A_2218 = arith.cmpi eq, %and3A_2215, %eq3A_2217 : vector<4x32x128xi32>
    %slice3A_2219 = vector.extract_strided_slice %select_n3A_2199 {offsets = [0, 0, 1], sizes = [4, 32, 127], strides = [1, 1, 1]} : vector<4x32x128xi32> to vector<4x32x127xi32>
    %slice3A_2220 = vector.extract_strided_slice %select_n3A_2199 {offsets = [0, 0, 0], sizes = [4, 32, 1], strides = [1, 1, 1]} : vector<4x32x128xi32> to vector<4x32x1xi32>
    %concatenate3A_2221 = tpu.concatenate %slice3A_2219, %slice3A_2220 in 2 : vector<4x32x127xi32>, vector<4x32x1xi32> -> vector<4x32x128xi32>
    %slice3A_2222 = vector.extract_strided_slice %select_n3A_2199 {offsets = [0, 0, 127], sizes = [4, 32, 1], strides = [1, 1, 1]} : vector<4x32x128xi32> to vector<4x32x1xi32>
    %slice3A_2223 = vector.extract_strided_slice %select_n3A_2199 {offsets = [0, 0, 0], sizes = [4, 32, 127], strides = [1, 1, 1]} : vector<4x32x128xi32> to vector<4x32x127xi32>
    %concatenate3A_2224 = tpu.concatenate %slice3A_2222, %slice3A_2223 in 2 : vector<4x32x1xi32>, vector<4x32x127xi32> -> vector<4x32x128xi32>
    %select_n3A_2225 = arith.select %eq3A_2218, %concatenate3A_2221, %concatenate3A_2224 : vector<4x32x128xi1>, vector<4x32x128xi32>
    %and3A_2226 = arith.constant 1 : i32
    %and3A_2227 = vector.broadcast %and3A_2226 : i32 to vector<4x32x128xi32>
    %and3A_2228 = arith.andi %add3A, %and3A_2227 : vector<4x32x128xi32>
    %eq3A_2229 = arith.constant 0 : i32
    %eq3A_2230 = vector.broadcast %eq3A_2229 : i32 to vector<4x32x128xi32>
    %eq3A_2231 = arith.cmpi eq, %and3A_2228, %eq3A_2230 : vector<4x32x128xi32>
    %and3A_2232 = arith.constant 512 : i32
    %and3A_2233 = vector.broadcast %and3A_2232 : i32 to vector<4x32x128xi32>
    %and3A_2234 = arith.andi %add3A, %and3A_2233 : vector<4x32x128xi32>
    %eq3A_2235 = arith.constant 0 : i32
    %eq3A_2236 = vector.broadcast %eq3A_2235 : i32 to vector<4x32x128xi32>
    %eq3A_2237 = arith.cmpi eq, %and3A_2234, %eq3A_2236 : vector<4x32x128xi32>
    %eq3A_2238 = arith.xori %eq3A_2237, %eq3A_2231 : vector<4x32x128xi1>
    %eq3A_2239 = arith.constant dense<true> : vector<4x32x128xi1>
    %eq3A_2240 = arith.xori %eq3A_2238, %eq3A_2239 : vector<4x32x128xi1>
    %gt3A_2241 = arith.cmpi ugt, %select_n3A_2198, %select_n3A_2212 : vector<4x32x128xi32>
    %eq3A_2242 = arith.cmpi eq, %select_n3A_2198, %select_n3A_2212 : vector<4x32x128xi32>
    %gt3A_2243 = arith.cmpi sgt, %select_n3A_2199, %select_n3A_2225 : vector<4x32x128xi32>
    %and3A_2244 = arith.andi %eq3A_2242, %gt3A_2243 : vector<4x32x128xi1>
    %or3A_2245 = arith.ori %gt3A_2241, %and3A_2244 : vector<4x32x128xi1>
    %eq3A_2246 = arith.xori %or3A_2245, %eq3A_2240 : vector<4x32x128xi1>
    %eq3A_2247 = arith.constant dense<true> : vector<4x32x128xi1>
    %eq3A_2248 = arith.xori %eq3A_2246, %eq3A_2247 : vector<4x32x128xi1>
    %select_n3A_2249 = arith.select %eq3A_2248, %select_n3A_2212, %select_n3A_2198 : vector<4x32x128xi1>, vector<4x32x128xi32>
    %select_n3A_2250 = arith.select %eq3A_2248, %select_n3A_2225, %select_n3A_2199 : vector<4x32x128xi1>, vector<4x32x128xi32>
    %reshape3A_2251 = vector.shape_cast %select_n3A_2249 : vector<4x32x128xi32> to vector<4x4x2x4x128xi32>
    %slice3A_2252 = vector.extract_strided_slice %reshape3A_2251 {offsets = [0, 0, 1, 0, 0], sizes = [4, 4, 1, 4, 128], strides = [1, 1, 1, 1, 1]} : vector<4x4x2x4x128xi32> to vector<4x4x1x4x128xi32>
    %slice3A_2253 = vector.extract_strided_slice %reshape3A_2251 {offsets = [0, 0, 0, 0, 0], sizes = [4, 4, 1, 4, 128], strides = [1, 1, 1, 1, 1]} : vector<4x4x2x4x128xi32> to vector<4x4x1x4x128xi32>
    %concatenate3A_2254 = tpu.concatenate %slice3A_2252, %slice3A_2253 in 2 : vector<4x4x1x4x128xi32>, vector<4x4x1x4x128xi32> -> vector<4x4x2x4x128xi32>
    %reshape3A_2255 = vector.shape_cast %concatenate3A_2254 : vector<4x4x2x4x128xi32> to vector<4x32x128xi32>
    %reshape3A_2256 = vector.shape_cast %select_n3A_2250 : vector<4x32x128xi32> to vector<4x4x2x4x128xi32>
    %slice3A_2257 = vector.extract_strided_slice %reshape3A_2256 {offsets = [0, 0, 1, 0, 0], sizes = [4, 4, 1, 4, 128], strides = [1, 1, 1, 1, 1]} : vector<4x4x2x4x128xi32> to vector<4x4x1x4x128xi32>
    %slice3A_2258 = vector.extract_strided_slice %reshape3A_2256 {offsets = [0, 0, 0, 0, 0], sizes = [4, 4, 1, 4, 128], strides = [1, 1, 1, 1, 1]} : vector<4x4x2x4x128xi32> to vector<4x4x1x4x128xi32>
    %concatenate3A_2259 = tpu.concatenate %slice3A_2257, %slice3A_2258 in 2 : vector<4x4x1x4x128xi32>, vector<4x4x1x4x128xi32> -> vector<4x4x2x4x128xi32>
    %reshape3A_2260 = vector.shape_cast %concatenate3A_2259 : vector<4x4x2x4x128xi32> to vector<4x32x128xi32>
    %and3A_2261 = arith.constant 512 : i32
    %and3A_2262 = vector.broadcast %and3A_2261 : i32 to vector<4x32x128xi32>
    %and3A_2263 = arith.andi %add3A, %and3A_2262 : vector<4x32x128xi32>
    %eq3A_2264 = arith.constant 0 : i32
    %eq3A_2265 = vector.broadcast %eq3A_2264 : i32 to vector<4x32x128xi32>
    %eq3A_2266 = arith.cmpi eq, %and3A_2263, %eq3A_2265 : vector<4x32x128xi32>
    %and3A_2267 = arith.constant 1024 : i32
    %and3A_2268 = vector.broadcast %and3A_2267 : i32 to vector<4x32x128xi32>
    %and3A_2269 = arith.andi %add3A, %and3A_2268 : vector<4x32x128xi32>
    %eq3A_2270 = arith.constant 0 : i32
    %eq3A_2271 = vector.broadcast %eq3A_2270 : i32 to vector<4x32x128xi32>
    %eq3A_2272 = arith.cmpi eq, %and3A_2269, %eq3A_2271 : vector<4x32x128xi32>
    %eq3A_2273 = arith.xori %eq3A_2272, %eq3A_2266 : vector<4x32x128xi1>
    %eq3A_2274 = arith.constant dense<true> : vector<4x32x128xi1>
    %eq3A_2275 = arith.xori %eq3A_2273, %eq3A_2274 : vector<4x32x128xi1>
    %gt3A_2276 = arith.cmpi ugt, %select_n3A_2249, %reshape3A_2255 : vector<4x32x128xi32>
    %eq3A_2277 = arith.cmpi eq, %select_n3A_2249, %reshape3A_2255 : vector<4x32x128xi32>
    %gt3A_2278 = arith.cmpi sgt, %select_n3A_2250, %reshape3A_2260 : vector<4x32x128xi32>
    %and3A_2279 = arith.andi %eq3A_2277, %gt3A_2278 : vector<4x32x128xi1>
    %or3A_2280 = arith.ori %gt3A_2276, %and3A_2279 : vector<4x32x128xi1>
    %eq3A_2281 = arith.xori %or3A_2280, %eq3A_2275 : vector<4x32x128xi1>
    %eq3A_2282 = arith.constant dense<true> : vector<4x32x128xi1>
    %eq3A_2283 = arith.xori %eq3A_2281, %eq3A_2282 : vector<4x32x128xi1>
    %select_n3A_2284 = arith.select %eq3A_2283, %reshape3A_2255, %select_n3A_2249 : vector<4x32x128xi1>, vector<4x32x128xi32>
    %select_n3A_2285 = arith.select %eq3A_2283, %reshape3A_2260, %select_n3A_2250 : vector<4x32x128xi1>, vector<4x32x128xi32>
    %reshape3A_2286 = vector.shape_cast %select_n3A_2284 : vector<4x32x128xi32> to vector<4x8x2x2x128xi32>
    %slice3A_2287 = vector.extract_strided_slice %reshape3A_2286 {offsets = [0, 0, 1, 0, 0], sizes = [4, 8, 1, 2, 128], strides = [1, 1, 1, 1, 1]} : vector<4x8x2x2x128xi32> to vector<4x8x1x2x128xi32>
    %slice3A_2288 = vector.extract_strided_slice %reshape3A_2286 {offsets = [0, 0, 0, 0, 0], sizes = [4, 8, 1, 2, 128], strides = [1, 1, 1, 1, 1]} : vector<4x8x2x2x128xi32> to vector<4x8x1x2x128xi32>
    %concatenate3A_2289 = tpu.concatenate %slice3A_2287, %slice3A_2288 in 2 : vector<4x8x1x2x128xi32>, vector<4x8x1x2x128xi32> -> vector<4x8x2x2x128xi32>
    %reshape3A_2290 = vector.shape_cast %concatenate3A_2289 : vector<4x8x2x2x128xi32> to vector<4x32x128xi32>
    %reshape3A_2291 = vector.shape_cast %select_n3A_2285 : vector<4x32x128xi32> to vector<4x8x2x2x128xi32>
    %slice3A_2292 = vector.extract_strided_slice %reshape3A_2291 {offsets = [0, 0, 1, 0, 0], sizes = [4, 8, 1, 2, 128], strides = [1, 1, 1, 1, 1]} : vector<4x8x2x2x128xi32> to vector<4x8x1x2x128xi32>
    %slice3A_2293 = vector.extract_strided_slice %reshape3A_2291 {offsets = [0, 0, 0, 0, 0], sizes = [4, 8, 1, 2, 128], strides = [1, 1, 1, 1, 1]} : vector<4x8x2x2x128xi32> to vector<4x8x1x2x128xi32>
    %concatenate3A_2294 = tpu.concatenate %slice3A_2292, %slice3A_2293 in 2 : vector<4x8x1x2x128xi32>, vector<4x8x1x2x128xi32> -> vector<4x8x2x2x128xi32>
    %reshape3A_2295 = vector.shape_cast %concatenate3A_2294 : vector<4x8x2x2x128xi32> to vector<4x32x128xi32>
    %and3A_2296 = arith.constant 256 : i32
    %and3A_2297 = vector.broadcast %and3A_2296 : i32 to vector<4x32x128xi32>
    %and3A_2298 = arith.andi %add3A, %and3A_2297 : vector<4x32x128xi32>
    %eq3A_2299 = arith.constant 0 : i32
    %eq3A_2300 = vector.broadcast %eq3A_2299 : i32 to vector<4x32x128xi32>
    %eq3A_2301 = arith.cmpi eq, %and3A_2298, %eq3A_2300 : vector<4x32x128xi32>
    %and3A_2302 = arith.constant 1024 : i32
    %and3A_2303 = vector.broadcast %and3A_2302 : i32 to vector<4x32x128xi32>
    %and3A_2304 = arith.andi %add3A, %and3A_2303 : vector<4x32x128xi32>
    %eq3A_2305 = arith.constant 0 : i32
    %eq3A_2306 = vector.broadcast %eq3A_2305 : i32 to vector<4x32x128xi32>
    %eq3A_2307 = arith.cmpi eq, %and3A_2304, %eq3A_2306 : vector<4x32x128xi32>
    %eq3A_2308 = arith.xori %eq3A_2307, %eq3A_2301 : vector<4x32x128xi1>
    %eq3A_2309 = arith.constant dense<true> : vector<4x32x128xi1>
    %eq3A_2310 = arith.xori %eq3A_2308, %eq3A_2309 : vector<4x32x128xi1>
    %gt3A_2311 = arith.cmpi ugt, %select_n3A_2284, %reshape3A_2290 : vector<4x32x128xi32>
    %eq3A_2312 = arith.cmpi eq, %select_n3A_2284, %reshape3A_2290 : vector<4x32x128xi32>
    %gt3A_2313 = arith.cmpi sgt, %select_n3A_2285, %reshape3A_2295 : vector<4x32x128xi32>
    %and3A_2314 = arith.andi %eq3A_2312, %gt3A_2313 : vector<4x32x128xi1>
    %or3A_2315 = arith.ori %gt3A_2311, %and3A_2314 : vector<4x32x128xi1>
    %eq3A_2316 = arith.xori %or3A_2315, %eq3A_2310 : vector<4x32x128xi1>
    %eq3A_2317 = arith.constant dense<true> : vector<4x32x128xi1>
    %eq3A_2318 = arith.xori %eq3A_2316, %eq3A_2317 : vector<4x32x128xi1>
    %select_n3A_2319 = arith.select %eq3A_2318, %reshape3A_2290, %select_n3A_2284 : vector<4x32x128xi1>, vector<4x32x128xi32>
    %select_n3A_2320 = arith.select %eq3A_2318, %reshape3A_2295, %select_n3A_2285 : vector<4x32x128xi1>, vector<4x32x128xi32>
    %reshape3A_2321 = vector.shape_cast %select_n3A_2319 : vector<4x32x128xi32> to vector<4x16x2x1x128xi32>
    %slice3A_2322 = vector.extract_strided_slice %reshape3A_2321 {offsets = [0, 0, 1, 0, 0], sizes = [4, 16, 1, 1, 128], strides = [1, 1, 1, 1, 1]} : vector<4x16x2x1x128xi32> to vector<4x16x1x1x128xi32>
    %slice3A_2323 = vector.extract_strided_slice %reshape3A_2321 {offsets = [0, 0, 0, 0, 0], sizes = [4, 16, 1, 1, 128], strides = [1, 1, 1, 1, 1]} : vector<4x16x2x1x128xi32> to vector<4x16x1x1x128xi32>
    %concatenate3A_2324 = tpu.concatenate %slice3A_2322, %slice3A_2323 in 2 : vector<4x16x1x1x128xi32>, vector<4x16x1x1x128xi32> -> vector<4x16x2x1x128xi32>
    %reshape3A_2325 = vector.shape_cast %concatenate3A_2324 : vector<4x16x2x1x128xi32> to vector<4x32x128xi32>
    %reshape3A_2326 = vector.shape_cast %select_n3A_2320 : vector<4x32x128xi32> to vector<4x16x2x1x128xi32>
    %slice3A_2327 = vector.extract_strided_slice %reshape3A_2326 {offsets = [0, 0, 1, 0, 0], sizes = [4, 16, 1, 1, 128], strides = [1, 1, 1, 1, 1]} : vector<4x16x2x1x128xi32> to vector<4x16x1x1x128xi32>
    %slice3A_2328 = vector.extract_strided_slice %reshape3A_2326 {offsets = [0, 0, 0, 0, 0], sizes = [4, 16, 1, 1, 128], strides = [1, 1, 1, 1, 1]} : vector<4x16x2x1x128xi32> to vector<4x16x1x1x128xi32>
    %concatenate3A_2329 = tpu.concatenate %slice3A_2327, %slice3A_2328 in 2 : vector<4x16x1x1x128xi32>, vector<4x16x1x1x128xi32> -> vector<4x16x2x1x128xi32>
    %reshape3A_2330 = vector.shape_cast %concatenate3A_2329 : vector<4x16x2x1x128xi32> to vector<4x32x128xi32>
    %and3A_2331 = arith.constant 128 : i32
    %and3A_2332 = vector.broadcast %and3A_2331 : i32 to vector<4x32x128xi32>
    %and3A_2333 = arith.andi %add3A, %and3A_2332 : vector<4x32x128xi32>
    %eq3A_2334 = arith.constant 0 : i32
    %eq3A_2335 = vector.broadcast %eq3A_2334 : i32 to vector<4x32x128xi32>
    %eq3A_2336 = arith.cmpi eq, %and3A_2333, %eq3A_2335 : vector<4x32x128xi32>
    %and3A_2337 = arith.constant 1024 : i32
    %and3A_2338 = vector.broadcast %and3A_2337 : i32 to vector<4x32x128xi32>
    %and3A_2339 = arith.andi %add3A, %and3A_2338 : vector<4x32x128xi32>
    %eq3A_2340 = arith.constant 0 : i32
    %eq3A_2341 = vector.broadcast %eq3A_2340 : i32 to vector<4x32x128xi32>
    %eq3A_2342 = arith.cmpi eq, %and3A_2339, %eq3A_2341 : vector<4x32x128xi32>
    %eq3A_2343 = arith.xori %eq3A_2342, %eq3A_2336 : vector<4x32x128xi1>
    %eq3A_2344 = arith.constant dense<true> : vector<4x32x128xi1>
    %eq3A_2345 = arith.xori %eq3A_2343, %eq3A_2344 : vector<4x32x128xi1>
    %gt3A_2346 = arith.cmpi ugt, %select_n3A_2319, %reshape3A_2325 : vector<4x32x128xi32>
    %eq3A_2347 = arith.cmpi eq, %select_n3A_2319, %reshape3A_2325 : vector<4x32x128xi32>
    %gt3A_2348 = arith.cmpi sgt, %select_n3A_2320, %reshape3A_2330 : vector<4x32x128xi32>
    %and3A_2349 = arith.andi %eq3A_2347, %gt3A_2348 : vector<4x32x128xi1>
    %or3A_2350 = arith.ori %gt3A_2346, %and3A_2349 : vector<4x32x128xi1>
    %eq3A_2351 = arith.xori %or3A_2350, %eq3A_2345 : vector<4x32x128xi1>
    %eq3A_2352 = arith.constant dense<true> : vector<4x32x128xi1>
    %eq3A_2353 = arith.xori %eq3A_2351, %eq3A_2352 : vector<4x32x128xi1>
    %select_n3A_2354 = arith.select %eq3A_2353, %reshape3A_2325, %select_n3A_2319 : vector<4x32x128xi1>, vector<4x32x128xi32>
    %select_n3A_2355 = arith.select %eq3A_2353, %reshape3A_2330, %select_n3A_2320 : vector<4x32x128xi1>, vector<4x32x128xi32>
    %and3A_2356 = arith.constant 64 : i32
    %and3A_2357 = vector.broadcast %and3A_2356 : i32 to vector<4x32x128xi32>
    %and3A_2358 = arith.andi %iota3A_9, %and3A_2357 : vector<4x32x128xi32>
    %eq3A_2359 = arith.constant 0 : i32
    %eq3A_2360 = vector.broadcast %eq3A_2359 : i32 to vector<4x32x128xi32>
    %eq3A_2361 = arith.cmpi eq, %and3A_2358, %eq3A_2360 : vector<4x32x128xi32>
    %slice3A_2362 = vector.extract_strided_slice %select_n3A_2354 {offsets = [0, 0, 64], sizes = [4, 32, 64], strides = [1, 1, 1]} : vector<4x32x128xi32> to vector<4x32x64xi32>
    %slice3A_2363 = vector.extract_strided_slice %select_n3A_2354 {offsets = [0, 0, 0], sizes = [4, 32, 64], strides = [1, 1, 1]} : vector<4x32x128xi32> to vector<4x32x64xi32>
    %concatenate3A_2364 = tpu.concatenate %slice3A_2362, %slice3A_2363 in 2 : vector<4x32x64xi32>, vector<4x32x64xi32> -> vector<4x32x128xi32>
    %slice3A_2365 = vector.extract_strided_slice %select_n3A_2354 {offsets = [0, 0, 64], sizes = [4, 32, 64], strides = [1, 1, 1]} : vector<4x32x128xi32> to vector<4x32x64xi32>
    %slice3A_2366 = vector.extract_strided_slice %select_n3A_2354 {offsets = [0, 0, 0], sizes = [4, 32, 64], strides = [1, 1, 1]} : vector<4x32x128xi32> to vector<4x32x64xi32>
    %concatenate3A_2367 = tpu.concatenate %slice3A_2365, %slice3A_2366 in 2 : vector<4x32x64xi32>, vector<4x32x64xi32> -> vector<4x32x128xi32>
    %select_n3A_2368 = arith.select %eq3A_2361, %concatenate3A_2364, %concatenate3A_2367 : vector<4x32x128xi1>, vector<4x32x128xi32>
    %and3A_2369 = arith.constant 64 : i32
    %and3A_2370 = vector.broadcast %and3A_2369 : i32 to vector<4x32x128xi32>
    %and3A_2371 = arith.andi %iota3A_9, %and3A_2370 : vector<4x32x128xi32>
    %eq3A_2372 = arith.constant 0 : i32
    %eq3A_2373 = vector.broadcast %eq3A_2372 : i32 to vector<4x32x128xi32>
    %eq3A_2374 = arith.cmpi eq, %and3A_2371, %eq3A_2373 : vector<4x32x128xi32>
    %slice3A_2375 = vector.extract_strided_slice %select_n3A_2355 {offsets = [0, 0, 64], sizes = [4, 32, 64], strides = [1, 1, 1]} : vector<4x32x128xi32> to vector<4x32x64xi32>
    %slice3A_2376 = vector.extract_strided_slice %select_n3A_2355 {offsets = [0, 0, 0], sizes = [4, 32, 64], strides = [1, 1, 1]} : vector<4x32x128xi32> to vector<4x32x64xi32>
    %concatenate3A_2377 = tpu.concatenate %slice3A_2375, %slice3A_2376 in 2 : vector<4x32x64xi32>, vector<4x32x64xi32> -> vector<4x32x128xi32>
    %slice3A_2378 = vector.extract_strided_slice %select_n3A_2355 {offsets = [0, 0, 64], sizes = [4, 32, 64], strides = [1, 1, 1]} : vector<4x32x128xi32> to vector<4x32x64xi32>
    %slice3A_2379 = vector.extract_strided_slice %select_n3A_2355 {offsets = [0, 0, 0], sizes = [4, 32, 64], strides = [1, 1, 1]} : vector<4x32x128xi32> to vector<4x32x64xi32>
    %concatenate3A_2380 = tpu.concatenate %slice3A_2378, %slice3A_2379 in 2 : vector<4x32x64xi32>, vector<4x32x64xi32> -> vector<4x32x128xi32>
    %select_n3A_2381 = arith.select %eq3A_2374, %concatenate3A_2377, %concatenate3A_2380 : vector<4x32x128xi1>, vector<4x32x128xi32>
    %and3A_2382 = arith.constant 64 : i32
    %and3A_2383 = vector.broadcast %and3A_2382 : i32 to vector<4x32x128xi32>
    %and3A_2384 = arith.andi %add3A, %and3A_2383 : vector<4x32x128xi32>
    %eq3A_2385 = arith.constant 0 : i32
    %eq3A_2386 = vector.broadcast %eq3A_2385 : i32 to vector<4x32x128xi32>
    %eq3A_2387 = arith.cmpi eq, %and3A_2384, %eq3A_2386 : vector<4x32x128xi32>
    %and3A_2388 = arith.constant 1024 : i32
    %and3A_2389 = vector.broadcast %and3A_2388 : i32 to vector<4x32x128xi32>
    %and3A_2390 = arith.andi %add3A, %and3A_2389 : vector<4x32x128xi32>
    %eq3A_2391 = arith.constant 0 : i32
    %eq3A_2392 = vector.broadcast %eq3A_2391 : i32 to vector<4x32x128xi32>
    %eq3A_2393 = arith.cmpi eq, %and3A_2390, %eq3A_2392 : vector<4x32x128xi32>
    %eq3A_2394 = arith.xori %eq3A_2393, %eq3A_2387 : vector<4x32x128xi1>
    %eq3A_2395 = arith.constant dense<true> : vector<4x32x128xi1>
    %eq3A_2396 = arith.xori %eq3A_2394, %eq3A_2395 : vector<4x32x128xi1>
    %gt3A_2397 = arith.cmpi ugt, %select_n3A_2354, %select_n3A_2368 : vector<4x32x128xi32>
    %eq3A_2398 = arith.cmpi eq, %select_n3A_2354, %select_n3A_2368 : vector<4x32x128xi32>
    %gt3A_2399 = arith.cmpi sgt, %select_n3A_2355, %select_n3A_2381 : vector<4x32x128xi32>
    %and3A_2400 = arith.andi %eq3A_2398, %gt3A_2399 : vector<4x32x128xi1>
    %or3A_2401 = arith.ori %gt3A_2397, %and3A_2400 : vector<4x32x128xi1>
    %eq3A_2402 = arith.xori %or3A_2401, %eq3A_2396 : vector<4x32x128xi1>
    %eq3A_2403 = arith.constant dense<true> : vector<4x32x128xi1>
    %eq3A_2404 = arith.xori %eq3A_2402, %eq3A_2403 : vector<4x32x128xi1>
    %select_n3A_2405 = arith.select %eq3A_2404, %select_n3A_2368, %select_n3A_2354 : vector<4x32x128xi1>, vector<4x32x128xi32>
    %select_n3A_2406 = arith.select %eq3A_2404, %select_n3A_2381, %select_n3A_2355 : vector<4x32x128xi1>, vector<4x32x128xi32>
    %and3A_2407 = arith.constant 32 : i32
    %and3A_2408 = vector.broadcast %and3A_2407 : i32 to vector<4x32x128xi32>
    %and3A_2409 = arith.andi %iota3A_9, %and3A_2408 : vector<4x32x128xi32>
    %eq3A_2410 = arith.constant 0 : i32
    %eq3A_2411 = vector.broadcast %eq3A_2410 : i32 to vector<4x32x128xi32>
    %eq3A_2412 = arith.cmpi eq, %and3A_2409, %eq3A_2411 : vector<4x32x128xi32>
    %slice3A_2413 = vector.extract_strided_slice %select_n3A_2405 {offsets = [0, 0, 32], sizes = [4, 32, 96], strides = [1, 1, 1]} : vector<4x32x128xi32> to vector<4x32x96xi32>
    %slice3A_2414 = vector.extract_strided_slice %select_n3A_2405 {offsets = [0, 0, 0], sizes = [4, 32, 32], strides = [1, 1, 1]} : vector<4x32x128xi32> to vector<4x32x32xi32>
    %concatenate3A_2415 = tpu.concatenate %slice3A_2413, %slice3A_2414 in 2 : vector<4x32x96xi32>, vector<4x32x32xi32> -> vector<4x32x128xi32>
    %slice3A_2416 = vector.extract_strided_slice %select_n3A_2405 {offsets = [0, 0, 96], sizes = [4, 32, 32], strides = [1, 1, 1]} : vector<4x32x128xi32> to vector<4x32x32xi32>
    %slice3A_2417 = vector.extract_strided_slice %select_n3A_2405 {offsets = [0, 0, 0], sizes = [4, 32, 96], strides = [1, 1, 1]} : vector<4x32x128xi32> to vector<4x32x96xi32>
    %concatenate3A_2418 = tpu.concatenate %slice3A_2416, %slice3A_2417 in 2 : vector<4x32x32xi32>, vector<4x32x96xi32> -> vector<4x32x128xi32>
    %select_n3A_2419 = arith.select %eq3A_2412, %concatenate3A_2415, %concatenate3A_2418 : vector<4x32x128xi1>, vector<4x32x128xi32>
    %and3A_2420 = arith.constant 32 : i32
    %and3A_2421 = vector.broadcast %and3A_2420 : i32 to vector<4x32x128xi32>
    %and3A_2422 = arith.andi %iota3A_9, %and3A_2421 : vector<4x32x128xi32>
    %eq3A_2423 = arith.constant 0 : i32
    %eq3A_2424 = vector.broadcast %eq3A_2423 : i32 to vector<4x32x128xi32>
    %eq3A_2425 = arith.cmpi eq, %and3A_2422, %eq3A_2424 : vector<4x32x128xi32>
    %slice3A_2426 = vector.extract_strided_slice %select_n3A_2406 {offsets = [0, 0, 32], sizes = [4, 32, 96], strides = [1, 1, 1]} : vector<4x32x128xi32> to vector<4x32x96xi32>
    %slice3A_2427 = vector.extract_strided_slice %select_n3A_2406 {offsets = [0, 0, 0], sizes = [4, 32, 32], strides = [1, 1, 1]} : vector<4x32x128xi32> to vector<4x32x32xi32>
    %concatenate3A_2428 = tpu.concatenate %slice3A_2426, %slice3A_2427 in 2 : vector<4x32x96xi32>, vector<4x32x32xi32> -> vector<4x32x128xi32>
    %slice3A_2429 = vector.extract_strided_slice %select_n3A_2406 {offsets = [0, 0, 96], sizes = [4, 32, 32], strides = [1, 1, 1]} : vector<4x32x128xi32> to vector<4x32x32xi32>
    %slice3A_2430 = vector.extract_strided_slice %select_n3A_2406 {offsets = [0, 0, 0], sizes = [4, 32, 96], strides = [1, 1, 1]} : vector<4x32x128xi32> to vector<4x32x96xi32>
    %concatenate3A_2431 = tpu.concatenate %slice3A_2429, %slice3A_2430 in 2 : vector<4x32x32xi32>, vector<4x32x96xi32> -> vector<4x32x128xi32>
    %select_n3A_2432 = arith.select %eq3A_2425, %concatenate3A_2428, %concatenate3A_2431 : vector<4x32x128xi1>, vector<4x32x128xi32>
    %and3A_2433 = arith.constant 32 : i32
    %and3A_2434 = vector.broadcast %and3A_2433 : i32 to vector<4x32x128xi32>
    %and3A_2435 = arith.andi %add3A, %and3A_2434 : vector<4x32x128xi32>
    %eq3A_2436 = arith.constant 0 : i32
    %eq3A_2437 = vector.broadcast %eq3A_2436 : i32 to vector<4x32x128xi32>
    %eq3A_2438 = arith.cmpi eq, %and3A_2435, %eq3A_2437 : vector<4x32x128xi32>
    %and3A_2439 = arith.constant 1024 : i32
    %and3A_2440 = vector.broadcast %and3A_2439 : i32 to vector<4x32x128xi32>
    %and3A_2441 = arith.andi %add3A, %and3A_2440 : vector<4x32x128xi32>
    %eq3A_2442 = arith.constant 0 : i32
    %eq3A_2443 = vector.broadcast %eq3A_2442 : i32 to vector<4x32x128xi32>
    %eq3A_2444 = arith.cmpi eq, %and3A_2441, %eq3A_2443 : vector<4x32x128xi32>
    %eq3A_2445 = arith.xori %eq3A_2444, %eq3A_2438 : vector<4x32x128xi1>
    %eq3A_2446 = arith.constant dense<true> : vector<4x32x128xi1>
    %eq3A_2447 = arith.xori %eq3A_2445, %eq3A_2446 : vector<4x32x128xi1>
    %gt3A_2448 = arith.cmpi ugt, %select_n3A_2405, %select_n3A_2419 : vector<4x32x128xi32>
    %eq3A_2449 = arith.cmpi eq, %select_n3A_2405, %select_n3A_2419 : vector<4x32x128xi32>
    %gt3A_2450 = arith.cmpi sgt, %select_n3A_2406, %select_n3A_2432 : vector<4x32x128xi32>
    %and3A_2451 = arith.andi %eq3A_2449, %gt3A_2450 : vector<4x32x128xi1>
    %or3A_2452 = arith.ori %gt3A_2448, %and3A_2451 : vector<4x32x128xi1>
    %eq3A_2453 = arith.xori %or3A_2452, %eq3A_2447 : vector<4x32x128xi1>
    %eq3A_2454 = arith.constant dense<true> : vector<4x32x128xi1>
    %eq3A_2455 = arith.xori %eq3A_2453, %eq3A_2454 : vector<4x32x128xi1>
    %select_n3A_2456 = arith.select %eq3A_2455, %select_n3A_2419, %select_n3A_2405 : vector<4x32x128xi1>, vector<4x32x128xi32>
    %select_n3A_2457 = arith.select %eq3A_2455, %select_n3A_2432, %select_n3A_2406 : vector<4x32x128xi1>, vector<4x32x128xi32>
    %and3A_2458 = arith.constant 16 : i32
    %and3A_2459 = vector.broadcast %and3A_2458 : i32 to vector<4x32x128xi32>
    %and3A_2460 = arith.andi %iota3A_9, %and3A_2459 : vector<4x32x128xi32>
    %eq3A_2461 = arith.constant 0 : i32
    %eq3A_2462 = vector.broadcast %eq3A_2461 : i32 to vector<4x32x128xi32>
    %eq3A_2463 = arith.cmpi eq, %and3A_2460, %eq3A_2462 : vector<4x32x128xi32>
    %slice3A_2464 = vector.extract_strided_slice %select_n3A_2456 {offsets = [0, 0, 16], sizes = [4, 32, 112], strides = [1, 1, 1]} : vector<4x32x128xi32> to vector<4x32x112xi32>
    %slice3A_2465 = vector.extract_strided_slice %select_n3A_2456 {offsets = [0, 0, 0], sizes = [4, 32, 16], strides = [1, 1, 1]} : vector<4x32x128xi32> to vector<4x32x16xi32>
    %concatenate3A_2466 = tpu.concatenate %slice3A_2464, %slice3A_2465 in 2 : vector<4x32x112xi32>, vector<4x32x16xi32> -> vector<4x32x128xi32>
    %slice3A_2467 = vector.extract_strided_slice %select_n3A_2456 {offsets = [0, 0, 112], sizes = [4, 32, 16], strides = [1, 1, 1]} : vector<4x32x128xi32> to vector<4x32x16xi32>
    %slice3A_2468 = vector.extract_strided_slice %select_n3A_2456 {offsets = [0, 0, 0], sizes = [4, 32, 112], strides = [1, 1, 1]} : vector<4x32x128xi32> to vector<4x32x112xi32>
    %concatenate3A_2469 = tpu.concatenate %slice3A_2467, %slice3A_2468 in 2 : vector<4x32x16xi32>, vector<4x32x112xi32> -> vector<4x32x128xi32>
    %select_n3A_2470 = arith.select %eq3A_2463, %concatenate3A_2466, %concatenate3A_2469 : vector<4x32x128xi1>, vector<4x32x128xi32>
    %and3A_2471 = arith.constant 16 : i32
    %and3A_2472 = vector.broadcast %and3A_2471 : i32 to vector<4x32x128xi32>
    %and3A_2473 = arith.andi %iota3A_9, %and3A_2472 : vector<4x32x128xi32>
    %eq3A_2474 = arith.constant 0 : i32
    %eq3A_2475 = vector.broadcast %eq3A_2474 : i32 to vector<4x32x128xi32>
    %eq3A_2476 = arith.cmpi eq, %and3A_2473, %eq3A_2475 : vector<4x32x128xi32>
    %slice3A_2477 = vector.extract_strided_slice %select_n3A_2457 {offsets = [0, 0, 16], sizes = [4, 32, 112], strides = [1, 1, 1]} : vector<4x32x128xi32> to vector<4x32x112xi32>
    %slice3A_2478 = vector.extract_strided_slice %select_n3A_2457 {offsets = [0, 0, 0], sizes = [4, 32, 16], strides = [1, 1, 1]} : vector<4x32x128xi32> to vector<4x32x16xi32>
    %concatenate3A_2479 = tpu.concatenate %slice3A_2477, %slice3A_2478 in 2 : vector<4x32x112xi32>, vector<4x32x16xi32> -> vector<4x32x128xi32>
    %slice3A_2480 = vector.extract_strided_slice %select_n3A_2457 {offsets = [0, 0, 112], sizes = [4, 32, 16], strides = [1, 1, 1]} : vector<4x32x128xi32> to vector<4x32x16xi32>
    %slice3A_2481 = vector.extract_strided_slice %select_n3A_2457 {offsets = [0, 0, 0], sizes = [4, 32, 112], strides = [1, 1, 1]} : vector<4x32x128xi32> to vector<4x32x112xi32>
    %concatenate3A_2482 = tpu.concatenate %slice3A_2480, %slice3A_2481 in 2 : vector<4x32x16xi32>, vector<4x32x112xi32> -> vector<4x32x128xi32>
    %select_n3A_2483 = arith.select %eq3A_2476, %concatenate3A_2479, %concatenate3A_2482 : vector<4x32x128xi1>, vector<4x32x128xi32>
    %and3A_2484 = arith.constant 16 : i32
    %and3A_2485 = vector.broadcast %and3A_2484 : i32 to vector<4x32x128xi32>
    %and3A_2486 = arith.andi %add3A, %and3A_2485 : vector<4x32x128xi32>
    %eq3A_2487 = arith.constant 0 : i32
    %eq3A_2488 = vector.broadcast %eq3A_2487 : i32 to vector<4x32x128xi32>
    %eq3A_2489 = arith.cmpi eq, %and3A_2486, %eq3A_2488 : vector<4x32x128xi32>
    %and3A_2490 = arith.constant 1024 : i32
    %and3A_2491 = vector.broadcast %and3A_2490 : i32 to vector<4x32x128xi32>
    %and3A_2492 = arith.andi %add3A, %and3A_2491 : vector<4x32x128xi32>
    %eq3A_2493 = arith.constant 0 : i32
    %eq3A_2494 = vector.broadcast %eq3A_2493 : i32 to vector<4x32x128xi32>
    %eq3A_2495 = arith.cmpi eq, %and3A_2492, %eq3A_2494 : vector<4x32x128xi32>
    %eq3A_2496 = arith.xori %eq3A_2495, %eq3A_2489 : vector<4x32x128xi1>
    %eq3A_2497 = arith.constant dense<true> : vector<4x32x128xi1>
    %eq3A_2498 = arith.xori %eq3A_2496, %eq3A_2497 : vector<4x32x128xi1>
    %gt3A_2499 = arith.cmpi ugt, %select_n3A_2456, %select_n3A_2470 : vector<4x32x128xi32>
    %eq3A_2500 = arith.cmpi eq, %select_n3A_2456, %select_n3A_2470 : vector<4x32x128xi32>
    %gt3A_2501 = arith.cmpi sgt, %select_n3A_2457, %select_n3A_2483 : vector<4x32x128xi32>
    %and3A_2502 = arith.andi %eq3A_2500, %gt3A_2501 : vector<4x32x128xi1>
    %or3A_2503 = arith.ori %gt3A_2499, %and3A_2502 : vector<4x32x128xi1>
    %eq3A_2504 = arith.xori %or3A_2503, %eq3A_2498 : vector<4x32x128xi1>
    %eq3A_2505 = arith.constant dense<true> : vector<4x32x128xi1>
    %eq3A_2506 = arith.xori %eq3A_2504, %eq3A_2505 : vector<4x32x128xi1>
    %select_n3A_2507 = arith.select %eq3A_2506, %select_n3A_2470, %select_n3A_2456 : vector<4x32x128xi1>, vector<4x32x128xi32>
    %select_n3A_2508 = arith.select %eq3A_2506, %select_n3A_2483, %select_n3A_2457 : vector<4x32x128xi1>, vector<4x32x128xi32>
    %and3A_2509 = arith.constant 8 : i32
    %and3A_2510 = vector.broadcast %and3A_2509 : i32 to vector<4x32x128xi32>
    %and3A_2511 = arith.andi %iota3A_9, %and3A_2510 : vector<4x32x128xi32>
    %eq3A_2512 = arith.constant 0 : i32
    %eq3A_2513 = vector.broadcast %eq3A_2512 : i32 to vector<4x32x128xi32>
    %eq3A_2514 = arith.cmpi eq, %and3A_2511, %eq3A_2513 : vector<4x32x128xi32>
    %slice3A_2515 = vector.extract_strided_slice %select_n3A_2507 {offsets = [0, 0, 8], sizes = [4, 32, 120], strides = [1, 1, 1]} : vector<4x32x128xi32> to vector<4x32x120xi32>
    %slice3A_2516 = vector.extract_strided_slice %select_n3A_2507 {offsets = [0, 0, 0], sizes = [4, 32, 8], strides = [1, 1, 1]} : vector<4x32x128xi32> to vector<4x32x8xi32>
    %concatenate3A_2517 = tpu.concatenate %slice3A_2515, %slice3A_2516 in 2 : vector<4x32x120xi32>, vector<4x32x8xi32> -> vector<4x32x128xi32>
    %slice3A_2518 = vector.extract_strided_slice %select_n3A_2507 {offsets = [0, 0, 120], sizes = [4, 32, 8], strides = [1, 1, 1]} : vector<4x32x128xi32> to vector<4x32x8xi32>
    %slice3A_2519 = vector.extract_strided_slice %select_n3A_2507 {offsets = [0, 0, 0], sizes = [4, 32, 120], strides = [1, 1, 1]} : vector<4x32x128xi32> to vector<4x32x120xi32>
    %concatenate3A_2520 = tpu.concatenate %slice3A_2518, %slice3A_2519 in 2 : vector<4x32x8xi32>, vector<4x32x120xi32> -> vector<4x32x128xi32>
    %select_n3A_2521 = arith.select %eq3A_2514, %concatenate3A_2517, %concatenate3A_2520 : vector<4x32x128xi1>, vector<4x32x128xi32>
    %and3A_2522 = arith.constant 8 : i32
    %and3A_2523 = vector.broadcast %and3A_2522 : i32 to vector<4x32x128xi32>
    %and3A_2524 = arith.andi %iota3A_9, %and3A_2523 : vector<4x32x128xi32>
    %eq3A_2525 = arith.constant 0 : i32
    %eq3A_2526 = vector.broadcast %eq3A_2525 : i32 to vector<4x32x128xi32>
    %eq3A_2527 = arith.cmpi eq, %and3A_2524, %eq3A_2526 : vector<4x32x128xi32>
    %slice3A_2528 = vector.extract_strided_slice %select_n3A_2508 {offsets = [0, 0, 8], sizes = [4, 32, 120], strides = [1, 1, 1]} : vector<4x32x128xi32> to vector<4x32x120xi32>
    %slice3A_2529 = vector.extract_strided_slice %select_n3A_2508 {offsets = [0, 0, 0], sizes = [4, 32, 8], strides = [1, 1, 1]} : vector<4x32x128xi32> to vector<4x32x8xi32>
    %concatenate3A_2530 = tpu.concatenate %slice3A_2528, %slice3A_2529 in 2 : vector<4x32x120xi32>, vector<4x32x8xi32> -> vector<4x32x128xi32>
    %slice3A_2531 = vector.extract_strided_slice %select_n3A_2508 {offsets = [0, 0, 120], sizes = [4, 32, 8], strides = [1, 1, 1]} : vector<4x32x128xi32> to vector<4x32x8xi32>
    %slice3A_2532 = vector.extract_strided_slice %select_n3A_2508 {offsets = [0, 0, 0], sizes = [4, 32, 120], strides = [1, 1, 1]} : vector<4x32x128xi32> to vector<4x32x120xi32>
    %concatenate3A_2533 = tpu.concatenate %slice3A_2531, %slice3A_2532 in 2 : vector<4x32x8xi32>, vector<4x32x120xi32> -> vector<4x32x128xi32>
    %select_n3A_2534 = arith.select %eq3A_2527, %concatenate3A_2530, %concatenate3A_2533 : vector<4x32x128xi1>, vector<4x32x128xi32>
    %and3A_2535 = arith.constant 8 : i32
    %and3A_2536 = vector.broadcast %and3A_2535 : i32 to vector<4x32x128xi32>
    %and3A_2537 = arith.andi %add3A, %and3A_2536 : vector<4x32x128xi32>
    %eq3A_2538 = arith.constant 0 : i32
    %eq3A_2539 = vector.broadcast %eq3A_2538 : i32 to vector<4x32x128xi32>
    %eq3A_2540 = arith.cmpi eq, %and3A_2537, %eq3A_2539 : vector<4x32x128xi32>
    %and3A_2541 = arith.constant 1024 : i32
    %and3A_2542 = vector.broadcast %and3A_2541 : i32 to vector<4x32x128xi32>
    %and3A_2543 = arith.andi %add3A, %and3A_2542 : vector<4x32x128xi32>
    %eq3A_2544 = arith.constant 0 : i32
    %eq3A_2545 = vector.broadcast %eq3A_2544 : i32 to vector<4x32x128xi32>
    %eq3A_2546 = arith.cmpi eq, %and3A_2543, %eq3A_2545 : vector<4x32x128xi32>
    %eq3A_2547 = arith.xori %eq3A_2546, %eq3A_2540 : vector<4x32x128xi1>
    %eq3A_2548 = arith.constant dense<true> : vector<4x32x128xi1>
    %eq3A_2549 = arith.xori %eq3A_2547, %eq3A_2548 : vector<4x32x128xi1>
    %gt3A_2550 = arith.cmpi ugt, %select_n3A_2507, %select_n3A_2521 : vector<4x32x128xi32>
    %eq3A_2551 = arith.cmpi eq, %select_n3A_2507, %select_n3A_2521 : vector<4x32x128xi32>
    %gt3A_2552 = arith.cmpi sgt, %select_n3A_2508, %select_n3A_2534 : vector<4x32x128xi32>
    %and3A_2553 = arith.andi %eq3A_2551, %gt3A_2552 : vector<4x32x128xi1>
    %or3A_2554 = arith.ori %gt3A_2550, %and3A_2553 : vector<4x32x128xi1>
    %eq3A_2555 = arith.xori %or3A_2554, %eq3A_2549 : vector<4x32x128xi1>
    %eq3A_2556 = arith.constant dense<true> : vector<4x32x128xi1>
    %eq3A_2557 = arith.xori %eq3A_2555, %eq3A_2556 : vector<4x32x128xi1>
    %select_n3A_2558 = arith.select %eq3A_2557, %select_n3A_2521, %select_n3A_2507 : vector<4x32x128xi1>, vector<4x32x128xi32>
    %select_n3A_2559 = arith.select %eq3A_2557, %select_n3A_2534, %select_n3A_2508 : vector<4x32x128xi1>, vector<4x32x128xi32>
    %and3A_2560 = arith.constant 4 : i32
    %and3A_2561 = vector.broadcast %and3A_2560 : i32 to vector<4x32x128xi32>
    %and3A_2562 = arith.andi %iota3A_9, %and3A_2561 : vector<4x32x128xi32>
    %eq3A_2563 = arith.constant 0 : i32
    %eq3A_2564 = vector.broadcast %eq3A_2563 : i32 to vector<4x32x128xi32>
    %eq3A_2565 = arith.cmpi eq, %and3A_2562, %eq3A_2564 : vector<4x32x128xi32>
    %slice3A_2566 = vector.extract_strided_slice %select_n3A_2558 {offsets = [0, 0, 4], sizes = [4, 32, 124], strides = [1, 1, 1]} : vector<4x32x128xi32> to vector<4x32x124xi32>
    %slice3A_2567 = vector.extract_strided_slice %select_n3A_2558 {offsets = [0, 0, 0], sizes = [4, 32, 4], strides = [1, 1, 1]} : vector<4x32x128xi32> to vector<4x32x4xi32>
    %concatenate3A_2568 = tpu.concatenate %slice3A_2566, %slice3A_2567 in 2 : vector<4x32x124xi32>, vector<4x32x4xi32> -> vector<4x32x128xi32>
    %slice3A_2569 = vector.extract_strided_slice %select_n3A_2558 {offsets = [0, 0, 124], sizes = [4, 32, 4], strides = [1, 1, 1]} : vector<4x32x128xi32> to vector<4x32x4xi32>
    %slice3A_2570 = vector.extract_strided_slice %select_n3A_2558 {offsets = [0, 0, 0], sizes = [4, 32, 124], strides = [1, 1, 1]} : vector<4x32x128xi32> to vector<4x32x124xi32>
    %concatenate3A_2571 = tpu.concatenate %slice3A_2569, %slice3A_2570 in 2 : vector<4x32x4xi32>, vector<4x32x124xi32> -> vector<4x32x128xi32>
    %select_n3A_2572 = arith.select %eq3A_2565, %concatenate3A_2568, %concatenate3A_2571 : vector<4x32x128xi1>, vector<4x32x128xi32>
    %and3A_2573 = arith.constant 4 : i32
    %and3A_2574 = vector.broadcast %and3A_2573 : i32 to vector<4x32x128xi32>
    %and3A_2575 = arith.andi %iota3A_9, %and3A_2574 : vector<4x32x128xi32>
    %eq3A_2576 = arith.constant 0 : i32
    %eq3A_2577 = vector.broadcast %eq3A_2576 : i32 to vector<4x32x128xi32>
    %eq3A_2578 = arith.cmpi eq, %and3A_2575, %eq3A_2577 : vector<4x32x128xi32>
    %slice3A_2579 = vector.extract_strided_slice %select_n3A_2559 {offsets = [0, 0, 4], sizes = [4, 32, 124], strides = [1, 1, 1]} : vector<4x32x128xi32> to vector<4x32x124xi32>
    %slice3A_2580 = vector.extract_strided_slice %select_n3A_2559 {offsets = [0, 0, 0], sizes = [4, 32, 4], strides = [1, 1, 1]} : vector<4x32x128xi32> to vector<4x32x4xi32>
    %concatenate3A_2581 = tpu.concatenate %slice3A_2579, %slice3A_2580 in 2 : vector<4x32x124xi32>, vector<4x32x4xi32> -> vector<4x32x128xi32>
    %slice3A_2582 = vector.extract_strided_slice %select_n3A_2559 {offsets = [0, 0, 124], sizes = [4, 32, 4], strides = [1, 1, 1]} : vector<4x32x128xi32> to vector<4x32x4xi32>
    %slice3A_2583 = vector.extract_strided_slice %select_n3A_2559 {offsets = [0, 0, 0], sizes = [4, 32, 124], strides = [1, 1, 1]} : vector<4x32x128xi32> to vector<4x32x124xi32>
    %concatenate3A_2584 = tpu.concatenate %slice3A_2582, %slice3A_2583 in 2 : vector<4x32x4xi32>, vector<4x32x124xi32> -> vector<4x32x128xi32>
    %select_n3A_2585 = arith.select %eq3A_2578, %concatenate3A_2581, %concatenate3A_2584 : vector<4x32x128xi1>, vector<4x32x128xi32>
    %and3A_2586 = arith.constant 4 : i32
    %and3A_2587 = vector.broadcast %and3A_2586 : i32 to vector<4x32x128xi32>
    %and3A_2588 = arith.andi %add3A, %and3A_2587 : vector<4x32x128xi32>
    %eq3A_2589 = arith.constant 0 : i32
    %eq3A_2590 = vector.broadcast %eq3A_2589 : i32 to vector<4x32x128xi32>
    %eq3A_2591 = arith.cmpi eq, %and3A_2588, %eq3A_2590 : vector<4x32x128xi32>
    %and3A_2592 = arith.constant 1024 : i32
    %and3A_2593 = vector.broadcast %and3A_2592 : i32 to vector<4x32x128xi32>
    %and3A_2594 = arith.andi %add3A, %and3A_2593 : vector<4x32x128xi32>
    %eq3A_2595 = arith.constant 0 : i32
    %eq3A_2596 = vector.broadcast %eq3A_2595 : i32 to vector<4x32x128xi32>
    %eq3A_2597 = arith.cmpi eq, %and3A_2594, %eq3A_2596 : vector<4x32x128xi32>
    %eq3A_2598 = arith.xori %eq3A_2597, %eq3A_2591 : vector<4x32x128xi1>
    %eq3A_2599 = arith.constant dense<true> : vector<4x32x128xi1>
    %eq3A_2600 = arith.xori %eq3A_2598, %eq3A_2599 : vector<4x32x128xi1>
    %gt3A_2601 = arith.cmpi ugt, %select_n3A_2558, %select_n3A_2572 : vector<4x32x128xi32>
    %eq3A_2602 = arith.cmpi eq, %select_n3A_2558, %select_n3A_2572 : vector<4x32x128xi32>
    %gt3A_2603 = arith.cmpi sgt, %select_n3A_2559, %select_n3A_2585 : vector<4x32x128xi32>
    %and3A_2604 = arith.andi %eq3A_2602, %gt3A_2603 : vector<4x32x128xi1>
    %or3A_2605 = arith.ori %gt3A_2601, %and3A_2604 : vector<4x32x128xi1>
    %eq3A_2606 = arith.xori %or3A_2605, %eq3A_2600 : vector<4x32x128xi1>
    %eq3A_2607 = arith.constant dense<true> : vector<4x32x128xi1>
    %eq3A_2608 = arith.xori %eq3A_2606, %eq3A_2607 : vector<4x32x128xi1>
    %select_n3A_2609 = arith.select %eq3A_2608, %select_n3A_2572, %select_n3A_2558 : vector<4x32x128xi1>, vector<4x32x128xi32>
    %select_n3A_2610 = arith.select %eq3A_2608, %select_n3A_2585, %select_n3A_2559 : vector<4x32x128xi1>, vector<4x32x128xi32>
    %and3A_2611 = arith.constant 2 : i32
    %and3A_2612 = vector.broadcast %and3A_2611 : i32 to vector<4x32x128xi32>
    %and3A_2613 = arith.andi %iota3A_9, %and3A_2612 : vector<4x32x128xi32>
    %eq3A_2614 = arith.constant 0 : i32
    %eq3A_2615 = vector.broadcast %eq3A_2614 : i32 to vector<4x32x128xi32>
    %eq3A_2616 = arith.cmpi eq, %and3A_2613, %eq3A_2615 : vector<4x32x128xi32>
    %slice3A_2617 = vector.extract_strided_slice %select_n3A_2609 {offsets = [0, 0, 2], sizes = [4, 32, 126], strides = [1, 1, 1]} : vector<4x32x128xi32> to vector<4x32x126xi32>
    %slice3A_2618 = vector.extract_strided_slice %select_n3A_2609 {offsets = [0, 0, 0], sizes = [4, 32, 2], strides = [1, 1, 1]} : vector<4x32x128xi32> to vector<4x32x2xi32>
    %concatenate3A_2619 = tpu.concatenate %slice3A_2617, %slice3A_2618 in 2 : vector<4x32x126xi32>, vector<4x32x2xi32> -> vector<4x32x128xi32>
    %slice3A_2620 = vector.extract_strided_slice %select_n3A_2609 {offsets = [0, 0, 126], sizes = [4, 32, 2], strides = [1, 1, 1]} : vector<4x32x128xi32> to vector<4x32x2xi32>
    %slice3A_2621 = vector.extract_strided_slice %select_n3A_2609 {offsets = [0, 0, 0], sizes = [4, 32, 126], strides = [1, 1, 1]} : vector<4x32x128xi32> to vector<4x32x126xi32>
    %concatenate3A_2622 = tpu.concatenate %slice3A_2620, %slice3A_2621 in 2 : vector<4x32x2xi32>, vector<4x32x126xi32> -> vector<4x32x128xi32>
    %select_n3A_2623 = arith.select %eq3A_2616, %concatenate3A_2619, %concatenate3A_2622 : vector<4x32x128xi1>, vector<4x32x128xi32>
    %and3A_2624 = arith.constant 2 : i32
    %and3A_2625 = vector.broadcast %and3A_2624 : i32 to vector<4x32x128xi32>
    %and3A_2626 = arith.andi %iota3A_9, %and3A_2625 : vector<4x32x128xi32>
    %eq3A_2627 = arith.constant 0 : i32
    %eq3A_2628 = vector.broadcast %eq3A_2627 : i32 to vector<4x32x128xi32>
    %eq3A_2629 = arith.cmpi eq, %and3A_2626, %eq3A_2628 : vector<4x32x128xi32>
    %slice3A_2630 = vector.extract_strided_slice %select_n3A_2610 {offsets = [0, 0, 2], sizes = [4, 32, 126], strides = [1, 1, 1]} : vector<4x32x128xi32> to vector<4x32x126xi32>
    %slice3A_2631 = vector.extract_strided_slice %select_n3A_2610 {offsets = [0, 0, 0], sizes = [4, 32, 2], strides = [1, 1, 1]} : vector<4x32x128xi32> to vector<4x32x2xi32>
    %concatenate3A_2632 = tpu.concatenate %slice3A_2630, %slice3A_2631 in 2 : vector<4x32x126xi32>, vector<4x32x2xi32> -> vector<4x32x128xi32>
    %slice3A_2633 = vector.extract_strided_slice %select_n3A_2610 {offsets = [0, 0, 126], sizes = [4, 32, 2], strides = [1, 1, 1]} : vector<4x32x128xi32> to vector<4x32x2xi32>
    %slice3A_2634 = vector.extract_strided_slice %select_n3A_2610 {offsets = [0, 0, 0], sizes = [4, 32, 126], strides = [1, 1, 1]} : vector<4x32x128xi32> to vector<4x32x126xi32>
    %concatenate3A_2635 = tpu.concatenate %slice3A_2633, %slice3A_2634 in 2 : vector<4x32x2xi32>, vector<4x32x126xi32> -> vector<4x32x128xi32>
    %select_n3A_2636 = arith.select %eq3A_2629, %concatenate3A_2632, %concatenate3A_2635 : vector<4x32x128xi1>, vector<4x32x128xi32>
    %and3A_2637 = arith.constant 2 : i32
    %and3A_2638 = vector.broadcast %and3A_2637 : i32 to vector<4x32x128xi32>
    %and3A_2639 = arith.andi %add3A, %and3A_2638 : vector<4x32x128xi32>
    %eq3A_2640 = arith.constant 0 : i32
    %eq3A_2641 = vector.broadcast %eq3A_2640 : i32 to vector<4x32x128xi32>
    %eq3A_2642 = arith.cmpi eq, %and3A_2639, %eq3A_2641 : vector<4x32x128xi32>
    %and3A_2643 = arith.constant 1024 : i32
    %and3A_2644 = vector.broadcast %and3A_2643 : i32 to vector<4x32x128xi32>
    %and3A_2645 = arith.andi %add3A, %and3A_2644 : vector<4x32x128xi32>
    %eq3A_2646 = arith.constant 0 : i32
    %eq3A_2647 = vector.broadcast %eq3A_2646 : i32 to vector<4x32x128xi32>
    %eq3A_2648 = arith.cmpi eq, %and3A_2645, %eq3A_2647 : vector<4x32x128xi32>
    %eq3A_2649 = arith.xori %eq3A_2648, %eq3A_2642 : vector<4x32x128xi1>
    %eq3A_2650 = arith.constant dense<true> : vector<4x32x128xi1>
    %eq3A_2651 = arith.xori %eq3A_2649, %eq3A_2650 : vector<4x32x128xi1>
    %gt3A_2652 = arith.cmpi ugt, %select_n3A_2609, %select_n3A_2623 : vector<4x32x128xi32>
    %eq3A_2653 = arith.cmpi eq, %select_n3A_2609, %select_n3A_2623 : vector<4x32x128xi32>
    %gt3A_2654 = arith.cmpi sgt, %select_n3A_2610, %select_n3A_2636 : vector<4x32x128xi32>
    %and3A_2655 = arith.andi %eq3A_2653, %gt3A_2654 : vector<4x32x128xi1>
    %or3A_2656 = arith.ori %gt3A_2652, %and3A_2655 : vector<4x32x128xi1>
    %eq3A_2657 = arith.xori %or3A_2656, %eq3A_2651 : vector<4x32x128xi1>
    %eq3A_2658 = arith.constant dense<true> : vector<4x32x128xi1>
    %eq3A_2659 = arith.xori %eq3A_2657, %eq3A_2658 : vector<4x32x128xi1>
    %select_n3A_2660 = arith.select %eq3A_2659, %select_n3A_2623, %select_n3A_2609 : vector<4x32x128xi1>, vector<4x32x128xi32>
    %select_n3A_2661 = arith.select %eq3A_2659, %select_n3A_2636, %select_n3A_2610 : vector<4x32x128xi1>, vector<4x32x128xi32>
    %and3A_2662 = arith.constant 1 : i32
    %and3A_2663 = vector.broadcast %and3A_2662 : i32 to vector<4x32x128xi32>
    %and3A_2664 = arith.andi %iota3A_9, %and3A_2663 : vector<4x32x128xi32>
    %eq3A_2665 = arith.constant 0 : i32
    %eq3A_2666 = vector.broadcast %eq3A_2665 : i32 to vector<4x32x128xi32>
    %eq3A_2667 = arith.cmpi eq, %and3A_2664, %eq3A_2666 : vector<4x32x128xi32>
    %slice3A_2668 = vector.extract_strided_slice %select_n3A_2660 {offsets = [0, 0, 1], sizes = [4, 32, 127], strides = [1, 1, 1]} : vector<4x32x128xi32> to vector<4x32x127xi32>
    %slice3A_2669 = vector.extract_strided_slice %select_n3A_2660 {offsets = [0, 0, 0], sizes = [4, 32, 1], strides = [1, 1, 1]} : vector<4x32x128xi32> to vector<4x32x1xi32>
    %concatenate3A_2670 = tpu.concatenate %slice3A_2668, %slice3A_2669 in 2 : vector<4x32x127xi32>, vector<4x32x1xi32> -> vector<4x32x128xi32>
    %slice3A_2671 = vector.extract_strided_slice %select_n3A_2660 {offsets = [0, 0, 127], sizes = [4, 32, 1], strides = [1, 1, 1]} : vector<4x32x128xi32> to vector<4x32x1xi32>
    %slice3A_2672 = vector.extract_strided_slice %select_n3A_2660 {offsets = [0, 0, 0], sizes = [4, 32, 127], strides = [1, 1, 1]} : vector<4x32x128xi32> to vector<4x32x127xi32>
    %concatenate3A_2673 = tpu.concatenate %slice3A_2671, %slice3A_2672 in 2 : vector<4x32x1xi32>, vector<4x32x127xi32> -> vector<4x32x128xi32>
    %select_n3A_2674 = arith.select %eq3A_2667, %concatenate3A_2670, %concatenate3A_2673 : vector<4x32x128xi1>, vector<4x32x128xi32>
    %and3A_2675 = arith.constant 1 : i32
    %and3A_2676 = vector.broadcast %and3A_2675 : i32 to vector<4x32x128xi32>
    %and3A_2677 = arith.andi %iota3A_9, %and3A_2676 : vector<4x32x128xi32>
    %eq3A_2678 = arith.constant 0 : i32
    %eq3A_2679 = vector.broadcast %eq3A_2678 : i32 to vector<4x32x128xi32>
    %eq3A_2680 = arith.cmpi eq, %and3A_2677, %eq3A_2679 : vector<4x32x128xi32>
    %slice3A_2681 = vector.extract_strided_slice %select_n3A_2661 {offsets = [0, 0, 1], sizes = [4, 32, 127], strides = [1, 1, 1]} : vector<4x32x128xi32> to vector<4x32x127xi32>
    %slice3A_2682 = vector.extract_strided_slice %select_n3A_2661 {offsets = [0, 0, 0], sizes = [4, 32, 1], strides = [1, 1, 1]} : vector<4x32x128xi32> to vector<4x32x1xi32>
    %concatenate3A_2683 = tpu.concatenate %slice3A_2681, %slice3A_2682 in 2 : vector<4x32x127xi32>, vector<4x32x1xi32> -> vector<4x32x128xi32>
    %slice3A_2684 = vector.extract_strided_slice %select_n3A_2661 {offsets = [0, 0, 127], sizes = [4, 32, 1], strides = [1, 1, 1]} : vector<4x32x128xi32> to vector<4x32x1xi32>
    %slice3A_2685 = vector.extract_strided_slice %select_n3A_2661 {offsets = [0, 0, 0], sizes = [4, 32, 127], strides = [1, 1, 1]} : vector<4x32x128xi32> to vector<4x32x127xi32>
    %concatenate3A_2686 = tpu.concatenate %slice3A_2684, %slice3A_2685 in 2 : vector<4x32x1xi32>, vector<4x32x127xi32> -> vector<4x32x128xi32>
    %select_n3A_2687 = arith.select %eq3A_2680, %concatenate3A_2683, %concatenate3A_2686 : vector<4x32x128xi1>, vector<4x32x128xi32>
    %and3A_2688 = arith.constant 1 : i32
    %and3A_2689 = vector.broadcast %and3A_2688 : i32 to vector<4x32x128xi32>
    %and3A_2690 = arith.andi %add3A, %and3A_2689 : vector<4x32x128xi32>
    %eq3A_2691 = arith.constant 0 : i32
    %eq3A_2692 = vector.broadcast %eq3A_2691 : i32 to vector<4x32x128xi32>
    %eq3A_2693 = arith.cmpi eq, %and3A_2690, %eq3A_2692 : vector<4x32x128xi32>
    %and3A_2694 = arith.constant 1024 : i32
    %and3A_2695 = vector.broadcast %and3A_2694 : i32 to vector<4x32x128xi32>
    %and3A_2696 = arith.andi %add3A, %and3A_2695 : vector<4x32x128xi32>
    %eq3A_2697 = arith.constant 0 : i32
    %eq3A_2698 = vector.broadcast %eq3A_2697 : i32 to vector<4x32x128xi32>
    %eq3A_2699 = arith.cmpi eq, %and3A_2696, %eq3A_2698 : vector<4x32x128xi32>
    %eq3A_2700 = arith.xori %eq3A_2699, %eq3A_2693 : vector<4x32x128xi1>
    %eq3A_2701 = arith.constant dense<true> : vector<4x32x128xi1>
    %eq3A_2702 = arith.xori %eq3A_2700, %eq3A_2701 : vector<4x32x128xi1>
    %gt3A_2703 = arith.cmpi ugt, %select_n3A_2660, %select_n3A_2674 : vector<4x32x128xi32>
    %eq3A_2704 = arith.cmpi eq, %select_n3A_2660, %select_n3A_2674 : vector<4x32x128xi32>
    %gt3A_2705 = arith.cmpi sgt, %select_n3A_2661, %select_n3A_2687 : vector<4x32x128xi32>
    %and3A_2706 = arith.andi %eq3A_2704, %gt3A_2705 : vector<4x32x128xi1>
    %or3A_2707 = arith.ori %gt3A_2703, %and3A_2706 : vector<4x32x128xi1>
    %eq3A_2708 = arith.xori %or3A_2707, %eq3A_2702 : vector<4x32x128xi1>
    %eq3A_2709 = arith.constant dense<true> : vector<4x32x128xi1>
    %eq3A_2710 = arith.xori %eq3A_2708, %eq3A_2709 : vector<4x32x128xi1>
    %select_n3A_2711 = arith.select %eq3A_2710, %select_n3A_2674, %select_n3A_2660 : vector<4x32x128xi1>, vector<4x32x128xi32>
    %select_n3A_2712 = arith.select %eq3A_2710, %select_n3A_2687, %select_n3A_2661 : vector<4x32x128xi1>, vector<4x32x128xi32>
    %reshape3A_2713 = vector.shape_cast %select_n3A_2711 : vector<4x32x128xi32> to vector<4x2x2x8x128xi32>
    %slice3A_2714 = vector.extract_strided_slice %reshape3A_2713 {offsets = [0, 0, 1, 0, 0], sizes = [4, 2, 1, 8, 128], strides = [1, 1, 1, 1, 1]} : vector<4x2x2x8x128xi32> to vector<4x2x1x8x128xi32>
    %slice3A_2715 = vector.extract_strided_slice %reshape3A_2713 {offsets = [0, 0, 0, 0, 0], sizes = [4, 2, 1, 8, 128], strides = [1, 1, 1, 1, 1]} : vector<4x2x2x8x128xi32> to vector<4x2x1x8x128xi32>
    %concatenate3A_2716 = tpu.concatenate %slice3A_2714, %slice3A_2715 in 2 : vector<4x2x1x8x128xi32>, vector<4x2x1x8x128xi32> -> vector<4x2x2x8x128xi32>
    %reshape3A_2717 = vector.shape_cast %concatenate3A_2716 : vector<4x2x2x8x128xi32> to vector<4x32x128xi32>
    %reshape3A_2718 = vector.shape_cast %select_n3A_2712 : vector<4x32x128xi32> to vector<4x2x2x8x128xi32>
    %slice3A_2719 = vector.extract_strided_slice %reshape3A_2718 {offsets = [0, 0, 1, 0, 0], sizes = [4, 2, 1, 8, 128], strides = [1, 1, 1, 1, 1]} : vector<4x2x2x8x128xi32> to vector<4x2x1x8x128xi32>
    %slice3A_2720 = vector.extract_strided_slice %reshape3A_2718 {offsets = [0, 0, 0, 0, 0], sizes = [4, 2, 1, 8, 128], strides = [1, 1, 1, 1, 1]} : vector<4x2x2x8x128xi32> to vector<4x2x1x8x128xi32>
    %concatenate3A_2721 = tpu.concatenate %slice3A_2719, %slice3A_2720 in 2 : vector<4x2x1x8x128xi32>, vector<4x2x1x8x128xi32> -> vector<4x2x2x8x128xi32>
    %reshape3A_2722 = vector.shape_cast %concatenate3A_2721 : vector<4x2x2x8x128xi32> to vector<4x32x128xi32>
    %and3A_2723 = arith.constant 1024 : i32
    %and3A_2724 = vector.broadcast %and3A_2723 : i32 to vector<4x32x128xi32>
    %and3A_2725 = arith.andi %add3A, %and3A_2724 : vector<4x32x128xi32>
    %eq3A_2726 = arith.constant 0 : i32
    %eq3A_2727 = vector.broadcast %eq3A_2726 : i32 to vector<4x32x128xi32>
    %eq3A_2728 = arith.cmpi eq, %and3A_2725, %eq3A_2727 : vector<4x32x128xi32>
    %and3A_2729 = arith.constant 2048 : i32
    %and3A_2730 = vector.broadcast %and3A_2729 : i32 to vector<4x32x128xi32>
    %and3A_2731 = arith.andi %add3A, %and3A_2730 : vector<4x32x128xi32>
    %eq3A_2732 = arith.constant 0 : i32
    %eq3A_2733 = vector.broadcast %eq3A_2732 : i32 to vector<4x32x128xi32>
    %eq3A_2734 = arith.cmpi eq, %and3A_2731, %eq3A_2733 : vector<4x32x128xi32>
    %eq3A_2735 = arith.xori %eq3A_2734, %eq3A_2728 : vector<4x32x128xi1>
    %eq3A_2736 = arith.constant dense<true> : vector<4x32x128xi1>
    %eq3A_2737 = arith.xori %eq3A_2735, %eq3A_2736 : vector<4x32x128xi1>
    %gt3A_2738 = arith.cmpi ugt, %select_n3A_2711, %reshape3A_2717 : vector<4x32x128xi32>
    %eq3A_2739 = arith.cmpi eq, %select_n3A_2711, %reshape3A_2717 : vector<4x32x128xi32>
    %gt3A_2740 = arith.cmpi sgt, %select_n3A_2712, %reshape3A_2722 : vector<4x32x128xi32>
    %and3A_2741 = arith.andi %eq3A_2739, %gt3A_2740 : vector<4x32x128xi1>
    %or3A_2742 = arith.ori %gt3A_2738, %and3A_2741 : vector<4x32x128xi1>
    %eq3A_2743 = arith.xori %or3A_2742, %eq3A_2737 : vector<4x32x128xi1>
    %eq3A_2744 = arith.constant dense<true> : vector<4x32x128xi1>
    %eq3A_2745 = arith.xori %eq3A_2743, %eq3A_2744 : vector<4x32x128xi1>
    %select_n3A_2746 = arith.select %eq3A_2745, %reshape3A_2717, %select_n3A_2711 : vector<4x32x128xi1>, vector<4x32x128xi32>
    %select_n3A_2747 = arith.select %eq3A_2745, %reshape3A_2722, %select_n3A_2712 : vector<4x32x128xi1>, vector<4x32x128xi32>
    %reshape3A_2748 = vector.shape_cast %select_n3A_2746 : vector<4x32x128xi32> to vector<4x4x2x4x128xi32>
    %slice3A_2749 = vector.extract_strided_slice %reshape3A_2748 {offsets = [0, 0, 1, 0, 0], sizes = [4, 4, 1, 4, 128], strides = [1, 1, 1, 1, 1]} : vector<4x4x2x4x128xi32> to vector<4x4x1x4x128xi32>
    %slice3A_2750 = vector.extract_strided_slice %reshape3A_2748 {offsets = [0, 0, 0, 0, 0], sizes = [4, 4, 1, 4, 128], strides = [1, 1, 1, 1, 1]} : vector<4x4x2x4x128xi32> to vector<4x4x1x4x128xi32>
    %concatenate3A_2751 = tpu.concatenate %slice3A_2749, %slice3A_2750 in 2 : vector<4x4x1x4x128xi32>, vector<4x4x1x4x128xi32> -> vector<4x4x2x4x128xi32>
    %reshape3A_2752 = vector.shape_cast %concatenate3A_2751 : vector<4x4x2x4x128xi32> to vector<4x32x128xi32>
    %reshape3A_2753 = vector.shape_cast %select_n3A_2747 : vector<4x32x128xi32> to vector<4x4x2x4x128xi32>
    %slice3A_2754 = vector.extract_strided_slice %reshape3A_2753 {offsets = [0, 0, 1, 0, 0], sizes = [4, 4, 1, 4, 128], strides = [1, 1, 1, 1, 1]} : vector<4x4x2x4x128xi32> to vector<4x4x1x4x128xi32>
    %slice3A_2755 = vector.extract_strided_slice %reshape3A_2753 {offsets = [0, 0, 0, 0, 0], sizes = [4, 4, 1, 4, 128], strides = [1, 1, 1, 1, 1]} : vector<4x4x2x4x128xi32> to vector<4x4x1x4x128xi32>
    %concatenate3A_2756 = tpu.concatenate %slice3A_2754, %slice3A_2755 in 2 : vector<4x4x1x4x128xi32>, vector<4x4x1x4x128xi32> -> vector<4x4x2x4x128xi32>
    %reshape3A_2757 = vector.shape_cast %concatenate3A_2756 : vector<4x4x2x4x128xi32> to vector<4x32x128xi32>
    %and3A_2758 = arith.constant 512 : i32
    %and3A_2759 = vector.broadcast %and3A_2758 : i32 to vector<4x32x128xi32>
    %and3A_2760 = arith.andi %add3A, %and3A_2759 : vector<4x32x128xi32>
    %eq3A_2761 = arith.constant 0 : i32
    %eq3A_2762 = vector.broadcast %eq3A_2761 : i32 to vector<4x32x128xi32>
    %eq3A_2763 = arith.cmpi eq, %and3A_2760, %eq3A_2762 : vector<4x32x128xi32>
    %and3A_2764 = arith.constant 2048 : i32
    %and3A_2765 = vector.broadcast %and3A_2764 : i32 to vector<4x32x128xi32>
    %and3A_2766 = arith.andi %add3A, %and3A_2765 : vector<4x32x128xi32>
    %eq3A_2767 = arith.constant 0 : i32
    %eq3A_2768 = vector.broadcast %eq3A_2767 : i32 to vector<4x32x128xi32>
    %eq3A_2769 = arith.cmpi eq, %and3A_2766, %eq3A_2768 : vector<4x32x128xi32>
    %eq3A_2770 = arith.xori %eq3A_2769, %eq3A_2763 : vector<4x32x128xi1>
    %eq3A_2771 = arith.constant dense<true> : vector<4x32x128xi1>
    %eq3A_2772 = arith.xori %eq3A_2770, %eq3A_2771 : vector<4x32x128xi1>
    %gt3A_2773 = arith.cmpi ugt, %select_n3A_2746, %reshape3A_2752 : vector<4x32x128xi32>
    %eq3A_2774 = arith.cmpi eq, %select_n3A_2746, %reshape3A_2752 : vector<4x32x128xi32>
    %gt3A_2775 = arith.cmpi sgt, %select_n3A_2747, %reshape3A_2757 : vector<4x32x128xi32>
    %and3A_2776 = arith.andi %eq3A_2774, %gt3A_2775 : vector<4x32x128xi1>
    %or3A_2777 = arith.ori %gt3A_2773, %and3A_2776 : vector<4x32x128xi1>
    %eq3A_2778 = arith.xori %or3A_2777, %eq3A_2772 : vector<4x32x128xi1>
    %eq3A_2779 = arith.constant dense<true> : vector<4x32x128xi1>
    %eq3A_2780 = arith.xori %eq3A_2778, %eq3A_2779 : vector<4x32x128xi1>
    %select_n3A_2781 = arith.select %eq3A_2780, %reshape3A_2752, %select_n3A_2746 : vector<4x32x128xi1>, vector<4x32x128xi32>
    %select_n3A_2782 = arith.select %eq3A_2780, %reshape3A_2757, %select_n3A_2747 : vector<4x32x128xi1>, vector<4x32x128xi32>
    %reshape3A_2783 = vector.shape_cast %select_n3A_2781 : vector<4x32x128xi32> to vector<4x8x2x2x128xi32>
    %slice3A_2784 = vector.extract_strided_slice %reshape3A_2783 {offsets = [0, 0, 1, 0, 0], sizes = [4, 8, 1, 2, 128], strides = [1, 1, 1, 1, 1]} : vector<4x8x2x2x128xi32> to vector<4x8x1x2x128xi32>
    %slice3A_2785 = vector.extract_strided_slice %reshape3A_2783 {offsets = [0, 0, 0, 0, 0], sizes = [4, 8, 1, 2, 128], strides = [1, 1, 1, 1, 1]} : vector<4x8x2x2x128xi32> to vector<4x8x1x2x128xi32>
    %concatenate3A_2786 = tpu.concatenate %slice3A_2784, %slice3A_2785 in 2 : vector<4x8x1x2x128xi32>, vector<4x8x1x2x128xi32> -> vector<4x8x2x2x128xi32>
    %reshape3A_2787 = vector.shape_cast %concatenate3A_2786 : vector<4x8x2x2x128xi32> to vector<4x32x128xi32>
    %reshape3A_2788 = vector.shape_cast %select_n3A_2782 : vector<4x32x128xi32> to vector<4x8x2x2x128xi32>
    %slice3A_2789 = vector.extract_strided_slice %reshape3A_2788 {offsets = [0, 0, 1, 0, 0], sizes = [4, 8, 1, 2, 128], strides = [1, 1, 1, 1, 1]} : vector<4x8x2x2x128xi32> to vector<4x8x1x2x128xi32>
    %slice3A_2790 = vector.extract_strided_slice %reshape3A_2788 {offsets = [0, 0, 0, 0, 0], sizes = [4, 8, 1, 2, 128], strides = [1, 1, 1, 1, 1]} : vector<4x8x2x2x128xi32> to vector<4x8x1x2x128xi32>
    %concatenate3A_2791 = tpu.concatenate %slice3A_2789, %slice3A_2790 in 2 : vector<4x8x1x2x128xi32>, vector<4x8x1x2x128xi32> -> vector<4x8x2x2x128xi32>
    %reshape3A_2792 = vector.shape_cast %concatenate3A_2791 : vector<4x8x2x2x128xi32> to vector<4x32x128xi32>
    %and3A_2793 = arith.constant 256 : i32
    %and3A_2794 = vector.broadcast %and3A_2793 : i32 to vector<4x32x128xi32>
    %and3A_2795 = arith.andi %add3A, %and3A_2794 : vector<4x32x128xi32>
    %eq3A_2796 = arith.constant 0 : i32
    %eq3A_2797 = vector.broadcast %eq3A_2796 : i32 to vector<4x32x128xi32>
    %eq3A_2798 = arith.cmpi eq, %and3A_2795, %eq3A_2797 : vector<4x32x128xi32>
    %and3A_2799 = arith.constant 2048 : i32
    %and3A_2800 = vector.broadcast %and3A_2799 : i32 to vector<4x32x128xi32>
    %and3A_2801 = arith.andi %add3A, %and3A_2800 : vector<4x32x128xi32>
    %eq3A_2802 = arith.constant 0 : i32
    %eq3A_2803 = vector.broadcast %eq3A_2802 : i32 to vector<4x32x128xi32>
    %eq3A_2804 = arith.cmpi eq, %and3A_2801, %eq3A_2803 : vector<4x32x128xi32>
    %eq3A_2805 = arith.xori %eq3A_2804, %eq3A_2798 : vector<4x32x128xi1>
    %eq3A_2806 = arith.constant dense<true> : vector<4x32x128xi1>
    %eq3A_2807 = arith.xori %eq3A_2805, %eq3A_2806 : vector<4x32x128xi1>
    %gt3A_2808 = arith.cmpi ugt, %select_n3A_2781, %reshape3A_2787 : vector<4x32x128xi32>
    %eq3A_2809 = arith.cmpi eq, %select_n3A_2781, %reshape3A_2787 : vector<4x32x128xi32>
    %gt3A_2810 = arith.cmpi sgt, %select_n3A_2782, %reshape3A_2792 : vector<4x32x128xi32>
    %and3A_2811 = arith.andi %eq3A_2809, %gt3A_2810 : vector<4x32x128xi1>
    %or3A_2812 = arith.ori %gt3A_2808, %and3A_2811 : vector<4x32x128xi1>
    %eq3A_2813 = arith.xori %or3A_2812, %eq3A_2807 : vector<4x32x128xi1>
    %eq3A_2814 = arith.constant dense<true> : vector<4x32x128xi1>
    %eq3A_2815 = arith.xori %eq3A_2813, %eq3A_2814 : vector<4x32x128xi1>
    %select_n3A_2816 = arith.select %eq3A_2815, %reshape3A_2787, %select_n3A_2781 : vector<4x32x128xi1>, vector<4x32x128xi32>
    %select_n3A_2817 = arith.select %eq3A_2815, %reshape3A_2792, %select_n3A_2782 : vector<4x32x128xi1>, vector<4x32x128xi32>
    %reshape3A_2818 = vector.shape_cast %select_n3A_2816 : vector<4x32x128xi32> to vector<4x16x2x1x128xi32>
    %slice3A_2819 = vector.extract_strided_slice %reshape3A_2818 {offsets = [0, 0, 1, 0, 0], sizes = [4, 16, 1, 1, 128], strides = [1, 1, 1, 1, 1]} : vector<4x16x2x1x128xi32> to vector<4x16x1x1x128xi32>
    %slice3A_2820 = vector.extract_strided_slice %reshape3A_2818 {offsets = [0, 0, 0, 0, 0], sizes = [4, 16, 1, 1, 128], strides = [1, 1, 1, 1, 1]} : vector<4x16x2x1x128xi32> to vector<4x16x1x1x128xi32>
    %concatenate3A_2821 = tpu.concatenate %slice3A_2819, %slice3A_2820 in 2 : vector<4x16x1x1x128xi32>, vector<4x16x1x1x128xi32> -> vector<4x16x2x1x128xi32>
    %reshape3A_2822 = vector.shape_cast %concatenate3A_2821 : vector<4x16x2x1x128xi32> to vector<4x32x128xi32>
    %reshape3A_2823 = vector.shape_cast %select_n3A_2817 : vector<4x32x128xi32> to vector<4x16x2x1x128xi32>
    %slice3A_2824 = vector.extract_strided_slice %reshape3A_2823 {offsets = [0, 0, 1, 0, 0], sizes = [4, 16, 1, 1, 128], strides = [1, 1, 1, 1, 1]} : vector<4x16x2x1x128xi32> to vector<4x16x1x1x128xi32>
    %slice3A_2825 = vector.extract_strided_slice %reshape3A_2823 {offsets = [0, 0, 0, 0, 0], sizes = [4, 16, 1, 1, 128], strides = [1, 1, 1, 1, 1]} : vector<4x16x2x1x128xi32> to vector<4x16x1x1x128xi32>
    %concatenate3A_2826 = tpu.concatenate %slice3A_2824, %slice3A_2825 in 2 : vector<4x16x1x1x128xi32>, vector<4x16x1x1x128xi32> -> vector<4x16x2x1x128xi32>
    %reshape3A_2827 = vector.shape_cast %concatenate3A_2826 : vector<4x16x2x1x128xi32> to vector<4x32x128xi32>
    %and3A_2828 = arith.constant 128 : i32
    %and3A_2829 = vector.broadcast %and3A_2828 : i32 to vector<4x32x128xi32>
    %and3A_2830 = arith.andi %add3A, %and3A_2829 : vector<4x32x128xi32>
    %eq3A_2831 = arith.constant 0 : i32
    %eq3A_2832 = vector.broadcast %eq3A_2831 : i32 to vector<4x32x128xi32>
    %eq3A_2833 = arith.cmpi eq, %and3A_2830, %eq3A_2832 : vector<4x32x128xi32>
    %and3A_2834 = arith.constant 2048 : i32
    %and3A_2835 = vector.broadcast %and3A_2834 : i32 to vector<4x32x128xi32>
    %and3A_2836 = arith.andi %add3A, %and3A_2835 : vector<4x32x128xi32>
    %eq3A_2837 = arith.constant 0 : i32
    %eq3A_2838 = vector.broadcast %eq3A_2837 : i32 to vector<4x32x128xi32>
    %eq3A_2839 = arith.cmpi eq, %and3A_2836, %eq3A_2838 : vector<4x32x128xi32>
    %eq3A_2840 = arith.xori %eq3A_2839, %eq3A_2833 : vector<4x32x128xi1>
    %eq3A_2841 = arith.constant dense<true> : vector<4x32x128xi1>
    %eq3A_2842 = arith.xori %eq3A_2840, %eq3A_2841 : vector<4x32x128xi1>
    %gt3A_2843 = arith.cmpi ugt, %select_n3A_2816, %reshape3A_2822 : vector<4x32x128xi32>
    %eq3A_2844 = arith.cmpi eq, %select_n3A_2816, %reshape3A_2822 : vector<4x32x128xi32>
    %gt3A_2845 = arith.cmpi sgt, %select_n3A_2817, %reshape3A_2827 : vector<4x32x128xi32>
    %and3A_2846 = arith.andi %eq3A_2844, %gt3A_2845 : vector<4x32x128xi1>
    %or3A_2847 = arith.ori %gt3A_2843, %and3A_2846 : vector<4x32x128xi1>
    %eq3A_2848 = arith.xori %or3A_2847, %eq3A_2842 : vector<4x32x128xi1>
    %eq3A_2849 = arith.constant dense<true> : vector<4x32x128xi1>
    %eq3A_2850 = arith.xori %eq3A_2848, %eq3A_2849 : vector<4x32x128xi1>
    %select_n3A_2851 = arith.select %eq3A_2850, %reshape3A_2822, %select_n3A_2816 : vector<4x32x128xi1>, vector<4x32x128xi32>
    %select_n3A_2852 = arith.select %eq3A_2850, %reshape3A_2827, %select_n3A_2817 : vector<4x32x128xi1>, vector<4x32x128xi32>
    %and3A_2853 = arith.constant 64 : i32
    %and3A_2854 = vector.broadcast %and3A_2853 : i32 to vector<4x32x128xi32>
    %and3A_2855 = arith.andi %iota3A_9, %and3A_2854 : vector<4x32x128xi32>
    %eq3A_2856 = arith.constant 0 : i32
    %eq3A_2857 = vector.broadcast %eq3A_2856 : i32 to vector<4x32x128xi32>
    %eq3A_2858 = arith.cmpi eq, %and3A_2855, %eq3A_2857 : vector<4x32x128xi32>
    %slice3A_2859 = vector.extract_strided_slice %select_n3A_2851 {offsets = [0, 0, 64], sizes = [4, 32, 64], strides = [1, 1, 1]} : vector<4x32x128xi32> to vector<4x32x64xi32>
    %slice3A_2860 = vector.extract_strided_slice %select_n3A_2851 {offsets = [0, 0, 0], sizes = [4, 32, 64], strides = [1, 1, 1]} : vector<4x32x128xi32> to vector<4x32x64xi32>
    %concatenate3A_2861 = tpu.concatenate %slice3A_2859, %slice3A_2860 in 2 : vector<4x32x64xi32>, vector<4x32x64xi32> -> vector<4x32x128xi32>
    %slice3A_2862 = vector.extract_strided_slice %select_n3A_2851 {offsets = [0, 0, 64], sizes = [4, 32, 64], strides = [1, 1, 1]} : vector<4x32x128xi32> to vector<4x32x64xi32>
    %slice3A_2863 = vector.extract_strided_slice %select_n3A_2851 {offsets = [0, 0, 0], sizes = [4, 32, 64], strides = [1, 1, 1]} : vector<4x32x128xi32> to vector<4x32x64xi32>
    %concatenate3A_2864 = tpu.concatenate %slice3A_2862, %slice3A_2863 in 2 : vector<4x32x64xi32>, vector<4x32x64xi32> -> vector<4x32x128xi32>
    %select_n3A_2865 = arith.select %eq3A_2858, %concatenate3A_2861, %concatenate3A_2864 : vector<4x32x128xi1>, vector<4x32x128xi32>
    %and3A_2866 = arith.constant 64 : i32
    %and3A_2867 = vector.broadcast %and3A_2866 : i32 to vector<4x32x128xi32>
    %and3A_2868 = arith.andi %iota3A_9, %and3A_2867 : vector<4x32x128xi32>
    %eq3A_2869 = arith.constant 0 : i32
    %eq3A_2870 = vector.broadcast %eq3A_2869 : i32 to vector<4x32x128xi32>
    %eq3A_2871 = arith.cmpi eq, %and3A_2868, %eq3A_2870 : vector<4x32x128xi32>
    %slice3A_2872 = vector.extract_strided_slice %select_n3A_2852 {offsets = [0, 0, 64], sizes = [4, 32, 64], strides = [1, 1, 1]} : vector<4x32x128xi32> to vector<4x32x64xi32>
    %slice3A_2873 = vector.extract_strided_slice %select_n3A_2852 {offsets = [0, 0, 0], sizes = [4, 32, 64], strides = [1, 1, 1]} : vector<4x32x128xi32> to vector<4x32x64xi32>
    %concatenate3A_2874 = tpu.concatenate %slice3A_2872, %slice3A_2873 in 2 : vector<4x32x64xi32>, vector<4x32x64xi32> -> vector<4x32x128xi32>
    %slice3A_2875 = vector.extract_strided_slice %select_n3A_2852 {offsets = [0, 0, 64], sizes = [4, 32, 64], strides = [1, 1, 1]} : vector<4x32x128xi32> to vector<4x32x64xi32>
    %slice3A_2876 = vector.extract_strided_slice %select_n3A_2852 {offsets = [0, 0, 0], sizes = [4, 32, 64], strides = [1, 1, 1]} : vector<4x32x128xi32> to vector<4x32x64xi32>
    %concatenate3A_2877 = tpu.concatenate %slice3A_2875, %slice3A_2876 in 2 : vector<4x32x64xi32>, vector<4x32x64xi32> -> vector<4x32x128xi32>
    %select_n3A_2878 = arith.select %eq3A_2871, %concatenate3A_2874, %concatenate3A_2877 : vector<4x32x128xi1>, vector<4x32x128xi32>
    %and3A_2879 = arith.constant 64 : i32
    %and3A_2880 = vector.broadcast %and3A_2879 : i32 to vector<4x32x128xi32>
    %and3A_2881 = arith.andi %add3A, %and3A_2880 : vector<4x32x128xi32>
    %eq3A_2882 = arith.constant 0 : i32
    %eq3A_2883 = vector.broadcast %eq3A_2882 : i32 to vector<4x32x128xi32>
    %eq3A_2884 = arith.cmpi eq, %and3A_2881, %eq3A_2883 : vector<4x32x128xi32>
    %and3A_2885 = arith.constant 2048 : i32
    %and3A_2886 = vector.broadcast %and3A_2885 : i32 to vector<4x32x128xi32>
    %and3A_2887 = arith.andi %add3A, %and3A_2886 : vector<4x32x128xi32>
    %eq3A_2888 = arith.constant 0 : i32
    %eq3A_2889 = vector.broadcast %eq3A_2888 : i32 to vector<4x32x128xi32>
    %eq3A_2890 = arith.cmpi eq, %and3A_2887, %eq3A_2889 : vector<4x32x128xi32>
    %eq3A_2891 = arith.xori %eq3A_2890, %eq3A_2884 : vector<4x32x128xi1>
    %eq3A_2892 = arith.constant dense<true> : vector<4x32x128xi1>
    %eq3A_2893 = arith.xori %eq3A_2891, %eq3A_2892 : vector<4x32x128xi1>
    %gt3A_2894 = arith.cmpi ugt, %select_n3A_2851, %select_n3A_2865 : vector<4x32x128xi32>
    %eq3A_2895 = arith.cmpi eq, %select_n3A_2851, %select_n3A_2865 : vector<4x32x128xi32>
    %gt3A_2896 = arith.cmpi sgt, %select_n3A_2852, %select_n3A_2878 : vector<4x32x128xi32>
    %and3A_2897 = arith.andi %eq3A_2895, %gt3A_2896 : vector<4x32x128xi1>
    %or3A_2898 = arith.ori %gt3A_2894, %and3A_2897 : vector<4x32x128xi1>
    %eq3A_2899 = arith.xori %or3A_2898, %eq3A_2893 : vector<4x32x128xi1>
    %eq3A_2900 = arith.constant dense<true> : vector<4x32x128xi1>
    %eq3A_2901 = arith.xori %eq3A_2899, %eq3A_2900 : vector<4x32x128xi1>
    %select_n3A_2902 = arith.select %eq3A_2901, %select_n3A_2865, %select_n3A_2851 : vector<4x32x128xi1>, vector<4x32x128xi32>
    %select_n3A_2903 = arith.select %eq3A_2901, %select_n3A_2878, %select_n3A_2852 : vector<4x32x128xi1>, vector<4x32x128xi32>
    %and3A_2904 = arith.constant 32 : i32
    %and3A_2905 = vector.broadcast %and3A_2904 : i32 to vector<4x32x128xi32>
    %and3A_2906 = arith.andi %iota3A_9, %and3A_2905 : vector<4x32x128xi32>
    %eq3A_2907 = arith.constant 0 : i32
    %eq3A_2908 = vector.broadcast %eq3A_2907 : i32 to vector<4x32x128xi32>
    %eq3A_2909 = arith.cmpi eq, %and3A_2906, %eq3A_2908 : vector<4x32x128xi32>
    %slice3A_2910 = vector.extract_strided_slice %select_n3A_2902 {offsets = [0, 0, 32], sizes = [4, 32, 96], strides = [1, 1, 1]} : vector<4x32x128xi32> to vector<4x32x96xi32>
    %slice3A_2911 = vector.extract_strided_slice %select_n3A_2902 {offsets = [0, 0, 0], sizes = [4, 32, 32], strides = [1, 1, 1]} : vector<4x32x128xi32> to vector<4x32x32xi32>
    %concatenate3A_2912 = tpu.concatenate %slice3A_2910, %slice3A_2911 in 2 : vector<4x32x96xi32>, vector<4x32x32xi32> -> vector<4x32x128xi32>
    %slice3A_2913 = vector.extract_strided_slice %select_n3A_2902 {offsets = [0, 0, 96], sizes = [4, 32, 32], strides = [1, 1, 1]} : vector<4x32x128xi32> to vector<4x32x32xi32>
    %slice3A_2914 = vector.extract_strided_slice %select_n3A_2902 {offsets = [0, 0, 0], sizes = [4, 32, 96], strides = [1, 1, 1]} : vector<4x32x128xi32> to vector<4x32x96xi32>
    %concatenate3A_2915 = tpu.concatenate %slice3A_2913, %slice3A_2914 in 2 : vector<4x32x32xi32>, vector<4x32x96xi32> -> vector<4x32x128xi32>
    %select_n3A_2916 = arith.select %eq3A_2909, %concatenate3A_2912, %concatenate3A_2915 : vector<4x32x128xi1>, vector<4x32x128xi32>
    %and3A_2917 = arith.constant 32 : i32
    %and3A_2918 = vector.broadcast %and3A_2917 : i32 to vector<4x32x128xi32>
    %and3A_2919 = arith.andi %iota3A_9, %and3A_2918 : vector<4x32x128xi32>
    %eq3A_2920 = arith.constant 0 : i32
    %eq3A_2921 = vector.broadcast %eq3A_2920 : i32 to vector<4x32x128xi32>
    %eq3A_2922 = arith.cmpi eq, %and3A_2919, %eq3A_2921 : vector<4x32x128xi32>
    %slice3A_2923 = vector.extract_strided_slice %select_n3A_2903 {offsets = [0, 0, 32], sizes = [4, 32, 96], strides = [1, 1, 1]} : vector<4x32x128xi32> to vector<4x32x96xi32>
    %slice3A_2924 = vector.extract_strided_slice %select_n3A_2903 {offsets = [0, 0, 0], sizes = [4, 32, 32], strides = [1, 1, 1]} : vector<4x32x128xi32> to vector<4x32x32xi32>
    %concatenate3A_2925 = tpu.concatenate %slice3A_2923, %slice3A_2924 in 2 : vector<4x32x96xi32>, vector<4x32x32xi32> -> vector<4x32x128xi32>
    %slice3A_2926 = vector.extract_strided_slice %select_n3A_2903 {offsets = [0, 0, 96], sizes = [4, 32, 32], strides = [1, 1, 1]} : vector<4x32x128xi32> to vector<4x32x32xi32>
    %slice3A_2927 = vector.extract_strided_slice %select_n3A_2903 {offsets = [0, 0, 0], sizes = [4, 32, 96], strides = [1, 1, 1]} : vector<4x32x128xi32> to vector<4x32x96xi32>
    %concatenate3A_2928 = tpu.concatenate %slice3A_2926, %slice3A_2927 in 2 : vector<4x32x32xi32>, vector<4x32x96xi32> -> vector<4x32x128xi32>
    %select_n3A_2929 = arith.select %eq3A_2922, %concatenate3A_2925, %concatenate3A_2928 : vector<4x32x128xi1>, vector<4x32x128xi32>
    %and3A_2930 = arith.constant 32 : i32
    %and3A_2931 = vector.broadcast %and3A_2930 : i32 to vector<4x32x128xi32>
    %and3A_2932 = arith.andi %add3A, %and3A_2931 : vector<4x32x128xi32>
    %eq3A_2933 = arith.constant 0 : i32
    %eq3A_2934 = vector.broadcast %eq3A_2933 : i32 to vector<4x32x128xi32>
    %eq3A_2935 = arith.cmpi eq, %and3A_2932, %eq3A_2934 : vector<4x32x128xi32>
    %and3A_2936 = arith.constant 2048 : i32
    %and3A_2937 = vector.broadcast %and3A_2936 : i32 to vector<4x32x128xi32>
    %and3A_2938 = arith.andi %add3A, %and3A_2937 : vector<4x32x128xi32>
    %eq3A_2939 = arith.constant 0 : i32
    %eq3A_2940 = vector.broadcast %eq3A_2939 : i32 to vector<4x32x128xi32>
    %eq3A_2941 = arith.cmpi eq, %and3A_2938, %eq3A_2940 : vector<4x32x128xi32>
    %eq3A_2942 = arith.xori %eq3A_2941, %eq3A_2935 : vector<4x32x128xi1>
    %eq3A_2943 = arith.constant dense<true> : vector<4x32x128xi1>
    %eq3A_2944 = arith.xori %eq3A_2942, %eq3A_2943 : vector<4x32x128xi1>
    %gt3A_2945 = arith.cmpi ugt, %select_n3A_2902, %select_n3A_2916 : vector<4x32x128xi32>
    %eq3A_2946 = arith.cmpi eq, %select_n3A_2902, %select_n3A_2916 : vector<4x32x128xi32>
    %gt3A_2947 = arith.cmpi sgt, %select_n3A_2903, %select_n3A_2929 : vector<4x32x128xi32>
    %and3A_2948 = arith.andi %eq3A_2946, %gt3A_2947 : vector<4x32x128xi1>
    %or3A_2949 = arith.ori %gt3A_2945, %and3A_2948 : vector<4x32x128xi1>
    %eq3A_2950 = arith.xori %or3A_2949, %eq3A_2944 : vector<4x32x128xi1>
    %eq3A_2951 = arith.constant dense<true> : vector<4x32x128xi1>
    %eq3A_2952 = arith.xori %eq3A_2950, %eq3A_2951 : vector<4x32x128xi1>
    %select_n3A_2953 = arith.select %eq3A_2952, %select_n3A_2916, %select_n3A_2902 : vector<4x32x128xi1>, vector<4x32x128xi32>
    %select_n3A_2954 = arith.select %eq3A_2952, %select_n3A_2929, %select_n3A_2903 : vector<4x32x128xi1>, vector<4x32x128xi32>
    %and3A_2955 = arith.constant 16 : i32
    %and3A_2956 = vector.broadcast %and3A_2955 : i32 to vector<4x32x128xi32>
    %and3A_2957 = arith.andi %iota3A_9, %and3A_2956 : vector<4x32x128xi32>
    %eq3A_2958 = arith.constant 0 : i32
    %eq3A_2959 = vector.broadcast %eq3A_2958 : i32 to vector<4x32x128xi32>
    %eq3A_2960 = arith.cmpi eq, %and3A_2957, %eq3A_2959 : vector<4x32x128xi32>
    %slice3A_2961 = vector.extract_strided_slice %select_n3A_2953 {offsets = [0, 0, 16], sizes = [4, 32, 112], strides = [1, 1, 1]} : vector<4x32x128xi32> to vector<4x32x112xi32>
    %slice3A_2962 = vector.extract_strided_slice %select_n3A_2953 {offsets = [0, 0, 0], sizes = [4, 32, 16], strides = [1, 1, 1]} : vector<4x32x128xi32> to vector<4x32x16xi32>
    %concatenate3A_2963 = tpu.concatenate %slice3A_2961, %slice3A_2962 in 2 : vector<4x32x112xi32>, vector<4x32x16xi32> -> vector<4x32x128xi32>
    %slice3A_2964 = vector.extract_strided_slice %select_n3A_2953 {offsets = [0, 0, 112], sizes = [4, 32, 16], strides = [1, 1, 1]} : vector<4x32x128xi32> to vector<4x32x16xi32>
    %slice3A_2965 = vector.extract_strided_slice %select_n3A_2953 {offsets = [0, 0, 0], sizes = [4, 32, 112], strides = [1, 1, 1]} : vector<4x32x128xi32> to vector<4x32x112xi32>
    %concatenate3A_2966 = tpu.concatenate %slice3A_2964, %slice3A_2965 in 2 : vector<4x32x16xi32>, vector<4x32x112xi32> -> vector<4x32x128xi32>
    %select_n3A_2967 = arith.select %eq3A_2960, %concatenate3A_2963, %concatenate3A_2966 : vector<4x32x128xi1>, vector<4x32x128xi32>
    %and3A_2968 = arith.constant 16 : i32
    %and3A_2969 = vector.broadcast %and3A_2968 : i32 to vector<4x32x128xi32>
    %and3A_2970 = arith.andi %iota3A_9, %and3A_2969 : vector<4x32x128xi32>
    %eq3A_2971 = arith.constant 0 : i32
    %eq3A_2972 = vector.broadcast %eq3A_2971 : i32 to vector<4x32x128xi32>
    %eq3A_2973 = arith.cmpi eq, %and3A_2970, %eq3A_2972 : vector<4x32x128xi32>
    %slice3A_2974 = vector.extract_strided_slice %select_n3A_2954 {offsets = [0, 0, 16], sizes = [4, 32, 112], strides = [1, 1, 1]} : vector<4x32x128xi32> to vector<4x32x112xi32>
    %slice3A_2975 = vector.extract_strided_slice %select_n3A_2954 {offsets = [0, 0, 0], sizes = [4, 32, 16], strides = [1, 1, 1]} : vector<4x32x128xi32> to vector<4x32x16xi32>
    %concatenate3A_2976 = tpu.concatenate %slice3A_2974, %slice3A_2975 in 2 : vector<4x32x112xi32>, vector<4x32x16xi32> -> vector<4x32x128xi32>
    %slice3A_2977 = vector.extract_strided_slice %select_n3A_2954 {offsets = [0, 0, 112], sizes = [4, 32, 16], strides = [1, 1, 1]} : vector<4x32x128xi32> to vector<4x32x16xi32>
    %slice3A_2978 = vector.extract_strided_slice %select_n3A_2954 {offsets = [0, 0, 0], sizes = [4, 32, 112], strides = [1, 1, 1]} : vector<4x32x128xi32> to vector<4x32x112xi32>
    %concatenate3A_2979 = tpu.concatenate %slice3A_2977, %slice3A_2978 in 2 : vector<4x32x16xi32>, vector<4x32x112xi32> -> vector<4x32x128xi32>
    %select_n3A_2980 = arith.select %eq3A_2973, %concatenate3A_2976, %concatenate3A_2979 : vector<4x32x128xi1>, vector<4x32x128xi32>
    %and3A_2981 = arith.constant 16 : i32
    %and3A_2982 = vector.broadcast %and3A_2981 : i32 to vector<4x32x128xi32>
    %and3A_2983 = arith.andi %add3A, %and3A_2982 : vector<4x32x128xi32>
    %eq3A_2984 = arith.constant 0 : i32
    %eq3A_2985 = vector.broadcast %eq3A_2984 : i32 to vector<4x32x128xi32>
    %eq3A_2986 = arith.cmpi eq, %and3A_2983, %eq3A_2985 : vector<4x32x128xi32>
    %and3A_2987 = arith.constant 2048 : i32
    %and3A_2988 = vector.broadcast %and3A_2987 : i32 to vector<4x32x128xi32>
    %and3A_2989 = arith.andi %add3A, %and3A_2988 : vector<4x32x128xi32>
    %eq3A_2990 = arith.constant 0 : i32
    %eq3A_2991 = vector.broadcast %eq3A_2990 : i32 to vector<4x32x128xi32>
    %eq3A_2992 = arith.cmpi eq, %and3A_2989, %eq3A_2991 : vector<4x32x128xi32>
    %eq3A_2993 = arith.xori %eq3A_2992, %eq3A_2986 : vector<4x32x128xi1>
    %eq3A_2994 = arith.constant dense<true> : vector<4x32x128xi1>
    %eq3A_2995 = arith.xori %eq3A_2993, %eq3A_2994 : vector<4x32x128xi1>
    %gt3A_2996 = arith.cmpi ugt, %select_n3A_2953, %select_n3A_2967 : vector<4x32x128xi32>
    %eq3A_2997 = arith.cmpi eq, %select_n3A_2953, %select_n3A_2967 : vector<4x32x128xi32>
    %gt3A_2998 = arith.cmpi sgt, %select_n3A_2954, %select_n3A_2980 : vector<4x32x128xi32>
    %and3A_2999 = arith.andi %eq3A_2997, %gt3A_2998 : vector<4x32x128xi1>
    %or3A_3000 = arith.ori %gt3A_2996, %and3A_2999 : vector<4x32x128xi1>
    %eq3A_3001 = arith.xori %or3A_3000, %eq3A_2995 : vector<4x32x128xi1>
    %eq3A_3002 = arith.constant dense<true> : vector<4x32x128xi1>
    %eq3A_3003 = arith.xori %eq3A_3001, %eq3A_3002 : vector<4x32x128xi1>
    %select_n3A_3004 = arith.select %eq3A_3003, %select_n3A_2967, %select_n3A_2953 : vector<4x32x128xi1>, vector<4x32x128xi32>
    %select_n3A_3005 = arith.select %eq3A_3003, %select_n3A_2980, %select_n3A_2954 : vector<4x32x128xi1>, vector<4x32x128xi32>
    %and3A_3006 = arith.constant 8 : i32
    %and3A_3007 = vector.broadcast %and3A_3006 : i32 to vector<4x32x128xi32>
    %and3A_3008 = arith.andi %iota3A_9, %and3A_3007 : vector<4x32x128xi32>
    %eq3A_3009 = arith.constant 0 : i32
    %eq3A_3010 = vector.broadcast %eq3A_3009 : i32 to vector<4x32x128xi32>
    %eq3A_3011 = arith.cmpi eq, %and3A_3008, %eq3A_3010 : vector<4x32x128xi32>
    %slice3A_3012 = vector.extract_strided_slice %select_n3A_3004 {offsets = [0, 0, 8], sizes = [4, 32, 120], strides = [1, 1, 1]} : vector<4x32x128xi32> to vector<4x32x120xi32>
    %slice3A_3013 = vector.extract_strided_slice %select_n3A_3004 {offsets = [0, 0, 0], sizes = [4, 32, 8], strides = [1, 1, 1]} : vector<4x32x128xi32> to vector<4x32x8xi32>
    %concatenate3A_3014 = tpu.concatenate %slice3A_3012, %slice3A_3013 in 2 : vector<4x32x120xi32>, vector<4x32x8xi32> -> vector<4x32x128xi32>
    %slice3A_3015 = vector.extract_strided_slice %select_n3A_3004 {offsets = [0, 0, 120], sizes = [4, 32, 8], strides = [1, 1, 1]} : vector<4x32x128xi32> to vector<4x32x8xi32>
    %slice3A_3016 = vector.extract_strided_slice %select_n3A_3004 {offsets = [0, 0, 0], sizes = [4, 32, 120], strides = [1, 1, 1]} : vector<4x32x128xi32> to vector<4x32x120xi32>
    %concatenate3A_3017 = tpu.concatenate %slice3A_3015, %slice3A_3016 in 2 : vector<4x32x8xi32>, vector<4x32x120xi32> -> vector<4x32x128xi32>
    %select_n3A_3018 = arith.select %eq3A_3011, %concatenate3A_3014, %concatenate3A_3017 : vector<4x32x128xi1>, vector<4x32x128xi32>
    %and3A_3019 = arith.constant 8 : i32
    %and3A_3020 = vector.broadcast %and3A_3019 : i32 to vector<4x32x128xi32>
    %and3A_3021 = arith.andi %iota3A_9, %and3A_3020 : vector<4x32x128xi32>
    %eq3A_3022 = arith.constant 0 : i32
    %eq3A_3023 = vector.broadcast %eq3A_3022 : i32 to vector<4x32x128xi32>
    %eq3A_3024 = arith.cmpi eq, %and3A_3021, %eq3A_3023 : vector<4x32x128xi32>
    %slice3A_3025 = vector.extract_strided_slice %select_n3A_3005 {offsets = [0, 0, 8], sizes = [4, 32, 120], strides = [1, 1, 1]} : vector<4x32x128xi32> to vector<4x32x120xi32>
    %slice3A_3026 = vector.extract_strided_slice %select_n3A_3005 {offsets = [0, 0, 0], sizes = [4, 32, 8], strides = [1, 1, 1]} : vector<4x32x128xi32> to vector<4x32x8xi32>
    %concatenate3A_3027 = tpu.concatenate %slice3A_3025, %slice3A_3026 in 2 : vector<4x32x120xi32>, vector<4x32x8xi32> -> vector<4x32x128xi32>
    %slice3A_3028 = vector.extract_strided_slice %select_n3A_3005 {offsets = [0, 0, 120], sizes = [4, 32, 8], strides = [1, 1, 1]} : vector<4x32x128xi32> to vector<4x32x8xi32>
    %slice3A_3029 = vector.extract_strided_slice %select_n3A_3005 {offsets = [0, 0, 0], sizes = [4, 32, 120], strides = [1, 1, 1]} : vector<4x32x128xi32> to vector<4x32x120xi32>
    %concatenate3A_3030 = tpu.concatenate %slice3A_3028, %slice3A_3029 in 2 : vector<4x32x8xi32>, vector<4x32x120xi32> -> vector<4x32x128xi32>
    %select_n3A_3031 = arith.select %eq3A_3024, %concatenate3A_3027, %concatenate3A_3030 : vector<4x32x128xi1>, vector<4x32x128xi32>
    %and3A_3032 = arith.constant 8 : i32
    %and3A_3033 = vector.broadcast %and3A_3032 : i32 to vector<4x32x128xi32>
    %and3A_3034 = arith.andi %add3A, %and3A_3033 : vector<4x32x128xi32>
    %eq3A_3035 = arith.constant 0 : i32
    %eq3A_3036 = vector.broadcast %eq3A_3035 : i32 to vector<4x32x128xi32>
    %eq3A_3037 = arith.cmpi eq, %and3A_3034, %eq3A_3036 : vector<4x32x128xi32>
    %and3A_3038 = arith.constant 2048 : i32
    %and3A_3039 = vector.broadcast %and3A_3038 : i32 to vector<4x32x128xi32>
    %and3A_3040 = arith.andi %add3A, %and3A_3039 : vector<4x32x128xi32>
    %eq3A_3041 = arith.constant 0 : i32
    %eq3A_3042 = vector.broadcast %eq3A_3041 : i32 to vector<4x32x128xi32>
    %eq3A_3043 = arith.cmpi eq, %and3A_3040, %eq3A_3042 : vector<4x32x128xi32>
    %eq3A_3044 = arith.xori %eq3A_3043, %eq3A_3037 : vector<4x32x128xi1>
    %eq3A_3045 = arith.constant dense<true> : vector<4x32x128xi1>
    %eq3A_3046 = arith.xori %eq3A_3044, %eq3A_3045 : vector<4x32x128xi1>
    %gt3A_3047 = arith.cmpi ugt, %select_n3A_3004, %select_n3A_3018 : vector<4x32x128xi32>
    %eq3A_3048 = arith.cmpi eq, %select_n3A_3004, %select_n3A_3018 : vector<4x32x128xi32>
    %gt3A_3049 = arith.cmpi sgt, %select_n3A_3005, %select_n3A_3031 : vector<4x32x128xi32>
    %and3A_3050 = arith.andi %eq3A_3048, %gt3A_3049 : vector<4x32x128xi1>
    %or3A_3051 = arith.ori %gt3A_3047, %and3A_3050 : vector<4x32x128xi1>
    %eq3A_3052 = arith.xori %or3A_3051, %eq3A_3046 : vector<4x32x128xi1>
    %eq3A_3053 = arith.constant dense<true> : vector<4x32x128xi1>
    %eq3A_3054 = arith.xori %eq3A_3052, %eq3A_3053 : vector<4x32x128xi1>
    %select_n3A_3055 = arith.select %eq3A_3054, %select_n3A_3018, %select_n3A_3004 : vector<4x32x128xi1>, vector<4x32x128xi32>
    %select_n3A_3056 = arith.select %eq3A_3054, %select_n3A_3031, %select_n3A_3005 : vector<4x32x128xi1>, vector<4x32x128xi32>
    %and3A_3057 = arith.constant 4 : i32
    %and3A_3058 = vector.broadcast %and3A_3057 : i32 to vector<4x32x128xi32>
    %and3A_3059 = arith.andi %iota3A_9, %and3A_3058 : vector<4x32x128xi32>
    %eq3A_3060 = arith.constant 0 : i32
    %eq3A_3061 = vector.broadcast %eq3A_3060 : i32 to vector<4x32x128xi32>
    %eq3A_3062 = arith.cmpi eq, %and3A_3059, %eq3A_3061 : vector<4x32x128xi32>
    %slice3A_3063 = vector.extract_strided_slice %select_n3A_3055 {offsets = [0, 0, 4], sizes = [4, 32, 124], strides = [1, 1, 1]} : vector<4x32x128xi32> to vector<4x32x124xi32>
    %slice3A_3064 = vector.extract_strided_slice %select_n3A_3055 {offsets = [0, 0, 0], sizes = [4, 32, 4], strides = [1, 1, 1]} : vector<4x32x128xi32> to vector<4x32x4xi32>
    %concatenate3A_3065 = tpu.concatenate %slice3A_3063, %slice3A_3064 in 2 : vector<4x32x124xi32>, vector<4x32x4xi32> -> vector<4x32x128xi32>
    %slice3A_3066 = vector.extract_strided_slice %select_n3A_3055 {offsets = [0, 0, 124], sizes = [4, 32, 4], strides = [1, 1, 1]} : vector<4x32x128xi32> to vector<4x32x4xi32>
    %slice3A_3067 = vector.extract_strided_slice %select_n3A_3055 {offsets = [0, 0, 0], sizes = [4, 32, 124], strides = [1, 1, 1]} : vector<4x32x128xi32> to vector<4x32x124xi32>
    %concatenate3A_3068 = tpu.concatenate %slice3A_3066, %slice3A_3067 in 2 : vector<4x32x4xi32>, vector<4x32x124xi32> -> vector<4x32x128xi32>
    %select_n3A_3069 = arith.select %eq3A_3062, %concatenate3A_3065, %concatenate3A_3068 : vector<4x32x128xi1>, vector<4x32x128xi32>
    %and3A_3070 = arith.constant 4 : i32
    %and3A_3071 = vector.broadcast %and3A_3070 : i32 to vector<4x32x128xi32>
    %and3A_3072 = arith.andi %iota3A_9, %and3A_3071 : vector<4x32x128xi32>
    %eq3A_3073 = arith.constant 0 : i32
    %eq3A_3074 = vector.broadcast %eq3A_3073 : i32 to vector<4x32x128xi32>
    %eq3A_3075 = arith.cmpi eq, %and3A_3072, %eq3A_3074 : vector<4x32x128xi32>
    %slice3A_3076 = vector.extract_strided_slice %select_n3A_3056 {offsets = [0, 0, 4], sizes = [4, 32, 124], strides = [1, 1, 1]} : vector<4x32x128xi32> to vector<4x32x124xi32>
    %slice3A_3077 = vector.extract_strided_slice %select_n3A_3056 {offsets = [0, 0, 0], sizes = [4, 32, 4], strides = [1, 1, 1]} : vector<4x32x128xi32> to vector<4x32x4xi32>
    %concatenate3A_3078 = tpu.concatenate %slice3A_3076, %slice3A_3077 in 2 : vector<4x32x124xi32>, vector<4x32x4xi32> -> vector<4x32x128xi32>
    %slice3A_3079 = vector.extract_strided_slice %select_n3A_3056 {offsets = [0, 0, 124], sizes = [4, 32, 4], strides = [1, 1, 1]} : vector<4x32x128xi32> to vector<4x32x4xi32>
    %slice3A_3080 = vector.extract_strided_slice %select_n3A_3056 {offsets = [0, 0, 0], sizes = [4, 32, 124], strides = [1, 1, 1]} : vector<4x32x128xi32> to vector<4x32x124xi32>
    %concatenate3A_3081 = tpu.concatenate %slice3A_3079, %slice3A_3080 in 2 : vector<4x32x4xi32>, vector<4x32x124xi32> -> vector<4x32x128xi32>
    %select_n3A_3082 = arith.select %eq3A_3075, %concatenate3A_3078, %concatenate3A_3081 : vector<4x32x128xi1>, vector<4x32x128xi32>
    %and3A_3083 = arith.constant 4 : i32
    %and3A_3084 = vector.broadcast %and3A_3083 : i32 to vector<4x32x128xi32>
    %and3A_3085 = arith.andi %add3A, %and3A_3084 : vector<4x32x128xi32>
    %eq3A_3086 = arith.constant 0 : i32
    %eq3A_3087 = vector.broadcast %eq3A_3086 : i32 to vector<4x32x128xi32>
    %eq3A_3088 = arith.cmpi eq, %and3A_3085, %eq3A_3087 : vector<4x32x128xi32>
    %and3A_3089 = arith.constant 2048 : i32
    %and3A_3090 = vector.broadcast %and3A_3089 : i32 to vector<4x32x128xi32>
    %and3A_3091 = arith.andi %add3A, %and3A_3090 : vector<4x32x128xi32>
    %eq3A_3092 = arith.constant 0 : i32
    %eq3A_3093 = vector.broadcast %eq3A_3092 : i32 to vector<4x32x128xi32>
    %eq3A_3094 = arith.cmpi eq, %and3A_3091, %eq3A_3093 : vector<4x32x128xi32>
    %eq3A_3095 = arith.xori %eq3A_3094, %eq3A_3088 : vector<4x32x128xi1>
    %eq3A_3096 = arith.constant dense<true> : vector<4x32x128xi1>
    %eq3A_3097 = arith.xori %eq3A_3095, %eq3A_3096 : vector<4x32x128xi1>
    %gt3A_3098 = arith.cmpi ugt, %select_n3A_3055, %select_n3A_3069 : vector<4x32x128xi32>
    %eq3A_3099 = arith.cmpi eq, %select_n3A_3055, %select_n3A_3069 : vector<4x32x128xi32>
    %gt3A_3100 = arith.cmpi sgt, %select_n3A_3056, %select_n3A_3082 : vector<4x32x128xi32>
    %and3A_3101 = arith.andi %eq3A_3099, %gt3A_3100 : vector<4x32x128xi1>
    %or3A_3102 = arith.ori %gt3A_3098, %and3A_3101 : vector<4x32x128xi1>
    %eq3A_3103 = arith.xori %or3A_3102, %eq3A_3097 : vector<4x32x128xi1>
    %eq3A_3104 = arith.constant dense<true> : vector<4x32x128xi1>
    %eq3A_3105 = arith.xori %eq3A_3103, %eq3A_3104 : vector<4x32x128xi1>
    %select_n3A_3106 = arith.select %eq3A_3105, %select_n3A_3069, %select_n3A_3055 : vector<4x32x128xi1>, vector<4x32x128xi32>
    %select_n3A_3107 = arith.select %eq3A_3105, %select_n3A_3082, %select_n3A_3056 : vector<4x32x128xi1>, vector<4x32x128xi32>
    %and3A_3108 = arith.constant 2 : i32
    %and3A_3109 = vector.broadcast %and3A_3108 : i32 to vector<4x32x128xi32>
    %and3A_3110 = arith.andi %iota3A_9, %and3A_3109 : vector<4x32x128xi32>
    %eq3A_3111 = arith.constant 0 : i32
    %eq3A_3112 = vector.broadcast %eq3A_3111 : i32 to vector<4x32x128xi32>
    %eq3A_3113 = arith.cmpi eq, %and3A_3110, %eq3A_3112 : vector<4x32x128xi32>
    %slice3A_3114 = vector.extract_strided_slice %select_n3A_3106 {offsets = [0, 0, 2], sizes = [4, 32, 126], strides = [1, 1, 1]} : vector<4x32x128xi32> to vector<4x32x126xi32>
    %slice3A_3115 = vector.extract_strided_slice %select_n3A_3106 {offsets = [0, 0, 0], sizes = [4, 32, 2], strides = [1, 1, 1]} : vector<4x32x128xi32> to vector<4x32x2xi32>
    %concatenate3A_3116 = tpu.concatenate %slice3A_3114, %slice3A_3115 in 2 : vector<4x32x126xi32>, vector<4x32x2xi32> -> vector<4x32x128xi32>
    %slice3A_3117 = vector.extract_strided_slice %select_n3A_3106 {offsets = [0, 0, 126], sizes = [4, 32, 2], strides = [1, 1, 1]} : vector<4x32x128xi32> to vector<4x32x2xi32>
    %slice3A_3118 = vector.extract_strided_slice %select_n3A_3106 {offsets = [0, 0, 0], sizes = [4, 32, 126], strides = [1, 1, 1]} : vector<4x32x128xi32> to vector<4x32x126xi32>
    %concatenate3A_3119 = tpu.concatenate %slice3A_3117, %slice3A_3118 in 2 : vector<4x32x2xi32>, vector<4x32x126xi32> -> vector<4x32x128xi32>
    %select_n3A_3120 = arith.select %eq3A_3113, %concatenate3A_3116, %concatenate3A_3119 : vector<4x32x128xi1>, vector<4x32x128xi32>
    %and3A_3121 = arith.constant 2 : i32
    %and3A_3122 = vector.broadcast %and3A_3121 : i32 to vector<4x32x128xi32>
    %and3A_3123 = arith.andi %iota3A_9, %and3A_3122 : vector<4x32x128xi32>
    %eq3A_3124 = arith.constant 0 : i32
    %eq3A_3125 = vector.broadcast %eq3A_3124 : i32 to vector<4x32x128xi32>
    %eq3A_3126 = arith.cmpi eq, %and3A_3123, %eq3A_3125 : vector<4x32x128xi32>
    %slice3A_3127 = vector.extract_strided_slice %select_n3A_3107 {offsets = [0, 0, 2], sizes = [4, 32, 126], strides = [1, 1, 1]} : vector<4x32x128xi32> to vector<4x32x126xi32>
    %slice3A_3128 = vector.extract_strided_slice %select_n3A_3107 {offsets = [0, 0, 0], sizes = [4, 32, 2], strides = [1, 1, 1]} : vector<4x32x128xi32> to vector<4x32x2xi32>
    %concatenate3A_3129 = tpu.concatenate %slice3A_3127, %slice3A_3128 in 2 : vector<4x32x126xi32>, vector<4x32x2xi32> -> vector<4x32x128xi32>
    %slice3A_3130 = vector.extract_strided_slice %select_n3A_3107 {offsets = [0, 0, 126], sizes = [4, 32, 2], strides = [1, 1, 1]} : vector<4x32x128xi32> to vector<4x32x2xi32>
    %slice3A_3131 = vector.extract_strided_slice %select_n3A_3107 {offsets = [0, 0, 0], sizes = [4, 32, 126], strides = [1, 1, 1]} : vector<4x32x128xi32> to vector<4x32x126xi32>
    %concatenate3A_3132 = tpu.concatenate %slice3A_3130, %slice3A_3131 in 2 : vector<4x32x2xi32>, vector<4x32x126xi32> -> vector<4x32x128xi32>
    %select_n3A_3133 = arith.select %eq3A_3126, %concatenate3A_3129, %concatenate3A_3132 : vector<4x32x128xi1>, vector<4x32x128xi32>
    %and3A_3134 = arith.constant 2 : i32
    %and3A_3135 = vector.broadcast %and3A_3134 : i32 to vector<4x32x128xi32>
    %and3A_3136 = arith.andi %add3A, %and3A_3135 : vector<4x32x128xi32>
    %eq3A_3137 = arith.constant 0 : i32
    %eq3A_3138 = vector.broadcast %eq3A_3137 : i32 to vector<4x32x128xi32>
    %eq3A_3139 = arith.cmpi eq, %and3A_3136, %eq3A_3138 : vector<4x32x128xi32>
    %and3A_3140 = arith.constant 2048 : i32
    %and3A_3141 = vector.broadcast %and3A_3140 : i32 to vector<4x32x128xi32>
    %and3A_3142 = arith.andi %add3A, %and3A_3141 : vector<4x32x128xi32>
    %eq3A_3143 = arith.constant 0 : i32
    %eq3A_3144 = vector.broadcast %eq3A_3143 : i32 to vector<4x32x128xi32>
    %eq3A_3145 = arith.cmpi eq, %and3A_3142, %eq3A_3144 : vector<4x32x128xi32>
    %eq3A_3146 = arith.xori %eq3A_3145, %eq3A_3139 : vector<4x32x128xi1>
    %eq3A_3147 = arith.constant dense<true> : vector<4x32x128xi1>
    %eq3A_3148 = arith.xori %eq3A_3146, %eq3A_3147 : vector<4x32x128xi1>
    %gt3A_3149 = arith.cmpi ugt, %select_n3A_3106, %select_n3A_3120 : vector<4x32x128xi32>
    %eq3A_3150 = arith.cmpi eq, %select_n3A_3106, %select_n3A_3120 : vector<4x32x128xi32>
    %gt3A_3151 = arith.cmpi sgt, %select_n3A_3107, %select_n3A_3133 : vector<4x32x128xi32>
    %and3A_3152 = arith.andi %eq3A_3150, %gt3A_3151 : vector<4x32x128xi1>
    %or3A_3153 = arith.ori %gt3A_3149, %and3A_3152 : vector<4x32x128xi1>
    %eq3A_3154 = arith.xori %or3A_3153, %eq3A_3148 : vector<4x32x128xi1>
    %eq3A_3155 = arith.constant dense<true> : vector<4x32x128xi1>
    %eq3A_3156 = arith.xori %eq3A_3154, %eq3A_3155 : vector<4x32x128xi1>
    %select_n3A_3157 = arith.select %eq3A_3156, %select_n3A_3120, %select_n3A_3106 : vector<4x32x128xi1>, vector<4x32x128xi32>
    %select_n3A_3158 = arith.select %eq3A_3156, %select_n3A_3133, %select_n3A_3107 : vector<4x32x128xi1>, vector<4x32x128xi32>
    %and3A_3159 = arith.constant 1 : i32
    %and3A_3160 = vector.broadcast %and3A_3159 : i32 to vector<4x32x128xi32>
    %and3A_3161 = arith.andi %iota3A_9, %and3A_3160 : vector<4x32x128xi32>
    %eq3A_3162 = arith.constant 0 : i32
    %eq3A_3163 = vector.broadcast %eq3A_3162 : i32 to vector<4x32x128xi32>
    %eq3A_3164 = arith.cmpi eq, %and3A_3161, %eq3A_3163 : vector<4x32x128xi32>
    %slice3A_3165 = vector.extract_strided_slice %select_n3A_3157 {offsets = [0, 0, 1], sizes = [4, 32, 127], strides = [1, 1, 1]} : vector<4x32x128xi32> to vector<4x32x127xi32>
    %slice3A_3166 = vector.extract_strided_slice %select_n3A_3157 {offsets = [0, 0, 0], sizes = [4, 32, 1], strides = [1, 1, 1]} : vector<4x32x128xi32> to vector<4x32x1xi32>
    %concatenate3A_3167 = tpu.concatenate %slice3A_3165, %slice3A_3166 in 2 : vector<4x32x127xi32>, vector<4x32x1xi32> -> vector<4x32x128xi32>
    %slice3A_3168 = vector.extract_strided_slice %select_n3A_3157 {offsets = [0, 0, 127], sizes = [4, 32, 1], strides = [1, 1, 1]} : vector<4x32x128xi32> to vector<4x32x1xi32>
    %slice3A_3169 = vector.extract_strided_slice %select_n3A_3157 {offsets = [0, 0, 0], sizes = [4, 32, 127], strides = [1, 1, 1]} : vector<4x32x128xi32> to vector<4x32x127xi32>
    %concatenate3A_3170 = tpu.concatenate %slice3A_3168, %slice3A_3169 in 2 : vector<4x32x1xi32>, vector<4x32x127xi32> -> vector<4x32x128xi32>
    %select_n3A_3171 = arith.select %eq3A_3164, %concatenate3A_3167, %concatenate3A_3170 : vector<4x32x128xi1>, vector<4x32x128xi32>
    %and3A_3172 = arith.constant 1 : i32
    %and3A_3173 = vector.broadcast %and3A_3172 : i32 to vector<4x32x128xi32>
    %and3A_3174 = arith.andi %iota3A_9, %and3A_3173 : vector<4x32x128xi32>
    %eq3A_3175 = arith.constant 0 : i32
    %eq3A_3176 = vector.broadcast %eq3A_3175 : i32 to vector<4x32x128xi32>
    %eq3A_3177 = arith.cmpi eq, %and3A_3174, %eq3A_3176 : vector<4x32x128xi32>
    %slice3A_3178 = vector.extract_strided_slice %select_n3A_3158 {offsets = [0, 0, 1], sizes = [4, 32, 127], strides = [1, 1, 1]} : vector<4x32x128xi32> to vector<4x32x127xi32>
    %slice3A_3179 = vector.extract_strided_slice %select_n3A_3158 {offsets = [0, 0, 0], sizes = [4, 32, 1], strides = [1, 1, 1]} : vector<4x32x128xi32> to vector<4x32x1xi32>
    %concatenate3A_3180 = tpu.concatenate %slice3A_3178, %slice3A_3179 in 2 : vector<4x32x127xi32>, vector<4x32x1xi32> -> vector<4x32x128xi32>
    %slice3A_3181 = vector.extract_strided_slice %select_n3A_3158 {offsets = [0, 0, 127], sizes = [4, 32, 1], strides = [1, 1, 1]} : vector<4x32x128xi32> to vector<4x32x1xi32>
    %slice3A_3182 = vector.extract_strided_slice %select_n3A_3158 {offsets = [0, 0, 0], sizes = [4, 32, 127], strides = [1, 1, 1]} : vector<4x32x128xi32> to vector<4x32x127xi32>
    %concatenate3A_3183 = tpu.concatenate %slice3A_3181, %slice3A_3182 in 2 : vector<4x32x1xi32>, vector<4x32x127xi32> -> vector<4x32x128xi32>
    %select_n3A_3184 = arith.select %eq3A_3177, %concatenate3A_3180, %concatenate3A_3183 : vector<4x32x128xi1>, vector<4x32x128xi32>
    %and3A_3185 = arith.constant 1 : i32
    %and3A_3186 = vector.broadcast %and3A_3185 : i32 to vector<4x32x128xi32>
    %and3A_3187 = arith.andi %add3A, %and3A_3186 : vector<4x32x128xi32>
    %eq3A_3188 = arith.constant 0 : i32
    %eq3A_3189 = vector.broadcast %eq3A_3188 : i32 to vector<4x32x128xi32>
    %eq3A_3190 = arith.cmpi eq, %and3A_3187, %eq3A_3189 : vector<4x32x128xi32>
    %and3A_3191 = arith.constant 2048 : i32
    %and3A_3192 = vector.broadcast %and3A_3191 : i32 to vector<4x32x128xi32>
    %and3A_3193 = arith.andi %add3A, %and3A_3192 : vector<4x32x128xi32>
    %eq3A_3194 = arith.constant 0 : i32
    %eq3A_3195 = vector.broadcast %eq3A_3194 : i32 to vector<4x32x128xi32>
    %eq3A_3196 = arith.cmpi eq, %and3A_3193, %eq3A_3195 : vector<4x32x128xi32>
    %eq3A_3197 = arith.xori %eq3A_3196, %eq3A_3190 : vector<4x32x128xi1>
    %eq3A_3198 = arith.constant dense<true> : vector<4x32x128xi1>
    %eq3A_3199 = arith.xori %eq3A_3197, %eq3A_3198 : vector<4x32x128xi1>
    %gt3A_3200 = arith.cmpi ugt, %select_n3A_3157, %select_n3A_3171 : vector<4x32x128xi32>
    %eq3A_3201 = arith.cmpi eq, %select_n3A_3157, %select_n3A_3171 : vector<4x32x128xi32>
    %gt3A_3202 = arith.cmpi sgt, %select_n3A_3158, %select_n3A_3184 : vector<4x32x128xi32>
    %and3A_3203 = arith.andi %eq3A_3201, %gt3A_3202 : vector<4x32x128xi1>
    %or3A_3204 = arith.ori %gt3A_3200, %and3A_3203 : vector<4x32x128xi1>
    %eq3A_3205 = arith.xori %or3A_3204, %eq3A_3199 : vector<4x32x128xi1>
    %eq3A_3206 = arith.constant dense<true> : vector<4x32x128xi1>
    %eq3A_3207 = arith.xori %eq3A_3205, %eq3A_3206 : vector<4x32x128xi1>
    %select_n3A_3208 = arith.select %eq3A_3207, %select_n3A_3171, %select_n3A_3157 : vector<4x32x128xi1>, vector<4x32x128xi32>
    %select_n3A_3209 = arith.select %eq3A_3207, %select_n3A_3184, %select_n3A_3158 : vector<4x32x128xi1>, vector<4x32x128xi32>
    %reshape3A_3210 = vector.shape_cast %select_n3A_3208 : vector<4x32x128xi32> to vector<4x1x2x16x128xi32>
    %slice3A_3211 = vector.extract_strided_slice %reshape3A_3210 {offsets = [0, 0, 1, 0, 0], sizes = [4, 1, 1, 16, 128], strides = [1, 1, 1, 1, 1]} : vector<4x1x2x16x128xi32> to vector<4x1x1x16x128xi32>
    %slice3A_3212 = vector.extract_strided_slice %reshape3A_3210 {offsets = [0, 0, 0, 0, 0], sizes = [4, 1, 1, 16, 128], strides = [1, 1, 1, 1, 1]} : vector<4x1x2x16x128xi32> to vector<4x1x1x16x128xi32>
    %concatenate3A_3213 = tpu.concatenate %slice3A_3211, %slice3A_3212 in 2 : vector<4x1x1x16x128xi32>, vector<4x1x1x16x128xi32> -> vector<4x1x2x16x128xi32>
    %reshape3A_3214 = vector.shape_cast %concatenate3A_3213 : vector<4x1x2x16x128xi32> to vector<4x32x128xi32>
    %reshape3A_3215 = vector.shape_cast %select_n3A_3209 : vector<4x32x128xi32> to vector<4x1x2x16x128xi32>
    %slice3A_3216 = vector.extract_strided_slice %reshape3A_3215 {offsets = [0, 0, 1, 0, 0], sizes = [4, 1, 1, 16, 128], strides = [1, 1, 1, 1, 1]} : vector<4x1x2x16x128xi32> to vector<4x1x1x16x128xi32>
    %slice3A_3217 = vector.extract_strided_slice %reshape3A_3215 {offsets = [0, 0, 0, 0, 0], sizes = [4, 1, 1, 16, 128], strides = [1, 1, 1, 1, 1]} : vector<4x1x2x16x128xi32> to vector<4x1x1x16x128xi32>
    %concatenate3A_3218 = tpu.concatenate %slice3A_3216, %slice3A_3217 in 2 : vector<4x1x1x16x128xi32>, vector<4x1x1x16x128xi32> -> vector<4x1x2x16x128xi32>
    %reshape3A_3219 = vector.shape_cast %concatenate3A_3218 : vector<4x1x2x16x128xi32> to vector<4x32x128xi32>
    %and3A_3220 = arith.constant 2048 : i32
    %and3A_3221 = vector.broadcast %and3A_3220 : i32 to vector<4x32x128xi32>
    %and3A_3222 = arith.andi %add3A, %and3A_3221 : vector<4x32x128xi32>
    %eq3A_3223 = arith.constant 0 : i32
    %eq3A_3224 = vector.broadcast %eq3A_3223 : i32 to vector<4x32x128xi32>
    %eq3A_3225 = arith.cmpi eq, %and3A_3222, %eq3A_3224 : vector<4x32x128xi32>
    %gt3A_3226 = arith.cmpi ugt, %select_n3A_3208, %reshape3A_3214 : vector<4x32x128xi32>
    %eq3A_3227 = arith.cmpi eq, %select_n3A_3208, %reshape3A_3214 : vector<4x32x128xi32>
    %gt3A_3228 = arith.cmpi sgt, %select_n3A_3209, %reshape3A_3219 : vector<4x32x128xi32>
    %and3A_3229 = arith.andi %eq3A_3227, %gt3A_3228 : vector<4x32x128xi1>
    %or3A_3230 = arith.ori %gt3A_3226, %and3A_3229 : vector<4x32x128xi1>
    %eq3A_3231 = arith.xori %or3A_3230, %eq3A_3225 : vector<4x32x128xi1>
    %eq3A_3232 = arith.constant dense<true> : vector<4x32x128xi1>
    %eq3A_3233 = arith.xori %eq3A_3231, %eq3A_3232 : vector<4x32x128xi1>
    %select_n3A_3234 = arith.select %eq3A_3233, %reshape3A_3214, %select_n3A_3208 : vector<4x32x128xi1>, vector<4x32x128xi32>
    %select_n3A_3235 = arith.select %eq3A_3233, %reshape3A_3219, %select_n3A_3209 : vector<4x32x128xi1>, vector<4x32x128xi32>
    %reshape3A_3236 = vector.shape_cast %select_n3A_3234 : vector<4x32x128xi32> to vector<4x2x2x8x128xi32>
    %slice3A_3237 = vector.extract_strided_slice %reshape3A_3236 {offsets = [0, 0, 1, 0, 0], sizes = [4, 2, 1, 8, 128], strides = [1, 1, 1, 1, 1]} : vector<4x2x2x8x128xi32> to vector<4x2x1x8x128xi32>
    %slice3A_3238 = vector.extract_strided_slice %reshape3A_3236 {offsets = [0, 0, 0, 0, 0], sizes = [4, 2, 1, 8, 128], strides = [1, 1, 1, 1, 1]} : vector<4x2x2x8x128xi32> to vector<4x2x1x8x128xi32>
    %concatenate3A_3239 = tpu.concatenate %slice3A_3237, %slice3A_3238 in 2 : vector<4x2x1x8x128xi32>, vector<4x2x1x8x128xi32> -> vector<4x2x2x8x128xi32>
    %reshape3A_3240 = vector.shape_cast %concatenate3A_3239 : vector<4x2x2x8x128xi32> to vector<4x32x128xi32>
    %reshape3A_3241 = vector.shape_cast %select_n3A_3235 : vector<4x32x128xi32> to vector<4x2x2x8x128xi32>
    %slice3A_3242 = vector.extract_strided_slice %reshape3A_3241 {offsets = [0, 0, 1, 0, 0], sizes = [4, 2, 1, 8, 128], strides = [1, 1, 1, 1, 1]} : vector<4x2x2x8x128xi32> to vector<4x2x1x8x128xi32>
    %slice3A_3243 = vector.extract_strided_slice %reshape3A_3241 {offsets = [0, 0, 0, 0, 0], sizes = [4, 2, 1, 8, 128], strides = [1, 1, 1, 1, 1]} : vector<4x2x2x8x128xi32> to vector<4x2x1x8x128xi32>
    %concatenate3A_3244 = tpu.concatenate %slice3A_3242, %slice3A_3243 in 2 : vector<4x2x1x8x128xi32>, vector<4x2x1x8x128xi32> -> vector<4x2x2x8x128xi32>
    %reshape3A_3245 = vector.shape_cast %concatenate3A_3244 : vector<4x2x2x8x128xi32> to vector<4x32x128xi32>
    %and3A_3246 = arith.constant 1024 : i32
    %and3A_3247 = vector.broadcast %and3A_3246 : i32 to vector<4x32x128xi32>
    %and3A_3248 = arith.andi %add3A, %and3A_3247 : vector<4x32x128xi32>
    %eq3A_3249 = arith.constant 0 : i32
    %eq3A_3250 = vector.broadcast %eq3A_3249 : i32 to vector<4x32x128xi32>
    %eq3A_3251 = arith.cmpi eq, %and3A_3248, %eq3A_3250 : vector<4x32x128xi32>
    %gt3A_3252 = arith.cmpi ugt, %select_n3A_3234, %reshape3A_3240 : vector<4x32x128xi32>
    %eq3A_3253 = arith.cmpi eq, %select_n3A_3234, %reshape3A_3240 : vector<4x32x128xi32>
    %gt3A_3254 = arith.cmpi sgt, %select_n3A_3235, %reshape3A_3245 : vector<4x32x128xi32>
    %and3A_3255 = arith.andi %eq3A_3253, %gt3A_3254 : vector<4x32x128xi1>
    %or3A_3256 = arith.ori %gt3A_3252, %and3A_3255 : vector<4x32x128xi1>
    %eq3A_3257 = arith.xori %or3A_3256, %eq3A_3251 : vector<4x32x128xi1>
    %eq3A_3258 = arith.constant dense<true> : vector<4x32x128xi1>
    %eq3A_3259 = arith.xori %eq3A_3257, %eq3A_3258 : vector<4x32x128xi1>
    %select_n3A_3260 = arith.select %eq3A_3259, %reshape3A_3240, %select_n3A_3234 : vector<4x32x128xi1>, vector<4x32x128xi32>
    %select_n3A_3261 = arith.select %eq3A_3259, %reshape3A_3245, %select_n3A_3235 : vector<4x32x128xi1>, vector<4x32x128xi32>
    %reshape3A_3262 = vector.shape_cast %select_n3A_3260 : vector<4x32x128xi32> to vector<4x4x2x4x128xi32>
    %slice3A_3263 = vector.extract_strided_slice %reshape3A_3262 {offsets = [0, 0, 1, 0, 0], sizes = [4, 4, 1, 4, 128], strides = [1, 1, 1, 1, 1]} : vector<4x4x2x4x128xi32> to vector<4x4x1x4x128xi32>
    %slice3A_3264 = vector.extract_strided_slice %reshape3A_3262 {offsets = [0, 0, 0, 0, 0], sizes = [4, 4, 1, 4, 128], strides = [1, 1, 1, 1, 1]} : vector<4x4x2x4x128xi32> to vector<4x4x1x4x128xi32>
    %concatenate3A_3265 = tpu.concatenate %slice3A_3263, %slice3A_3264 in 2 : vector<4x4x1x4x128xi32>, vector<4x4x1x4x128xi32> -> vector<4x4x2x4x128xi32>
    %reshape3A_3266 = vector.shape_cast %concatenate3A_3265 : vector<4x4x2x4x128xi32> to vector<4x32x128xi32>
    %reshape3A_3267 = vector.shape_cast %select_n3A_3261 : vector<4x32x128xi32> to vector<4x4x2x4x128xi32>
    %slice3A_3268 = vector.extract_strided_slice %reshape3A_3267 {offsets = [0, 0, 1, 0, 0], sizes = [4, 4, 1, 4, 128], strides = [1, 1, 1, 1, 1]} : vector<4x4x2x4x128xi32> to vector<4x4x1x4x128xi32>
    %slice3A_3269 = vector.extract_strided_slice %reshape3A_3267 {offsets = [0, 0, 0, 0, 0], sizes = [4, 4, 1, 4, 128], strides = [1, 1, 1, 1, 1]} : vector<4x4x2x4x128xi32> to vector<4x4x1x4x128xi32>
    %concatenate3A_3270 = tpu.concatenate %slice3A_3268, %slice3A_3269 in 2 : vector<4x4x1x4x128xi32>, vector<4x4x1x4x128xi32> -> vector<4x4x2x4x128xi32>
    %reshape3A_3271 = vector.shape_cast %concatenate3A_3270 : vector<4x4x2x4x128xi32> to vector<4x32x128xi32>
    %and3A_3272 = arith.constant 512 : i32
    %and3A_3273 = vector.broadcast %and3A_3272 : i32 to vector<4x32x128xi32>
    %and3A_3274 = arith.andi %add3A, %and3A_3273 : vector<4x32x128xi32>
    %eq3A_3275 = arith.constant 0 : i32
    %eq3A_3276 = vector.broadcast %eq3A_3275 : i32 to vector<4x32x128xi32>
    %eq3A_3277 = arith.cmpi eq, %and3A_3274, %eq3A_3276 : vector<4x32x128xi32>
    %gt3A_3278 = arith.cmpi ugt, %select_n3A_3260, %reshape3A_3266 : vector<4x32x128xi32>
    %eq3A_3279 = arith.cmpi eq, %select_n3A_3260, %reshape3A_3266 : vector<4x32x128xi32>
    %gt3A_3280 = arith.cmpi sgt, %select_n3A_3261, %reshape3A_3271 : vector<4x32x128xi32>
    %and3A_3281 = arith.andi %eq3A_3279, %gt3A_3280 : vector<4x32x128xi1>
    %or3A_3282 = arith.ori %gt3A_3278, %and3A_3281 : vector<4x32x128xi1>
    %eq3A_3283 = arith.xori %or3A_3282, %eq3A_3277 : vector<4x32x128xi1>
    %eq3A_3284 = arith.constant dense<true> : vector<4x32x128xi1>
    %eq3A_3285 = arith.xori %eq3A_3283, %eq3A_3284 : vector<4x32x128xi1>
    %select_n3A_3286 = arith.select %eq3A_3285, %reshape3A_3266, %select_n3A_3260 : vector<4x32x128xi1>, vector<4x32x128xi32>
    %select_n3A_3287 = arith.select %eq3A_3285, %reshape3A_3271, %select_n3A_3261 : vector<4x32x128xi1>, vector<4x32x128xi32>
    %reshape3A_3288 = vector.shape_cast %select_n3A_3286 : vector<4x32x128xi32> to vector<4x8x2x2x128xi32>
    %slice3A_3289 = vector.extract_strided_slice %reshape3A_3288 {offsets = [0, 0, 1, 0, 0], sizes = [4, 8, 1, 2, 128], strides = [1, 1, 1, 1, 1]} : vector<4x8x2x2x128xi32> to vector<4x8x1x2x128xi32>
    %slice3A_3290 = vector.extract_strided_slice %reshape3A_3288 {offsets = [0, 0, 0, 0, 0], sizes = [4, 8, 1, 2, 128], strides = [1, 1, 1, 1, 1]} : vector<4x8x2x2x128xi32> to vector<4x8x1x2x128xi32>
    %concatenate3A_3291 = tpu.concatenate %slice3A_3289, %slice3A_3290 in 2 : vector<4x8x1x2x128xi32>, vector<4x8x1x2x128xi32> -> vector<4x8x2x2x128xi32>
    %reshape3A_3292 = vector.shape_cast %concatenate3A_3291 : vector<4x8x2x2x128xi32> to vector<4x32x128xi32>
    %reshape3A_3293 = vector.shape_cast %select_n3A_3287 : vector<4x32x128xi32> to vector<4x8x2x2x128xi32>
    %slice3A_3294 = vector.extract_strided_slice %reshape3A_3293 {offsets = [0, 0, 1, 0, 0], sizes = [4, 8, 1, 2, 128], strides = [1, 1, 1, 1, 1]} : vector<4x8x2x2x128xi32> to vector<4x8x1x2x128xi32>
    %slice3A_3295 = vector.extract_strided_slice %reshape3A_3293 {offsets = [0, 0, 0, 0, 0], sizes = [4, 8, 1, 2, 128], strides = [1, 1, 1, 1, 1]} : vector<4x8x2x2x128xi32> to vector<4x8x1x2x128xi32>
    %concatenate3A_3296 = tpu.concatenate %slice3A_3294, %slice3A_3295 in 2 : vector<4x8x1x2x128xi32>, vector<4x8x1x2x128xi32> -> vector<4x8x2x2x128xi32>
    %reshape3A_3297 = vector.shape_cast %concatenate3A_3296 : vector<4x8x2x2x128xi32> to vector<4x32x128xi32>
    %and3A_3298 = arith.constant 256 : i32
    %and3A_3299 = vector.broadcast %and3A_3298 : i32 to vector<4x32x128xi32>
    %and3A_3300 = arith.andi %add3A, %and3A_3299 : vector<4x32x128xi32>
    %eq3A_3301 = arith.constant 0 : i32
    %eq3A_3302 = vector.broadcast %eq3A_3301 : i32 to vector<4x32x128xi32>
    %eq3A_3303 = arith.cmpi eq, %and3A_3300, %eq3A_3302 : vector<4x32x128xi32>
    %gt3A_3304 = arith.cmpi ugt, %select_n3A_3286, %reshape3A_3292 : vector<4x32x128xi32>
    %eq3A_3305 = arith.cmpi eq, %select_n3A_3286, %reshape3A_3292 : vector<4x32x128xi32>
    %gt3A_3306 = arith.cmpi sgt, %select_n3A_3287, %reshape3A_3297 : vector<4x32x128xi32>
    %and3A_3307 = arith.andi %eq3A_3305, %gt3A_3306 : vector<4x32x128xi1>
    %or3A_3308 = arith.ori %gt3A_3304, %and3A_3307 : vector<4x32x128xi1>
    %eq3A_3309 = arith.xori %or3A_3308, %eq3A_3303 : vector<4x32x128xi1>
    %eq3A_3310 = arith.constant dense<true> : vector<4x32x128xi1>
    %eq3A_3311 = arith.xori %eq3A_3309, %eq3A_3310 : vector<4x32x128xi1>
    %select_n3A_3312 = arith.select %eq3A_3311, %reshape3A_3292, %select_n3A_3286 : vector<4x32x128xi1>, vector<4x32x128xi32>
    %select_n3A_3313 = arith.select %eq3A_3311, %reshape3A_3297, %select_n3A_3287 : vector<4x32x128xi1>, vector<4x32x128xi32>
    %reshape3A_3314 = vector.shape_cast %select_n3A_3312 : vector<4x32x128xi32> to vector<4x16x2x1x128xi32>
    %slice3A_3315 = vector.extract_strided_slice %reshape3A_3314 {offsets = [0, 0, 1, 0, 0], sizes = [4, 16, 1, 1, 128], strides = [1, 1, 1, 1, 1]} : vector<4x16x2x1x128xi32> to vector<4x16x1x1x128xi32>
    %slice3A_3316 = vector.extract_strided_slice %reshape3A_3314 {offsets = [0, 0, 0, 0, 0], sizes = [4, 16, 1, 1, 128], strides = [1, 1, 1, 1, 1]} : vector<4x16x2x1x128xi32> to vector<4x16x1x1x128xi32>
    %concatenate3A_3317 = tpu.concatenate %slice3A_3315, %slice3A_3316 in 2 : vector<4x16x1x1x128xi32>, vector<4x16x1x1x128xi32> -> vector<4x16x2x1x128xi32>
    %reshape3A_3318 = vector.shape_cast %concatenate3A_3317 : vector<4x16x2x1x128xi32> to vector<4x32x128xi32>
    %reshape3A_3319 = vector.shape_cast %select_n3A_3313 : vector<4x32x128xi32> to vector<4x16x2x1x128xi32>
    %slice3A_3320 = vector.extract_strided_slice %reshape3A_3319 {offsets = [0, 0, 1, 0, 0], sizes = [4, 16, 1, 1, 128], strides = [1, 1, 1, 1, 1]} : vector<4x16x2x1x128xi32> to vector<4x16x1x1x128xi32>
    %slice3A_3321 = vector.extract_strided_slice %reshape3A_3319 {offsets = [0, 0, 0, 0, 0], sizes = [4, 16, 1, 1, 128], strides = [1, 1, 1, 1, 1]} : vector<4x16x2x1x128xi32> to vector<4x16x1x1x128xi32>
    %concatenate3A_3322 = tpu.concatenate %slice3A_3320, %slice3A_3321 in 2 : vector<4x16x1x1x128xi32>, vector<4x16x1x1x128xi32> -> vector<4x16x2x1x128xi32>
    %reshape3A_3323 = vector.shape_cast %concatenate3A_3322 : vector<4x16x2x1x128xi32> to vector<4x32x128xi32>
    %and3A_3324 = arith.constant 128 : i32
    %and3A_3325 = vector.broadcast %and3A_3324 : i32 to vector<4x32x128xi32>
    %and3A_3326 = arith.andi %add3A, %and3A_3325 : vector<4x32x128xi32>
    %eq3A_3327 = arith.constant 0 : i32
    %eq3A_3328 = vector.broadcast %eq3A_3327 : i32 to vector<4x32x128xi32>
    %eq3A_3329 = arith.cmpi eq, %and3A_3326, %eq3A_3328 : vector<4x32x128xi32>
    %gt3A_3330 = arith.cmpi ugt, %select_n3A_3312, %reshape3A_3318 : vector<4x32x128xi32>
    %eq3A_3331 = arith.cmpi eq, %select_n3A_3312, %reshape3A_3318 : vector<4x32x128xi32>
    %gt3A_3332 = arith.cmpi sgt, %select_n3A_3313, %reshape3A_3323 : vector<4x32x128xi32>
    %and3A_3333 = arith.andi %eq3A_3331, %gt3A_3332 : vector<4x32x128xi1>
    %or3A_3334 = arith.ori %gt3A_3330, %and3A_3333 : vector<4x32x128xi1>
    %eq3A_3335 = arith.xori %or3A_3334, %eq3A_3329 : vector<4x32x128xi1>
    %eq3A_3336 = arith.constant dense<true> : vector<4x32x128xi1>
    %eq3A_3337 = arith.xori %eq3A_3335, %eq3A_3336 : vector<4x32x128xi1>
    %select_n3A_3338 = arith.select %eq3A_3337, %reshape3A_3318, %select_n3A_3312 : vector<4x32x128xi1>, vector<4x32x128xi32>
    %select_n3A_3339 = arith.select %eq3A_3337, %reshape3A_3323, %select_n3A_3313 : vector<4x32x128xi1>, vector<4x32x128xi32>
    %and3A_3340 = arith.constant 64 : i32
    %and3A_3341 = vector.broadcast %and3A_3340 : i32 to vector<4x32x128xi32>
    %and3A_3342 = arith.andi %iota3A_9, %and3A_3341 : vector<4x32x128xi32>
    %eq3A_3343 = arith.constant 0 : i32
    %eq3A_3344 = vector.broadcast %eq3A_3343 : i32 to vector<4x32x128xi32>
    %eq3A_3345 = arith.cmpi eq, %and3A_3342, %eq3A_3344 : vector<4x32x128xi32>
    %slice3A_3346 = vector.extract_strided_slice %select_n3A_3338 {offsets = [0, 0, 64], sizes = [4, 32, 64], strides = [1, 1, 1]} : vector<4x32x128xi32> to vector<4x32x64xi32>
    %slice3A_3347 = vector.extract_strided_slice %select_n3A_3338 {offsets = [0, 0, 0], sizes = [4, 32, 64], strides = [1, 1, 1]} : vector<4x32x128xi32> to vector<4x32x64xi32>
    %concatenate3A_3348 = tpu.concatenate %slice3A_3346, %slice3A_3347 in 2 : vector<4x32x64xi32>, vector<4x32x64xi32> -> vector<4x32x128xi32>
    %slice3A_3349 = vector.extract_strided_slice %select_n3A_3338 {offsets = [0, 0, 64], sizes = [4, 32, 64], strides = [1, 1, 1]} : vector<4x32x128xi32> to vector<4x32x64xi32>
    %slice3A_3350 = vector.extract_strided_slice %select_n3A_3338 {offsets = [0, 0, 0], sizes = [4, 32, 64], strides = [1, 1, 1]} : vector<4x32x128xi32> to vector<4x32x64xi32>
    %concatenate3A_3351 = tpu.concatenate %slice3A_3349, %slice3A_3350 in 2 : vector<4x32x64xi32>, vector<4x32x64xi32> -> vector<4x32x128xi32>
    %select_n3A_3352 = arith.select %eq3A_3345, %concatenate3A_3348, %concatenate3A_3351 : vector<4x32x128xi1>, vector<4x32x128xi32>
    %and3A_3353 = arith.constant 64 : i32
    %and3A_3354 = vector.broadcast %and3A_3353 : i32 to vector<4x32x128xi32>
    %and3A_3355 = arith.andi %iota3A_9, %and3A_3354 : vector<4x32x128xi32>
    %eq3A_3356 = arith.constant 0 : i32
    %eq3A_3357 = vector.broadcast %eq3A_3356 : i32 to vector<4x32x128xi32>
    %eq3A_3358 = arith.cmpi eq, %and3A_3355, %eq3A_3357 : vector<4x32x128xi32>
    %slice3A_3359 = vector.extract_strided_slice %select_n3A_3339 {offsets = [0, 0, 64], sizes = [4, 32, 64], strides = [1, 1, 1]} : vector<4x32x128xi32> to vector<4x32x64xi32>
    %slice3A_3360 = vector.extract_strided_slice %select_n3A_3339 {offsets = [0, 0, 0], sizes = [4, 32, 64], strides = [1, 1, 1]} : vector<4x32x128xi32> to vector<4x32x64xi32>
    %concatenate3A_3361 = tpu.concatenate %slice3A_3359, %slice3A_3360 in 2 : vector<4x32x64xi32>, vector<4x32x64xi32> -> vector<4x32x128xi32>
    %slice3A_3362 = vector.extract_strided_slice %select_n3A_3339 {offsets = [0, 0, 64], sizes = [4, 32, 64], strides = [1, 1, 1]} : vector<4x32x128xi32> to vector<4x32x64xi32>
    %slice3A_3363 = vector.extract_strided_slice %select_n3A_3339 {offsets = [0, 0, 0], sizes = [4, 32, 64], strides = [1, 1, 1]} : vector<4x32x128xi32> to vector<4x32x64xi32>
    %concatenate3A_3364 = tpu.concatenate %slice3A_3362, %slice3A_3363 in 2 : vector<4x32x64xi32>, vector<4x32x64xi32> -> vector<4x32x128xi32>
    %select_n3A_3365 = arith.select %eq3A_3358, %concatenate3A_3361, %concatenate3A_3364 : vector<4x32x128xi1>, vector<4x32x128xi32>
    %and3A_3366 = arith.constant 64 : i32
    %and3A_3367 = vector.broadcast %and3A_3366 : i32 to vector<4x32x128xi32>
    %and3A_3368 = arith.andi %add3A, %and3A_3367 : vector<4x32x128xi32>
    %eq3A_3369 = arith.constant 0 : i32
    %eq3A_3370 = vector.broadcast %eq3A_3369 : i32 to vector<4x32x128xi32>
    %eq3A_3371 = arith.cmpi eq, %and3A_3368, %eq3A_3370 : vector<4x32x128xi32>
    %gt3A_3372 = arith.cmpi ugt, %select_n3A_3338, %select_n3A_3352 : vector<4x32x128xi32>
    %eq3A_3373 = arith.cmpi eq, %select_n3A_3338, %select_n3A_3352 : vector<4x32x128xi32>
    %gt3A_3374 = arith.cmpi sgt, %select_n3A_3339, %select_n3A_3365 : vector<4x32x128xi32>
    %and3A_3375 = arith.andi %eq3A_3373, %gt3A_3374 : vector<4x32x128xi1>
    %or3A_3376 = arith.ori %gt3A_3372, %and3A_3375 : vector<4x32x128xi1>
    %eq3A_3377 = arith.xori %or3A_3376, %eq3A_3371 : vector<4x32x128xi1>
    %eq3A_3378 = arith.constant dense<true> : vector<4x32x128xi1>
    %eq3A_3379 = arith.xori %eq3A_3377, %eq3A_3378 : vector<4x32x128xi1>
    %select_n3A_3380 = arith.select %eq3A_3379, %select_n3A_3352, %select_n3A_3338 : vector<4x32x128xi1>, vector<4x32x128xi32>
    %select_n3A_3381 = arith.select %eq3A_3379, %select_n3A_3365, %select_n3A_3339 : vector<4x32x128xi1>, vector<4x32x128xi32>
    %and3A_3382 = arith.constant 32 : i32
    %and3A_3383 = vector.broadcast %and3A_3382 : i32 to vector<4x32x128xi32>
    %and3A_3384 = arith.andi %iota3A_9, %and3A_3383 : vector<4x32x128xi32>
    %eq3A_3385 = arith.constant 0 : i32
    %eq3A_3386 = vector.broadcast %eq3A_3385 : i32 to vector<4x32x128xi32>
    %eq3A_3387 = arith.cmpi eq, %and3A_3384, %eq3A_3386 : vector<4x32x128xi32>
    %slice3A_3388 = vector.extract_strided_slice %select_n3A_3380 {offsets = [0, 0, 32], sizes = [4, 32, 96], strides = [1, 1, 1]} : vector<4x32x128xi32> to vector<4x32x96xi32>
    %slice3A_3389 = vector.extract_strided_slice %select_n3A_3380 {offsets = [0, 0, 0], sizes = [4, 32, 32], strides = [1, 1, 1]} : vector<4x32x128xi32> to vector<4x32x32xi32>
    %concatenate3A_3390 = tpu.concatenate %slice3A_3388, %slice3A_3389 in 2 : vector<4x32x96xi32>, vector<4x32x32xi32> -> vector<4x32x128xi32>
    %slice3A_3391 = vector.extract_strided_slice %select_n3A_3380 {offsets = [0, 0, 96], sizes = [4, 32, 32], strides = [1, 1, 1]} : vector<4x32x128xi32> to vector<4x32x32xi32>
    %slice3A_3392 = vector.extract_strided_slice %select_n3A_3380 {offsets = [0, 0, 0], sizes = [4, 32, 96], strides = [1, 1, 1]} : vector<4x32x128xi32> to vector<4x32x96xi32>
    %concatenate3A_3393 = tpu.concatenate %slice3A_3391, %slice3A_3392 in 2 : vector<4x32x32xi32>, vector<4x32x96xi32> -> vector<4x32x128xi32>
    %select_n3A_3394 = arith.select %eq3A_3387, %concatenate3A_3390, %concatenate3A_3393 : vector<4x32x128xi1>, vector<4x32x128xi32>
    %and3A_3395 = arith.constant 32 : i32
    %and3A_3396 = vector.broadcast %and3A_3395 : i32 to vector<4x32x128xi32>
    %and3A_3397 = arith.andi %iota3A_9, %and3A_3396 : vector<4x32x128xi32>
    %eq3A_3398 = arith.constant 0 : i32
    %eq3A_3399 = vector.broadcast %eq3A_3398 : i32 to vector<4x32x128xi32>
    %eq3A_3400 = arith.cmpi eq, %and3A_3397, %eq3A_3399 : vector<4x32x128xi32>
    %slice3A_3401 = vector.extract_strided_slice %select_n3A_3381 {offsets = [0, 0, 32], sizes = [4, 32, 96], strides = [1, 1, 1]} : vector<4x32x128xi32> to vector<4x32x96xi32>
    %slice3A_3402 = vector.extract_strided_slice %select_n3A_3381 {offsets = [0, 0, 0], sizes = [4, 32, 32], strides = [1, 1, 1]} : vector<4x32x128xi32> to vector<4x32x32xi32>
    %concatenate3A_3403 = tpu.concatenate %slice3A_3401, %slice3A_3402 in 2 : vector<4x32x96xi32>, vector<4x32x32xi32> -> vector<4x32x128xi32>
    %slice3A_3404 = vector.extract_strided_slice %select_n3A_3381 {offsets = [0, 0, 96], sizes = [4, 32, 32], strides = [1, 1, 1]} : vector<4x32x128xi32> to vector<4x32x32xi32>
    %slice3A_3405 = vector.extract_strided_slice %select_n3A_3381 {offsets = [0, 0, 0], sizes = [4, 32, 96], strides = [1, 1, 1]} : vector<4x32x128xi32> to vector<4x32x96xi32>
    %concatenate3A_3406 = tpu.concatenate %slice3A_3404, %slice3A_3405 in 2 : vector<4x32x32xi32>, vector<4x32x96xi32> -> vector<4x32x128xi32>
    %select_n3A_3407 = arith.select %eq3A_3400, %concatenate3A_3403, %concatenate3A_3406 : vector<4x32x128xi1>, vector<4x32x128xi32>
    %and3A_3408 = arith.constant 32 : i32
    %and3A_3409 = vector.broadcast %and3A_3408 : i32 to vector<4x32x128xi32>
    %and3A_3410 = arith.andi %add3A, %and3A_3409 : vector<4x32x128xi32>
    %eq3A_3411 = arith.constant 0 : i32
    %eq3A_3412 = vector.broadcast %eq3A_3411 : i32 to vector<4x32x128xi32>
    %eq3A_3413 = arith.cmpi eq, %and3A_3410, %eq3A_3412 : vector<4x32x128xi32>
    %gt3A_3414 = arith.cmpi ugt, %select_n3A_3380, %select_n3A_3394 : vector<4x32x128xi32>
    %eq3A_3415 = arith.cmpi eq, %select_n3A_3380, %select_n3A_3394 : vector<4x32x128xi32>
    %gt3A_3416 = arith.cmpi sgt, %select_n3A_3381, %select_n3A_3407 : vector<4x32x128xi32>
    %and3A_3417 = arith.andi %eq3A_3415, %gt3A_3416 : vector<4x32x128xi1>
    %or3A_3418 = arith.ori %gt3A_3414, %and3A_3417 : vector<4x32x128xi1>
    %eq3A_3419 = arith.xori %or3A_3418, %eq3A_3413 : vector<4x32x128xi1>
    %eq3A_3420 = arith.constant dense<true> : vector<4x32x128xi1>
    %eq3A_3421 = arith.xori %eq3A_3419, %eq3A_3420 : vector<4x32x128xi1>
    %select_n3A_3422 = arith.select %eq3A_3421, %select_n3A_3394, %select_n3A_3380 : vector<4x32x128xi1>, vector<4x32x128xi32>
    %select_n3A_3423 = arith.select %eq3A_3421, %select_n3A_3407, %select_n3A_3381 : vector<4x32x128xi1>, vector<4x32x128xi32>
    %and3A_3424 = arith.constant 16 : i32
    %and3A_3425 = vector.broadcast %and3A_3424 : i32 to vector<4x32x128xi32>
    %and3A_3426 = arith.andi %iota3A_9, %and3A_3425 : vector<4x32x128xi32>
    %eq3A_3427 = arith.constant 0 : i32
    %eq3A_3428 = vector.broadcast %eq3A_3427 : i32 to vector<4x32x128xi32>
    %eq3A_3429 = arith.cmpi eq, %and3A_3426, %eq3A_3428 : vector<4x32x128xi32>
    %slice3A_3430 = vector.extract_strided_slice %select_n3A_3422 {offsets = [0, 0, 16], sizes = [4, 32, 112], strides = [1, 1, 1]} : vector<4x32x128xi32> to vector<4x32x112xi32>
    %slice3A_3431 = vector.extract_strided_slice %select_n3A_3422 {offsets = [0, 0, 0], sizes = [4, 32, 16], strides = [1, 1, 1]} : vector<4x32x128xi32> to vector<4x32x16xi32>
    %concatenate3A_3432 = tpu.concatenate %slice3A_3430, %slice3A_3431 in 2 : vector<4x32x112xi32>, vector<4x32x16xi32> -> vector<4x32x128xi32>
    %slice3A_3433 = vector.extract_strided_slice %select_n3A_3422 {offsets = [0, 0, 112], sizes = [4, 32, 16], strides = [1, 1, 1]} : vector<4x32x128xi32> to vector<4x32x16xi32>
    %slice3A_3434 = vector.extract_strided_slice %select_n3A_3422 {offsets = [0, 0, 0], sizes = [4, 32, 112], strides = [1, 1, 1]} : vector<4x32x128xi32> to vector<4x32x112xi32>
    %concatenate3A_3435 = tpu.concatenate %slice3A_3433, %slice3A_3434 in 2 : vector<4x32x16xi32>, vector<4x32x112xi32> -> vector<4x32x128xi32>
    %select_n3A_3436 = arith.select %eq3A_3429, %concatenate3A_3432, %concatenate3A_3435 : vector<4x32x128xi1>, vector<4x32x128xi32>
    %and3A_3437 = arith.constant 16 : i32
    %and3A_3438 = vector.broadcast %and3A_3437 : i32 to vector<4x32x128xi32>
    %and3A_3439 = arith.andi %iota3A_9, %and3A_3438 : vector<4x32x128xi32>
    %eq3A_3440 = arith.constant 0 : i32
    %eq3A_3441 = vector.broadcast %eq3A_3440 : i32 to vector<4x32x128xi32>
    %eq3A_3442 = arith.cmpi eq, %and3A_3439, %eq3A_3441 : vector<4x32x128xi32>
    %slice3A_3443 = vector.extract_strided_slice %select_n3A_3423 {offsets = [0, 0, 16], sizes = [4, 32, 112], strides = [1, 1, 1]} : vector<4x32x128xi32> to vector<4x32x112xi32>
    %slice3A_3444 = vector.extract_strided_slice %select_n3A_3423 {offsets = [0, 0, 0], sizes = [4, 32, 16], strides = [1, 1, 1]} : vector<4x32x128xi32> to vector<4x32x16xi32>
    %concatenate3A_3445 = tpu.concatenate %slice3A_3443, %slice3A_3444 in 2 : vector<4x32x112xi32>, vector<4x32x16xi32> -> vector<4x32x128xi32>
    %slice3A_3446 = vector.extract_strided_slice %select_n3A_3423 {offsets = [0, 0, 112], sizes = [4, 32, 16], strides = [1, 1, 1]} : vector<4x32x128xi32> to vector<4x32x16xi32>
    %slice3A_3447 = vector.extract_strided_slice %select_n3A_3423 {offsets = [0, 0, 0], sizes = [4, 32, 112], strides = [1, 1, 1]} : vector<4x32x128xi32> to vector<4x32x112xi32>
    %concatenate3A_3448 = tpu.concatenate %slice3A_3446, %slice3A_3447 in 2 : vector<4x32x16xi32>, vector<4x32x112xi32> -> vector<4x32x128xi32>
    %select_n3A_3449 = arith.select %eq3A_3442, %concatenate3A_3445, %concatenate3A_3448 : vector<4x32x128xi1>, vector<4x32x128xi32>
    %and3A_3450 = arith.constant 16 : i32
    %and3A_3451 = vector.broadcast %and3A_3450 : i32 to vector<4x32x128xi32>
    %and3A_3452 = arith.andi %add3A, %and3A_3451 : vector<4x32x128xi32>
    %eq3A_3453 = arith.constant 0 : i32
    %eq3A_3454 = vector.broadcast %eq3A_3453 : i32 to vector<4x32x128xi32>
    %eq3A_3455 = arith.cmpi eq, %and3A_3452, %eq3A_3454 : vector<4x32x128xi32>
    %gt3A_3456 = arith.cmpi ugt, %select_n3A_3422, %select_n3A_3436 : vector<4x32x128xi32>
    %eq3A_3457 = arith.cmpi eq, %select_n3A_3422, %select_n3A_3436 : vector<4x32x128xi32>
    %gt3A_3458 = arith.cmpi sgt, %select_n3A_3423, %select_n3A_3449 : vector<4x32x128xi32>
    %and3A_3459 = arith.andi %eq3A_3457, %gt3A_3458 : vector<4x32x128xi1>
    %or3A_3460 = arith.ori %gt3A_3456, %and3A_3459 : vector<4x32x128xi1>
    %eq3A_3461 = arith.xori %or3A_3460, %eq3A_3455 : vector<4x32x128xi1>
    %eq3A_3462 = arith.constant dense<true> : vector<4x32x128xi1>
    %eq3A_3463 = arith.xori %eq3A_3461, %eq3A_3462 : vector<4x32x128xi1>
    %select_n3A_3464 = arith.select %eq3A_3463, %select_n3A_3436, %select_n3A_3422 : vector<4x32x128xi1>, vector<4x32x128xi32>
    %select_n3A_3465 = arith.select %eq3A_3463, %select_n3A_3449, %select_n3A_3423 : vector<4x32x128xi1>, vector<4x32x128xi32>
    %and3A_3466 = arith.constant 8 : i32
    %and3A_3467 = vector.broadcast %and3A_3466 : i32 to vector<4x32x128xi32>
    %and3A_3468 = arith.andi %iota3A_9, %and3A_3467 : vector<4x32x128xi32>
    %eq3A_3469 = arith.constant 0 : i32
    %eq3A_3470 = vector.broadcast %eq3A_3469 : i32 to vector<4x32x128xi32>
    %eq3A_3471 = arith.cmpi eq, %and3A_3468, %eq3A_3470 : vector<4x32x128xi32>
    %slice3A_3472 = vector.extract_strided_slice %select_n3A_3464 {offsets = [0, 0, 8], sizes = [4, 32, 120], strides = [1, 1, 1]} : vector<4x32x128xi32> to vector<4x32x120xi32>
    %slice3A_3473 = vector.extract_strided_slice %select_n3A_3464 {offsets = [0, 0, 0], sizes = [4, 32, 8], strides = [1, 1, 1]} : vector<4x32x128xi32> to vector<4x32x8xi32>
    %concatenate3A_3474 = tpu.concatenate %slice3A_3472, %slice3A_3473 in 2 : vector<4x32x120xi32>, vector<4x32x8xi32> -> vector<4x32x128xi32>
    %slice3A_3475 = vector.extract_strided_slice %select_n3A_3464 {offsets = [0, 0, 120], sizes = [4, 32, 8], strides = [1, 1, 1]} : vector<4x32x128xi32> to vector<4x32x8xi32>
    %slice3A_3476 = vector.extract_strided_slice %select_n3A_3464 {offsets = [0, 0, 0], sizes = [4, 32, 120], strides = [1, 1, 1]} : vector<4x32x128xi32> to vector<4x32x120xi32>
    %concatenate3A_3477 = tpu.concatenate %slice3A_3475, %slice3A_3476 in 2 : vector<4x32x8xi32>, vector<4x32x120xi32> -> vector<4x32x128xi32>
    %select_n3A_3478 = arith.select %eq3A_3471, %concatenate3A_3474, %concatenate3A_3477 : vector<4x32x128xi1>, vector<4x32x128xi32>
    %and3A_3479 = arith.constant 8 : i32
    %and3A_3480 = vector.broadcast %and3A_3479 : i32 to vector<4x32x128xi32>
    %and3A_3481 = arith.andi %iota3A_9, %and3A_3480 : vector<4x32x128xi32>
    %eq3A_3482 = arith.constant 0 : i32
    %eq3A_3483 = vector.broadcast %eq3A_3482 : i32 to vector<4x32x128xi32>
    %eq3A_3484 = arith.cmpi eq, %and3A_3481, %eq3A_3483 : vector<4x32x128xi32>
    %slice3A_3485 = vector.extract_strided_slice %select_n3A_3465 {offsets = [0, 0, 8], sizes = [4, 32, 120], strides = [1, 1, 1]} : vector<4x32x128xi32> to vector<4x32x120xi32>
    %slice3A_3486 = vector.extract_strided_slice %select_n3A_3465 {offsets = [0, 0, 0], sizes = [4, 32, 8], strides = [1, 1, 1]} : vector<4x32x128xi32> to vector<4x32x8xi32>
    %concatenate3A_3487 = tpu.concatenate %slice3A_3485, %slice3A_3486 in 2 : vector<4x32x120xi32>, vector<4x32x8xi32> -> vector<4x32x128xi32>
    %slice3A_3488 = vector.extract_strided_slice %select_n3A_3465 {offsets = [0, 0, 120], sizes = [4, 32, 8], strides = [1, 1, 1]} : vector<4x32x128xi32> to vector<4x32x8xi32>
    %slice3A_3489 = vector.extract_strided_slice %select_n3A_3465 {offsets = [0, 0, 0], sizes = [4, 32, 120], strides = [1, 1, 1]} : vector<4x32x128xi32> to vector<4x32x120xi32>
    %concatenate3A_3490 = tpu.concatenate %slice3A_3488, %slice3A_3489 in 2 : vector<4x32x8xi32>, vector<4x32x120xi32> -> vector<4x32x128xi32>
    %select_n3A_3491 = arith.select %eq3A_3484, %concatenate3A_3487, %concatenate3A_3490 : vector<4x32x128xi1>, vector<4x32x128xi32>
    %and3A_3492 = arith.constant 8 : i32
    %and3A_3493 = vector.broadcast %and3A_3492 : i32 to vector<4x32x128xi32>
    %and3A_3494 = arith.andi %add3A, %and3A_3493 : vector<4x32x128xi32>
    %eq3A_3495 = arith.constant 0 : i32
    %eq3A_3496 = vector.broadcast %eq3A_3495 : i32 to vector<4x32x128xi32>
    %eq3A_3497 = arith.cmpi eq, %and3A_3494, %eq3A_3496 : vector<4x32x128xi32>
    %gt3A_3498 = arith.cmpi ugt, %select_n3A_3464, %select_n3A_3478 : vector<4x32x128xi32>
    %eq3A_3499 = arith.cmpi eq, %select_n3A_3464, %select_n3A_3478 : vector<4x32x128xi32>
    %gt3A_3500 = arith.cmpi sgt, %select_n3A_3465, %select_n3A_3491 : vector<4x32x128xi32>
    %and3A_3501 = arith.andi %eq3A_3499, %gt3A_3500 : vector<4x32x128xi1>
    %or3A_3502 = arith.ori %gt3A_3498, %and3A_3501 : vector<4x32x128xi1>
    %eq3A_3503 = arith.xori %or3A_3502, %eq3A_3497 : vector<4x32x128xi1>
    %eq3A_3504 = arith.constant dense<true> : vector<4x32x128xi1>
    %eq3A_3505 = arith.xori %eq3A_3503, %eq3A_3504 : vector<4x32x128xi1>
    %select_n3A_3506 = arith.select %eq3A_3505, %select_n3A_3478, %select_n3A_3464 : vector<4x32x128xi1>, vector<4x32x128xi32>
    %select_n3A_3507 = arith.select %eq3A_3505, %select_n3A_3491, %select_n3A_3465 : vector<4x32x128xi1>, vector<4x32x128xi32>
    %and3A_3508 = arith.constant 4 : i32
    %and3A_3509 = vector.broadcast %and3A_3508 : i32 to vector<4x32x128xi32>
    %and3A_3510 = arith.andi %iota3A_9, %and3A_3509 : vector<4x32x128xi32>
    %eq3A_3511 = arith.constant 0 : i32
    %eq3A_3512 = vector.broadcast %eq3A_3511 : i32 to vector<4x32x128xi32>
    %eq3A_3513 = arith.cmpi eq, %and3A_3510, %eq3A_3512 : vector<4x32x128xi32>
    %slice3A_3514 = vector.extract_strided_slice %select_n3A_3506 {offsets = [0, 0, 4], sizes = [4, 32, 124], strides = [1, 1, 1]} : vector<4x32x128xi32> to vector<4x32x124xi32>
    %slice3A_3515 = vector.extract_strided_slice %select_n3A_3506 {offsets = [0, 0, 0], sizes = [4, 32, 4], strides = [1, 1, 1]} : vector<4x32x128xi32> to vector<4x32x4xi32>
    %concatenate3A_3516 = tpu.concatenate %slice3A_3514, %slice3A_3515 in 2 : vector<4x32x124xi32>, vector<4x32x4xi32> -> vector<4x32x128xi32>
    %slice3A_3517 = vector.extract_strided_slice %select_n3A_3506 {offsets = [0, 0, 124], sizes = [4, 32, 4], strides = [1, 1, 1]} : vector<4x32x128xi32> to vector<4x32x4xi32>
    %slice3A_3518 = vector.extract_strided_slice %select_n3A_3506 {offsets = [0, 0, 0], sizes = [4, 32, 124], strides = [1, 1, 1]} : vector<4x32x128xi32> to vector<4x32x124xi32>
    %concatenate3A_3519 = tpu.concatenate %slice3A_3517, %slice3A_3518 in 2 : vector<4x32x4xi32>, vector<4x32x124xi32> -> vector<4x32x128xi32>
    %select_n3A_3520 = arith.select %eq3A_3513, %concatenate3A_3516, %concatenate3A_3519 : vector<4x32x128xi1>, vector<4x32x128xi32>
    %and3A_3521 = arith.constant 4 : i32
    %and3A_3522 = vector.broadcast %and3A_3521 : i32 to vector<4x32x128xi32>
    %and3A_3523 = arith.andi %iota3A_9, %and3A_3522 : vector<4x32x128xi32>
    %eq3A_3524 = arith.constant 0 : i32
    %eq3A_3525 = vector.broadcast %eq3A_3524 : i32 to vector<4x32x128xi32>
    %eq3A_3526 = arith.cmpi eq, %and3A_3523, %eq3A_3525 : vector<4x32x128xi32>
    %slice3A_3527 = vector.extract_strided_slice %select_n3A_3507 {offsets = [0, 0, 4], sizes = [4, 32, 124], strides = [1, 1, 1]} : vector<4x32x128xi32> to vector<4x32x124xi32>
    %slice3A_3528 = vector.extract_strided_slice %select_n3A_3507 {offsets = [0, 0, 0], sizes = [4, 32, 4], strides = [1, 1, 1]} : vector<4x32x128xi32> to vector<4x32x4xi32>
    %concatenate3A_3529 = tpu.concatenate %slice3A_3527, %slice3A_3528 in 2 : vector<4x32x124xi32>, vector<4x32x4xi32> -> vector<4x32x128xi32>
    %slice3A_3530 = vector.extract_strided_slice %select_n3A_3507 {offsets = [0, 0, 124], sizes = [4, 32, 4], strides = [1, 1, 1]} : vector<4x32x128xi32> to vector<4x32x4xi32>
    %slice3A_3531 = vector.extract_strided_slice %select_n3A_3507 {offsets = [0, 0, 0], sizes = [4, 32, 124], strides = [1, 1, 1]} : vector<4x32x128xi32> to vector<4x32x124xi32>
    %concatenate3A_3532 = tpu.concatenate %slice3A_3530, %slice3A_3531 in 2 : vector<4x32x4xi32>, vector<4x32x124xi32> -> vector<4x32x128xi32>
    %select_n3A_3533 = arith.select %eq3A_3526, %concatenate3A_3529, %concatenate3A_3532 : vector<4x32x128xi1>, vector<4x32x128xi32>
    %and3A_3534 = arith.constant 4 : i32
    %and3A_3535 = vector.broadcast %and3A_3534 : i32 to vector<4x32x128xi32>
    %and3A_3536 = arith.andi %add3A, %and3A_3535 : vector<4x32x128xi32>
    %eq3A_3537 = arith.constant 0 : i32
    %eq3A_3538 = vector.broadcast %eq3A_3537 : i32 to vector<4x32x128xi32>
    %eq3A_3539 = arith.cmpi eq, %and3A_3536, %eq3A_3538 : vector<4x32x128xi32>
    %gt3A_3540 = arith.cmpi ugt, %select_n3A_3506, %select_n3A_3520 : vector<4x32x128xi32>
    %eq3A_3541 = arith.cmpi eq, %select_n3A_3506, %select_n3A_3520 : vector<4x32x128xi32>
    %gt3A_3542 = arith.cmpi sgt, %select_n3A_3507, %select_n3A_3533 : vector<4x32x128xi32>
    %and3A_3543 = arith.andi %eq3A_3541, %gt3A_3542 : vector<4x32x128xi1>
    %or3A_3544 = arith.ori %gt3A_3540, %and3A_3543 : vector<4x32x128xi1>
    %eq3A_3545 = arith.xori %or3A_3544, %eq3A_3539 : vector<4x32x128xi1>
    %eq3A_3546 = arith.constant dense<true> : vector<4x32x128xi1>
    %eq3A_3547 = arith.xori %eq3A_3545, %eq3A_3546 : vector<4x32x128xi1>
    %select_n3A_3548 = arith.select %eq3A_3547, %select_n3A_3520, %select_n3A_3506 : vector<4x32x128xi1>, vector<4x32x128xi32>
    %select_n3A_3549 = arith.select %eq3A_3547, %select_n3A_3533, %select_n3A_3507 : vector<4x32x128xi1>, vector<4x32x128xi32>
    %and3A_3550 = arith.constant 2 : i32
    %and3A_3551 = vector.broadcast %and3A_3550 : i32 to vector<4x32x128xi32>
    %and3A_3552 = arith.andi %iota3A_9, %and3A_3551 : vector<4x32x128xi32>
    %eq3A_3553 = arith.constant 0 : i32
    %eq3A_3554 = vector.broadcast %eq3A_3553 : i32 to vector<4x32x128xi32>
    %eq3A_3555 = arith.cmpi eq, %and3A_3552, %eq3A_3554 : vector<4x32x128xi32>
    %slice3A_3556 = vector.extract_strided_slice %select_n3A_3548 {offsets = [0, 0, 2], sizes = [4, 32, 126], strides = [1, 1, 1]} : vector<4x32x128xi32> to vector<4x32x126xi32>
    %slice3A_3557 = vector.extract_strided_slice %select_n3A_3548 {offsets = [0, 0, 0], sizes = [4, 32, 2], strides = [1, 1, 1]} : vector<4x32x128xi32> to vector<4x32x2xi32>
    %concatenate3A_3558 = tpu.concatenate %slice3A_3556, %slice3A_3557 in 2 : vector<4x32x126xi32>, vector<4x32x2xi32> -> vector<4x32x128xi32>
    %slice3A_3559 = vector.extract_strided_slice %select_n3A_3548 {offsets = [0, 0, 126], sizes = [4, 32, 2], strides = [1, 1, 1]} : vector<4x32x128xi32> to vector<4x32x2xi32>
    %slice3A_3560 = vector.extract_strided_slice %select_n3A_3548 {offsets = [0, 0, 0], sizes = [4, 32, 126], strides = [1, 1, 1]} : vector<4x32x128xi32> to vector<4x32x126xi32>
    %concatenate3A_3561 = tpu.concatenate %slice3A_3559, %slice3A_3560 in 2 : vector<4x32x2xi32>, vector<4x32x126xi32> -> vector<4x32x128xi32>
    %select_n3A_3562 = arith.select %eq3A_3555, %concatenate3A_3558, %concatenate3A_3561 : vector<4x32x128xi1>, vector<4x32x128xi32>
    %and3A_3563 = arith.constant 2 : i32
    %and3A_3564 = vector.broadcast %and3A_3563 : i32 to vector<4x32x128xi32>
    %and3A_3565 = arith.andi %iota3A_9, %and3A_3564 : vector<4x32x128xi32>
    %eq3A_3566 = arith.constant 0 : i32
    %eq3A_3567 = vector.broadcast %eq3A_3566 : i32 to vector<4x32x128xi32>
    %eq3A_3568 = arith.cmpi eq, %and3A_3565, %eq3A_3567 : vector<4x32x128xi32>
    %slice3A_3569 = vector.extract_strided_slice %select_n3A_3549 {offsets = [0, 0, 2], sizes = [4, 32, 126], strides = [1, 1, 1]} : vector<4x32x128xi32> to vector<4x32x126xi32>
    %slice3A_3570 = vector.extract_strided_slice %select_n3A_3549 {offsets = [0, 0, 0], sizes = [4, 32, 2], strides = [1, 1, 1]} : vector<4x32x128xi32> to vector<4x32x2xi32>
    %concatenate3A_3571 = tpu.concatenate %slice3A_3569, %slice3A_3570 in 2 : vector<4x32x126xi32>, vector<4x32x2xi32> -> vector<4x32x128xi32>
    %slice3A_3572 = vector.extract_strided_slice %select_n3A_3549 {offsets = [0, 0, 126], sizes = [4, 32, 2], strides = [1, 1, 1]} : vector<4x32x128xi32> to vector<4x32x2xi32>
    %slice3A_3573 = vector.extract_strided_slice %select_n3A_3549 {offsets = [0, 0, 0], sizes = [4, 32, 126], strides = [1, 1, 1]} : vector<4x32x128xi32> to vector<4x32x126xi32>
    %concatenate3A_3574 = tpu.concatenate %slice3A_3572, %slice3A_3573 in 2 : vector<4x32x2xi32>, vector<4x32x126xi32> -> vector<4x32x128xi32>
    %select_n3A_3575 = arith.select %eq3A_3568, %concatenate3A_3571, %concatenate3A_3574 : vector<4x32x128xi1>, vector<4x32x128xi32>
    %and3A_3576 = arith.constant 2 : i32
    %and3A_3577 = vector.broadcast %and3A_3576 : i32 to vector<4x32x128xi32>
    %and3A_3578 = arith.andi %add3A, %and3A_3577 : vector<4x32x128xi32>
    %eq3A_3579 = arith.constant 0 : i32
    %eq3A_3580 = vector.broadcast %eq3A_3579 : i32 to vector<4x32x128xi32>
    %eq3A_3581 = arith.cmpi eq, %and3A_3578, %eq3A_3580 : vector<4x32x128xi32>
    %gt3A_3582 = arith.cmpi ugt, %select_n3A_3548, %select_n3A_3562 : vector<4x32x128xi32>
    %eq3A_3583 = arith.cmpi eq, %select_n3A_3548, %select_n3A_3562 : vector<4x32x128xi32>
    %gt3A_3584 = arith.cmpi sgt, %select_n3A_3549, %select_n3A_3575 : vector<4x32x128xi32>
    %and3A_3585 = arith.andi %eq3A_3583, %gt3A_3584 : vector<4x32x128xi1>
    %or3A_3586 = arith.ori %gt3A_3582, %and3A_3585 : vector<4x32x128xi1>
    %eq3A_3587 = arith.xori %or3A_3586, %eq3A_3581 : vector<4x32x128xi1>
    %eq3A_3588 = arith.constant dense<true> : vector<4x32x128xi1>
    %eq3A_3589 = arith.xori %eq3A_3587, %eq3A_3588 : vector<4x32x128xi1>
    %select_n3A_3590 = arith.select %eq3A_3589, %select_n3A_3562, %select_n3A_3548 : vector<4x32x128xi1>, vector<4x32x128xi32>
    %select_n3A_3591 = arith.select %eq3A_3589, %select_n3A_3575, %select_n3A_3549 : vector<4x32x128xi1>, vector<4x32x128xi32>
    %and3A_3592 = arith.constant 1 : i32
    %and3A_3593 = vector.broadcast %and3A_3592 : i32 to vector<4x32x128xi32>
    %and3A_3594 = arith.andi %iota3A_9, %and3A_3593 : vector<4x32x128xi32>
    %eq3A_3595 = arith.constant 0 : i32
    %eq3A_3596 = vector.broadcast %eq3A_3595 : i32 to vector<4x32x128xi32>
    %eq3A_3597 = arith.cmpi eq, %and3A_3594, %eq3A_3596 : vector<4x32x128xi32>
    %slice3A_3598 = vector.extract_strided_slice %select_n3A_3590 {offsets = [0, 0, 1], sizes = [4, 32, 127], strides = [1, 1, 1]} : vector<4x32x128xi32> to vector<4x32x127xi32>
    %slice3A_3599 = vector.extract_strided_slice %select_n3A_3590 {offsets = [0, 0, 0], sizes = [4, 32, 1], strides = [1, 1, 1]} : vector<4x32x128xi32> to vector<4x32x1xi32>
    %concatenate3A_3600 = tpu.concatenate %slice3A_3598, %slice3A_3599 in 2 : vector<4x32x127xi32>, vector<4x32x1xi32> -> vector<4x32x128xi32>
    %slice3A_3601 = vector.extract_strided_slice %select_n3A_3590 {offsets = [0, 0, 127], sizes = [4, 32, 1], strides = [1, 1, 1]} : vector<4x32x128xi32> to vector<4x32x1xi32>
    %slice3A_3602 = vector.extract_strided_slice %select_n3A_3590 {offsets = [0, 0, 0], sizes = [4, 32, 127], strides = [1, 1, 1]} : vector<4x32x128xi32> to vector<4x32x127xi32>
    %concatenate3A_3603 = tpu.concatenate %slice3A_3601, %slice3A_3602 in 2 : vector<4x32x1xi32>, vector<4x32x127xi32> -> vector<4x32x128xi32>
    %select_n3A_3604 = arith.select %eq3A_3597, %concatenate3A_3600, %concatenate3A_3603 : vector<4x32x128xi1>, vector<4x32x128xi32>
    %and3A_3605 = arith.constant 1 : i32
    %and3A_3606 = vector.broadcast %and3A_3605 : i32 to vector<4x32x128xi32>
    %and3A_3607 = arith.andi %iota3A_9, %and3A_3606 : vector<4x32x128xi32>
    %eq3A_3608 = arith.constant 0 : i32
    %eq3A_3609 = vector.broadcast %eq3A_3608 : i32 to vector<4x32x128xi32>
    %eq3A_3610 = arith.cmpi eq, %and3A_3607, %eq3A_3609 : vector<4x32x128xi32>
    %slice3A_3611 = vector.extract_strided_slice %select_n3A_3591 {offsets = [0, 0, 1], sizes = [4, 32, 127], strides = [1, 1, 1]} : vector<4x32x128xi32> to vector<4x32x127xi32>
    %slice3A_3612 = vector.extract_strided_slice %select_n3A_3591 {offsets = [0, 0, 0], sizes = [4, 32, 1], strides = [1, 1, 1]} : vector<4x32x128xi32> to vector<4x32x1xi32>
    %concatenate3A_3613 = tpu.concatenate %slice3A_3611, %slice3A_3612 in 2 : vector<4x32x127xi32>, vector<4x32x1xi32> -> vector<4x32x128xi32>
    %slice3A_3614 = vector.extract_strided_slice %select_n3A_3591 {offsets = [0, 0, 127], sizes = [4, 32, 1], strides = [1, 1, 1]} : vector<4x32x128xi32> to vector<4x32x1xi32>
    %slice3A_3615 = vector.extract_strided_slice %select_n3A_3591 {offsets = [0, 0, 0], sizes = [4, 32, 127], strides = [1, 1, 1]} : vector<4x32x128xi32> to vector<4x32x127xi32>
    %concatenate3A_3616 = tpu.concatenate %slice3A_3614, %slice3A_3615 in 2 : vector<4x32x1xi32>, vector<4x32x127xi32> -> vector<4x32x128xi32>
    %select_n3A_3617 = arith.select %eq3A_3610, %concatenate3A_3613, %concatenate3A_3616 : vector<4x32x128xi1>, vector<4x32x128xi32>
    %and3A_3618 = arith.constant 1 : i32
    %and3A_3619 = vector.broadcast %and3A_3618 : i32 to vector<4x32x128xi32>
    %and3A_3620 = arith.andi %add3A, %and3A_3619 : vector<4x32x128xi32>
    %eq3A_3621 = arith.constant 0 : i32
    %eq3A_3622 = vector.broadcast %eq3A_3621 : i32 to vector<4x32x128xi32>
    %eq3A_3623 = arith.cmpi eq, %and3A_3620, %eq3A_3622 : vector<4x32x128xi32>
    %gt3A_3624 = arith.cmpi ugt, %select_n3A_3590, %select_n3A_3604 : vector<4x32x128xi32>
    %eq3A_3625 = arith.cmpi eq, %select_n3A_3590, %select_n3A_3604 : vector<4x32x128xi32>
    %gt3A_3626 = arith.cmpi sgt, %select_n3A_3591, %select_n3A_3617 : vector<4x32x128xi32>
    %and3A_3627 = arith.andi %eq3A_3625, %gt3A_3626 : vector<4x32x128xi1>
    %or3A_3628 = arith.ori %gt3A_3624, %and3A_3627 : vector<4x32x128xi1>
    %eq3A_3629 = arith.xori %or3A_3628, %eq3A_3623 : vector<4x32x128xi1>
    %eq3A_3630 = arith.constant dense<true> : vector<4x32x128xi1>
    %eq3A_3631 = arith.xori %eq3A_3629, %eq3A_3630 : vector<4x32x128xi1>
    %select_n3A_3632 = arith.select %eq3A_3631, %select_n3A_3617, %select_n3A_3591 : vector<4x32x128xi1>, vector<4x32x128xi32>
    %slice3A_3633 = vector.extract_strided_slice %select_n3A_3632 {offsets = [0, 0, 0], sizes = [4, 8, 128], strides = [1, 1, 1]} : vector<4x32x128xi32> to vector<4x8x128xi32>
    %swap3A = arith.constant 0 : index
    %swap3A_3634 = arith.constant 0 : index
    %swap3A_3635 = arith.constant 0 : index
    %swap3A_3636 = vector.load %arg2[%swap3A, %swap3A_3634, %swap3A_3635] : memref<4x8x128xi32, #tpu.memory_space<vmem>>, vector<4x8x128xi32>
    tpu.vector_store %arg2[%swap3A, %swap3A_3634, %swap3A_3635], %slice3A_3633 {strides = array<i32>} : memref<4x8x128xi32, #tpu.memory_space<vmem>>, vector<4x8x128xi32>,
    return
  }
}

</mosaic_0001>

<sc_bundles>
// kernel: kernel.5.cloned.1.call-start
scs
__scs_entry_jumppad:
0x0: {  	(pc) =	sbr.rel $0x88, $3  }
0x1: {  	(tag) =	ssettag $0x0;
	lr =	simm.s32 $0x1  }
0x2: {  	[smem:$0x3F9C] =	sst lr;
	_ =	strace $0xD0000000  }
0x3: {  	_ = 	snop  }
0x4: {  	_ = 	snop  }
0x5: {  	_ = 	snop  }
0x6: {  	_ = 	snop  }
0x7: {  	_ = 	snop  }
__scs_overlays_trampoline_lowered:
0x8: {  	[smem:$0x3FAB] =	sst s0  }
0x9: {  	[smem:$0x3FAC] =	sst s1  }
0xa: {  	[smem:$0x3FAD] =	sst s2  }
0xb: {  	[smem:$0x3FAE] =	sst s3  }
0xc: {  	[smem:$0x3FAF] =	sst s4  }
0xd: {  	[smem:$0x3FB0] =	sst s5  }
0xe: {  	[smem:$0x3FB1] =	sst s6  }
0xf: {  	[smem:$0x3FB2] =	sst s7  }
0x10: {  	[smem:$0x3FB3] =	sst s8  }
0x11: {  	[smem:$0x3FB4] =	sst s9;
	s0 =	simm.s32 @!p0 $0x0  }
0x12: {  	s1 =	sld [smem:$0x3F9A];
	s0 =	simm.s32 @p0 $0x1  }
0x13: {  	[smem:$0x3FB5] =	sst s0;
	s0 =	simm.s32 @!p1 $0x0  }
0x14: {  	s2 =	sld [smem:$0x3F99];
	s0 =	simm.s32 @p1 $0x1  }
0x15: {  	[smem:$0x3FB6] =	sst s0;
	s0 =	simm.s32 @!p2 $0x0  }
0x16: {  	s3 =	sld [smem:$0x3FDB];
	s0 =	simm.s32 @p2 $0x1  }
0x17: {  	s4 =	simm.s32 $0x1BF5;
	[smem:$0x3FB8] =	sst s0  }
0x18: {  	s0 =	sld [smem:$0x3F9B];
	_ =	swait.ge [sflag:s4], $0x0  }
0x19: {  	s7 =	sld [smem:$0x3F9C]  }
0x1a: {  	s8 =	sadd.s32 $0xFFFFE003, lr  }
0x1b: {  	s9 =	sadd.s32 $0xFFFFFEF7, lr;
	s5 =	simm.s32 $0xFFFFFFFF;
	p2 =	slt.u32 s8, $0xFFFFF086  }
0x1c: {  	p1 =	slt.u32 s9, $0xF7A;
	s5 =	simm.s32 @!p2 $0x0  }
0x1d: {  	s5 =	simm.s32 @p1 $0x1;
	p0 =	seq.s32 s7, s2  }
0x1e: {  	s7 =	smul.u32 @!p0 $0xF7A, s2;
	p2 =	seq.s32 @!p0 s5, $0x0  }
0x1f: {  	s9 =	smul.u32 $0xF7A, s1;
	s8 =	simm.s32 @!p0 $0x1BF5;
	p2 =	por !p2, p0  }
0x20: {  	[sflag:s8] =	ssyncset.s32 @!p0 $0xFFFFF086;
	s6 =	sadd.s32 @!p0 s3, s7;
	s7 =	simm.s32 @!p0 $0x108  }
0x21: {  	s3 =	sadd.s32 s3, s9;
	s6 =	sadd.s32 @!p0 $0x88, s6;
	s7 =	simm.s32 @p2 $0x1082  }
0x22: {  	[simem:s7], [sflag:s8] =	dma.local @!p0 [hbm:s6], $0xF7A  }
0x23: {  	s9 =	sor.u32 $0xD0000000, s2;
	s6 =	simm.s32 $0x108;
	_ =	swait.ge @!p0 [sflag:s8], $0x0  }
0x24: {  	s3 =	sadd.s32 $0x88, s3;
	s6 =	simm.s32 @!p1 $0x1082;
	[sflag:s4] =	ssyncset.s32 $0xFFFFF086  }
0x25: {  	[simem:s6], [sflag:s4] =	dma.local [hbm:s3], $0xF7A  }
0x26: {  	[smem:$0x3F9C] =	sst s1;
	(tag) =	ssettag s2;
	_ =	strace s9  }
0x27: {  	s1 =	sld [smem:$0x3FAC]  }
0x28: {  	s2 =	sld [smem:$0x3FAD]  }
0x29: {  	s4 =	sld [smem:$0x3FAF]  }
0x2a: {  	p0 =	seq.s32 s5, $0x0;
	s5 =	sld [smem:$0x3FB0]  }
0x2b: {  	s6 =	sld [smem:$0x3FB1]  }
0x2c: {  	s7 =	sld [smem:$0x3FB2]  }
0x2d: {  	s3 =	simm.s32 $0x108;
	s8 =	sld [smem:$0x3FB3]  }
0x2e: {  	s3 =	simm.s32 @!p0 $0x1082;
	s9 =	sld [smem:$0x3FB4]  }
0x2f: {  	lr =	sadd.s32 s0, s3;
	s0 =	sld [smem:$0x3FAB]  }
0x30: {  	s3 =	sld [smem:$0x3FAE]  }
0x31: {  	[smem:$0x3FB7] =	sst s10  }
0x32: {  	s10 =	sld [smem:$0x3FB5];
	_ =	sdelay $0x3  }
0x33: {  	p0 =	seq.s32 s10, $0x1;
	s10 =	sld [smem:$0x3FB7];
	_ =	sdelay $0x3  }
0x34: {  	[smem:$0x3FB7] =	sst s10  }
0x35: {  	s10 =	sld [smem:$0x3FB6];
	_ =	sdelay $0x3  }
0x36: {  	p1 =	seq.s32 s10, $0x1;
	s10 =	sld [smem:$0x3FB7];
	_ =	sdelay $0x3  }
0x37: {  	[smem:$0x3FB7] =	sst s10  }
0x38: {  	s10 =	sld [smem:$0x3FB8]  }
0x39: {  	_ = 	snop;
	(pc) =	sbr.ind lr, $3  }
0x3a: {  	_ = 	snop  }
0x3b: {  	_ = 	snop  }
0x3c: {  	p2 =	seq.s32 s10, $0x1;
	s10 =	sld [smem:$0x3FB7]  }
0x3d: {  	_ =	shalt  }
0x3e: {  	_ =	shalt  }
0x3f: {  	_ =	shalt  }
0x40: {  	_ =	shalt  }
0x41: {  	_ =	shalt  }
0x42: {  	_ =	shalt  }
0x43: {  	_ =	shalt  }
0x44: {  	_ =	shalt  }
0x45: {  	_ =	shalt  }
0x46: {  	_ =	shalt  }
0x47: {  	_ =	shalt  }
0x48: {  	_ =	shalt  }
0x49: {  	_ =	shalt  }
0x4a: {  	_ =	shalt  }
0x4b: {  	_ =	shalt  }
0x4c: {  	_ =	shalt  }
0x4d: {  	_ =	shalt  }
0x4e: {  	_ =	shalt  }
0x4f: {  	_ =	shalt  }
0x50: {  	_ =	shalt  }
0x51: {  	_ =	shalt  }
0x52: {  	_ =	shalt  }
0x53: {  	_ =	shalt  }
0x54: {  	_ =	shalt  }
0x55: {  	_ =	shalt  }
0x56: {  	_ =	shalt  }
0x57: {  	_ =	shalt  }
0x58: {  	_ =	shalt  }
0x59: {  	_ =	shalt  }
0x5a: {  	_ =	shalt  }
0x5b: {  	_ =	shalt  }
0x5c: {  	_ =	shalt  }
0x5d: {  	_ =	shalt  }
0x5e: {  	_ =	shalt  }
0x5f: {  	_ =	shalt  }
0x60: {  	_ =	shalt  }
0x61: {  	_ =	shalt  }
0x62: {  	_ =	shalt  }
0x63: {  	_ =	shalt  }
0x64: {  	_ =	shalt  }
0x65: {  	_ =	shalt  }
0x66: {  	_ =	shalt  }
0x67: {  	_ =	shalt  }
0x68: {  	_ =	shalt  }
0x69: {  	_ =	shalt  }
0x6a: {  	_ =	shalt  }
0x6b: {  	_ =	shalt  }
0x6c: {  	_ =	shalt  }
0x6d: {  	_ =	shalt  }
0x6e: {  	_ =	shalt  }
0x6f: {  	_ =	shalt  }
0x70: {  	_ =	shalt  }
0x71: {  	_ =	shalt  }
0x72: {  	_ =	shalt  }
0x73: {  	_ =	shalt  }
0x74: {  	_ =	shalt  }
0x75: {  	_ =	shalt  }
0x76: {  	_ =	shalt  }
0x77: {  	_ =	shalt  }
0x78: {  	_ =	shalt  }
0x79: {  	_ =	shalt  }
0x7a: {  	_ =	shalt  }
0x7b: {  	_ =	shalt  }
0x7c: {  	_ =	shalt  }
0x7d: {  	_ =	shalt  }
0x7e: {  	_ =	shalt  }
0x7f: {  	_ =	shalt  }
0x80: {  	_ =	shalt  }
0x81: {  	_ =	shalt  }
0x82: {  	_ =	shalt  }
0x83: {  	_ =	shalt  }
0x84: {  	_ =	shalt  }
0x85: {  	_ =	shalt  }
0x86: {  	_ =	shalt  }
0x87: {  	_ =	shalt  }
.Lfunc_end0:
.L_simem_size_0:
called_computation_lowered:
.L_overlay_start_0:
0x88: {  	s2 =	sld [smem:$0x3FD9]  }
0x89: {  	s3 =	sld [smem:$0x3FFE];
	_ =	sdelay $0x1  }
0x8a: {  	s1 =	srdreg.scid  }
0x8b: {  	s0 =	sand.u32 $0x1, s1  }
0x8c: {  	s14 =	sshll.u32 s0, $0xA;
	s2 =	sadd.s32 s3, s2  }
0x8d: {  	s2 =	sadd.s32 s2, s14  }
0x8e: {  	[smem:$0x3FC3] =	sst s2  }
0x8f: {  	_ = 	snop  }
0x90: {  	s2 =	sld [smem:$0x3FD0];
	_ =	sdelay $0x2  }
0x91: {  	s15 =	simm.s32 $0xA;
	s4 =	simm.s32 $0x10  }
0x92: {  	[smem:s4], [sflag:s15] =	dma.local [hbm:s2], $0x1  }
0x93: {  	_ =	swait.eq [sflag:s15], $0x1  }
0x94: {  	[sflag:s15] =	ssyncset.done $0x0  }
0x95: {  	s16 =	sld [smem:$0x10];
	[sflag:s15] =	ssyncadd.s32 $0xFFFFFFFF  }
0x96: {  	s17 =	sld [smem:$0x11];
	(tm) =	ssettm $0x1  }
0x97: {  	s18 =	sld [smem:$0x3FFB];
	_ =	sdelay $0x3  }
0x98: {  	_ =	strace s18  }
0x99: {  	s4 =	sld [smem:$0x3FFC];
	_ =	sdelay $0x3  }
0x9a: {  	_ =	strace s4  }
0x9b: {  	s4 =	sld [smem:$0x3FFD];
	_ =	sdelay $0x3  }
0x9c: {  	_ =	strace s4  }
0x9d: {  	_ =	strace $0x8FFFFFFF  }
0x9e: {  	s19 =	sld [smem:$0x3FDB];
	_ =	sdelay $0x1  }
0x9f: {  	s5 =	simm.s32 $_scs_section_size  }
0xa0: {  	s6 =	simm.s32 $_size__tile_overlayer_lowered;
	s7 =	simm.s32 $_tile_overlayer_lowered  }
0xa1: {  	s22 =	simm.s32 $0x1BFF;
	s21 =	sshll.u32 s7, $0x1;
	s4 =	sadd.s32 s5, s19  }
0xa2: {  	s8 =	simm.s32 $0x0;
	s20 =	sshll.u32 s6, $0x1;
	s6 =	sadd.s32 s21, s4  }
0xa3: {  	[timem:s8], [sflag:s22] =	dma.local [hbm:s6], s20  }
0xa4: {  	_ =	swait.ge [sflag:s22], s20  }
0xa5: {  	s5 =	ssub.s32 $0x0, s20;
	[sflag:s22] =	ssyncset.done $0x0  }
0xa6: {  	[sflag:s22] =	ssyncadd.s32 s5;
	_ =	sdelay $0x1  }
0xa7: {  	s23 =	simm.s32 $0x1B8B  }
0xa8: {  	_ =	swait.ge [sflag:s23], $0x1  }
0xa9: {  	[sflag:s23] =	ssyncset.done $0x0  }
0xaa: {  	s25 =	simm.s32 $0x1B8E;
	s24 =	sld [smem:$0x3FFE];
	[sflag:s23] =	ssyncadd.s32 $0xFFFFFFFF  }
0xab: {  	s26 =	simm.s32 $execute0_lowered;
	[smem:$0x3FD2] =	sst s25  }
0xac: {  	s6 =	sshll.u32 s26, $0x1;
	_ =	strace $0x80000046;
	[dreg:$0x1] =	wrdreg $0xFFFFFFFF  }
0xad: {  	s28 =	simm.s32 $_size_execute0_lowered;
	s4 =	sadd.s32 s4, s6;
	[dreg:$0x0] =	wrdreg $0x0  }
0xae: {  	s6 =	sshll.u32 s28, $0x1;
	[dreg:$0x2] =	wrdreg s4  }
0xaf: {  	[dreg:$0x3] =	wrdreg s6  }
0xb0: {  	[dreg:$0x4] =	wrdreg $0xC0  }
0xb1: {  	_ =	task [dreg:s8], $0x5FFFF  }
0xb2: {  	[dreg:$0x1] =	wrdreg $0xFFFFFFFF  }
0xb3: {  	[dreg:$0x0] =	wrdreg $0x60  }
0xb4: {  	[dreg:$0x2] =	wrdreg s24  }
0xb5: {  	[dreg:$0x3] =	wrdreg s17  }
0xb6: {  	[dreg:$0x4] =	wrdreg s16  }
0xb7: {  	[dreg:$0x5] =	wrdreg $0x9  }
0xb8: {  	_ =	task.clear_ibuf [dreg:s8], $0x6FFFF;
	_ =	strace $0x90000046  }
0xb9: {  	s29 =	simm.s32 $0x9;
	_ =	strace $0x80000048  }
0xba: {  	_ =	swait.ge [sflag:s29], $0x1  }
0xbb: {  	[sflag:s29] =	ssyncadd.s32 $0xFFFFFFFF  }
0xbc: {  	_ =	strace $0x90000048  }
0xbd: {  	_ =	sfence  }
0xbe: {  	s30 =	sld [smem:$0x0];
	_ =	sdelay $0x2  }
0xbf: {  	s31 =	sshll.u32 s1, $0xD;
	s1 =	sshrl.u32 s1, $0x2  }
0xc0: {  	s3 =	sand.u32 $0x4000, s31;
	s1 =	sadd.s32 s1, s30  }
0xc1: {  	s0 =	sor.u32 s3, s0;
	s1 =	sshll.u32 s1, $0x11  }
0xc2: {  	s0 =	sor.u32 s1, s0  }
0xc3: {  	s0 =	sadd.s32 $0x8F2B, s0  }
0xc4: {  	[sflag:s0] =	ssyncadd.remote.s32 $0x1  }
0xc5: {  	_ =	sfence.sel $0xFFFF  }
0xc6: {  	[dreg:$0x0] =	wrdreg $0xFFFFFFFF;
	(pc) =	sbr.abs _section_cstart, $3  }
0xc7: {  	[dreg:$0x1] =	wrdreg $0xFFFFFFFF  }
0xc8: {  	_ =	task.clear_ibuf [dreg:s8], $0x2FFFF;
	_ =	strace $0x9FFFFFFF  }
0xc9: {  	(tm) =	ssettm $0x7FFFFFFF  }
tec
execute0_lowered:
.L_overlay_start_1:
0x0: {  	(tag) =	ssettag $0x1  }
0x1: {  	s13 =	rddreg [dreg:$0x0]  }
0x2: {  	s3 =	rddreg [dreg:$0x1];
	s2 =	srdreg.scid  }
0x3: {  	s12 =	rddreg [dreg:$0x2];
	s1 =	stileid.u32;
	s14 =	sand.u32 $0x1, s2  }
0x4: {  	s0 =	rddreg [dreg:$0x3];
	s4 =	sshll.u32 s1, $0x8;
	s5 =	sshll.u32 s14, $0x7  }
0x5: {  	s2 =	simm.s32 $0x0;
	s7 =	sshrl.u32 s1, $0x2;
	s16 =	sor.u32 s5, s4  }
0x6: {  	[smem:$0x7FF] =	sst s2;
	s30 =	smul.u32 $0x600, s7;
	s15 =	sshrl.u32 s16, $0x3  }
0x7: {  	_ =	strace $0x80000047;
	s4 =	sadd.s32 s3, s15;
	s3 =	simm.s32 $0x3  }
0x8: {  	[tilespmem:s2], [sflag:$0x3] =	stream.linear.gather [hbm4b:s4+s2], $0x80, $0x38;
	[tilespmem:$0x7280] =	vst v63  }
0x9: {  	_ =	swait.ge [sflag:s3], $0x80  }
0xa: {  	s5 =	sadd.s32 s30, s13;
	[sflag:s3] =	ssyncset.done $0x0  }
0xb: {  	s6 =	simm.s32 $0x100;
	s5 =	sadd.s32 $0xC00, s5;
	[sflag:s3] =	ssyncadd.s32 $0xFFFFFF80  }
0xc: {  	[tilespmem:s6], [sflag:$0x2] =	stream.linear.gather [hbm4b:s5+s2], $0x3000, $0x38;
	[tilespmem:$0x7280] =	vst v63  }
0xd: {  	v1 =	vld [tilespmem:$0x70]  }
0xe: {  	v2 =	vld [tilespmem:$0x30]  }
0xf: {  	v3 =	vld [tilespmem:$0x50]  }
0x10: {  	s7 =	sshll.u32 s7, $0xC;
	v5 =	vld [tilespmem:$0x20]  }
0x11: {  	v0 =	vmov s7;
	v4 =	vld [tilespmem:$0x60]  }
0x12: {  	v6 =	vld [tilespmem:$0x10];
	v1 =	vadd.s32 v0, v1  }
0x13: {  	v7 =	vld [tilespmem:$0x40];
	v2 =	vadd.s32 v0, v2;
	[tilespmem:$0xF0] =	vst v1  }
0x14: {  	v1 =	vld [tilespmem:$0x0];
	[tilespmem:$0xB0] =	vst v2;
	v2 =	vadd.s32 v0, v3  }
0x15: {  	v3 =	vadd.s32 v0, v5;
	[tilespmem:$0xD0] =	vst v2  }
0x16: {  	v2 =	vadd.s32 v0, v4;
	[tilespmem:$0xA0] =	vst v3  }
0x17: {  	[tilespmem:$0xE0] =	vst v2;
	v2 =	vadd.s32 v0, v6  }
0x18: {  	[tilespmem:$0x90] =	vst v2;
	v2 =	vadd.s32 v0, v7  }
0x19: {  	s8 =	simm.s32 $0x80;
	[tilespmem:$0xC0] =	vst v2;
	v1 =	vadd.s32 v0, v1  }
0x1a: {  	s9 =	simm.s32 $0x3100;
	s10 =	simm.s32 $0x2;
	s7 =	sadd.s32 $0x2400, s13;
	[tilespmem:$0x80] =	vst v1  }
0x1b: {  	[tilespmem:s9], [sflag:$0x1] =	stream.indirect.gather [hbm4b:s7+s8], $0x80, s8, s8, $0xb8;
	[tilespmem:$0x7280] =	vst v63  }
0x1c: {  	_ =	swait.ge [sflag:s10], $0x3000  }
0x1d: {  	[sflag:s10] =	ssyncset.done $0x0  }
0x1e: {  	[sflag:s10] =	ssyncadd.s32 $0xFFFFD000  }
0x1f: {  	v1 =	vld [tilespmem:$0x0];
	_ =	sdelay $0x5  }
0x20: {  	v2 =	vld [tilespmem:$0x10];
	_ =	sdelay $0x1  }
0x21: {  	v1 =	vld.idx.msk [tilespmem:v1+s6+$0x0], $0xffff;
	_ =	sdelay $0x3  }
0x22: {  	v3 =	vld [tilespmem:$0x20]  }
0x23: {  	[tilespmem:$0x7100] =	vst v1  }
0x24: {  	v1 =	vld.idx.msk [tilespmem:v2+s6+$0x0], $0xffff;
	_ =	sdelay $0x3  }
0x25: {  	v2 =	vld [tilespmem:$0x30]  }
0x26: {  	[tilespmem:$0x7110] =	vst v1  }
0x27: {  	v1 =	vld.idx.msk [tilespmem:v3+s6+$0x0], $0xffff;
	_ =	sdelay $0x3  }
0x28: {  	v3 =	vld [tilespmem:$0x40]  }
0x29: {  	[tilespmem:$0x7120] =	vst v1  }
0x2a: {  	v1 =	vld.idx.msk [tilespmem:v2+s6+$0x0], $0xffff;
	_ =	sdelay $0x3  }
0x2b: {  	v2 =	vld [tilespmem:$0x50]  }
0x2c: {  	[tilespmem:$0x7130] =	vst v1  }
0x2d: {  	v1 =	vld.idx.msk [tilespmem:v3+s6+$0x0], $0xffff;
	_ =	sdelay $0x3  }
0x2e: {  	v3 =	vld [tilespmem:$0x60]  }
0x2f: {  	[tilespmem:$0x7140] =	vst v1  }
0x30: {  	v1 =	vld.idx.msk [tilespmem:v2+s6+$0x0], $0xffff;
	_ =	sdelay $0x3  }
0x31: {  	v2 =	vld [tilespmem:$0x70]  }
0x32: {  	[tilespmem:$0x7150] =	vst v1  }
0x33: {  	v1 =	vld.idx.msk [tilespmem:v3+s6+$0x0], $0xffff;
	_ =	sdelay $0x1  }
0x34: {  	v3 =	vld [tilespmem:$0x0];
	_ =	sdelay $0x2  }
0x35: {  	[tilespmem:$0x7160] =	vst v1  }
0x36: {  	v1 =	vld.idx.msk [tilespmem:v2+s6+$0x0], $0xffff  }
0x37: {  	v2 =	vadd.s32 $0x1000, v3  }
0x38: {  	v3 =	vld [tilespmem:$0x10];
	_ =	sdelay $0x2  }
0x39: {  	[tilespmem:$0x7170] =	vst v1  }
0x3a: {  	v1 =	vld.idx.msk [tilespmem:v2+s6+$0x0], $0xffff  }
0x3b: {  	v2 =	vadd.s32 $0x1000, v3  }
0x3c: {  	v3 =	vld [tilespmem:$0x20];
	_ =	sdelay $0x2  }
0x3d: {  	[tilespmem:$0x7180] =	vst v1  }
0x3e: {  	v1 =	vld.idx.msk [tilespmem:v2+s6+$0x0], $0xffff  }
0x3f: {  	v2 =	vadd.s32 $0x1000, v3  }
0x40: {  	v3 =	vld [tilespmem:$0x30];
	_ =	sdelay $0x2  }
0x41: {  	[tilespmem:$0x7190] =	vst v1  }
0x42: {  	v1 =	vld.idx.msk [tilespmem:v2+s6+$0x0], $0xffff  }
0x43: {  	v2 =	vadd.s32 $0x1000, v3  }
0x44: {  	v3 =	vld [tilespmem:$0x40];
	_ =	sdelay $0x2  }
0x45: {  	[tilespmem:$0x71A0] =	vst v1  }
0x46: {  	v1 =	vld.idx.msk [tilespmem:v2+s6+$0x0], $0xffff  }
0x47: {  	v2 =	vadd.s32 $0x1000, v3  }
0x48: {  	v3 =	vld [tilespmem:$0x50];
	_ =	sdelay $0x2  }
0x49: {  	[tilespmem:$0x71B0] =	vst v1  }
0x4a: {  	v1 =	vld.idx.msk [tilespmem:v2+s6+$0x0], $0xffff  }
0x4b: {  	v2 =	vadd.s32 $0x1000, v3  }
0x4c: {  	v3 =	vld [tilespmem:$0x60];
	_ =	sdelay $0x2  }
0x4d: {  	[tilespmem:$0x71C0] =	vst v1  }
0x4e: {  	v1 =	vld.idx.msk [tilespmem:v2+s6+$0x0], $0xffff  }
0x4f: {  	v2 =	vadd.s32 $0x1000, v3  }
0x50: {  	v3 =	vld [tilespmem:$0x70];
	_ =	sdelay $0x2  }
0x51: {  	[tilespmem:$0x71D0] =	vst v1  }
0x52: {  	v1 =	vld.idx.msk [tilespmem:v2+s6+$0x0], $0xffff  }
0x53: {  	v2 =	vadd.s32 $0x1000, v3  }
0x54: {  	v3 =	vld [tilespmem:$0x0];
	_ =	sdelay $0x2  }
0x55: {  	[tilespmem:$0x71E0] =	vst v1  }
0x56: {  	v1 =	vld.idx.msk [tilespmem:v2+s6+$0x0], $0xffff  }
0x57: {  	v2 =	vadd.s32 $0x2000, v3  }
0x58: {  	v3 =	vld [tilespmem:$0x10];
	_ =	sdelay $0x2  }
0x59: {  	[tilespmem:$0x71F0] =	vst v1  }
0x5a: {  	v1 =	vld.idx.msk [tilespmem:v2+s6+$0x0], $0xffff  }
0x5b: {  	v2 =	vadd.s32 $0x2000, v3  }
0x5c: {  	v3 =	vld [tilespmem:$0x20];
	_ =	sdelay $0x2  }
0x5d: {  	[tilespmem:$0x7200] =	vst v1  }
0x5e: {  	v1 =	vld.idx.msk [tilespmem:v2+s6+$0x0], $0xffff  }
0x5f: {  	v2 =	vadd.s32 $0x2000, v3  }
0x60: {  	v3 =	vld [tilespmem:$0x30];
	_ =	sdelay $0x2  }
0x61: {  	[tilespmem:$0x7210] =	vst v1  }
0x62: {  	v1 =	vld.idx.msk [tilespmem:v2+s6+$0x0], $0xffff  }
0x63: {  	v2 =	vadd.s32 $0x2000, v3  }
0x64: {  	v3 =	vld [tilespmem:$0x40];
	_ =	sdelay $0x2  }
0x65: {  	[tilespmem:$0x7220] =	vst v1  }
0x66: {  	v1 =	vld.idx.msk [tilespmem:v2+s6+$0x0], $0xffff  }
0x67: {  	v2 =	vadd.s32 $0x2000, v3  }
0x68: {  	v3 =	vld [tilespmem:$0x50];
	_ =	sdelay $0x2  }
0x69: {  	[tilespmem:$0x7230] =	vst v1  }
0x6a: {  	v1 =	vld.idx.msk [tilespmem:v2+s6+$0x0], $0xffff  }
0x6b: {  	v2 =	vadd.s32 $0x2000, v3  }
0x6c: {  	v3 =	vld [tilespmem:$0x60];
	_ =	sdelay $0x2  }
0x6d: {  	[tilespmem:$0x7240] =	vst v1  }
0x6e: {  	v1 =	vld.idx.msk [tilespmem:v2+s6+$0x0], $0xffff  }
0x6f: {  	v2 =	vadd.s32 $0x2000, v3  }
0x70: {  	v3 =	vld [tilespmem:$0x70];
	_ =	sdelay $0x2  }
0x71: {  	[tilespmem:$0x7250] =	vst v1  }
0x72: {  	v1 =	vld.idx.msk [tilespmem:v2+s6+$0x0], $0xffff  }
0x73: {  	v2 =	vadd.s32 $0x2000, v3;
	_ =	sdelay $0x3  }
0x74: {  	[tilespmem:$0x7260] =	vst v1  }
0x75: {  	v1 =	vld.idx.msk [tilespmem:v2+s6+$0x0], $0xffff;
	_ =	sdelay $0x4  }
0x76: {  	s11 =	simm.s32 $0x1;
	[tilespmem:$0x7270] =	vst v1  }
0x77: {  	s14 =	ssub.s32 $0x2, s14;
	_ =	swait.ge [sflag:s11], $0x4000  }
0x78: {  	s31 =	sshrl.u32 s14, $0x1;
	s16 =	sshll.u32 s16, $0x4;
	[sflag:s11] =	ssyncset.done $0x0  }
0x79: {  	s17 =	ssub.s32 s14, s31;
	s12 =	sadd.s32 s12, s16;
	[sflag:s11] =	ssyncadd.s32 $0xFFFFC000  }
0x7a: {  	[hbm4b:s12+s2] =	stream.linear.scatter [tilespmem:s9], [sflag:$0x3], $0x4000, $0x38;
	[tilespmem:$0x7280] =	vst v63  }
0x7b: {  	s15 =	sadd.s32 s15, s13;
	s19 =	smax.u32 s17, $0x1;
	_ =	swait.ge [sflag:s3], $0x4000  }
0x7c: {  	s16 =	simm.s32 $0x7100;
	p0 =	sne.s32 s19, $0x1;
	[sflag:s3] =	ssyncset.done $0x0  }
.Ltmp0:
0x7d: {  	s13 =	sadd.s32 $0x42400, s15;
	[sflag:s3] =	ssyncadd.s32 $0xFFFFC000;
	(pc) =	sbr.rel @!p0 .LBB2_2-.Ltmp0, $4  }
0x7e: {  	[hbm4b:s13+s2] =	stream.linear.scatter [tilespmem:s16], [sflag:$0x3], $0x80, $0x38;
	[tilespmem:$0x7280] =	vst v63  }
0x7f: {  	s18 =	simm.s32 $0x7180;
	_ =	swait.ge [sflag:s3], $0x80  }
0x80: {  	s17 =	simm.s32 $0x7200;
	s14 =	sadd.s32 $0x42600, s15;
	[sflag:s3] =	ssyncset.done $0x0  }
0x81: {  	s15 =	sadd.s32 $0x42800, s15;
	s19 =	sadd.s32 $0xFFFFFFFF, s19;
	[sflag:s3] =	ssyncadd.s32 $0xFFFFFF80  }
.LBB2_1:
0x82: {  	[hbm4b:s14+s2] =	stream.linear.scatter [tilespmem:s18], [sflag:$0x3], $0x80, $0x38;
	[tilespmem:$0x7280] =	vst v63  }
0x83: {  	p0 =	sne.s32 s19, $0x1;
	s19 =	sadd.s32 $0xFFFFFFFF, s19;
	_ =	swait.ge [sflag:s3], $0x80  }
0x84: {  	[sflag:s3] =	ssyncset.done $0x0  }
0x85: {  	[sflag:s3] =	ssyncadd.s32 $0xFFFFFF80  }
0x86: {  	[hbm4b:s15+s2] =	stream.linear.scatter [tilespmem:s17], [sflag:$0x3], $0x80, $0x38;
	[tilespmem:$0x7280] =	vst v63  }
0x87: {  	_ =	swait.ge [sflag:s3], $0x80  }
0x88: {  	[sflag:s3] =	ssyncset.done $0x0  }
0x89: {  	[sflag:s3] =	ssyncadd.s32 $0xFFFFFF80  }
0x8a: {  	[tilespmem:s2], [sflag:$0x3] =	stream.linear.gather [hbm4b:s4+s2], $0x80, $0x38;
	[tilespmem:$0x7280] =	vst v63  }
0x8b: {  	_ =	swait.ge [sflag:s3], $0x80  }
0x8c: {  	[sflag:s3] =	ssyncset.done $0x0  }
0x8d: {  	[sflag:s3] =	ssyncadd.s32 $0xFFFFFF80  }
0x8e: {  	[tilespmem:s6], [sflag:$0x2] =	stream.linear.gather [hbm4b:s5+s2], $0x3000, $0x38;
	[tilespmem:$0x7280] =	vst v63  }
0x8f: {  	v1 =	vld [tilespmem:$0x70]  }
0x90: {  	v2 =	vld [tilespmem:$0x30]  }
0x91: {  	v3 =	vld [tilespmem:$0x50]  }
0x92: {  	v4 =	vld [tilespmem:$0x60]  }
0x93: {  	v5 =	vld [tilespmem:$0x20]  }
0x94: {  	v6 =	vld [tilespmem:$0x10];
	v1 =	vadd.s32 v0, v1  }
0x95: {  	v2 =	vadd.s32 v0, v2;
	v7 =	vld [tilespmem:$0x40];
	[tilespmem:$0xF0] =	vst v1  }
0x96: {  	v1 =	vld [tilespmem:$0x0];
	[tilespmem:$0xB0] =	vst v2;
	v2 =	vadd.s32 v0, v3  }
0x97: {  	[tilespmem:$0xD0] =	vst v2;
	v2 =	vadd.s32 v0, v4  }
0x98: {  	v3 =	vadd.s32 v0, v5;
	[tilespmem:$0xE0] =	vst v2  }
0x99: {  	v2 =	vadd.s32 v0, v6;
	[tilespmem:$0xA0] =	vst v3  }
0x9a: {  	[tilespmem:$0x90] =	vst v2;
	v2 =	vadd.s32 v0, v7  }
0x9b: {  	v1 =	vadd.s32 v0, v1;
	[tilespmem:$0xC0] =	vst v2  }
0x9c: {  	[tilespmem:$0x80] =	vst v1  }
0x9d: {  	[tilespmem:s9], [sflag:$0x1] =	stream.indirect.gather [hbm4b:s7+s8], $0x80, s8, s8, $0xb8;
	[tilespmem:$0x7280] =	vst v63  }
0x9e: {  	_ =	swait.ge [sflag:s10], $0x3000  }
0x9f: {  	[sflag:s10] =	ssyncset.done $0x0  }
0xa0: {  	[sflag:s10] =	ssyncadd.s32 $0xFFFFD000  }
0xa1: {  	v1 =	vld [tilespmem:$0x0]  }
0xa2: {  	v2 =	vld [tilespmem:$0x10]  }
0xa3: {  	v3 =	vld [tilespmem:$0x20]  }
0xa4: {  	v10 =	vld [tilespmem:$0x30]  }
0xa5: {  	v11 =	vld [tilespmem:$0x40]  }
0xa6: {  	v12 =	vld [tilespmem:$0x50]  }
0xa7: {  	v13 =	vld [tilespmem:$0x60]  }
0xa8: {  	v14 =	vld [tilespmem:$0x70]  }
0xa9: {  	v1 =	vld.idx.msk [tilespmem:v1+s6+$0x0], $0xffff  }
0xaa: {  	v15 =	vld [tilespmem:$0x0]  }
0xab: {  	v16 =	vld [tilespmem:$0x10]  }
0xac: {  	v17 =	vld [tilespmem:$0x20]  }
0xad: {  	v18 =	vld [tilespmem:$0x30]  }
0xae: {  	v19 =	vld [tilespmem:$0x40]  }
0xaf: {  	[tilespmem:$0x7100] =	vst v1;
	v20 =	vld [tilespmem:$0x50]  }
0xb0: {  	v1 =	vld.idx.msk [tilespmem:v2+s6+$0x0], $0xffff  }
0xb1: {  	v21 =	vld [tilespmem:$0x60]  }
0xb2: {  	v9 =	vld [tilespmem:$0x70]  }
0xb3: {  	v8 =	vld [tilespmem:$0x0]  }
0xb4: {  	v7 =	vld [tilespmem:$0x10]  }
0xb5: {  	v6 =	vld [tilespmem:$0x20]  }
0xb6: {  	[tilespmem:$0x7110] =	vst v1;
	v5 =	vld [tilespmem:$0x30]  }
0xb7: {  	v22 =	vld.idx.msk [tilespmem:v3+s6+$0x0], $0xffff  }
0xb8: {  	v4 =	vld [tilespmem:$0x40]  }
0xb9: {  	v3 =	vld [tilespmem:$0x50]  }
0xba: {  	v2 =	vld [tilespmem:$0x60]  }
0xbb: {  	v1 =	vld [tilespmem:$0x70];
	_ =	sdelay $0x1  }
0xbc: {  	[tilespmem:$0x7120] =	vst v22  }
0xbd: {  	v10 =	vld.idx.msk [tilespmem:v10+s6+$0x0], $0xffff;
	_ =	sdelay $0x5  }
0xbe: {  	[tilespmem:$0x7130] =	vst v10  }
0xbf: {  	v10 =	vld.idx.msk [tilespmem:v11+s6+$0x0], $0xffff;
	_ =	sdelay $0x5  }
0xc0: {  	[tilespmem:$0x7140] =	vst v10  }
0xc1: {  	v10 =	vld.idx.msk [tilespmem:v12+s6+$0x0], $0xffff;
	_ =	sdelay $0x5  }
0xc2: {  	[tilespmem:$0x7150] =	vst v10  }
0xc3: {  	v10 =	vld.idx.msk [tilespmem:v13+s6+$0x0], $0xffff;
	_ =	sdelay $0x5  }
0xc4: {  	[tilespmem:$0x7160] =	vst v10  }
0xc5: {  	v10 =	vld.idx.msk [tilespmem:v14+s6+$0x0], $0xffff;
	_ =	sdelay $0x1  }
0xc6: {  	v11 =	vadd.s32 $0x1000, v15;
	_ =	sdelay $0x3  }
0xc7: {  	[tilespmem:$0x7170] =	vst v10  }
0xc8: {  	v10 =	vld.idx.msk [tilespmem:v11+s6+$0x0], $0xffff;
	_ =	sdelay $0x1  }
0xc9: {  	v11 =	vadd.s32 $0x1000, v16;
	_ =	sdelay $0x3  }
0xca: {  	[tilespmem:$0x7180] =	vst v10  }
0xcb: {  	v10 =	vld.idx.msk [tilespmem:v11+s6+$0x0], $0xffff;
	_ =	sdelay $0x1  }
0xcc: {  	v11 =	vadd.s32 $0x1000, v17;
	_ =	sdelay $0x3  }
0xcd: {  	[tilespmem:$0x7190] =	vst v10  }
0xce: {  	v10 =	vld.idx.msk [tilespmem:v11+s6+$0x0], $0xffff;
	_ =	sdelay $0x1  }
0xcf: {  	v11 =	vadd.s32 $0x1000, v18;
	_ =	sdelay $0x3  }
0xd0: {  	[tilespmem:$0x71A0] =	vst v10  }
0xd1: {  	v10 =	vld.idx.msk [tilespmem:v11+s6+$0x0], $0xffff;
	_ =	sdelay $0x1  }
0xd2: {  	v11 =	vadd.s32 $0x1000, v19;
	_ =	sdelay $0x3  }
0xd3: {  	[tilespmem:$0x71B0] =	vst v10  }
0xd4: {  	v10 =	vld.idx.msk [tilespmem:v11+s6+$0x0], $0xffff;
	_ =	sdelay $0x1  }
0xd5: {  	v11 =	vadd.s32 $0x1000, v20;
	_ =	sdelay $0x3  }
0xd6: {  	[tilespmem:$0x71C0] =	vst v10  }
0xd7: {  	v10 =	vld.idx.msk [tilespmem:v11+s6+$0x0], $0xffff;
	_ =	sdelay $0x1  }
0xd8: {  	v11 =	vadd.s32 $0x1000, v21;
	_ =	sdelay $0x3  }
0xd9: {  	[tilespmem:$0x71D0] =	vst v10  }
0xda: {  	v10 =	vld.idx.msk [tilespmem:v11+s6+$0x0], $0xffff;
	_ =	sdelay $0x1  }
0xdb: {  	v9 =	vadd.s32 $0x1000, v9;
	_ =	sdelay $0x3  }
0xdc: {  	[tilespmem:$0x71E0] =	vst v10  }
0xdd: {  	v9 =	vld.idx.msk [tilespmem:v9+s6+$0x0], $0xffff;
	_ =	sdelay $0x1  }
0xde: {  	v8 =	vadd.s32 $0x2000, v8;
	_ =	sdelay $0x3  }
0xdf: {  	[tilespmem:$0x71F0] =	vst v9  }
0xe0: {  	v8 =	vld.idx.msk [tilespmem:v8+s6+$0x0], $0xffff;
	_ =	sdelay $0x1  }
0xe1: {  	v7 =	vadd.s32 $0x2000, v7;
	_ =	sdelay $0x3  }
0xe2: {  	[tilespmem:$0x7200] =	vst v8  }
0xe3: {  	v7 =	vld.idx.msk [tilespmem:v7+s6+$0x0], $0xffff;
	_ =	sdelay $0x1  }
0xe4: {  	v6 =	vadd.s32 $0x2000, v6;
	_ =	sdelay $0x3  }
0xe5: {  	[tilespmem:$0x7210] =	vst v7  }
0xe6: {  	v6 =	vld.idx.msk [tilespmem:v6+s6+$0x0], $0xffff;
	_ =	sdelay $0x1  }
0xe7: {  	v5 =	vadd.s32 $0x2000, v5;
	_ =	sdelay $0x3  }
0xe8: {  	[tilespmem:$0x7220] =	vst v6  }
0xe9: {  	v5 =	vld.idx.msk [tilespmem:v5+s6+$0x0], $0xffff;
	_ =	sdelay $0x1  }
0xea: {  	v4 =	vadd.s32 $0x2000, v4;
	_ =	sdelay $0x3  }
0xeb: {  	[tilespmem:$0x7230] =	vst v5  }
0xec: {  	v4 =	vld.idx.msk [tilespmem:v4+s6+$0x0], $0xffff;
	_ =	sdelay $0x1  }
0xed: {  	v3 =	vadd.s32 $0x2000, v3;
	_ =	sdelay $0x3  }
0xee: {  	[tilespmem:$0x7240] =	vst v4  }
0xef: {  	v3 =	vld.idx.msk [tilespmem:v3+s6+$0x0], $0xffff;
	_ =	sdelay $0x1  }
0xf0: {  	v2 =	vadd.s32 $0x2000, v2;
	_ =	sdelay $0x3  }
0xf1: {  	[tilespmem:$0x7250] =	vst v3  }
0xf2: {  	v2 =	vld.idx.msk [tilespmem:v2+s6+$0x0], $0xffff;
	_ =	sdelay $0x1  }
0xf3: {  	v1 =	vadd.s32 $0x2000, v1;
	_ =	sdelay $0x3  }
0xf4: {  	[tilespmem:$0x7260] =	vst v2  }
0xf5: {  	v1 =	vld.idx.msk [tilespmem:v1+s6+$0x0], $0xffff;
	_ =	sdelay $0x5  }
0xf6: {  	[tilespmem:$0x7270] =	vst v1  }
0xf7: {  	_ =	swait.ge [sflag:s11], $0x4000  }
0xf8: {  	[sflag:s11] =	ssyncset.done $0x0  }
0xf9: {  	[sflag:s11] =	ssyncadd.s32 $0xFFFFC000  }
0xfa: {  	[hbm4b:s12+s2] =	stream.linear.scatter [tilespmem:s9], [sflag:$0x3], $0x4000, $0x38;
	[tilespmem:$0x7280] =	vst v63  }
0xfb: {  	_ =	swait.ge [sflag:s3], $0x4000  }
0xfc: {  	[sflag:s3] =	ssyncset.done $0x0  }
.Ltmp1:
0xfd: {  	[sflag:s3] =	ssyncadd.s32 $0xFFFFC000;
	(pc) =	sbr.rel @p0 .LBB2_1-.Ltmp1, $4  }
0xfe: {  	[hbm4b:s13+s2] =	stream.linear.scatter [tilespmem:s16], [sflag:$0x3], $0x80, $0x38;
	[tilespmem:$0x7280] =	vst v63  }
0xff: {  	_ =	swait.ge [sflag:s3], $0x80  }
0x100: {  	[sflag:s3] =	ssyncset.done $0x0  }
0x101: {  	[sflag:s3] =	ssyncadd.s32 $0xFFFFFF80  }
.LBB2_2:
0x102: {  	[hbm4b:s14+s2] =	stream.linear.scatter [tilespmem:s18], [sflag:$0x3], $0x80, $0x38;
	[tilespmem:$0x7280] =	vst v63  }
0x103: {  	_ =	swait.ge [sflag:s3], $0x80  }
0x104: {  	[sflag:s3] =	ssyncset.done $0x0  }
0x105: {  	[sflag:s3] =	ssyncadd.s32 $0xFFFFFF80  }
0x106: {  	[hbm4b:s15+s2] =	stream.linear.scatter [tilespmem:s17], [sflag:$0x3], $0x80, $0x38;
	[tilespmem:$0x7280] =	vst v63  }
0x107: {  	_ =	swait.ge [sflag:s3], $0x80  }
0x108: {  	[sflag:s3] =	ssyncset.done $0x0  }
0x109: {  	[sflag:s3] =	ssyncadd.s32 $0xFFFFFF80  }
0x10a: {  	_ =	sfence.sel $0x180000  }
0x10b: {  	[bflag:$0x0] =	sbarrier.arrive $0xFFFF  }
0x10c: {  	p0 =	sne.s32 s1, $0x0;
	_ =	strace $0x90000047  }
0x10d: {  	s0 =	sadd.s32 @!p0 $0x100000, s0;
	[bflag:$0x2] =	sbarrier.arrive $0xFFFF  }
0x10e: {  	[sflag:s0] =	ssyncadd.tile.s32 @!p0 $0x1;
	_ =	shalt  }
.Lfunc_end2:
_tile_overlayer_lowered:
.L_overlay_start_2:
0x10f: {  	(tag) =	ssettag $0x2  }
0x110: {  	s0 =	rddreg [dreg:$0x0];
	s2 =	stileid.u32  }
0x111: {  	s1 =	rddreg [dreg:$0x1];
	p0 =	sne.s32 s2, $0x0  }
0x112: {  	s3 =	rddreg [dreg:$0x2];
	[bflag:$0x3] =	sbarrier.arrive $0xFFFF;
	s2 =	simm.s32 @!p0 $0x1C03  }
0x113: {  	[timem:s3], [sflag:s2] =	dma.local @!p0 [hbm:s0], s1  }
0x114: {  	s0 =	simm.s32 @!p0 $0x3  }
0x115: {  	_ =	swait.ge @!p0 [sflag:s0], s1  }
0x116: {  	s1 =	ssub.s32 @!p0 $0x0, s1;
	[sflag:s0] =	ssyncset.done @!p0 $0x0  }
0x117: {  	[sflag:s0] =	ssyncadd.s32 @!p0 s1  }
0x118: {  	[bflag:$0x3] =	sbarrier.arrive $0xFFFF  }
0x119: {  	_ =	shalt  }

</sc_bundles>
